<compile_context>
chip_gen: v7x
topology: tpu7x:2x2x1
jax: 0.10.2.dev20260603
libtpu: 0.0.44.dev20260713+nightly
codegen_flags: <defaults>
</compile_context>

<pallas_src>
import jax
import jax.numpy as jnp
from jax import lax
from jax.experimental import pallas as pl
from jax.experimental.pallas import tpu as pltpu
from jax.experimental.pallas import tpu_sc as plsc

B, H, W, C = 8, 56, 56, 192
HW = H * W
ROWS = B * HW
NW = 32
RPW = ROWS // NW
WPB = HW // RPW
CH = 112
NCH = RPW // CH
NBUF = 3
LANES = 16
CA = 128
CB = C - CA
IDXPAD = -(-RPW // LANES) * LANES


def _body(xf, aux, r, out, idx_v, bufs_a, bufs_b, bufs_c,
          gsems, bsems, wsems_a, wsems_b):
    wid = lax.axis_index("s") * 2 + lax.axis_index("c")
    b = wid // WPB
    p0 = (wid % WPB) * RPW
    boff = b * HW

    pltpu.sync_copy(r.at[pl.ds(p0, RPW)], idx_v.at[pl.ds(0, RPW)])
    for i in range(IDXPAD // LANES):
        sl = pl.ds(i * LANES, LANES)
        idx_v[sl] = idx_v[sl] + boff

    base = wid * RPW

    def start_gather(c):
        s = c % NBUF
        idx = idx_v.at[pl.ds(c * CH, CH)]
        ga = pltpu.async_copy(xf.at[idx, pl.ds(0, CA)], bufs_a[s], gsems[s])
        pltpu.async_copy(aux.at[idx], bufs_b[s], bsems[s])
        return ga

    def wait_gather_b(c):
        s = c % NBUF
        pltpu.make_async_copy(
            aux.at[idx_v.at[pl.ds(c * CH, CH)]], bufs_b[s], bsems[s]
        ).wait()

    def compact_b(c):
        s = c % NBUF

        def move_row(j, _):
            for k in range(CB // LANES):
                bufs_c[s][j, pl.ds(k * LANES, LANES)] = (
                    bufs_b[s][j, pl.ds(k * LANES, LANES)]
                )
            return _

        lax.fori_loop(0, CH, move_row, None)

    def start_write(c):
        s = c % NBUF
        rows = pl.ds(base + c * CH, CH)
        pltpu.async_copy(bufs_a[s], out.at[rows, pl.ds(0, CA)], wsems_a[s])
        pltpu.async_copy(
            bufs_c[s], out.at[rows, pl.ds(CA, CB)], wsems_b[s]
        )

    def wait_write(c):
        s = c % NBUF
        rows = pl.ds(base + c * CH, CH)
        pltpu.make_async_copy(
            bufs_a[s], out.at[rows, pl.ds(0, CA)], wsems_a[s]
        ).wait()
        pltpu.make_async_copy(
            bufs_c[s], out.at[rows, pl.ds(CA, CB)], wsems_b[s]
        ).wait()

    gathers = [None] * NBUF
    for j in range(min(NBUF, NCH)):
        gathers[j] = start_gather(j)
    written = [None] * NBUF
    for c in range(NCH):
        gathers[c % NBUF].wait()
        wait_gather_b(c)
        compact_b(c)
        start_write(c)
        written[c % NBUF] = c
        n = c + NBUF
        if n < NCH:
            wait_write(c)
            written[c % NBUF] = None
            gathers[n % NBUF] = start_gather(n)
    for c in written:
        if c is not None:
            wait_write(c)


@jax.jit
def kernel(x, r):
    xf = x.reshape(ROWS, C)
    r = r.astype(jnp.int32)
    aux = jnp.concatenate(
        [xf[:, CA:], jnp.zeros((ROWS, CA - CB), jnp.float32)], axis=1
    )
    mesh = plsc.VectorSubcoreMesh(core_axis_name="c", subcore_axis_name="s")
    out = pl.kernel(
        _body,
        out_type=jax.ShapeDtypeStruct((ROWS, C), jnp.float32),
        mesh=mesh,
        compiler_params=pltpu.CompilerParams(use_tc_tiling_on_sc=True),
        scratch_types=[
            pltpu.VMEM((IDXPAD,), jnp.int32),
            [pltpu.VMEM((CH, CA), jnp.float32) for _ in range(NBUF)],
            [pltpu.VMEM((CH, CA), jnp.float32) for _ in range(NBUF)],
            [pltpu.VMEM((CH, CB), jnp.float32) for _ in range(NBUF)],
            [pltpu.SemaphoreType.DMA for _ in range(NBUF)],
            [pltpu.SemaphoreType.DMA for _ in range(NBUF)],
            [pltpu.SemaphoreType.DMA for _ in range(NBUF)],
            [pltpu.SemaphoreType.DMA for _ in range(NBUF)],
        ],
    )(xf, aux, r)
    return out.reshape(B, H, W, C)

# --- scband reference (transcript-rebuilt; emitter-appended) ---
"""Pipeline reference for scband-shuffle-6184752906321 (READ-ONLY COPY).

The authoritative reference and input builder live on the scoring server;
editing this copy changes nothing except your own understanding.
"""

import jax, jax.numpy as jnp
import numpy as np


def setup_inputs(seed: int = 0) -> dict:
    key = jax.random.key(seed)
    kx, kr = jax.random.split(key)
    x = jax.random.normal(kx, (8, 56, 56, 192), dtype=jnp.float32)
    # random permutation of the H*W spatial positions (torch.randperm equivalent)
    r = jax.random.permutation(kr, 56 * 56)
    return {"x": x, "r": r}


def reference(x, r):
    # Shuffle.forward in training mode: flatten spatial dims, permute, reshape back.
    B, H, W, C = x.shape
    xf = x.reshape(B, H * W, C)
    xs = jnp.take(xf, r, axis=1)  # gather along flattened spatial axis
    return xs.reshape(B, H, W, C)

if __name__ == "__main__":
    import jax
    _d = setup_inputs()
    print(jax.jit(kernel)(*tuple(_d.values())))

</pallas_src>

<mosaic_0001>
#map = affine_map<(d0, d1) -> (0, 0)>
#map1 = affine_map<(d0, d1) -> (0)>
module attributes {stable_mosaic.version = 14 : i64} {
  func.func @_body(%arg0: i32, %arg1: i32, %arg2: memref<25088x192xf32, #tpu.memory_space<hbm>>, %arg3: memref<25088x128xf32, #tpu.memory_space<hbm>>, %arg4: memref<3136xi32, #tpu.memory_space<hbm>>, %arg5: memref<25088x192xf32, #tpu.memory_space<hbm>>, %arg6: memref<784xi32, #tpu.memory_space<vmem>>, %arg7: memref<112x128xf32, #tpu.memory_space<vmem>>, %arg8: memref<112x128xf32, #tpu.memory_space<vmem>>, %arg9: memref<112x128xf32, #tpu.memory_space<vmem>>, %arg10: memref<112x128xf32, #tpu.memory_space<vmem>>, %arg11: memref<112x128xf32, #tpu.memory_space<vmem>>, %arg12: memref<112x128xf32, #tpu.memory_space<vmem>>, %arg13: memref<112x64xf32, #tpu.memory_space<vmem>>, %arg14: memref<112x64xf32, #tpu.memory_space<vmem>>, %arg15: memref<112x64xf32, #tpu.memory_space<vmem>>, %arg16: memref<!tpu.dma_semaphore, #tpu.memory_space<semaphore_mem>>, %arg17: memref<!tpu.dma_semaphore, #tpu.memory_space<semaphore_mem>>, %arg18: memref<!tpu.dma_semaphore, #tpu.memory_space<semaphore_mem>>, %arg19: memref<!tpu.dma_semaphore, #tpu.memory_space<semaphore_mem>>, %arg20: memref<!tpu.dma_semaphore, #tpu.memory_space<semaphore_mem>>, %arg21: memref<!tpu.dma_semaphore, #tpu.memory_space<semaphore_mem>>, %arg22: memref<!tpu.dma_semaphore, #tpu.memory_space<semaphore_mem>>, %arg23: memref<!tpu.dma_semaphore, #tpu.memory_space<semaphore_mem>>, %arg24: memref<!tpu.dma_semaphore, #tpu.memory_space<semaphore_mem>>, %arg25: memref<!tpu.dma_semaphore, #tpu.memory_space<semaphore_mem>>, %arg26: memref<!tpu.dma_semaphore, #tpu.memory_space<semaphore_mem>>, %arg27: memref<!tpu.dma_semaphore, #tpu.memory_space<semaphore_mem>>) attributes {dimension_semantics = [#tpu.dimension_semantics<core_parallel>, #tpu.dimension_semantics<subcore_parallel>], iteration_bounds = array<i64: 2, 16>, scalar_prefetch = 0 : i64, scratch_operands = 22 : i64, tpu.core_type = #tpu.core_type<sc_vector_subcore>, window_params = [{transform_indices = #map}, {transform_indices = #map}, {transform_indices = #map1}, {transform_indices = #map}]} {
    %mul3A = arith.constant 2 : i32
    %mul3A_0 = arith.muli %arg1, %mul3A : i32
    %add3A = arith.addi %mul3A_0, %arg0 : i32
    %jit3A = arith.constant 4 : i32
    %div3A = arith.divsi %add3A, %jit3A : i32
    %sign3A = arith.constant 0 : i32
    %sign3A_1 = arith.cmpi sgt, %add3A, %sign3A : i32
    %sign3A_2 = arith.extui %sign3A_1 : i1 to i32
    %sign3A_3 = arith.constant 0 : i32
    %sign3A_4 = arith.cmpi slt, %add3A, %sign3A_3 : i32
    %sign3A_5 = arith.extui %sign3A_4 : i1 to i32
    %sign3A_6 = arith.subi %sign3A_2, %sign3A_5 : i32
    %sign3A_7 = arith.constant 0 : i32
    %sign3A_8 = arith.cmpi sgt, %jit3A, %sign3A_7 : i32
    %sign3A_9 = arith.extui %sign3A_8 : i1 to i32
    %sign3A_10 = arith.constant 0 : i32
    %sign3A_11 = arith.cmpi slt, %jit3A, %sign3A_10 : i32
    %sign3A_12 = arith.extui %sign3A_11 : i1 to i32
    %sign3A_13 = arith.subi %sign3A_9, %sign3A_12 : i32
    %ne3A = arith.cmpi ne, %sign3A_6, %sign3A_13 : i32
    %rem3A = arith.remsi %add3A, %jit3A : i32
    %ne3A_14 = arith.constant 0 : i32
    %ne3A_15 = arith.cmpi ne, %rem3A, %ne3A_14 : i32
    %and3A = arith.andi %ne3A, %ne3A_15 : i1
    %sub3A = arith.constant 1 : i32
    %sub3A_16 = arith.subi %div3A, %sub3A : i32
    %select_n3A = arith.select %and3A, %sub3A_16, %div3A : i32
    %jit3A_17 = arith.constant 4 : i32
    %eq3A = arith.constant 0 : i32
    %eq3A_18 = arith.cmpi eq, %jit3A_17, %eq3A : i32
    %jit3A_19 = arith.constant 1 : i32
    %select_n3A_20 = arith.select %eq3A_18, %jit3A_19, %jit3A_17 : i32
    %rem3A_21 = arith.remsi %add3A, %select_n3A_20 : i32
    %ne3A_22 = arith.constant 0 : i32
    %ne3A_23 = arith.cmpi ne, %rem3A_21, %ne3A_22 : i32
    %lt3A = arith.constant 0 : i32
    %lt3A_24 = arith.cmpi slt, %rem3A_21, %lt3A : i32
    %lt3A_25 = arith.constant 0 : i32
    %lt3A_26 = arith.cmpi slt, %select_n3A_20, %lt3A_25 : i32
    %ne3A_27 = arith.xori %lt3A_24, %lt3A_26 : i1
    %and3A_28 = arith.andi %ne3A_27, %ne3A_23 : i1
    %add3A_29 = arith.addi %rem3A_21, %select_n3A_20 : i32
    %select_n3A_30 = arith.select %and3A_28, %add3A_29, %rem3A_21 : i32
    %mul3A_31 = arith.constant 784 : i32
    %mul3A_32 = arith.muli %select_n3A_30, %mul3A_31 : i32
    %mul3A_33 = arith.constant 3136 : i32
    %mul3A_34 = arith.muli %select_n3A, %mul3A_33 : i32
    "tpu.region"() ({
      %run_scoped3A = tpu.sem_alloc : memref<!tpu.dma_semaphore, #tpu.memory_space<semaphore_mem>>
      %dma_start3A_788 = arith.constant 0 : i32
      %dma_start3A_789 = tpu.memref_slice %arg6[%dma_start3A_788] : memref<784xi32, #tpu.memory_space<vmem>> -> memref<784xi32, #tpu.memory_space<vmem>>
      %dma_start3A_790 = tpu.memref_slice %arg4[%mul3A_32] : memref<3136xi32, #tpu.memory_space<hbm>> -> memref<784xi32, #tpu.memory_space<hbm>>
      %dma_start3A_791 = arith.constant 0 : i32
      %dma_start3A_792 = tpu.memref_slice %arg6[%dma_start3A_791] : memref<784xi32, #tpu.memory_space<vmem>> -> memref<784xi32, #tpu.memory_space<vmem>>
      %dma_start3A_793 = tpu.memref_slice %arg4[%mul3A_32] : memref<3136xi32, #tpu.memory_space<hbm>> -> memref<784xi32, #tpu.memory_space<hbm>>
      tpu.enqueue_dma source(%dma_start3A_793 : memref<784xi32, #tpu.memory_space<hbm>>) target(%dma_start3A_792 : memref<784xi32, #tpu.memory_space<vmem>>) target_semaphore(%run_scoped3A : memref<!tpu.dma_semaphore, #tpu.memory_space<semaphore_mem>>)
      %dma_wait3A_794 = arith.constant 0 : i32
      %dma_wait3A_795 = tpu.memref_slice %arg6[%dma_wait3A_794] : memref<784xi32, #tpu.memory_space<vmem>> -> memref<784xi32, #tpu.memory_space<vmem>>
      %dma_wait3A_796 = tpu.memref_slice %arg4[%mul3A_32] : memref<3136xi32, #tpu.memory_space<hbm>> -> memref<784xi32, #tpu.memory_space<hbm>>
      %dma_wait3A_797 = arith.constant 0 : i32
      %dma_wait3A_798 = tpu.memref_slice %arg6[%dma_wait3A_797] : memref<784xi32, #tpu.memory_space<vmem>> -> memref<784xi32, #tpu.memory_space<vmem>>
      %dma_wait3A_799 = tpu.memref_slice %arg4[%mul3A_32] : memref<3136xi32, #tpu.memory_space<hbm>> -> memref<784xi32, #tpu.memory_space<hbm>>
      tpu.wait_dma2 semaphore(%run_scoped3A : memref<!tpu.dma_semaphore, #tpu.memory_space<semaphore_mem>>) src(%dma_wait3A_799 : memref<784xi32, #tpu.memory_space<hbm>>) dst(%dma_wait3A_798 : memref<784xi32, #tpu.memory_space<vmem>>)
      tpu.yield
    }) : () -> ()
    %get3A = arith.constant 0 : index
    %get3A_35 = tpu.vector_load %arg6[%get3A] {strides = array<i32>} : memref<784xi32, #tpu.memory_space<vmem>>, vector<16xi32>,
    %get3A_36 = vector.shape_cast %get3A_35 : vector<16xi32> to vector<16xi32>
    %add3A_37 = vector.broadcast %mul3A_34 : i32 to vector<16xi32>
    %add3A_38 = arith.addi %get3A_36, %add3A_37 : vector<16xi32>
    %swap3A = arith.constant 0 : index
    %swap3A_39 = tpu.vector_load %arg6[%swap3A] {strides = array<i32>} : memref<784xi32, #tpu.memory_space<vmem>>, vector<16xi32>,
    %swap3A_40 = vector.shape_cast %swap3A_39 : vector<16xi32> to vector<16xi32>
    %swap3A_41 = vector.shape_cast %add3A_38 : vector<16xi32> to vector<16xi32>
    tpu.vector_store %arg6[%swap3A], %swap3A_41 {strides = array<i32>} : memref<784xi32, #tpu.memory_space<vmem>>, vector<16xi32>,
    %get3A_42 = arith.constant 16 : index
    %get3A_43 = tpu.vector_load %arg6[%get3A_42] {strides = array<i32>} : memref<784xi32, #tpu.memory_space<vmem>>, vector<16xi32>,
    %get3A_44 = vector.shape_cast %get3A_43 : vector<16xi32> to vector<16xi32>
    %add3A_45 = vector.broadcast %mul3A_34 : i32 to vector<16xi32>
    %add3A_46 = arith.addi %get3A_44, %add3A_45 : vector<16xi32>
    %swap3A_47 = arith.constant 16 : index
    %swap3A_48 = tpu.vector_load %arg6[%swap3A_47] {strides = array<i32>} : memref<784xi32, #tpu.memory_space<vmem>>, vector<16xi32>,
    %swap3A_49 = vector.shape_cast %swap3A_48 : vector<16xi32> to vector<16xi32>
    %swap3A_50 = vector.shape_cast %add3A_46 : vector<16xi32> to vector<16xi32>
    tpu.vector_store %arg6[%swap3A_47], %swap3A_50 {strides = array<i32>} : memref<784xi32, #tpu.memory_space<vmem>>, vector<16xi32>,
    %get3A_51 = arith.constant 32 : index
    %get3A_52 = tpu.vector_load %arg6[%get3A_51] {strides = array<i32>} : memref<784xi32, #tpu.memory_space<vmem>>, vector<16xi32>,
    %get3A_53 = vector.shape_cast %get3A_52 : vector<16xi32> to vector<16xi32>
    %add3A_54 = vector.broadcast %mul3A_34 : i32 to vector<16xi32>
    %add3A_55 = arith.addi %get3A_53, %add3A_54 : vector<16xi32>
    %swap3A_56 = arith.constant 32 : index
    %swap3A_57 = tpu.vector_load %arg6[%swap3A_56] {strides = array<i32>} : memref<784xi32, #tpu.memory_space<vmem>>, vector<16xi32>,
    %swap3A_58 = vector.shape_cast %swap3A_57 : vector<16xi32> to vector<16xi32>
    %swap3A_59 = vector.shape_cast %add3A_55 : vector<16xi32> to vector<16xi32>
    tpu.vector_store %arg6[%swap3A_56], %swap3A_59 {strides = array<i32>} : memref<784xi32, #tpu.memory_space<vmem>>, vector<16xi32>,
    %get3A_60 = arith.constant 48 : index
    %get3A_61 = tpu.vector_load %arg6[%get3A_60] {strides = array<i32>} : memref<784xi32, #tpu.memory_space<vmem>>, vector<16xi32>,
    %get3A_62 = vector.shape_cast %get3A_61 : vector<16xi32> to vector<16xi32>
    %add3A_63 = vector.broadcast %mul3A_34 : i32 to vector<16xi32>
    %add3A_64 = arith.addi %get3A_62, %add3A_63 : vector<16xi32>
    %swap3A_65 = arith.constant 48 : index
    %swap3A_66 = tpu.vector_load %arg6[%swap3A_65] {strides = array<i32>} : memref<784xi32, #tpu.memory_space<vmem>>, vector<16xi32>,
    %swap3A_67 = vector.shape_cast %swap3A_66 : vector<16xi32> to vector<16xi32>
    %swap3A_68 = vector.shape_cast %add3A_64 : vector<16xi32> to vector<16xi32>
    tpu.vector_store %arg6[%swap3A_65], %swap3A_68 {strides = array<i32>} : memref<784xi32, #tpu.memory_space<vmem>>, vector<16xi32>,
    %get3A_69 = arith.constant 64 : index
    %get3A_70 = tpu.vector_load %arg6[%get3A_69] {strides = array<i32>} : memref<784xi32, #tpu.memory_space<vmem>>, vector<16xi32>,
    %get3A_71 = vector.shape_cast %get3A_70 : vector<16xi32> to vector<16xi32>
    %add3A_72 = vector.broadcast %mul3A_34 : i32 to vector<16xi32>
    %add3A_73 = arith.addi %get3A_71, %add3A_72 : vector<16xi32>
    %swap3A_74 = arith.constant 64 : index
    %swap3A_75 = tpu.vector_load %arg6[%swap3A_74] {strides = array<i32>} : memref<784xi32, #tpu.memory_space<vmem>>, vector<16xi32>,
    %swap3A_76 = vector.shape_cast %swap3A_75 : vector<16xi32> to vector<16xi32>
    %swap3A_77 = vector.shape_cast %add3A_73 : vector<16xi32> to vector<16xi32>
    tpu.vector_store %arg6[%swap3A_74], %swap3A_77 {strides = array<i32>} : memref<784xi32, #tpu.memory_space<vmem>>, vector<16xi32>,
    %get3A_78 = arith.constant 80 : index
    %get3A_79 = tpu.vector_load %arg6[%get3A_78] {strides = array<i32>} : memref<784xi32, #tpu.memory_space<vmem>>, vector<16xi32>,
    %get3A_80 = vector.shape_cast %get3A_79 : vector<16xi32> to vector<16xi32>
    %add3A_81 = vector.broadcast %mul3A_34 : i32 to vector<16xi32>
    %add3A_82 = arith.addi %get3A_80, %add3A_81 : vector<16xi32>
    %swap3A_83 = arith.constant 80 : index
    %swap3A_84 = tpu.vector_load %arg6[%swap3A_83] {strides = array<i32>} : memref<784xi32, #tpu.memory_space<vmem>>, vector<16xi32>,
    %swap3A_85 = vector.shape_cast %swap3A_84 : vector<16xi32> to vector<16xi32>
    %swap3A_86 = vector.shape_cast %add3A_82 : vector<16xi32> to vector<16xi32>
    tpu.vector_store %arg6[%swap3A_83], %swap3A_86 {strides = array<i32>} : memref<784xi32, #tpu.memory_space<vmem>>, vector<16xi32>,
    %get3A_87 = arith.constant 96 : index
    %get3A_88 = tpu.vector_load %arg6[%get3A_87] {strides = array<i32>} : memref<784xi32, #tpu.memory_space<vmem>>, vector<16xi32>,
    %get3A_89 = vector.shape_cast %get3A_88 : vector<16xi32> to vector<16xi32>
    %add3A_90 = vector.broadcast %mul3A_34 : i32 to vector<16xi32>
    %add3A_91 = arith.addi %get3A_89, %add3A_90 : vector<16xi32>
    %swap3A_92 = arith.constant 96 : index
    %swap3A_93 = tpu.vector_load %arg6[%swap3A_92] {strides = array<i32>} : memref<784xi32, #tpu.memory_space<vmem>>, vector<16xi32>,
    %swap3A_94 = vector.shape_cast %swap3A_93 : vector<16xi32> to vector<16xi32>
    %swap3A_95 = vector.shape_cast %add3A_91 : vector<16xi32> to vector<16xi32>
    tpu.vector_store %arg6[%swap3A_92], %swap3A_95 {strides = array<i32>} : memref<784xi32, #tpu.memory_space<vmem>>, vector<16xi32>,
    %get3A_96 = arith.constant 112 : index
    %get3A_97 = tpu.vector_load %arg6[%get3A_96] {strides = array<i32>} : memref<784xi32, #tpu.memory_space<vmem>>, vector<16xi32>,
    %get3A_98 = vector.shape_cast %get3A_97 : vector<16xi32> to vector<16xi32>
    %add3A_99 = vector.broadcast %mul3A_34 : i32 to vector<16xi32>
    %add3A_100 = arith.addi %get3A_98, %add3A_99 : vector<16xi32>
    %swap3A_101 = arith.constant 112 : index
    %swap3A_102 = tpu.vector_load %arg6[%swap3A_101] {strides = array<i32>} : memref<784xi32, #tpu.memory_space<vmem>>, vector<16xi32>,
    %swap3A_103 = vector.shape_cast %swap3A_102 : vector<16xi32> to vector<16xi32>
    %swap3A_104 = vector.shape_cast %add3A_100 : vector<16xi32> to vector<16xi32>
    tpu.vector_store %arg6[%swap3A_101], %swap3A_104 {strides = array<i32>} : memref<784xi32, #tpu.memory_space<vmem>>, vector<16xi32>,
    %get3A_105 = arith.constant 128 : index
    %get3A_106 = tpu.vector_load %arg6[%get3A_105] {strides = array<i32>} : memref<784xi32, #tpu.memory_space<vmem>>, vector<16xi32>,
    %get3A_107 = vector.shape_cast %get3A_106 : vector<16xi32> to vector<16xi32>
    %add3A_108 = vector.broadcast %mul3A_34 : i32 to vector<16xi32>
    %add3A_109 = arith.addi %get3A_107, %add3A_108 : vector<16xi32>
    %swap3A_110 = arith.constant 128 : index
    %swap3A_111 = tpu.vector_load %arg6[%swap3A_110] {strides = array<i32>} : memref<784xi32, #tpu.memory_space<vmem>>, vector<16xi32>,
    %swap3A_112 = vector.shape_cast %swap3A_111 : vector<16xi32> to vector<16xi32>
    %swap3A_113 = vector.shape_cast %add3A_109 : vector<16xi32> to vector<16xi32>
    tpu.vector_store %arg6[%swap3A_110], %swap3A_113 {strides = array<i32>} : memref<784xi32, #tpu.memory_space<vmem>>, vector<16xi32>,
    %get3A_114 = arith.constant 144 : index
    %get3A_115 = tpu.vector_load %arg6[%get3A_114] {strides = array<i32>} : memref<784xi32, #tpu.memory_space<vmem>>, vector<16xi32>,
    %get3A_116 = vector.shape_cast %get3A_115 : vector<16xi32> to vector<16xi32>
    %add3A_117 = vector.broadcast %mul3A_34 : i32 to vector<16xi32>
    %add3A_118 = arith.addi %get3A_116, %add3A_117 : vector<16xi32>
    %swap3A_119 = arith.constant 144 : index
    %swap3A_120 = tpu.vector_load %arg6[%swap3A_119] {strides = array<i32>} : memref<784xi32, #tpu.memory_space<vmem>>, vector<16xi32>,
    %swap3A_121 = vector.shape_cast %swap3A_120 : vector<16xi32> to vector<16xi32>
    %swap3A_122 = vector.shape_cast %add3A_118 : vector<16xi32> to vector<16xi32>
    tpu.vector_store %arg6[%swap3A_119], %swap3A_122 {strides = array<i32>} : memref<784xi32, #tpu.memory_space<vmem>>, vector<16xi32>,
    %get3A_123 = arith.constant 160 : index
    %get3A_124 = tpu.vector_load %arg6[%get3A_123] {strides = array<i32>} : memref<784xi32, #tpu.memory_space<vmem>>, vector<16xi32>,
    %get3A_125 = vector.shape_cast %get3A_124 : vector<16xi32> to vector<16xi32>
    %add3A_126 = vector.broadcast %mul3A_34 : i32 to vector<16xi32>
    %add3A_127 = arith.addi %get3A_125, %add3A_126 : vector<16xi32>
    %swap3A_128 = arith.constant 160 : index
    %swap3A_129 = tpu.vector_load %arg6[%swap3A_128] {strides = array<i32>} : memref<784xi32, #tpu.memory_space<vmem>>, vector<16xi32>,
    %swap3A_130 = vector.shape_cast %swap3A_129 : vector<16xi32> to vector<16xi32>
    %swap3A_131 = vector.shape_cast %add3A_127 : vector<16xi32> to vector<16xi32>
    tpu.vector_store %arg6[%swap3A_128], %swap3A_131 {strides = array<i32>} : memref<784xi32, #tpu.memory_space<vmem>>, vector<16xi32>,
    %get3A_132 = arith.constant 176 : index
    %get3A_133 = tpu.vector_load %arg6[%get3A_132] {strides = array<i32>} : memref<784xi32, #tpu.memory_space<vmem>>, vector<16xi32>,
    %get3A_134 = vector.shape_cast %get3A_133 : vector<16xi32> to vector<16xi32>
    %add3A_135 = vector.broadcast %mul3A_34 : i32 to vector<16xi32>
    %add3A_136 = arith.addi %get3A_134, %add3A_135 : vector<16xi32>
    %swap3A_137 = arith.constant 176 : index
    %swap3A_138 = tpu.vector_load %arg6[%swap3A_137] {strides = array<i32>} : memref<784xi32, #tpu.memory_space<vmem>>, vector<16xi32>,
    %swap3A_139 = vector.shape_cast %swap3A_138 : vector<16xi32> to vector<16xi32>
    %swap3A_140 = vector.shape_cast %add3A_136 : vector<16xi32> to vector<16xi32>
    tpu.vector_store %arg6[%swap3A_137], %swap3A_140 {strides = array<i32>} : memref<784xi32, #tpu.memory_space<vmem>>, vector<16xi32>,
    %get3A_141 = arith.constant 192 : index
    %get3A_142 = tpu.vector_load %arg6[%get3A_141] {strides = array<i32>} : memref<784xi32, #tpu.memory_space<vmem>>, vector<16xi32>,
    %get3A_143 = vector.shape_cast %get3A_142 : vector<16xi32> to vector<16xi32>
    %add3A_144 = vector.broadcast %mul3A_34 : i32 to vector<16xi32>
    %add3A_145 = arith.addi %get3A_143, %add3A_144 : vector<16xi32>
    %swap3A_146 = arith.constant 192 : index
    %swap3A_147 = tpu.vector_load %arg6[%swap3A_146] {strides = array<i32>} : memref<784xi32, #tpu.memory_space<vmem>>, vector<16xi32>,
    %swap3A_148 = vector.shape_cast %swap3A_147 : vector<16xi32> to vector<16xi32>
    %swap3A_149 = vector.shape_cast %add3A_145 : vector<16xi32> to vector<16xi32>
    tpu.vector_store %arg6[%swap3A_146], %swap3A_149 {strides = array<i32>} : memref<784xi32, #tpu.memory_space<vmem>>, vector<16xi32>,
    %get3A_150 = arith.constant 208 : index
    %get3A_151 = tpu.vector_load %arg6[%get3A_150] {strides = array<i32>} : memref<784xi32, #tpu.memory_space<vmem>>, vector<16xi32>,
    %get3A_152 = vector.shape_cast %get3A_151 : vector<16xi32> to vector<16xi32>
    %add3A_153 = vector.broadcast %mul3A_34 : i32 to vector<16xi32>
    %add3A_154 = arith.addi %get3A_152, %add3A_153 : vector<16xi32>
    %swap3A_155 = arith.constant 208 : index
    %swap3A_156 = tpu.vector_load %arg6[%swap3A_155] {strides = array<i32>} : memref<784xi32, #tpu.memory_space<vmem>>, vector<16xi32>,
    %swap3A_157 = vector.shape_cast %swap3A_156 : vector<16xi32> to vector<16xi32>
    %swap3A_158 = vector.shape_cast %add3A_154 : vector<16xi32> to vector<16xi32>
    tpu.vector_store %arg6[%swap3A_155], %swap3A_158 {strides = array<i32>} : memref<784xi32, #tpu.memory_space<vmem>>, vector<16xi32>,
    %get3A_159 = arith.constant 224 : index
    %get3A_160 = tpu.vector_load %arg6[%get3A_159] {strides = array<i32>} : memref<784xi32, #tpu.memory_space<vmem>>, vector<16xi32>,
    %get3A_161 = vector.shape_cast %get3A_160 : vector<16xi32> to vector<16xi32>
    %add3A_162 = vector.broadcast %mul3A_34 : i32 to vector<16xi32>
    %add3A_163 = arith.addi %get3A_161, %add3A_162 : vector<16xi32>
    %swap3A_164 = arith.constant 224 : index
    %swap3A_165 = tpu.vector_load %arg6[%swap3A_164] {strides = array<i32>} : memref<784xi32, #tpu.memory_space<vmem>>, vector<16xi32>,
    %swap3A_166 = vector.shape_cast %swap3A_165 : vector<16xi32> to vector<16xi32>
    %swap3A_167 = vector.shape_cast %add3A_163 : vector<16xi32> to vector<16xi32>
    tpu.vector_store %arg6[%swap3A_164], %swap3A_167 {strides = array<i32>} : memref<784xi32, #tpu.memory_space<vmem>>, vector<16xi32>,
    %get3A_168 = arith.constant 240 : index
    %get3A_169 = tpu.vector_load %arg6[%get3A_168] {strides = array<i32>} : memref<784xi32, #tpu.memory_space<vmem>>, vector<16xi32>,
    %get3A_170 = vector.shape_cast %get3A_169 : vector<16xi32> to vector<16xi32>
    %add3A_171 = vector.broadcast %mul3A_34 : i32 to vector<16xi32>
    %add3A_172 = arith.addi %get3A_170, %add3A_171 : vector<16xi32>
    %swap3A_173 = arith.constant 240 : index
    %swap3A_174 = tpu.vector_load %arg6[%swap3A_173] {strides = array<i32>} : memref<784xi32, #tpu.memory_space<vmem>>, vector<16xi32>,
    %swap3A_175 = vector.shape_cast %swap3A_174 : vector<16xi32> to vector<16xi32>
    %swap3A_176 = vector.shape_cast %add3A_172 : vector<16xi32> to vector<16xi32>
    tpu.vector_store %arg6[%swap3A_173], %swap3A_176 {strides = array<i32>} : memref<784xi32, #tpu.memory_space<vmem>>, vector<16xi32>,
    %get3A_177 = arith.constant 256 : index
    %get3A_178 = tpu.vector_load %arg6[%get3A_177] {strides = array<i32>} : memref<784xi32, #tpu.memory_space<vmem>>, vector<16xi32>,
    %get3A_179 = vector.shape_cast %get3A_178 : vector<16xi32> to vector<16xi32>
    %add3A_180 = vector.broadcast %mul3A_34 : i32 to vector<16xi32>
    %add3A_181 = arith.addi %get3A_179, %add3A_180 : vector<16xi32>
    %swap3A_182 = arith.constant 256 : index
    %swap3A_183 = tpu.vector_load %arg6[%swap3A_182] {strides = array<i32>} : memref<784xi32, #tpu.memory_space<vmem>>, vector<16xi32>,
    %swap3A_184 = vector.shape_cast %swap3A_183 : vector<16xi32> to vector<16xi32>
    %swap3A_185 = vector.shape_cast %add3A_181 : vector<16xi32> to vector<16xi32>
    tpu.vector_store %arg6[%swap3A_182], %swap3A_185 {strides = array<i32>} : memref<784xi32, #tpu.memory_space<vmem>>, vector<16xi32>,
    %get3A_186 = arith.constant 272 : index
    %get3A_187 = tpu.vector_load %arg6[%get3A_186] {strides = array<i32>} : memref<784xi32, #tpu.memory_space<vmem>>, vector<16xi32>,
    %get3A_188 = vector.shape_cast %get3A_187 : vector<16xi32> to vector<16xi32>
    %add3A_189 = vector.broadcast %mul3A_34 : i32 to vector<16xi32>
    %add3A_190 = arith.addi %get3A_188, %add3A_189 : vector<16xi32>
    %swap3A_191 = arith.constant 272 : index
    %swap3A_192 = tpu.vector_load %arg6[%swap3A_191] {strides = array<i32>} : memref<784xi32, #tpu.memory_space<vmem>>, vector<16xi32>,
    %swap3A_193 = vector.shape_cast %swap3A_192 : vector<16xi32> to vector<16xi32>
    %swap3A_194 = vector.shape_cast %add3A_190 : vector<16xi32> to vector<16xi32>
    tpu.vector_store %arg6[%swap3A_191], %swap3A_194 {strides = array<i32>} : memref<784xi32, #tpu.memory_space<vmem>>, vector<16xi32>,
    %get3A_195 = arith.constant 288 : index
    %get3A_196 = tpu.vector_load %arg6[%get3A_195] {strides = array<i32>} : memref<784xi32, #tpu.memory_space<vmem>>, vector<16xi32>,
    %get3A_197 = vector.shape_cast %get3A_196 : vector<16xi32> to vector<16xi32>
    %add3A_198 = vector.broadcast %mul3A_34 : i32 to vector<16xi32>
    %add3A_199 = arith.addi %get3A_197, %add3A_198 : vector<16xi32>
    %swap3A_200 = arith.constant 288 : index
    %swap3A_201 = tpu.vector_load %arg6[%swap3A_200] {strides = array<i32>} : memref<784xi32, #tpu.memory_space<vmem>>, vector<16xi32>,
    %swap3A_202 = vector.shape_cast %swap3A_201 : vector<16xi32> to vector<16xi32>
    %swap3A_203 = vector.shape_cast %add3A_199 : vector<16xi32> to vector<16xi32>
    tpu.vector_store %arg6[%swap3A_200], %swap3A_203 {strides = array<i32>} : memref<784xi32, #tpu.memory_space<vmem>>, vector<16xi32>,
    %get3A_204 = arith.constant 304 : index
    %get3A_205 = tpu.vector_load %arg6[%get3A_204] {strides = array<i32>} : memref<784xi32, #tpu.memory_space<vmem>>, vector<16xi32>,
    %get3A_206 = vector.shape_cast %get3A_205 : vector<16xi32> to vector<16xi32>
    %add3A_207 = vector.broadcast %mul3A_34 : i32 to vector<16xi32>
    %add3A_208 = arith.addi %get3A_206, %add3A_207 : vector<16xi32>
    %swap3A_209 = arith.constant 304 : index
    %swap3A_210 = tpu.vector_load %arg6[%swap3A_209] {strides = array<i32>} : memref<784xi32, #tpu.memory_space<vmem>>, vector<16xi32>,
    %swap3A_211 = vector.shape_cast %swap3A_210 : vector<16xi32> to vector<16xi32>
    %swap3A_212 = vector.shape_cast %add3A_208 : vector<16xi32> to vector<16xi32>
    tpu.vector_store %arg6[%swap3A_209], %swap3A_212 {strides = array<i32>} : memref<784xi32, #tpu.memory_space<vmem>>, vector<16xi32>,
    %get3A_213 = arith.constant 320 : index
    %get3A_214 = tpu.vector_load %arg6[%get3A_213] {strides = array<i32>} : memref<784xi32, #tpu.memory_space<vmem>>, vector<16xi32>,
    %get3A_215 = vector.shape_cast %get3A_214 : vector<16xi32> to vector<16xi32>
    %add3A_216 = vector.broadcast %mul3A_34 : i32 to vector<16xi32>
    %add3A_217 = arith.addi %get3A_215, %add3A_216 : vector<16xi32>
    %swap3A_218 = arith.constant 320 : index
    %swap3A_219 = tpu.vector_load %arg6[%swap3A_218] {strides = array<i32>} : memref<784xi32, #tpu.memory_space<vmem>>, vector<16xi32>,
    %swap3A_220 = vector.shape_cast %swap3A_219 : vector<16xi32> to vector<16xi32>
    %swap3A_221 = vector.shape_cast %add3A_217 : vector<16xi32> to vector<16xi32>
    tpu.vector_store %arg6[%swap3A_218], %swap3A_221 {strides = array<i32>} : memref<784xi32, #tpu.memory_space<vmem>>, vector<16xi32>,
    %get3A_222 = arith.constant 336 : index
    %get3A_223 = tpu.vector_load %arg6[%get3A_222] {strides = array<i32>} : memref<784xi32, #tpu.memory_space<vmem>>, vector<16xi32>,
    %get3A_224 = vector.shape_cast %get3A_223 : vector<16xi32> to vector<16xi32>
    %add3A_225 = vector.broadcast %mul3A_34 : i32 to vector<16xi32>
    %add3A_226 = arith.addi %get3A_224, %add3A_225 : vector<16xi32>
    %swap3A_227 = arith.constant 336 : index
    %swap3A_228 = tpu.vector_load %arg6[%swap3A_227] {strides = array<i32>} : memref<784xi32, #tpu.memory_space<vmem>>, vector<16xi32>,
    %swap3A_229 = vector.shape_cast %swap3A_228 : vector<16xi32> to vector<16xi32>
    %swap3A_230 = vector.shape_cast %add3A_226 : vector<16xi32> to vector<16xi32>
    tpu.vector_store %arg6[%swap3A_227], %swap3A_230 {strides = array<i32>} : memref<784xi32, #tpu.memory_space<vmem>>, vector<16xi32>,
    %get3A_231 = arith.constant 352 : index
    %get3A_232 = tpu.vector_load %arg6[%get3A_231] {strides = array<i32>} : memref<784xi32, #tpu.memory_space<vmem>>, vector<16xi32>,
    %get3A_233 = vector.shape_cast %get3A_232 : vector<16xi32> to vector<16xi32>
    %add3A_234 = vector.broadcast %mul3A_34 : i32 to vector<16xi32>
    %add3A_235 = arith.addi %get3A_233, %add3A_234 : vector<16xi32>
    %swap3A_236 = arith.constant 352 : index
    %swap3A_237 = tpu.vector_load %arg6[%swap3A_236] {strides = array<i32>} : memref<784xi32, #tpu.memory_space<vmem>>, vector<16xi32>,
    %swap3A_238 = vector.shape_cast %swap3A_237 : vector<16xi32> to vector<16xi32>
    %swap3A_239 = vector.shape_cast %add3A_235 : vector<16xi32> to vector<16xi32>
    tpu.vector_store %arg6[%swap3A_236], %swap3A_239 {strides = array<i32>} : memref<784xi32, #tpu.memory_space<vmem>>, vector<16xi32>,
    %get3A_240 = arith.constant 368 : index
    %get3A_241 = tpu.vector_load %arg6[%get3A_240] {strides = array<i32>} : memref<784xi32, #tpu.memory_space<vmem>>, vector<16xi32>,
    %get3A_242 = vector.shape_cast %get3A_241 : vector<16xi32> to vector<16xi32>
    %add3A_243 = vector.broadcast %mul3A_34 : i32 to vector<16xi32>
    %add3A_244 = arith.addi %get3A_242, %add3A_243 : vector<16xi32>
    %swap3A_245 = arith.constant 368 : index
    %swap3A_246 = tpu.vector_load %arg6[%swap3A_245] {strides = array<i32>} : memref<784xi32, #tpu.memory_space<vmem>>, vector<16xi32>,
    %swap3A_247 = vector.shape_cast %swap3A_246 : vector<16xi32> to vector<16xi32>
    %swap3A_248 = vector.shape_cast %add3A_244 : vector<16xi32> to vector<16xi32>
    tpu.vector_store %arg6[%swap3A_245], %swap3A_248 {strides = array<i32>} : memref<784xi32, #tpu.memory_space<vmem>>, vector<16xi32>,
    %get3A_249 = arith.constant 384 : index
    %get3A_250 = tpu.vector_load %arg6[%get3A_249] {strides = array<i32>} : memref<784xi32, #tpu.memory_space<vmem>>, vector<16xi32>,
    %get3A_251 = vector.shape_cast %get3A_250 : vector<16xi32> to vector<16xi32>
    %add3A_252 = vector.broadcast %mul3A_34 : i32 to vector<16xi32>
    %add3A_253 = arith.addi %get3A_251, %add3A_252 : vector<16xi32>
    %swap3A_254 = arith.constant 384 : index
    %swap3A_255 = tpu.vector_load %arg6[%swap3A_254] {strides = array<i32>} : memref<784xi32, #tpu.memory_space<vmem>>, vector<16xi32>,
    %swap3A_256 = vector.shape_cast %swap3A_255 : vector<16xi32> to vector<16xi32>
    %swap3A_257 = vector.shape_cast %add3A_253 : vector<16xi32> to vector<16xi32>
    tpu.vector_store %arg6[%swap3A_254], %swap3A_257 {strides = array<i32>} : memref<784xi32, #tpu.memory_space<vmem>>, vector<16xi32>,
    %get3A_258 = arith.constant 400 : index
    %get3A_259 = tpu.vector_load %arg6[%get3A_258] {strides = array<i32>} : memref<784xi32, #tpu.memory_space<vmem>>, vector<16xi32>,
    %get3A_260 = vector.shape_cast %get3A_259 : vector<16xi32> to vector<16xi32>
    %add3A_261 = vector.broadcast %mul3A_34 : i32 to vector<16xi32>
    %add3A_262 = arith.addi %get3A_260, %add3A_261 : vector<16xi32>
    %swap3A_263 = arith.constant 400 : index
    %swap3A_264 = tpu.vector_load %arg6[%swap3A_263] {strides = array<i32>} : memref<784xi32, #tpu.memory_space<vmem>>, vector<16xi32>,
    %swap3A_265 = vector.shape_cast %swap3A_264 : vector<16xi32> to vector<16xi32>
    %swap3A_266 = vector.shape_cast %add3A_262 : vector<16xi32> to vector<16xi32>
    tpu.vector_store %arg6[%swap3A_263], %swap3A_266 {strides = array<i32>} : memref<784xi32, #tpu.memory_space<vmem>>, vector<16xi32>,
    %get3A_267 = arith.constant 416 : index
    %get3A_268 = tpu.vector_load %arg6[%get3A_267] {strides = array<i32>} : memref<784xi32, #tpu.memory_space<vmem>>, vector<16xi32>,
    %get3A_269 = vector.shape_cast %get3A_268 : vector<16xi32> to vector<16xi32>
    %add3A_270 = vector.broadcast %mul3A_34 : i32 to vector<16xi32>
    %add3A_271 = arith.addi %get3A_269, %add3A_270 : vector<16xi32>
    %swap3A_272 = arith.constant 416 : index
    %swap3A_273 = tpu.vector_load %arg6[%swap3A_272] {strides = array<i32>} : memref<784xi32, #tpu.memory_space<vmem>>, vector<16xi32>,
    %swap3A_274 = vector.shape_cast %swap3A_273 : vector<16xi32> to vector<16xi32>
    %swap3A_275 = vector.shape_cast %add3A_271 : vector<16xi32> to vector<16xi32>
    tpu.vector_store %arg6[%swap3A_272], %swap3A_275 {strides = array<i32>} : memref<784xi32, #tpu.memory_space<vmem>>, vector<16xi32>,
    %get3A_276 = arith.constant 432 : index
    %get3A_277 = tpu.vector_load %arg6[%get3A_276] {strides = array<i32>} : memref<784xi32, #tpu.memory_space<vmem>>, vector<16xi32>,
    %get3A_278 = vector.shape_cast %get3A_277 : vector<16xi32> to vector<16xi32>
    %add3A_279 = vector.broadcast %mul3A_34 : i32 to vector<16xi32>
    %add3A_280 = arith.addi %get3A_278, %add3A_279 : vector<16xi32>
    %swap3A_281 = arith.constant 432 : index
    %swap3A_282 = tpu.vector_load %arg6[%swap3A_281] {strides = array<i32>} : memref<784xi32, #tpu.memory_space<vmem>>, vector<16xi32>,
    %swap3A_283 = vector.shape_cast %swap3A_282 : vector<16xi32> to vector<16xi32>
    %swap3A_284 = vector.shape_cast %add3A_280 : vector<16xi32> to vector<16xi32>
    tpu.vector_store %arg6[%swap3A_281], %swap3A_284 {strides = array<i32>} : memref<784xi32, #tpu.memory_space<vmem>>, vector<16xi32>,
    %get3A_285 = arith.constant 448 : index
    %get3A_286 = tpu.vector_load %arg6[%get3A_285] {strides = array<i32>} : memref<784xi32, #tpu.memory_space<vmem>>, vector<16xi32>,
    %get3A_287 = vector.shape_cast %get3A_286 : vector<16xi32> to vector<16xi32>
    %add3A_288 = vector.broadcast %mul3A_34 : i32 to vector<16xi32>
    %add3A_289 = arith.addi %get3A_287, %add3A_288 : vector<16xi32>
    %swap3A_290 = arith.constant 448 : index
    %swap3A_291 = tpu.vector_load %arg6[%swap3A_290] {strides = array<i32>} : memref<784xi32, #tpu.memory_space<vmem>>, vector<16xi32>,
    %swap3A_292 = vector.shape_cast %swap3A_291 : vector<16xi32> to vector<16xi32>
    %swap3A_293 = vector.shape_cast %add3A_289 : vector<16xi32> to vector<16xi32>
    tpu.vector_store %arg6[%swap3A_290], %swap3A_293 {strides = array<i32>} : memref<784xi32, #tpu.memory_space<vmem>>, vector<16xi32>,
    %get3A_294 = arith.constant 464 : index
    %get3A_295 = tpu.vector_load %arg6[%get3A_294] {strides = array<i32>} : memref<784xi32, #tpu.memory_space<vmem>>, vector<16xi32>,
    %get3A_296 = vector.shape_cast %get3A_295 : vector<16xi32> to vector<16xi32>
    %add3A_297 = vector.broadcast %mul3A_34 : i32 to vector<16xi32>
    %add3A_298 = arith.addi %get3A_296, %add3A_297 : vector<16xi32>
    %swap3A_299 = arith.constant 464 : index
    %swap3A_300 = tpu.vector_load %arg6[%swap3A_299] {strides = array<i32>} : memref<784xi32, #tpu.memory_space<vmem>>, vector<16xi32>,
    %swap3A_301 = vector.shape_cast %swap3A_300 : vector<16xi32> to vector<16xi32>
    %swap3A_302 = vector.shape_cast %add3A_298 : vector<16xi32> to vector<16xi32>
    tpu.vector_store %arg6[%swap3A_299], %swap3A_302 {strides = array<i32>} : memref<784xi32, #tpu.memory_space<vmem>>, vector<16xi32>,
    %get3A_303 = arith.constant 480 : index
    %get3A_304 = tpu.vector_load %arg6[%get3A_303] {strides = array<i32>} : memref<784xi32, #tpu.memory_space<vmem>>, vector<16xi32>,
    %get3A_305 = vector.shape_cast %get3A_304 : vector<16xi32> to vector<16xi32>
    %add3A_306 = vector.broadcast %mul3A_34 : i32 to vector<16xi32>
    %add3A_307 = arith.addi %get3A_305, %add3A_306 : vector<16xi32>
    %swap3A_308 = arith.constant 480 : index
    %swap3A_309 = tpu.vector_load %arg6[%swap3A_308] {strides = array<i32>} : memref<784xi32, #tpu.memory_space<vmem>>, vector<16xi32>,
    %swap3A_310 = vector.shape_cast %swap3A_309 : vector<16xi32> to vector<16xi32>
    %swap3A_311 = vector.shape_cast %add3A_307 : vector<16xi32> to vector<16xi32>
    tpu.vector_store %arg6[%swap3A_308], %swap3A_311 {strides = array<i32>} : memref<784xi32, #tpu.memory_space<vmem>>, vector<16xi32>,
    %get3A_312 = arith.constant 496 : index
    %get3A_313 = tpu.vector_load %arg6[%get3A_312] {strides = array<i32>} : memref<784xi32, #tpu.memory_space<vmem>>, vector<16xi32>,
    %get3A_314 = vector.shape_cast %get3A_313 : vector<16xi32> to vector<16xi32>
    %add3A_315 = vector.broadcast %mul3A_34 : i32 to vector<16xi32>
    %add3A_316 = arith.addi %get3A_314, %add3A_315 : vector<16xi32>
    %swap3A_317 = arith.constant 496 : index
    %swap3A_318 = tpu.vector_load %arg6[%swap3A_317] {strides = array<i32>} : memref<784xi32, #tpu.memory_space<vmem>>, vector<16xi32>,
    %swap3A_319 = vector.shape_cast %swap3A_318 : vector<16xi32> to vector<16xi32>
    %swap3A_320 = vector.shape_cast %add3A_316 : vector<16xi32> to vector<16xi32>
    tpu.vector_store %arg6[%swap3A_317], %swap3A_320 {strides = array<i32>} : memref<784xi32, #tpu.memory_space<vmem>>, vector<16xi32>,
    %get3A_321 = arith.constant 512 : index
    %get3A_322 = tpu.vector_load %arg6[%get3A_321] {strides = array<i32>} : memref<784xi32, #tpu.memory_space<vmem>>, vector<16xi32>,
    %get3A_323 = vector.shape_cast %get3A_322 : vector<16xi32> to vector<16xi32>
    %add3A_324 = vector.broadcast %mul3A_34 : i32 to vector<16xi32>
    %add3A_325 = arith.addi %get3A_323, %add3A_324 : vector<16xi32>
    %swap3A_326 = arith.constant 512 : index
    %swap3A_327 = tpu.vector_load %arg6[%swap3A_326] {strides = array<i32>} : memref<784xi32, #tpu.memory_space<vmem>>, vector<16xi32>,
    %swap3A_328 = vector.shape_cast %swap3A_327 : vector<16xi32> to vector<16xi32>
    %swap3A_329 = vector.shape_cast %add3A_325 : vector<16xi32> to vector<16xi32>
    tpu.vector_store %arg6[%swap3A_326], %swap3A_329 {strides = array<i32>} : memref<784xi32, #tpu.memory_space<vmem>>, vector<16xi32>,
    %get3A_330 = arith.constant 528 : index
    %get3A_331 = tpu.vector_load %arg6[%get3A_330] {strides = array<i32>} : memref<784xi32, #tpu.memory_space<vmem>>, vector<16xi32>,
    %get3A_332 = vector.shape_cast %get3A_331 : vector<16xi32> to vector<16xi32>
    %add3A_333 = vector.broadcast %mul3A_34 : i32 to vector<16xi32>
    %add3A_334 = arith.addi %get3A_332, %add3A_333 : vector<16xi32>
    %swap3A_335 = arith.constant 528 : index
    %swap3A_336 = tpu.vector_load %arg6[%swap3A_335] {strides = array<i32>} : memref<784xi32, #tpu.memory_space<vmem>>, vector<16xi32>,
    %swap3A_337 = vector.shape_cast %swap3A_336 : vector<16xi32> to vector<16xi32>
    %swap3A_338 = vector.shape_cast %add3A_334 : vector<16xi32> to vector<16xi32>
    tpu.vector_store %arg6[%swap3A_335], %swap3A_338 {strides = array<i32>} : memref<784xi32, #tpu.memory_space<vmem>>, vector<16xi32>,
    %get3A_339 = arith.constant 544 : index
    %get3A_340 = tpu.vector_load %arg6[%get3A_339] {strides = array<i32>} : memref<784xi32, #tpu.memory_space<vmem>>, vector<16xi32>,
    %get3A_341 = vector.shape_cast %get3A_340 : vector<16xi32> to vector<16xi32>
    %add3A_342 = vector.broadcast %mul3A_34 : i32 to vector<16xi32>
    %add3A_343 = arith.addi %get3A_341, %add3A_342 : vector<16xi32>
    %swap3A_344 = arith.constant 544 : index
    %swap3A_345 = tpu.vector_load %arg6[%swap3A_344] {strides = array<i32>} : memref<784xi32, #tpu.memory_space<vmem>>, vector<16xi32>,
    %swap3A_346 = vector.shape_cast %swap3A_345 : vector<16xi32> to vector<16xi32>
    %swap3A_347 = vector.shape_cast %add3A_343 : vector<16xi32> to vector<16xi32>
    tpu.vector_store %arg6[%swap3A_344], %swap3A_347 {strides = array<i32>} : memref<784xi32, #tpu.memory_space<vmem>>, vector<16xi32>,
    %get3A_348 = arith.constant 560 : index
    %get3A_349 = tpu.vector_load %arg6[%get3A_348] {strides = array<i32>} : memref<784xi32, #tpu.memory_space<vmem>>, vector<16xi32>,
    %get3A_350 = vector.shape_cast %get3A_349 : vector<16xi32> to vector<16xi32>
    %add3A_351 = vector.broadcast %mul3A_34 : i32 to vector<16xi32>
    %add3A_352 = arith.addi %get3A_350, %add3A_351 : vector<16xi32>
    %swap3A_353 = arith.constant 560 : index
    %swap3A_354 = tpu.vector_load %arg6[%swap3A_353] {strides = array<i32>} : memref<784xi32, #tpu.memory_space<vmem>>, vector<16xi32>,
    %swap3A_355 = vector.shape_cast %swap3A_354 : vector<16xi32> to vector<16xi32>
    %swap3A_356 = vector.shape_cast %add3A_352 : vector<16xi32> to vector<16xi32>
    tpu.vector_store %arg6[%swap3A_353], %swap3A_356 {strides = array<i32>} : memref<784xi32, #tpu.memory_space<vmem>>, vector<16xi32>,
    %get3A_357 = arith.constant 576 : index
    %get3A_358 = tpu.vector_load %arg6[%get3A_357] {strides = array<i32>} : memref<784xi32, #tpu.memory_space<vmem>>, vector<16xi32>,
    %get3A_359 = vector.shape_cast %get3A_358 : vector<16xi32> to vector<16xi32>
    %add3A_360 = vector.broadcast %mul3A_34 : i32 to vector<16xi32>
    %add3A_361 = arith.addi %get3A_359, %add3A_360 : vector<16xi32>
    %swap3A_362 = arith.constant 576 : index
    %swap3A_363 = tpu.vector_load %arg6[%swap3A_362] {strides = array<i32>} : memref<784xi32, #tpu.memory_space<vmem>>, vector<16xi32>,
    %swap3A_364 = vector.shape_cast %swap3A_363 : vector<16xi32> to vector<16xi32>
    %swap3A_365 = vector.shape_cast %add3A_361 : vector<16xi32> to vector<16xi32>
    tpu.vector_store %arg6[%swap3A_362], %swap3A_365 {strides = array<i32>} : memref<784xi32, #tpu.memory_space<vmem>>, vector<16xi32>,
    %get3A_366 = arith.constant 592 : index
    %get3A_367 = tpu.vector_load %arg6[%get3A_366] {strides = array<i32>} : memref<784xi32, #tpu.memory_space<vmem>>, vector<16xi32>,
    %get3A_368 = vector.shape_cast %get3A_367 : vector<16xi32> to vector<16xi32>
    %add3A_369 = vector.broadcast %mul3A_34 : i32 to vector<16xi32>
    %add3A_370 = arith.addi %get3A_368, %add3A_369 : vector<16xi32>
    %swap3A_371 = arith.constant 592 : index
    %swap3A_372 = tpu.vector_load %arg6[%swap3A_371] {strides = array<i32>} : memref<784xi32, #tpu.memory_space<vmem>>, vector<16xi32>,
    %swap3A_373 = vector.shape_cast %swap3A_372 : vector<16xi32> to vector<16xi32>
    %swap3A_374 = vector.shape_cast %add3A_370 : vector<16xi32> to vector<16xi32>
    tpu.vector_store %arg6[%swap3A_371], %swap3A_374 {strides = array<i32>} : memref<784xi32, #tpu.memory_space<vmem>>, vector<16xi32>,
    %get3A_375 = arith.constant 608 : index
    %get3A_376 = tpu.vector_load %arg6[%get3A_375] {strides = array<i32>} : memref<784xi32, #tpu.memory_space<vmem>>, vector<16xi32>,
    %get3A_377 = vector.shape_cast %get3A_376 : vector<16xi32> to vector<16xi32>
    %add3A_378 = vector.broadcast %mul3A_34 : i32 to vector<16xi32>
    %add3A_379 = arith.addi %get3A_377, %add3A_378 : vector<16xi32>
    %swap3A_380 = arith.constant 608 : index
    %swap3A_381 = tpu.vector_load %arg6[%swap3A_380] {strides = array<i32>} : memref<784xi32, #tpu.memory_space<vmem>>, vector<16xi32>,
    %swap3A_382 = vector.shape_cast %swap3A_381 : vector<16xi32> to vector<16xi32>
    %swap3A_383 = vector.shape_cast %add3A_379 : vector<16xi32> to vector<16xi32>
    tpu.vector_store %arg6[%swap3A_380], %swap3A_383 {strides = array<i32>} : memref<784xi32, #tpu.memory_space<vmem>>, vector<16xi32>,
    %get3A_384 = arith.constant 624 : index
    %get3A_385 = tpu.vector_load %arg6[%get3A_384] {strides = array<i32>} : memref<784xi32, #tpu.memory_space<vmem>>, vector<16xi32>,
    %get3A_386 = vector.shape_cast %get3A_385 : vector<16xi32> to vector<16xi32>
    %add3A_387 = vector.broadcast %mul3A_34 : i32 to vector<16xi32>
    %add3A_388 = arith.addi %get3A_386, %add3A_387 : vector<16xi32>
    %swap3A_389 = arith.constant 624 : index
    %swap3A_390 = tpu.vector_load %arg6[%swap3A_389] {strides = array<i32>} : memref<784xi32, #tpu.memory_space<vmem>>, vector<16xi32>,
    %swap3A_391 = vector.shape_cast %swap3A_390 : vector<16xi32> to vector<16xi32>
    %swap3A_392 = vector.shape_cast %add3A_388 : vector<16xi32> to vector<16xi32>
    tpu.vector_store %arg6[%swap3A_389], %swap3A_392 {strides = array<i32>} : memref<784xi32, #tpu.memory_space<vmem>>, vector<16xi32>,
    %get3A_393 = arith.constant 640 : index
    %get3A_394 = tpu.vector_load %arg6[%get3A_393] {strides = array<i32>} : memref<784xi32, #tpu.memory_space<vmem>>, vector<16xi32>,
    %get3A_395 = vector.shape_cast %get3A_394 : vector<16xi32> to vector<16xi32>
    %add3A_396 = vector.broadcast %mul3A_34 : i32 to vector<16xi32>
    %add3A_397 = arith.addi %get3A_395, %add3A_396 : vector<16xi32>
    %swap3A_398 = arith.constant 640 : index
    %swap3A_399 = tpu.vector_load %arg6[%swap3A_398] {strides = array<i32>} : memref<784xi32, #tpu.memory_space<vmem>>, vector<16xi32>,
    %swap3A_400 = vector.shape_cast %swap3A_399 : vector<16xi32> to vector<16xi32>
    %swap3A_401 = vector.shape_cast %add3A_397 : vector<16xi32> to vector<16xi32>
    tpu.vector_store %arg6[%swap3A_398], %swap3A_401 {strides = array<i32>} : memref<784xi32, #tpu.memory_space<vmem>>, vector<16xi32>,
    %get3A_402 = arith.constant 656 : index
    %get3A_403 = tpu.vector_load %arg6[%get3A_402] {strides = array<i32>} : memref<784xi32, #tpu.memory_space<vmem>>, vector<16xi32>,
    %get3A_404 = vector.shape_cast %get3A_403 : vector<16xi32> to vector<16xi32>
    %add3A_405 = vector.broadcast %mul3A_34 : i32 to vector<16xi32>
    %add3A_406 = arith.addi %get3A_404, %add3A_405 : vector<16xi32>
    %swap3A_407 = arith.constant 656 : index
    %swap3A_408 = tpu.vector_load %arg6[%swap3A_407] {strides = array<i32>} : memref<784xi32, #tpu.memory_space<vmem>>, vector<16xi32>,
    %swap3A_409 = vector.shape_cast %swap3A_408 : vector<16xi32> to vector<16xi32>
    %swap3A_410 = vector.shape_cast %add3A_406 : vector<16xi32> to vector<16xi32>
    tpu.vector_store %arg6[%swap3A_407], %swap3A_410 {strides = array<i32>} : memref<784xi32, #tpu.memory_space<vmem>>, vector<16xi32>,
    %get3A_411 = arith.constant 672 : index
    %get3A_412 = tpu.vector_load %arg6[%get3A_411] {strides = array<i32>} : memref<784xi32, #tpu.memory_space<vmem>>, vector<16xi32>,
    %get3A_413 = vector.shape_cast %get3A_412 : vector<16xi32> to vector<16xi32>
    %add3A_414 = vector.broadcast %mul3A_34 : i32 to vector<16xi32>
    %add3A_415 = arith.addi %get3A_413, %add3A_414 : vector<16xi32>
    %swap3A_416 = arith.constant 672 : index
    %swap3A_417 = tpu.vector_load %arg6[%swap3A_416] {strides = array<i32>} : memref<784xi32, #tpu.memory_space<vmem>>, vector<16xi32>,
    %swap3A_418 = vector.shape_cast %swap3A_417 : vector<16xi32> to vector<16xi32>
    %swap3A_419 = vector.shape_cast %add3A_415 : vector<16xi32> to vector<16xi32>
    tpu.vector_store %arg6[%swap3A_416], %swap3A_419 {strides = array<i32>} : memref<784xi32, #tpu.memory_space<vmem>>, vector<16xi32>,
    %get3A_420 = arith.constant 688 : index
    %get3A_421 = tpu.vector_load %arg6[%get3A_420] {strides = array<i32>} : memref<784xi32, #tpu.memory_space<vmem>>, vector<16xi32>,
    %get3A_422 = vector.shape_cast %get3A_421 : vector<16xi32> to vector<16xi32>
    %add3A_423 = vector.broadcast %mul3A_34 : i32 to vector<16xi32>
    %add3A_424 = arith.addi %get3A_422, %add3A_423 : vector<16xi32>
    %swap3A_425 = arith.constant 688 : index
    %swap3A_426 = tpu.vector_load %arg6[%swap3A_425] {strides = array<i32>} : memref<784xi32, #tpu.memory_space<vmem>>, vector<16xi32>,
    %swap3A_427 = vector.shape_cast %swap3A_426 : vector<16xi32> to vector<16xi32>
    %swap3A_428 = vector.shape_cast %add3A_424 : vector<16xi32> to vector<16xi32>
    tpu.vector_store %arg6[%swap3A_425], %swap3A_428 {strides = array<i32>} : memref<784xi32, #tpu.memory_space<vmem>>, vector<16xi32>,
    %get3A_429 = arith.constant 704 : index
    %get3A_430 = tpu.vector_load %arg6[%get3A_429] {strides = array<i32>} : memref<784xi32, #tpu.memory_space<vmem>>, vector<16xi32>,
    %get3A_431 = vector.shape_cast %get3A_430 : vector<16xi32> to vector<16xi32>
    %add3A_432 = vector.broadcast %mul3A_34 : i32 to vector<16xi32>
    %add3A_433 = arith.addi %get3A_431, %add3A_432 : vector<16xi32>
    %swap3A_434 = arith.constant 704 : index
    %swap3A_435 = tpu.vector_load %arg6[%swap3A_434] {strides = array<i32>} : memref<784xi32, #tpu.memory_space<vmem>>, vector<16xi32>,
    %swap3A_436 = vector.shape_cast %swap3A_435 : vector<16xi32> to vector<16xi32>
    %swap3A_437 = vector.shape_cast %add3A_433 : vector<16xi32> to vector<16xi32>
    tpu.vector_store %arg6[%swap3A_434], %swap3A_437 {strides = array<i32>} : memref<784xi32, #tpu.memory_space<vmem>>, vector<16xi32>,
    %get3A_438 = arith.constant 720 : index
    %get3A_439 = tpu.vector_load %arg6[%get3A_438] {strides = array<i32>} : memref<784xi32, #tpu.memory_space<vmem>>, vector<16xi32>,
    %get3A_440 = vector.shape_cast %get3A_439 : vector<16xi32> to vector<16xi32>
    %add3A_441 = vector.broadcast %mul3A_34 : i32 to vector<16xi32>
    %add3A_442 = arith.addi %get3A_440, %add3A_441 : vector<16xi32>
    %swap3A_443 = arith.constant 720 : index
    %swap3A_444 = tpu.vector_load %arg6[%swap3A_443] {strides = array<i32>} : memref<784xi32, #tpu.memory_space<vmem>>, vector<16xi32>,
    %swap3A_445 = vector.shape_cast %swap3A_444 : vector<16xi32> to vector<16xi32>
    %swap3A_446 = vector.shape_cast %add3A_442 : vector<16xi32> to vector<16xi32>
    tpu.vector_store %arg6[%swap3A_443], %swap3A_446 {strides = array<i32>} : memref<784xi32, #tpu.memory_space<vmem>>, vector<16xi32>,
    %get3A_447 = arith.constant 736 : index
    %get3A_448 = tpu.vector_load %arg6[%get3A_447] {strides = array<i32>} : memref<784xi32, #tpu.memory_space<vmem>>, vector<16xi32>,
    %get3A_449 = vector.shape_cast %get3A_448 : vector<16xi32> to vector<16xi32>
    %add3A_450 = vector.broadcast %mul3A_34 : i32 to vector<16xi32>
    %add3A_451 = arith.addi %get3A_449, %add3A_450 : vector<16xi32>
    %swap3A_452 = arith.constant 736 : index
    %swap3A_453 = tpu.vector_load %arg6[%swap3A_452] {strides = array<i32>} : memref<784xi32, #tpu.memory_space<vmem>>, vector<16xi32>,
    %swap3A_454 = vector.shape_cast %swap3A_453 : vector<16xi32> to vector<16xi32>
    %swap3A_455 = vector.shape_cast %add3A_451 : vector<16xi32> to vector<16xi32>
    tpu.vector_store %arg6[%swap3A_452], %swap3A_455 {strides = array<i32>} : memref<784xi32, #tpu.memory_space<vmem>>, vector<16xi32>,
    %get3A_456 = arith.constant 752 : index
    %get3A_457 = tpu.vector_load %arg6[%get3A_456] {strides = array<i32>} : memref<784xi32, #tpu.memory_space<vmem>>, vector<16xi32>,
    %get3A_458 = vector.shape_cast %get3A_457 : vector<16xi32> to vector<16xi32>
    %add3A_459 = vector.broadcast %mul3A_34 : i32 to vector<16xi32>
    %add3A_460 = arith.addi %get3A_458, %add3A_459 : vector<16xi32>
    %swap3A_461 = arith.constant 752 : index
    %swap3A_462 = tpu.vector_load %arg6[%swap3A_461] {strides = array<i32>} : memref<784xi32, #tpu.memory_space<vmem>>, vector<16xi32>,
    %swap3A_463 = vector.shape_cast %swap3A_462 : vector<16xi32> to vector<16xi32>
    %swap3A_464 = vector.shape_cast %add3A_460 : vector<16xi32> to vector<16xi32>
    tpu.vector_store %arg6[%swap3A_461], %swap3A_464 {strides = array<i32>} : memref<784xi32, #tpu.memory_space<vmem>>, vector<16xi32>,
    %get3A_465 = arith.constant 768 : index
    %get3A_466 = tpu.vector_load %arg6[%get3A_465] {strides = array<i32>} : memref<784xi32, #tpu.memory_space<vmem>>, vector<16xi32>,
    %get3A_467 = vector.shape_cast %get3A_466 : vector<16xi32> to vector<16xi32>
    %add3A_468 = vector.broadcast %mul3A_34 : i32 to vector<16xi32>
    %add3A_469 = arith.addi %get3A_467, %add3A_468 : vector<16xi32>
    %swap3A_470 = arith.constant 768 : index
    %swap3A_471 = tpu.vector_load %arg6[%swap3A_470] {strides = array<i32>} : memref<784xi32, #tpu.memory_space<vmem>>, vector<16xi32>,
    %swap3A_472 = vector.shape_cast %swap3A_471 : vector<16xi32> to vector<16xi32>
    %swap3A_473 = vector.shape_cast %add3A_469 : vector<16xi32> to vector<16xi32>
    tpu.vector_store %arg6[%swap3A_470], %swap3A_473 {strides = array<i32>} : memref<784xi32, #tpu.memory_space<vmem>>, vector<16xi32>,
    %mul3A_474 = arith.constant 784 : i32
    %mul3A_475 = arith.muli %add3A, %mul3A_474 : i32
    %dma_start3A = arith.constant 0 : i32
    %dma_start3A_476 = tpu.memref_slice %arg6[%dma_start3A] : memref<784xi32, #tpu.memory_space<vmem>> -> memref<112xi32, #tpu.memory_space<vmem>>
    %dma_start3A_477 = arith.constant 0 : i32
    %dma_start3A_478 = arith.constant 0 : i32
    %dma_start3A_479 = tpu.memref_slice %arg2[%dma_start3A_477, %dma_start3A_478] : memref<25088x192xf32, #tpu.memory_space<hbm>> -> memref<25088x128xf32, #tpu.memory_space<hbm>>
    tpu.enqueue_indirect_dma source(%dma_start3A_479 : memref<25088x128xf32, #tpu.memory_space<hbm>>) target(%arg7 : memref<112x128xf32, #tpu.memory_space<vmem>>) offsets(%dma_start3A_476 : memref<112xi32, #tpu.memory_space<vmem>>) semaphore(%arg16 : memref<!tpu.dma_semaphore, #tpu.memory_space<semaphore_mem>>)
    %dma_start3A_480 = arith.constant 0 : i32
    %dma_start3A_481 = tpu.memref_slice %arg6[%dma_start3A_480] : memref<784xi32, #tpu.memory_space<vmem>> -> memref<112xi32, #tpu.memory_space<vmem>>
    %dma_start3A_482 = arith.constant 0 : i32
    %dma_start3A_483 = arith.constant 0 : i32
    %dma_start3A_484 = tpu.memref_slice %arg3[%dma_start3A_482, %dma_start3A_483] : memref<25088x128xf32, #tpu.memory_space<hbm>> -> memref<25088x128xf32, #tpu.memory_space<hbm>>
    tpu.enqueue_indirect_dma source(%dma_start3A_484 : memref<25088x128xf32, #tpu.memory_space<hbm>>) target(%arg10 : memref<112x128xf32, #tpu.memory_space<vmem>>) offsets(%dma_start3A_481 : memref<112xi32, #tpu.memory_space<vmem>>) semaphore(%arg19 : memref<!tpu.dma_semaphore, #tpu.memory_space<semaphore_mem>>)
    %dma_start3A_485 = arith.constant 112 : i32
    %dma_start3A_486 = tpu.memref_slice %arg6[%dma_start3A_485] : memref<784xi32, #tpu.memory_space<vmem>> -> memref<112xi32, #tpu.memory_space<vmem>>
    %dma_start3A_487 = arith.constant 0 : i32
    %dma_start3A_488 = arith.constant 0 : i32
    %dma_start3A_489 = tpu.memref_slice %arg2[%dma_start3A_487, %dma_start3A_488] : memref<25088x192xf32, #tpu.memory_space<hbm>> -> memref<25088x128xf32, #tpu.memory_space<hbm>>
    tpu.enqueue_indirect_dma source(%dma_start3A_489 : memref<25088x128xf32, #tpu.memory_space<hbm>>) target(%arg8 : memref<112x128xf32, #tpu.memory_space<vmem>>) offsets(%dma_start3A_486 : memref<112xi32, #tpu.memory_space<vmem>>) semaphore(%arg17 : memref<!tpu.dma_semaphore, #tpu.memory_space<semaphore_mem>>)
    %dma_start3A_490 = arith.constant 112 : i32
    %dma_start3A_491 = tpu.memref_slice %arg6[%dma_start3A_490] : memref<784xi32, #tpu.memory_space<vmem>> -> memref<112xi32, #tpu.memory_space<vmem>>
    %dma_start3A_492 = arith.constant 0 : i32
    %dma_start3A_493 = arith.constant 0 : i32
    %dma_start3A_494 = tpu.memref_slice %arg3[%dma_start3A_492, %dma_start3A_493] : memref<25088x128xf32, #tpu.memory_space<hbm>> -> memref<25088x128xf32, #tpu.memory_space<hbm>>
    tpu.enqueue_indirect_dma source(%dma_start3A_494 : memref<25088x128xf32, #tpu.memory_space<hbm>>) target(%arg11 : memref<112x128xf32, #tpu.memory_space<vmem>>) offsets(%dma_start3A_491 : memref<112xi32, #tpu.memory_space<vmem>>) semaphore(%arg20 : memref<!tpu.dma_semaphore, #tpu.memory_space<semaphore_mem>>)
    %dma_start3A_495 = arith.constant 224 : i32
    %dma_start3A_496 = tpu.memref_slice %arg6[%dma_start3A_495] : memref<784xi32, #tpu.memory_space<vmem>> -> memref<112xi32, #tpu.memory_space<vmem>>
    %dma_start3A_497 = arith.constant 0 : i32
    %dma_start3A_498 = arith.constant 0 : i32
    %dma_start3A_499 = tpu.memref_slice %arg2[%dma_start3A_497, %dma_start3A_498] : memref<25088x192xf32, #tpu.memory_space<hbm>> -> memref<25088x128xf32, #tpu.memory_space<hbm>>
    tpu.enqueue_indirect_dma source(%dma_start3A_499 : memref<25088x128xf32, #tpu.memory_space<hbm>>) target(%arg9 : memref<112x128xf32, #tpu.memory_space<vmem>>) offsets(%dma_start3A_496 : memref<112xi32, #tpu.memory_space<vmem>>) semaphore(%arg18 : memref<!tpu.dma_semaphore, #tpu.memory_space<semaphore_mem>>)
    %dma_start3A_500 = arith.constant 224 : i32
    %dma_start3A_501 = tpu.memref_slice %arg6[%dma_start3A_500] : memref<784xi32, #tpu.memory_space<vmem>> -> memref<112xi32, #tpu.memory_space<vmem>>
    %dma_start3A_502 = arith.constant 0 : i32
    %dma_start3A_503 = arith.constant 0 : i32
    %dma_start3A_504 = tpu.memref_slice %arg3[%dma_start3A_502, %dma_start3A_503] : memref<25088x128xf32, #tpu.memory_space<hbm>> -> memref<25088x128xf32, #tpu.memory_space<hbm>>
    tpu.enqueue_indirect_dma source(%dma_start3A_504 : memref<25088x128xf32, #tpu.memory_space<hbm>>) target(%arg12 : memref<112x128xf32, #tpu.memory_space<vmem>>) offsets(%dma_start3A_501 : memref<112xi32, #tpu.memory_space<vmem>>) semaphore(%arg21 : memref<!tpu.dma_semaphore, #tpu.memory_space<semaphore_mem>>)
    %dma_wait3A = arith.constant 0 : i32
    %dma_wait3A_505 = tpu.memref_slice %arg6[%dma_wait3A] : memref<784xi32, #tpu.memory_space<vmem>> -> memref<112xi32, #tpu.memory_space<vmem>>
    %dma_wait3A_506 = arith.constant 0 : i32
    %dma_wait3A_507 = arith.constant 0 : i32
    %dma_wait3A_508 = tpu.memref_slice %arg2[%dma_wait3A_506, %dma_wait3A_507] : memref<25088x192xf32, #tpu.memory_space<hbm>> -> memref<25088x128xf32, #tpu.memory_space<hbm>>
    tpu.wait_indirect_dma semaphore(%arg16 : memref<!tpu.dma_semaphore, #tpu.memory_space<semaphore_mem>>) src(%dma_wait3A_508 : memref<25088x128xf32, #tpu.memory_space<hbm>>) dst(%arg7 : memref<112x128xf32, #tpu.memory_space<vmem>>)
    %dma_wait3A_509 = arith.constant 0 : i32
    %dma_wait3A_510 = tpu.memref_slice %arg6[%dma_wait3A_509] : memref<784xi32, #tpu.memory_space<vmem>> -> memref<112xi32, #tpu.memory_space<vmem>>
    %dma_wait3A_511 = arith.constant 0 : i32
    %dma_wait3A_512 = arith.constant 0 : i32
    %dma_wait3A_513 = tpu.memref_slice %arg3[%dma_wait3A_511, %dma_wait3A_512] : memref<25088x128xf32, #tpu.memory_space<hbm>> -> memref<25088x128xf32, #tpu.memory_space<hbm>>
    tpu.wait_indirect_dma semaphore(%arg19 : memref<!tpu.dma_semaphore, #tpu.memory_space<semaphore_mem>>) src(%dma_wait3A_513 : memref<25088x128xf32, #tpu.memory_space<hbm>>) dst(%arg10 : memref<112x128xf32, #tpu.memory_space<vmem>>)
    %scan3A = arith.constant 0 : i32
    %scan3A_514 = arith.constant 112 : i32
    %scan3A_515 = arith.addi %scan3A, %scan3A_514 : i32
    %scan3A_516 = arith.constant 1 : i32
    scf.for %scan3A_788 = %scan3A to %scan3A_515 step %scan3A_516  : i32 {
      %get3A_789 = arith.index_cast %scan3A_788 : i32 to index
      %get3A_790 = arith.constant 0 : index
      %get3A_791 = tpu.vector_load %arg10[%get3A_789, %get3A_790] {strides = array<i32>} : memref<112x128xf32, #tpu.memory_space<vmem>>, vector<1x16xf32>,
      %get3A_792 = vector.shape_cast %get3A_791 : vector<1x16xf32> to vector<16xf32>
      %swap3A_793 = arith.index_cast %scan3A_788 : i32 to index
      %swap3A_794 = arith.constant 0 : index
      %swap3A_795 = tpu.vector_load %arg13[%swap3A_793, %swap3A_794] {strides = array<i32>} : memref<112x64xf32, #tpu.memory_space<vmem>>, vector<1x16xf32>,
      %swap3A_796 = vector.shape_cast %swap3A_795 : vector<1x16xf32> to vector<16xf32>
      %swap3A_797 = vector.shape_cast %get3A_792 : vector<16xf32> to vector<1x16xf32>
      tpu.vector_store %arg13[%swap3A_793, %swap3A_794], %swap3A_797 {strides = array<i32>} : memref<112x64xf32, #tpu.memory_space<vmem>>, vector<1x16xf32>,
      %get3A_798 = arith.index_cast %scan3A_788 : i32 to index
      %get3A_799 = arith.constant 16 : index
      %get3A_800 = tpu.vector_load %arg10[%get3A_798, %get3A_799] {strides = array<i32>} : memref<112x128xf32, #tpu.memory_space<vmem>>, vector<1x16xf32>,
      %get3A_801 = vector.shape_cast %get3A_800 : vector<1x16xf32> to vector<16xf32>
      %swap3A_802 = arith.index_cast %scan3A_788 : i32 to index
      %swap3A_803 = arith.constant 16 : index
      %swap3A_804 = tpu.vector_load %arg13[%swap3A_802, %swap3A_803] {strides = array<i32>} : memref<112x64xf32, #tpu.memory_space<vmem>>, vector<1x16xf32>,
      %swap3A_805 = vector.shape_cast %swap3A_804 : vector<1x16xf32> to vector<16xf32>
      %swap3A_806 = vector.shape_cast %get3A_801 : vector<16xf32> to vector<1x16xf32>
      tpu.vector_store %arg13[%swap3A_802, %swap3A_803], %swap3A_806 {strides = array<i32>} : memref<112x64xf32, #tpu.memory_space<vmem>>, vector<1x16xf32>,
      %get3A_807 = arith.index_cast %scan3A_788 : i32 to index
      %get3A_808 = arith.constant 32 : index
      %get3A_809 = tpu.vector_load %arg10[%get3A_807, %get3A_808] {strides = array<i32>} : memref<112x128xf32, #tpu.memory_space<vmem>>, vector<1x16xf32>,
      %get3A_810 = vector.shape_cast %get3A_809 : vector<1x16xf32> to vector<16xf32>
      %swap3A_811 = arith.index_cast %scan3A_788 : i32 to index
      %swap3A_812 = arith.constant 32 : index
      %swap3A_813 = tpu.vector_load %arg13[%swap3A_811, %swap3A_812] {strides = array<i32>} : memref<112x64xf32, #tpu.memory_space<vmem>>, vector<1x16xf32>,
      %swap3A_814 = vector.shape_cast %swap3A_813 : vector<1x16xf32> to vector<16xf32>
      %swap3A_815 = vector.shape_cast %get3A_810 : vector<16xf32> to vector<1x16xf32>
      tpu.vector_store %arg13[%swap3A_811, %swap3A_812], %swap3A_815 {strides = array<i32>} : memref<112x64xf32, #tpu.memory_space<vmem>>, vector<1x16xf32>,
      %get3A_816 = arith.index_cast %scan3A_788 : i32 to index
      %get3A_817 = arith.constant 48 : index
      %get3A_818 = tpu.vector_load %arg10[%get3A_816, %get3A_817] {strides = array<i32>} : memref<112x128xf32, #tpu.memory_space<vmem>>, vector<1x16xf32>,
      %get3A_819 = vector.shape_cast %get3A_818 : vector<1x16xf32> to vector<16xf32>
      %swap3A_820 = arith.index_cast %scan3A_788 : i32 to index
      %swap3A_821 = arith.constant 48 : index
      %swap3A_822 = tpu.vector_load %arg13[%swap3A_820, %swap3A_821] {strides = array<i32>} : memref<112x64xf32, #tpu.memory_space<vmem>>, vector<1x16xf32>,
      %swap3A_823 = vector.shape_cast %swap3A_822 : vector<1x16xf32> to vector<16xf32>
      %swap3A_824 = vector.shape_cast %get3A_819 : vector<16xf32> to vector<1x16xf32>
      tpu.vector_store %arg13[%swap3A_820, %swap3A_821], %swap3A_824 {strides = array<i32>} : memref<112x64xf32, #tpu.memory_space<vmem>>, vector<1x16xf32>,
    }
    %scan3A_517 = arith.constant 112 : i32
    %add3A_518 = arith.constant 0 : i32
    %add3A_519 = arith.addi %mul3A_475, %add3A_518 : i32
    %dma_start3A_520 = arith.constant 0 : i32
    %dma_start3A_521 = tpu.memref_slice %arg5[%add3A_519, %dma_start3A_520] : memref<25088x192xf32, #tpu.memory_space<hbm>> -> memref<112x128xf32, #tpu.memory_space<hbm>>
    %dma_start3A_522 = arith.constant 0 : i32
    %dma_start3A_523 = tpu.memref_slice %arg5[%add3A_519, %dma_start3A_522] : memref<25088x192xf32, #tpu.memory_space<hbm>> -> memref<112x128xf32, #tpu.memory_space<hbm>>
    tpu.enqueue_dma source(%arg7 : memref<112x128xf32, #tpu.memory_space<vmem>>) target(%dma_start3A_523 : memref<112x128xf32, #tpu.memory_space<hbm>>) target_semaphore(%arg22 : memref<!tpu.dma_semaphore, #tpu.memory_space<semaphore_mem>>)
    %dma_start3A_524 = arith.constant 128 : i32
    %dma_start3A_525 = tpu.memref_slice %arg5[%add3A_519, %dma_start3A_524] : memref<25088x192xf32, #tpu.memory_space<hbm>> -> memref<112x64xf32, #tpu.memory_space<hbm>>
    %dma_start3A_526 = arith.constant 128 : i32
    %dma_start3A_527 = tpu.memref_slice %arg5[%add3A_519, %dma_start3A_526] : memref<25088x192xf32, #tpu.memory_space<hbm>> -> memref<112x64xf32, #tpu.memory_space<hbm>>
    tpu.enqueue_dma source(%arg13 : memref<112x64xf32, #tpu.memory_space<vmem>>) target(%dma_start3A_527 : memref<112x64xf32, #tpu.memory_space<hbm>>) target_semaphore(%arg25 : memref<!tpu.dma_semaphore, #tpu.memory_space<semaphore_mem>>)
    %add3A_528 = arith.constant 0 : i32
    %add3A_529 = arith.addi %mul3A_475, %add3A_528 : i32
    %dma_wait3A_530 = arith.constant 0 : i32
    %dma_wait3A_531 = tpu.memref_slice %arg5[%add3A_529, %dma_wait3A_530] : memref<25088x192xf32, #tpu.memory_space<hbm>> -> memref<112x128xf32, #tpu.memory_space<hbm>>
    %dma_wait3A_532 = arith.constant 0 : i32
    %dma_wait3A_533 = tpu.memref_slice %arg5[%add3A_529, %dma_wait3A_532] : memref<25088x192xf32, #tpu.memory_space<hbm>> -> memref<112x128xf32, #tpu.memory_space<hbm>>
    tpu.wait_dma2 semaphore(%arg22 : memref<!tpu.dma_semaphore, #tpu.memory_space<semaphore_mem>>) src(%arg7 : memref<112x128xf32, #tpu.memory_space<vmem>>) dst(%dma_wait3A_533 : memref<112x128xf32, #tpu.memory_space<hbm>>)
    %dma_wait3A_534 = arith.constant 128 : i32
    %dma_wait3A_535 = tpu.memref_slice %arg5[%add3A_529, %dma_wait3A_534] : memref<25088x192xf32, #tpu.memory_space<hbm>> -> memref<112x64xf32, #tpu.memory_space<hbm>>
    %dma_wait3A_536 = arith.constant 128 : i32
    %dma_wait3A_537 = tpu.memref_slice %arg5[%add3A_529, %dma_wait3A_536] : memref<25088x192xf32, #tpu.memory_space<hbm>> -> memref<112x64xf32, #tpu.memory_space<hbm>>
    tpu.wait_dma2 semaphore(%arg25 : memref<!tpu.dma_semaphore, #tpu.memory_space<semaphore_mem>>) src(%arg13 : memref<112x64xf32, #tpu.memory_space<vmem>>) dst(%dma_wait3A_537 : memref<112x64xf32, #tpu.memory_space<hbm>>)
    %dma_start3A_538 = arith.constant 336 : i32
    %dma_start3A_539 = tpu.memref_slice %arg6[%dma_start3A_538] : memref<784xi32, #tpu.memory_space<vmem>> -> memref<112xi32, #tpu.memory_space<vmem>>
    %dma_start3A_540 = arith.constant 0 : i32
    %dma_start3A_541 = arith.constant 0 : i32
    %dma_start3A_542 = tpu.memref_slice %arg2[%dma_start3A_540, %dma_start3A_541] : memref<25088x192xf32, #tpu.memory_space<hbm>> -> memref<25088x128xf32, #tpu.memory_space<hbm>>
    tpu.enqueue_indirect_dma source(%dma_start3A_542 : memref<25088x128xf32, #tpu.memory_space<hbm>>) target(%arg7 : memref<112x128xf32, #tpu.memory_space<vmem>>) offsets(%dma_start3A_539 : memref<112xi32, #tpu.memory_space<vmem>>) semaphore(%arg16 : memref<!tpu.dma_semaphore, #tpu.memory_space<semaphore_mem>>)
    %dma_start3A_543 = arith.constant 336 : i32
    %dma_start3A_544 = tpu.memref_slice %arg6[%dma_start3A_543] : memref<784xi32, #tpu.memory_space<vmem>> -> memref<112xi32, #tpu.memory_space<vmem>>
    %dma_start3A_545 = arith.constant 0 : i32
    %dma_start3A_546 = arith.constant 0 : i32
    %dma_start3A_547 = tpu.memref_slice %arg3[%dma_start3A_545, %dma_start3A_546] : memref<25088x128xf32, #tpu.memory_space<hbm>> -> memref<25088x128xf32, #tpu.memory_space<hbm>>
    tpu.enqueue_indirect_dma source(%dma_start3A_547 : memref<25088x128xf32, #tpu.memory_space<hbm>>) target(%arg10 : memref<112x128xf32, #tpu.memory_space<vmem>>) offsets(%dma_start3A_544 : memref<112xi32, #tpu.memory_space<vmem>>) semaphore(%arg19 : memref<!tpu.dma_semaphore, #tpu.memory_space<semaphore_mem>>)
    %dma_wait3A_548 = arith.constant 112 : i32
    %dma_wait3A_549 = tpu.memref_slice %arg6[%dma_wait3A_548] : memref<784xi32, #tpu.memory_space<vmem>> -> memref<112xi32, #tpu.memory_space<vmem>>
    %dma_wait3A_550 = arith.constant 0 : i32
    %dma_wait3A_551 = arith.constant 0 : i32
    %dma_wait3A_552 = tpu.memref_slice %arg2[%dma_wait3A_550, %dma_wait3A_551] : memref<25088x192xf32, #tpu.memory_space<hbm>> -> memref<25088x128xf32, #tpu.memory_space<hbm>>
    tpu.wait_indirect_dma semaphore(%arg17 : memref<!tpu.dma_semaphore, #tpu.memory_space<semaphore_mem>>) src(%dma_wait3A_552 : memref<25088x128xf32, #tpu.memory_space<hbm>>) dst(%arg8 : memref<112x128xf32, #tpu.memory_space<vmem>>)
    %dma_wait3A_553 = arith.constant 112 : i32
    %dma_wait3A_554 = tpu.memref_slice %arg6[%dma_wait3A_553] : memref<784xi32, #tpu.memory_space<vmem>> -> memref<112xi32, #tpu.memory_space<vmem>>
    %dma_wait3A_555 = arith.constant 0 : i32
    %dma_wait3A_556 = arith.constant 0 : i32
    %dma_wait3A_557 = tpu.memref_slice %arg3[%dma_wait3A_555, %dma_wait3A_556] : memref<25088x128xf32, #tpu.memory_space<hbm>> -> memref<25088x128xf32, #tpu.memory_space<hbm>>
    tpu.wait_indirect_dma semaphore(%arg20 : memref<!tpu.dma_semaphore, #tpu.memory_space<semaphore_mem>>) src(%dma_wait3A_557 : memref<25088x128xf32, #tpu.memory_space<hbm>>) dst(%arg11 : memref<112x128xf32, #tpu.memory_space<vmem>>)
    %scan3A_558 = arith.constant 0 : i32
    %scan3A_559 = arith.constant 112 : i32
    %scan3A_560 = arith.addi %scan3A_558, %scan3A_559 : i32
    %scan3A_561 = arith.constant 1 : i32
    scf.for %scan3A_788 = %scan3A_558 to %scan3A_560 step %scan3A_561  : i32 {
      %get3A_789 = arith.index_cast %scan3A_788 : i32 to index
      %get3A_790 = arith.constant 0 : index
      %get3A_791 = tpu.vector_load %arg11[%get3A_789, %get3A_790] {strides = array<i32>} : memref<112x128xf32, #tpu.memory_space<vmem>>, vector<1x16xf32>,
      %get3A_792 = vector.shape_cast %get3A_791 : vector<1x16xf32> to vector<16xf32>
      %swap3A_793 = arith.index_cast %scan3A_788 : i32 to index
      %swap3A_794 = arith.constant 0 : index
      %swap3A_795 = tpu.vector_load %arg14[%swap3A_793, %swap3A_794] {strides = array<i32>} : memref<112x64xf32, #tpu.memory_space<vmem>>, vector<1x16xf32>,
      %swap3A_796 = vector.shape_cast %swap3A_795 : vector<1x16xf32> to vector<16xf32>
      %swap3A_797 = vector.shape_cast %get3A_792 : vector<16xf32> to vector<1x16xf32>
      tpu.vector_store %arg14[%swap3A_793, %swap3A_794], %swap3A_797 {strides = array<i32>} : memref<112x64xf32, #tpu.memory_space<vmem>>, vector<1x16xf32>,
      %get3A_798 = arith.index_cast %scan3A_788 : i32 to index
      %get3A_799 = arith.constant 16 : index
      %get3A_800 = tpu.vector_load %arg11[%get3A_798, %get3A_799] {strides = array<i32>} : memref<112x128xf32, #tpu.memory_space<vmem>>, vector<1x16xf32>,
      %get3A_801 = vector.shape_cast %get3A_800 : vector<1x16xf32> to vector<16xf32>
      %swap3A_802 = arith.index_cast %scan3A_788 : i32 to index
      %swap3A_803 = arith.constant 16 : index
      %swap3A_804 = tpu.vector_load %arg14[%swap3A_802, %swap3A_803] {strides = array<i32>} : memref<112x64xf32, #tpu.memory_space<vmem>>, vector<1x16xf32>,
      %swap3A_805 = vector.shape_cast %swap3A_804 : vector<1x16xf32> to vector<16xf32>
      %swap3A_806 = vector.shape_cast %get3A_801 : vector<16xf32> to vector<1x16xf32>
      tpu.vector_store %arg14[%swap3A_802, %swap3A_803], %swap3A_806 {strides = array<i32>} : memref<112x64xf32, #tpu.memory_space<vmem>>, vector<1x16xf32>,
      %get3A_807 = arith.index_cast %scan3A_788 : i32 to index
      %get3A_808 = arith.constant 32 : index
      %get3A_809 = tpu.vector_load %arg11[%get3A_807, %get3A_808] {strides = array<i32>} : memref<112x128xf32, #tpu.memory_space<vmem>>, vector<1x16xf32>,
      %get3A_810 = vector.shape_cast %get3A_809 : vector<1x16xf32> to vector<16xf32>
      %swap3A_811 = arith.index_cast %scan3A_788 : i32 to index
      %swap3A_812 = arith.constant 32 : index
      %swap3A_813 = tpu.vector_load %arg14[%swap3A_811, %swap3A_812] {strides = array<i32>} : memref<112x64xf32, #tpu.memory_space<vmem>>, vector<1x16xf32>,
      %swap3A_814 = vector.shape_cast %swap3A_813 : vector<1x16xf32> to vector<16xf32>
      %swap3A_815 = vector.shape_cast %get3A_810 : vector<16xf32> to vector<1x16xf32>
      tpu.vector_store %arg14[%swap3A_811, %swap3A_812], %swap3A_815 {strides = array<i32>} : memref<112x64xf32, #tpu.memory_space<vmem>>, vector<1x16xf32>,
      %get3A_816 = arith.index_cast %scan3A_788 : i32 to index
      %get3A_817 = arith.constant 48 : index
      %get3A_818 = tpu.vector_load %arg11[%get3A_816, %get3A_817] {strides = array<i32>} : memref<112x128xf32, #tpu.memory_space<vmem>>, vector<1x16xf32>,
      %get3A_819 = vector.shape_cast %get3A_818 : vector<1x16xf32> to vector<16xf32>
      %swap3A_820 = arith.index_cast %scan3A_788 : i32 to index
      %swap3A_821 = arith.constant 48 : index
      %swap3A_822 = tpu.vector_load %arg14[%swap3A_820, %swap3A_821] {strides = array<i32>} : memref<112x64xf32, #tpu.memory_space<vmem>>, vector<1x16xf32>,
      %swap3A_823 = vector.shape_cast %swap3A_822 : vector<1x16xf32> to vector<16xf32>
      %swap3A_824 = vector.shape_cast %get3A_819 : vector<16xf32> to vector<1x16xf32>
      tpu.vector_store %arg14[%swap3A_820, %swap3A_821], %swap3A_824 {strides = array<i32>} : memref<112x64xf32, #tpu.memory_space<vmem>>, vector<1x16xf32>,
    }
    %scan3A_562 = arith.constant 112 : i32
    %add3A_563 = arith.constant 112 : i32
    %add3A_564 = arith.addi %mul3A_475, %add3A_563 : i32
    %dma_start3A_565 = arith.constant 0 : i32
    %dma_start3A_566 = tpu.memref_slice %arg5[%add3A_564, %dma_start3A_565] : memref<25088x192xf32, #tpu.memory_space<hbm>> -> memref<112x128xf32, #tpu.memory_space<hbm>>
    %dma_start3A_567 = arith.constant 0 : i32
    %dma_start3A_568 = tpu.memref_slice %arg5[%add3A_564, %dma_start3A_567] : memref<25088x192xf32, #tpu.memory_space<hbm>> -> memref<112x128xf32, #tpu.memory_space<hbm>>
    tpu.enqueue_dma source(%arg8 : memref<112x128xf32, #tpu.memory_space<vmem>>) target(%dma_start3A_568 : memref<112x128xf32, #tpu.memory_space<hbm>>) target_semaphore(%arg23 : memref<!tpu.dma_semaphore, #tpu.memory_space<semaphore_mem>>)
    %dma_start3A_569 = arith.constant 128 : i32
    %dma_start3A_570 = tpu.memref_slice %arg5[%add3A_564, %dma_start3A_569] : memref<25088x192xf32, #tpu.memory_space<hbm>> -> memref<112x64xf32, #tpu.memory_space<hbm>>
    %dma_start3A_571 = arith.constant 128 : i32
    %dma_start3A_572 = tpu.memref_slice %arg5[%add3A_564, %dma_start3A_571] : memref<25088x192xf32, #tpu.memory_space<hbm>> -> memref<112x64xf32, #tpu.memory_space<hbm>>
    tpu.enqueue_dma source(%arg14 : memref<112x64xf32, #tpu.memory_space<vmem>>) target(%dma_start3A_572 : memref<112x64xf32, #tpu.memory_space<hbm>>) target_semaphore(%arg26 : memref<!tpu.dma_semaphore, #tpu.memory_space<semaphore_mem>>)
    %add3A_573 = arith.constant 112 : i32
    %add3A_574 = arith.addi %mul3A_475, %add3A_573 : i32
    %dma_wait3A_575 = arith.constant 0 : i32
    %dma_wait3A_576 = tpu.memref_slice %arg5[%add3A_574, %dma_wait3A_575] : memref<25088x192xf32, #tpu.memory_space<hbm>> -> memref<112x128xf32, #tpu.memory_space<hbm>>
    %dma_wait3A_577 = arith.constant 0 : i32
    %dma_wait3A_578 = tpu.memref_slice %arg5[%add3A_574, %dma_wait3A_577] : memref<25088x192xf32, #tpu.memory_space<hbm>> -> memref<112x128xf32, #tpu.memory_space<hbm>>
    tpu.wait_dma2 semaphore(%arg23 : memref<!tpu.dma_semaphore, #tpu.memory_space<semaphore_mem>>) src(%arg8 : memref<112x128xf32, #tpu.memory_space<vmem>>) dst(%dma_wait3A_578 : memref<112x128xf32, #tpu.memory_space<hbm>>)
    %dma_wait3A_579 = arith.constant 128 : i32
    %dma_wait3A_580 = tpu.memref_slice %arg5[%add3A_574, %dma_wait3A_579] : memref<25088x192xf32, #tpu.memory_space<hbm>> -> memref<112x64xf32, #tpu.memory_space<hbm>>
    %dma_wait3A_581 = arith.constant 128 : i32
    %dma_wait3A_582 = tpu.memref_slice %arg5[%add3A_574, %dma_wait3A_581] : memref<25088x192xf32, #tpu.memory_space<hbm>> -> memref<112x64xf32, #tpu.memory_space<hbm>>
    tpu.wait_dma2 semaphore(%arg26 : memref<!tpu.dma_semaphore, #tpu.memory_space<semaphore_mem>>) src(%arg14 : memref<112x64xf32, #tpu.memory_space<vmem>>) dst(%dma_wait3A_582 : memref<112x64xf32, #tpu.memory_space<hbm>>)
    %dma_start3A_583 = arith.constant 448 : i32
    %dma_start3A_584 = tpu.memref_slice %arg6[%dma_start3A_583] : memref<784xi32, #tpu.memory_space<vmem>> -> memref<112xi32, #tpu.memory_space<vmem>>
    %dma_start3A_585 = arith.constant 0 : i32
    %dma_start3A_586 = arith.constant 0 : i32
    %dma_start3A_587 = tpu.memref_slice %arg2[%dma_start3A_585, %dma_start3A_586] : memref<25088x192xf32, #tpu.memory_space<hbm>> -> memref<25088x128xf32, #tpu.memory_space<hbm>>
    tpu.enqueue_indirect_dma source(%dma_start3A_587 : memref<25088x128xf32, #tpu.memory_space<hbm>>) target(%arg8 : memref<112x128xf32, #tpu.memory_space<vmem>>) offsets(%dma_start3A_584 : memref<112xi32, #tpu.memory_space<vmem>>) semaphore(%arg17 : memref<!tpu.dma_semaphore, #tpu.memory_space<semaphore_mem>>)
    %dma_start3A_588 = arith.constant 448 : i32
    %dma_start3A_589 = tpu.memref_slice %arg6[%dma_start3A_588] : memref<784xi32, #tpu.memory_space<vmem>> -> memref<112xi32, #tpu.memory_space<vmem>>
    %dma_start3A_590 = arith.constant 0 : i32
    %dma_start3A_591 = arith.constant 0 : i32
    %dma_start3A_592 = tpu.memref_slice %arg3[%dma_start3A_590, %dma_start3A_591] : memref<25088x128xf32, #tpu.memory_space<hbm>> -> memref<25088x128xf32, #tpu.memory_space<hbm>>
    tpu.enqueue_indirect_dma source(%dma_start3A_592 : memref<25088x128xf32, #tpu.memory_space<hbm>>) target(%arg11 : memref<112x128xf32, #tpu.memory_space<vmem>>) offsets(%dma_start3A_589 : memref<112xi32, #tpu.memory_space<vmem>>) semaphore(%arg20 : memref<!tpu.dma_semaphore, #tpu.memory_space<semaphore_mem>>)
    %dma_wait3A_593 = arith.constant 224 : i32
    %dma_wait3A_594 = tpu.memref_slice %arg6[%dma_wait3A_593] : memref<784xi32, #tpu.memory_space<vmem>> -> memref<112xi32, #tpu.memory_space<vmem>>
    %dma_wait3A_595 = arith.constant 0 : i32
    %dma_wait3A_596 = arith.constant 0 : i32
    %dma_wait3A_597 = tpu.memref_slice %arg2[%dma_wait3A_595, %dma_wait3A_596] : memref<25088x192xf32, #tpu.memory_space<hbm>> -> memref<25088x128xf32, #tpu.memory_space<hbm>>
    tpu.wait_indirect_dma semaphore(%arg18 : memref<!tpu.dma_semaphore, #tpu.memory_space<semaphore_mem>>) src(%dma_wait3A_597 : memref<25088x128xf32, #tpu.memory_space<hbm>>) dst(%arg9 : memref<112x128xf32, #tpu.memory_space<vmem>>)
    %dma_wait3A_598 = arith.constant 224 : i32
    %dma_wait3A_599 = tpu.memref_slice %arg6[%dma_wait3A_598] : memref<784xi32, #tpu.memory_space<vmem>> -> memref<112xi32, #tpu.memory_space<vmem>>
    %dma_wait3A_600 = arith.constant 0 : i32
    %dma_wait3A_601 = arith.constant 0 : i32
    %dma_wait3A_602 = tpu.memref_slice %arg3[%dma_wait3A_600, %dma_wait3A_601] : memref<25088x128xf32, #tpu.memory_space<hbm>> -> memref<25088x128xf32, #tpu.memory_space<hbm>>
    tpu.wait_indirect_dma semaphore(%arg21 : memref<!tpu.dma_semaphore, #tpu.memory_space<semaphore_mem>>) src(%dma_wait3A_602 : memref<25088x128xf32, #tpu.memory_space<hbm>>) dst(%arg12 : memref<112x128xf32, #tpu.memory_space<vmem>>)
    %scan3A_603 = arith.constant 0 : i32
    %scan3A_604 = arith.constant 112 : i32
    %scan3A_605 = arith.addi %scan3A_603, %scan3A_604 : i32
    %scan3A_606 = arith.constant 1 : i32
    scf.for %scan3A_788 = %scan3A_603 to %scan3A_605 step %scan3A_606  : i32 {
      %get3A_789 = arith.index_cast %scan3A_788 : i32 to index
      %get3A_790 = arith.constant 0 : index
      %get3A_791 = tpu.vector_load %arg12[%get3A_789, %get3A_790] {strides = array<i32>} : memref<112x128xf32, #tpu.memory_space<vmem>>, vector<1x16xf32>,
      %get3A_792 = vector.shape_cast %get3A_791 : vector<1x16xf32> to vector<16xf32>
      %swap3A_793 = arith.index_cast %scan3A_788 : i32 to index
      %swap3A_794 = arith.constant 0 : index
      %swap3A_795 = tpu.vector_load %arg15[%swap3A_793, %swap3A_794] {strides = array<i32>} : memref<112x64xf32, #tpu.memory_space<vmem>>, vector<1x16xf32>,
      %swap3A_796 = vector.shape_cast %swap3A_795 : vector<1x16xf32> to vector<16xf32>
      %swap3A_797 = vector.shape_cast %get3A_792 : vector<16xf32> to vector<1x16xf32>
      tpu.vector_store %arg15[%swap3A_793, %swap3A_794], %swap3A_797 {strides = array<i32>} : memref<112x64xf32, #tpu.memory_space<vmem>>, vector<1x16xf32>,
      %get3A_798 = arith.index_cast %scan3A_788 : i32 to index
      %get3A_799 = arith.constant 16 : index
      %get3A_800 = tpu.vector_load %arg12[%get3A_798, %get3A_799] {strides = array<i32>} : memref<112x128xf32, #tpu.memory_space<vmem>>, vector<1x16xf32>,
      %get3A_801 = vector.shape_cast %get3A_800 : vector<1x16xf32> to vector<16xf32>
      %swap3A_802 = arith.index_cast %scan3A_788 : i32 to index
      %swap3A_803 = arith.constant 16 : index
      %swap3A_804 = tpu.vector_load %arg15[%swap3A_802, %swap3A_803] {strides = array<i32>} : memref<112x64xf32, #tpu.memory_space<vmem>>, vector<1x16xf32>,
      %swap3A_805 = vector.shape_cast %swap3A_804 : vector<1x16xf32> to vector<16xf32>
      %swap3A_806 = vector.shape_cast %get3A_801 : vector<16xf32> to vector<1x16xf32>
      tpu.vector_store %arg15[%swap3A_802, %swap3A_803], %swap3A_806 {strides = array<i32>} : memref<112x64xf32, #tpu.memory_space<vmem>>, vector<1x16xf32>,
      %get3A_807 = arith.index_cast %scan3A_788 : i32 to index
      %get3A_808 = arith.constant 32 : index
      %get3A_809 = tpu.vector_load %arg12[%get3A_807, %get3A_808] {strides = array<i32>} : memref<112x128xf32, #tpu.memory_space<vmem>>, vector<1x16xf32>,
      %get3A_810 = vector.shape_cast %get3A_809 : vector<1x16xf32> to vector<16xf32>
      %swap3A_811 = arith.index_cast %scan3A_788 : i32 to index
      %swap3A_812 = arith.constant 32 : index
      %swap3A_813 = tpu.vector_load %arg15[%swap3A_811, %swap3A_812] {strides = array<i32>} : memref<112x64xf32, #tpu.memory_space<vmem>>, vector<1x16xf32>,
      %swap3A_814 = vector.shape_cast %swap3A_813 : vector<1x16xf32> to vector<16xf32>
      %swap3A_815 = vector.shape_cast %get3A_810 : vector<16xf32> to vector<1x16xf32>
      tpu.vector_store %arg15[%swap3A_811, %swap3A_812], %swap3A_815 {strides = array<i32>} : memref<112x64xf32, #tpu.memory_space<vmem>>, vector<1x16xf32>,
      %get3A_816 = arith.index_cast %scan3A_788 : i32 to index
      %get3A_817 = arith.constant 48 : index
      %get3A_818 = tpu.vector_load %arg12[%get3A_816, %get3A_817] {strides = array<i32>} : memref<112x128xf32, #tpu.memory_space<vmem>>, vector<1x16xf32>,
      %get3A_819 = vector.shape_cast %get3A_818 : vector<1x16xf32> to vector<16xf32>
      %swap3A_820 = arith.index_cast %scan3A_788 : i32 to index
      %swap3A_821 = arith.constant 48 : index
      %swap3A_822 = tpu.vector_load %arg15[%swap3A_820, %swap3A_821] {strides = array<i32>} : memref<112x64xf32, #tpu.memory_space<vmem>>, vector<1x16xf32>,
      %swap3A_823 = vector.shape_cast %swap3A_822 : vector<1x16xf32> to vector<16xf32>
      %swap3A_824 = vector.shape_cast %get3A_819 : vector<16xf32> to vector<1x16xf32>
      tpu.vector_store %arg15[%swap3A_820, %swap3A_821], %swap3A_824 {strides = array<i32>} : memref<112x64xf32, #tpu.memory_space<vmem>>, vector<1x16xf32>,
    }
    %scan3A_607 = arith.constant 112 : i32
    %add3A_608 = arith.constant 224 : i32
    %add3A_609 = arith.addi %mul3A_475, %add3A_608 : i32
    %dma_start3A_610 = arith.constant 0 : i32
    %dma_start3A_611 = tpu.memref_slice %arg5[%add3A_609, %dma_start3A_610] : memref<25088x192xf32, #tpu.memory_space<hbm>> -> memref<112x128xf32, #tpu.memory_space<hbm>>
    %dma_start3A_612 = arith.constant 0 : i32
    %dma_start3A_613 = tpu.memref_slice %arg5[%add3A_609, %dma_start3A_612] : memref<25088x192xf32, #tpu.memory_space<hbm>> -> memref<112x128xf32, #tpu.memory_space<hbm>>
    tpu.enqueue_dma source(%arg9 : memref<112x128xf32, #tpu.memory_space<vmem>>) target(%dma_start3A_613 : memref<112x128xf32, #tpu.memory_space<hbm>>) target_semaphore(%arg24 : memref<!tpu.dma_semaphore, #tpu.memory_space<semaphore_mem>>)
    %dma_start3A_614 = arith.constant 128 : i32
    %dma_start3A_615 = tpu.memref_slice %arg5[%add3A_609, %dma_start3A_614] : memref<25088x192xf32, #tpu.memory_space<hbm>> -> memref<112x64xf32, #tpu.memory_space<hbm>>
    %dma_start3A_616 = arith.constant 128 : i32
    %dma_start3A_617 = tpu.memref_slice %arg5[%add3A_609, %dma_start3A_616] : memref<25088x192xf32, #tpu.memory_space<hbm>> -> memref<112x64xf32, #tpu.memory_space<hbm>>
    tpu.enqueue_dma source(%arg15 : memref<112x64xf32, #tpu.memory_space<vmem>>) target(%dma_start3A_617 : memref<112x64xf32, #tpu.memory_space<hbm>>) target_semaphore(%arg27 : memref<!tpu.dma_semaphore, #tpu.memory_space<semaphore_mem>>)
    %add3A_618 = arith.constant 224 : i32
    %add3A_619 = arith.addi %mul3A_475, %add3A_618 : i32
    %dma_wait3A_620 = arith.constant 0 : i32
    %dma_wait3A_621 = tpu.memref_slice %arg5[%add3A_619, %dma_wait3A_620] : memref<25088x192xf32, #tpu.memory_space<hbm>> -> memref<112x128xf32, #tpu.memory_space<hbm>>
    %dma_wait3A_622 = arith.constant 0 : i32
    %dma_wait3A_623 = tpu.memref_slice %arg5[%add3A_619, %dma_wait3A_622] : memref<25088x192xf32, #tpu.memory_space<hbm>> -> memref<112x128xf32, #tpu.memory_space<hbm>>
    tpu.wait_dma2 semaphore(%arg24 : memref<!tpu.dma_semaphore, #tpu.memory_space<semaphore_mem>>) src(%arg9 : memref<112x128xf32, #tpu.memory_space<vmem>>) dst(%dma_wait3A_623 : memref<112x128xf32, #tpu.memory_space<hbm>>)
    %dma_wait3A_624 = arith.constant 128 : i32
    %dma_wait3A_625 = tpu.memref_slice %arg5[%add3A_619, %dma_wait3A_624] : memref<25088x192xf32, #tpu.memory_space<hbm>> -> memref<112x64xf32, #tpu.memory_space<hbm>>
    %dma_wait3A_626 = arith.constant 128 : i32
    %dma_wait3A_627 = tpu.memref_slice %arg5[%add3A_619, %dma_wait3A_626] : memref<25088x192xf32, #tpu.memory_space<hbm>> -> memref<112x64xf32, #tpu.memory_space<hbm>>
    tpu.wait_dma2 semaphore(%arg27 : memref<!tpu.dma_semaphore, #tpu.memory_space<semaphore_mem>>) src(%arg15 : memref<112x64xf32, #tpu.memory_space<vmem>>) dst(%dma_wait3A_627 : memref<112x64xf32, #tpu.memory_space<hbm>>)
    %dma_start3A_628 = arith.constant 560 : i32
    %dma_start3A_629 = tpu.memref_slice %arg6[%dma_start3A_628] : memref<784xi32, #tpu.memory_space<vmem>> -> memref<112xi32, #tpu.memory_space<vmem>>
    %dma_start3A_630 = arith.constant 0 : i32
    %dma_start3A_631 = arith.constant 0 : i32
    %dma_start3A_632 = tpu.memref_slice %arg2[%dma_start3A_630, %dma_start3A_631] : memref<25088x192xf32, #tpu.memory_space<hbm>> -> memref<25088x128xf32, #tpu.memory_space<hbm>>
    tpu.enqueue_indirect_dma source(%dma_start3A_632 : memref<25088x128xf32, #tpu.memory_space<hbm>>) target(%arg9 : memref<112x128xf32, #tpu.memory_space<vmem>>) offsets(%dma_start3A_629 : memref<112xi32, #tpu.memory_space<vmem>>) semaphore(%arg18 : memref<!tpu.dma_semaphore, #tpu.memory_space<semaphore_mem>>)
    %dma_start3A_633 = arith.constant 560 : i32
    %dma_start3A_634 = tpu.memref_slice %arg6[%dma_start3A_633] : memref<784xi32, #tpu.memory_space<vmem>> -> memref<112xi32, #tpu.memory_space<vmem>>
    %dma_start3A_635 = arith.constant 0 : i32
    %dma_start3A_636 = arith.constant 0 : i32
    %dma_start3A_637 = tpu.memref_slice %arg3[%dma_start3A_635, %dma_start3A_636] : memref<25088x128xf32, #tpu.memory_space<hbm>> -> memref<25088x128xf32, #tpu.memory_space<hbm>>
    tpu.enqueue_indirect_dma source(%dma_start3A_637 : memref<25088x128xf32, #tpu.memory_space<hbm>>) target(%arg12 : memref<112x128xf32, #tpu.memory_space<vmem>>) offsets(%dma_start3A_634 : memref<112xi32, #tpu.memory_space<vmem>>) semaphore(%arg21 : memref<!tpu.dma_semaphore, #tpu.memory_space<semaphore_mem>>)
    %dma_wait3A_638 = arith.constant 336 : i32
    %dma_wait3A_639 = tpu.memref_slice %arg6[%dma_wait3A_638] : memref<784xi32, #tpu.memory_space<vmem>> -> memref<112xi32, #tpu.memory_space<vmem>>
    %dma_wait3A_640 = arith.constant 0 : i32
    %dma_wait3A_641 = arith.constant 0 : i32
    %dma_wait3A_642 = tpu.memref_slice %arg2[%dma_wait3A_640, %dma_wait3A_641] : memref<25088x192xf32, #tpu.memory_space<hbm>> -> memref<25088x128xf32, #tpu.memory_space<hbm>>
    tpu.wait_indirect_dma semaphore(%arg16 : memref<!tpu.dma_semaphore, #tpu.memory_space<semaphore_mem>>) src(%dma_wait3A_642 : memref<25088x128xf32, #tpu.memory_space<hbm>>) dst(%arg7 : memref<112x128xf32, #tpu.memory_space<vmem>>)
    %dma_wait3A_643 = arith.constant 336 : i32
    %dma_wait3A_644 = tpu.memref_slice %arg6[%dma_wait3A_643] : memref<784xi32, #tpu.memory_space<vmem>> -> memref<112xi32, #tpu.memory_space<vmem>>
    %dma_wait3A_645 = arith.constant 0 : i32
    %dma_wait3A_646 = arith.constant 0 : i32
    %dma_wait3A_647 = tpu.memref_slice %arg3[%dma_wait3A_645, %dma_wait3A_646] : memref<25088x128xf32, #tpu.memory_space<hbm>> -> memref<25088x128xf32, #tpu.memory_space<hbm>>
    tpu.wait_indirect_dma semaphore(%arg19 : memref<!tpu.dma_semaphore, #tpu.memory_space<semaphore_mem>>) src(%dma_wait3A_647 : memref<25088x128xf32, #tpu.memory_space<hbm>>) dst(%arg10 : memref<112x128xf32, #tpu.memory_space<vmem>>)
    %scan3A_648 = arith.constant 0 : i32
    %scan3A_649 = arith.constant 112 : i32
    %scan3A_650 = arith.addi %scan3A_648, %scan3A_649 : i32
    %scan3A_651 = arith.constant 1 : i32
    scf.for %scan3A_788 = %scan3A_648 to %scan3A_650 step %scan3A_651  : i32 {
      %get3A_789 = arith.index_cast %scan3A_788 : i32 to index
      %get3A_790 = arith.constant 0 : index
      %get3A_791 = tpu.vector_load %arg10[%get3A_789, %get3A_790] {strides = array<i32>} : memref<112x128xf32, #tpu.memory_space<vmem>>, vector<1x16xf32>,
      %get3A_792 = vector.shape_cast %get3A_791 : vector<1x16xf32> to vector<16xf32>
      %swap3A_793 = arith.index_cast %scan3A_788 : i32 to index
      %swap3A_794 = arith.constant 0 : index
      %swap3A_795 = tpu.vector_load %arg13[%swap3A_793, %swap3A_794] {strides = array<i32>} : memref<112x64xf32, #tpu.memory_space<vmem>>, vector<1x16xf32>,
      %swap3A_796 = vector.shape_cast %swap3A_795 : vector<1x16xf32> to vector<16xf32>
      %swap3A_797 = vector.shape_cast %get3A_792 : vector<16xf32> to vector<1x16xf32>
      tpu.vector_store %arg13[%swap3A_793, %swap3A_794], %swap3A_797 {strides = array<i32>} : memref<112x64xf32, #tpu.memory_space<vmem>>, vector<1x16xf32>,
      %get3A_798 = arith.index_cast %scan3A_788 : i32 to index
      %get3A_799 = arith.constant 16 : index
      %get3A_800 = tpu.vector_load %arg10[%get3A_798, %get3A_799] {strides = array<i32>} : memref<112x128xf32, #tpu.memory_space<vmem>>, vector<1x16xf32>,
      %get3A_801 = vector.shape_cast %get3A_800 : vector<1x16xf32> to vector<16xf32>
      %swap3A_802 = arith.index_cast %scan3A_788 : i32 to index
      %swap3A_803 = arith.constant 16 : index
      %swap3A_804 = tpu.vector_load %arg13[%swap3A_802, %swap3A_803] {strides = array<i32>} : memref<112x64xf32, #tpu.memory_space<vmem>>, vector<1x16xf32>,
      %swap3A_805 = vector.shape_cast %swap3A_804 : vector<1x16xf32> to vector<16xf32>
      %swap3A_806 = vector.shape_cast %get3A_801 : vector<16xf32> to vector<1x16xf32>
      tpu.vector_store %arg13[%swap3A_802, %swap3A_803], %swap3A_806 {strides = array<i32>} : memref<112x64xf32, #tpu.memory_space<vmem>>, vector<1x16xf32>,
      %get3A_807 = arith.index_cast %scan3A_788 : i32 to index
      %get3A_808 = arith.constant 32 : index
      %get3A_809 = tpu.vector_load %arg10[%get3A_807, %get3A_808] {strides = array<i32>} : memref<112x128xf32, #tpu.memory_space<vmem>>, vector<1x16xf32>,
      %get3A_810 = vector.shape_cast %get3A_809 : vector<1x16xf32> to vector<16xf32>
      %swap3A_811 = arith.index_cast %scan3A_788 : i32 to index
      %swap3A_812 = arith.constant 32 : index
      %swap3A_813 = tpu.vector_load %arg13[%swap3A_811, %swap3A_812] {strides = array<i32>} : memref<112x64xf32, #tpu.memory_space<vmem>>, vector<1x16xf32>,
      %swap3A_814 = vector.shape_cast %swap3A_813 : vector<1x16xf32> to vector<16xf32>
      %swap3A_815 = vector.shape_cast %get3A_810 : vector<16xf32> to vector<1x16xf32>
      tpu.vector_store %arg13[%swap3A_811, %swap3A_812], %swap3A_815 {strides = array<i32>} : memref<112x64xf32, #tpu.memory_space<vmem>>, vector<1x16xf32>,
      %get3A_816 = arith.index_cast %scan3A_788 : i32 to index
      %get3A_817 = arith.constant 48 : index
      %get3A_818 = tpu.vector_load %arg10[%get3A_816, %get3A_817] {strides = array<i32>} : memref<112x128xf32, #tpu.memory_space<vmem>>, vector<1x16xf32>,
      %get3A_819 = vector.shape_cast %get3A_818 : vector<1x16xf32> to vector<16xf32>
      %swap3A_820 = arith.index_cast %scan3A_788 : i32 to index
      %swap3A_821 = arith.constant 48 : index
      %swap3A_822 = tpu.vector_load %arg13[%swap3A_820, %swap3A_821] {strides = array<i32>} : memref<112x64xf32, #tpu.memory_space<vmem>>, vector<1x16xf32>,
      %swap3A_823 = vector.shape_cast %swap3A_822 : vector<1x16xf32> to vector<16xf32>
      %swap3A_824 = vector.shape_cast %get3A_819 : vector<16xf32> to vector<1x16xf32>
      tpu.vector_store %arg13[%swap3A_820, %swap3A_821], %swap3A_824 {strides = array<i32>} : memref<112x64xf32, #tpu.memory_space<vmem>>, vector<1x16xf32>,
    }
    %scan3A_652 = arith.constant 112 : i32
    %add3A_653 = arith.constant 336 : i32
    %add3A_654 = arith.addi %mul3A_475, %add3A_653 : i32
    %dma_start3A_655 = arith.constant 0 : i32
    %dma_start3A_656 = tpu.memref_slice %arg5[%add3A_654, %dma_start3A_655] : memref<25088x192xf32, #tpu.memory_space<hbm>> -> memref<112x128xf32, #tpu.memory_space<hbm>>
    %dma_start3A_657 = arith.constant 0 : i32
    %dma_start3A_658 = tpu.memref_slice %arg5[%add3A_654, %dma_start3A_657] : memref<25088x192xf32, #tpu.memory_space<hbm>> -> memref<112x128xf32, #tpu.memory_space<hbm>>
    tpu.enqueue_dma source(%arg7 : memref<112x128xf32, #tpu.memory_space<vmem>>) target(%dma_start3A_658 : memref<112x128xf32, #tpu.memory_space<hbm>>) target_semaphore(%arg22 : memref<!tpu.dma_semaphore, #tpu.memory_space<semaphore_mem>>)
    %dma_start3A_659 = arith.constant 128 : i32
    %dma_start3A_660 = tpu.memref_slice %arg5[%add3A_654, %dma_start3A_659] : memref<25088x192xf32, #tpu.memory_space<hbm>> -> memref<112x64xf32, #tpu.memory_space<hbm>>
    %dma_start3A_661 = arith.constant 128 : i32
    %dma_start3A_662 = tpu.memref_slice %arg5[%add3A_654, %dma_start3A_661] : memref<25088x192xf32, #tpu.memory_space<hbm>> -> memref<112x64xf32, #tpu.memory_space<hbm>>
    tpu.enqueue_dma source(%arg13 : memref<112x64xf32, #tpu.memory_space<vmem>>) target(%dma_start3A_662 : memref<112x64xf32, #tpu.memory_space<hbm>>) target_semaphore(%arg25 : memref<!tpu.dma_semaphore, #tpu.memory_space<semaphore_mem>>)
    %add3A_663 = arith.constant 336 : i32
    %add3A_664 = arith.addi %mul3A_475, %add3A_663 : i32
    %dma_wait3A_665 = arith.constant 0 : i32
    %dma_wait3A_666 = tpu.memref_slice %arg5[%add3A_664, %dma_wait3A_665] : memref<25088x192xf32, #tpu.memory_space<hbm>> -> memref<112x128xf32, #tpu.memory_space<hbm>>
    %dma_wait3A_667 = arith.constant 0 : i32
    %dma_wait3A_668 = tpu.memref_slice %arg5[%add3A_664, %dma_wait3A_667] : memref<25088x192xf32, #tpu.memory_space<hbm>> -> memref<112x128xf32, #tpu.memory_space<hbm>>
    tpu.wait_dma2 semaphore(%arg22 : memref<!tpu.dma_semaphore, #tpu.memory_space<semaphore_mem>>) src(%arg7 : memref<112x128xf32, #tpu.memory_space<vmem>>) dst(%dma_wait3A_668 : memref<112x128xf32, #tpu.memory_space<hbm>>)
    %dma_wait3A_669 = arith.constant 128 : i32
    %dma_wait3A_670 = tpu.memref_slice %arg5[%add3A_664, %dma_wait3A_669] : memref<25088x192xf32, #tpu.memory_space<hbm>> -> memref<112x64xf32, #tpu.memory_space<hbm>>
    %dma_wait3A_671 = arith.constant 128 : i32
    %dma_wait3A_672 = tpu.memref_slice %arg5[%add3A_664, %dma_wait3A_671] : memref<25088x192xf32, #tpu.memory_space<hbm>> -> memref<112x64xf32, #tpu.memory_space<hbm>>
    tpu.wait_dma2 semaphore(%arg25 : memref<!tpu.dma_semaphore, #tpu.memory_space<semaphore_mem>>) src(%arg13 : memref<112x64xf32, #tpu.memory_space<vmem>>) dst(%dma_wait3A_672 : memref<112x64xf32, #tpu.memory_space<hbm>>)
    %dma_start3A_673 = arith.constant 672 : i32
    %dma_start3A_674 = tpu.memref_slice %arg6[%dma_start3A_673] : memref<784xi32, #tpu.memory_space<vmem>> -> memref<112xi32, #tpu.memory_space<vmem>>
    %dma_start3A_675 = arith.constant 0 : i32
    %dma_start3A_676 = arith.constant 0 : i32
    %dma_start3A_677 = tpu.memref_slice %arg2[%dma_start3A_675, %dma_start3A_676] : memref<25088x192xf32, #tpu.memory_space<hbm>> -> memref<25088x128xf32, #tpu.memory_space<hbm>>
    tpu.enqueue_indirect_dma source(%dma_start3A_677 : memref<25088x128xf32, #tpu.memory_space<hbm>>) target(%arg7 : memref<112x128xf32, #tpu.memory_space<vmem>>) offsets(%dma_start3A_674 : memref<112xi32, #tpu.memory_space<vmem>>) semaphore(%arg16 : memref<!tpu.dma_semaphore, #tpu.memory_space<semaphore_mem>>)
    %dma_start3A_678 = arith.constant 672 : i32
    %dma_start3A_679 = tpu.memref_slice %arg6[%dma_start3A_678] : memref<784xi32, #tpu.memory_space<vmem>> -> memref<112xi32, #tpu.memory_space<vmem>>
    %dma_start3A_680 = arith.constant 0 : i32
    %dma_start3A_681 = arith.constant 0 : i32
    %dma_start3A_682 = tpu.memref_slice %arg3[%dma_start3A_680, %dma_start3A_681] : memref<25088x128xf32, #tpu.memory_space<hbm>> -> memref<25088x128xf32, #tpu.memory_space<hbm>>
    tpu.enqueue_indirect_dma source(%dma_start3A_682 : memref<25088x128xf32, #tpu.memory_space<hbm>>) target(%arg10 : memref<112x128xf32, #tpu.memory_space<vmem>>) offsets(%dma_start3A_679 : memref<112xi32, #tpu.memory_space<vmem>>) semaphore(%arg19 : memref<!tpu.dma_semaphore, #tpu.memory_space<semaphore_mem>>)
    %dma_wait3A_683 = arith.constant 448 : i32
    %dma_wait3A_684 = tpu.memref_slice %arg6[%dma_wait3A_683] : memref<784xi32, #tpu.memory_space<vmem>> -> memref<112xi32, #tpu.memory_space<vmem>>
    %dma_wait3A_685 = arith.constant 0 : i32
    %dma_wait3A_686 = arith.constant 0 : i32
    %dma_wait3A_687 = tpu.memref_slice %arg2[%dma_wait3A_685, %dma_wait3A_686] : memref<25088x192xf32, #tpu.memory_space<hbm>> -> memref<25088x128xf32, #tpu.memory_space<hbm>>
    tpu.wait_indirect_dma semaphore(%arg17 : memref<!tpu.dma_semaphore, #tpu.memory_space<semaphore_mem>>) src(%dma_wait3A_687 : memref<25088x128xf32, #tpu.memory_space<hbm>>) dst(%arg8 : memref<112x128xf32, #tpu.memory_space<vmem>>)
    %dma_wait3A_688 = arith.constant 448 : i32
    %dma_wait3A_689 = tpu.memref_slice %arg6[%dma_wait3A_688] : memref<784xi32, #tpu.memory_space<vmem>> -> memref<112xi32, #tpu.memory_space<vmem>>
    %dma_wait3A_690 = arith.constant 0 : i32
    %dma_wait3A_691 = arith.constant 0 : i32
    %dma_wait3A_692 = tpu.memref_slice %arg3[%dma_wait3A_690, %dma_wait3A_691] : memref<25088x128xf32, #tpu.memory_space<hbm>> -> memref<25088x128xf32, #tpu.memory_space<hbm>>
    tpu.wait_indirect_dma semaphore(%arg20 : memref<!tpu.dma_semaphore, #tpu.memory_space<semaphore_mem>>) src(%dma_wait3A_692 : memref<25088x128xf32, #tpu.memory_space<hbm>>) dst(%arg11 : memref<112x128xf32, #tpu.memory_space<vmem>>)
    %scan3A_693 = arith.constant 0 : i32
    %scan3A_694 = arith.constant 112 : i32
    %scan3A_695 = arith.addi %scan3A_693, %scan3A_694 : i32
    %scan3A_696 = arith.constant 1 : i32
    scf.for %scan3A_788 = %scan3A_693 to %scan3A_695 step %scan3A_696  : i32 {
      %get3A_789 = arith.index_cast %scan3A_788 : i32 to index
      %get3A_790 = arith.constant 0 : index
      %get3A_791 = tpu.vector_load %arg11[%get3A_789, %get3A_790] {strides = array<i32>} : memref<112x128xf32, #tpu.memory_space<vmem>>, vector<1x16xf32>,
      %get3A_792 = vector.shape_cast %get3A_791 : vector<1x16xf32> to vector<16xf32>
      %swap3A_793 = arith.index_cast %scan3A_788 : i32 to index
      %swap3A_794 = arith.constant 0 : index
      %swap3A_795 = tpu.vector_load %arg14[%swap3A_793, %swap3A_794] {strides = array<i32>} : memref<112x64xf32, #tpu.memory_space<vmem>>, vector<1x16xf32>,
      %swap3A_796 = vector.shape_cast %swap3A_795 : vector<1x16xf32> to vector<16xf32>
      %swap3A_797 = vector.shape_cast %get3A_792 : vector<16xf32> to vector<1x16xf32>
      tpu.vector_store %arg14[%swap3A_793, %swap3A_794], %swap3A_797 {strides = array<i32>} : memref<112x64xf32, #tpu.memory_space<vmem>>, vector<1x16xf32>,
      %get3A_798 = arith.index_cast %scan3A_788 : i32 to index
      %get3A_799 = arith.constant 16 : index
      %get3A_800 = tpu.vector_load %arg11[%get3A_798, %get3A_799] {strides = array<i32>} : memref<112x128xf32, #tpu.memory_space<vmem>>, vector<1x16xf32>,
      %get3A_801 = vector.shape_cast %get3A_800 : vector<1x16xf32> to vector<16xf32>
      %swap3A_802 = arith.index_cast %scan3A_788 : i32 to index
      %swap3A_803 = arith.constant 16 : index
      %swap3A_804 = tpu.vector_load %arg14[%swap3A_802, %swap3A_803] {strides = array<i32>} : memref<112x64xf32, #tpu.memory_space<vmem>>, vector<1x16xf32>,
      %swap3A_805 = vector.shape_cast %swap3A_804 : vector<1x16xf32> to vector<16xf32>
      %swap3A_806 = vector.shape_cast %get3A_801 : vector<16xf32> to vector<1x16xf32>
      tpu.vector_store %arg14[%swap3A_802, %swap3A_803], %swap3A_806 {strides = array<i32>} : memref<112x64xf32, #tpu.memory_space<vmem>>, vector<1x16xf32>,
      %get3A_807 = arith.index_cast %scan3A_788 : i32 to index
      %get3A_808 = arith.constant 32 : index
      %get3A_809 = tpu.vector_load %arg11[%get3A_807, %get3A_808] {strides = array<i32>} : memref<112x128xf32, #tpu.memory_space<vmem>>, vector<1x16xf32>,
      %get3A_810 = vector.shape_cast %get3A_809 : vector<1x16xf32> to vector<16xf32>
      %swap3A_811 = arith.index_cast %scan3A_788 : i32 to index
      %swap3A_812 = arith.constant 32 : index
      %swap3A_813 = tpu.vector_load %arg14[%swap3A_811, %swap3A_812] {strides = array<i32>} : memref<112x64xf32, #tpu.memory_space<vmem>>, vector<1x16xf32>,
      %swap3A_814 = vector.shape_cast %swap3A_813 : vector<1x16xf32> to vector<16xf32>
      %swap3A_815 = vector.shape_cast %get3A_810 : vector<16xf32> to vector<1x16xf32>
      tpu.vector_store %arg14[%swap3A_811, %swap3A_812], %swap3A_815 {strides = array<i32>} : memref<112x64xf32, #tpu.memory_space<vmem>>, vector<1x16xf32>,
      %get3A_816 = arith.index_cast %scan3A_788 : i32 to index
      %get3A_817 = arith.constant 48 : index
      %get3A_818 = tpu.vector_load %arg11[%get3A_816, %get3A_817] {strides = array<i32>} : memref<112x128xf32, #tpu.memory_space<vmem>>, vector<1x16xf32>,
      %get3A_819 = vector.shape_cast %get3A_818 : vector<1x16xf32> to vector<16xf32>
      %swap3A_820 = arith.index_cast %scan3A_788 : i32 to index
      %swap3A_821 = arith.constant 48 : index
      %swap3A_822 = tpu.vector_load %arg14[%swap3A_820, %swap3A_821] {strides = array<i32>} : memref<112x64xf32, #tpu.memory_space<vmem>>, vector<1x16xf32>,
      %swap3A_823 = vector.shape_cast %swap3A_822 : vector<1x16xf32> to vector<16xf32>
      %swap3A_824 = vector.shape_cast %get3A_819 : vector<16xf32> to vector<1x16xf32>
      tpu.vector_store %arg14[%swap3A_820, %swap3A_821], %swap3A_824 {strides = array<i32>} : memref<112x64xf32, #tpu.memory_space<vmem>>, vector<1x16xf32>,
    }
    %scan3A_697 = arith.constant 112 : i32
    %add3A_698 = arith.constant 448 : i32
    %add3A_699 = arith.addi %mul3A_475, %add3A_698 : i32
    %dma_start3A_700 = arith.constant 0 : i32
    %dma_start3A_701 = tpu.memref_slice %arg5[%add3A_699, %dma_start3A_700] : memref<25088x192xf32, #tpu.memory_space<hbm>> -> memref<112x128xf32, #tpu.memory_space<hbm>>
    %dma_start3A_702 = arith.constant 0 : i32
    %dma_start3A_703 = tpu.memref_slice %arg5[%add3A_699, %dma_start3A_702] : memref<25088x192xf32, #tpu.memory_space<hbm>> -> memref<112x128xf32, #tpu.memory_space<hbm>>
    tpu.enqueue_dma source(%arg8 : memref<112x128xf32, #tpu.memory_space<vmem>>) target(%dma_start3A_703 : memref<112x128xf32, #tpu.memory_space<hbm>>) target_semaphore(%arg23 : memref<!tpu.dma_semaphore, #tpu.memory_space<semaphore_mem>>)
    %dma_start3A_704 = arith.constant 128 : i32
    %dma_start3A_705 = tpu.memref_slice %arg5[%add3A_699, %dma_start3A_704] : memref<25088x192xf32, #tpu.memory_space<hbm>> -> memref<112x64xf32, #tpu.memory_space<hbm>>
    %dma_start3A_706 = arith.constant 128 : i32
    %dma_start3A_707 = tpu.memref_slice %arg5[%add3A_699, %dma_start3A_706] : memref<25088x192xf32, #tpu.memory_space<hbm>> -> memref<112x64xf32, #tpu.memory_space<hbm>>
    tpu.enqueue_dma source(%arg14 : memref<112x64xf32, #tpu.memory_space<vmem>>) target(%dma_start3A_707 : memref<112x64xf32, #tpu.memory_space<hbm>>) target_semaphore(%arg26 : memref<!tpu.dma_semaphore, #tpu.memory_space<semaphore_mem>>)
    %dma_wait3A_708 = arith.constant 560 : i32
    %dma_wait3A_709 = tpu.memref_slice %arg6[%dma_wait3A_708] : memref<784xi32, #tpu.memory_space<vmem>> -> memref<112xi32, #tpu.memory_space<vmem>>
    %dma_wait3A_710 = arith.constant 0 : i32
    %dma_wait3A_711 = arith.constant 0 : i32
    %dma_wait3A_712 = tpu.memref_slice %arg2[%dma_wait3A_710, %dma_wait3A_711] : memref<25088x192xf32, #tpu.memory_space<hbm>> -> memref<25088x128xf32, #tpu.memory_space<hbm>>
    tpu.wait_indirect_dma semaphore(%arg18 : memref<!tpu.dma_semaphore, #tpu.memory_space<semaphore_mem>>) src(%dma_wait3A_712 : memref<25088x128xf32, #tpu.memory_space<hbm>>) dst(%arg9 : memref<112x128xf32, #tpu.memory_space<vmem>>)
    %dma_wait3A_713 = arith.constant 560 : i32
    %dma_wait3A_714 = tpu.memref_slice %arg6[%dma_wait3A_713] : memref<784xi32, #tpu.memory_space<vmem>> -> memref<112xi32, #tpu.memory_space<vmem>>
    %dma_wait3A_715 = arith.constant 0 : i32
    %dma_wait3A_716 = arith.constant 0 : i32
    %dma_wait3A_717 = tpu.memref_slice %arg3[%dma_wait3A_715, %dma_wait3A_716] : memref<25088x128xf32, #tpu.memory_space<hbm>> -> memref<25088x128xf32, #tpu.memory_space<hbm>>
    tpu.wait_indirect_dma semaphore(%arg21 : memref<!tpu.dma_semaphore, #tpu.memory_space<semaphore_mem>>) src(%dma_wait3A_717 : memref<25088x128xf32, #tpu.memory_space<hbm>>) dst(%arg12 : memref<112x128xf32, #tpu.memory_space<vmem>>)
    %scan3A_718 = arith.constant 0 : i32
    %scan3A_719 = arith.constant 112 : i32
    %scan3A_720 = arith.addi %scan3A_718, %scan3A_719 : i32
    %scan3A_721 = arith.constant 1 : i32
    scf.for %scan3A_788 = %scan3A_718 to %scan3A_720 step %scan3A_721  : i32 {
      %get3A_789 = arith.index_cast %scan3A_788 : i32 to index
      %get3A_790 = arith.constant 0 : index
      %get3A_791 = tpu.vector_load %arg12[%get3A_789, %get3A_790] {strides = array<i32>} : memref<112x128xf32, #tpu.memory_space<vmem>>, vector<1x16xf32>,
      %get3A_792 = vector.shape_cast %get3A_791 : vector<1x16xf32> to vector<16xf32>
      %swap3A_793 = arith.index_cast %scan3A_788 : i32 to index
      %swap3A_794 = arith.constant 0 : index
      %swap3A_795 = tpu.vector_load %arg15[%swap3A_793, %swap3A_794] {strides = array<i32>} : memref<112x64xf32, #tpu.memory_space<vmem>>, vector<1x16xf32>,
      %swap3A_796 = vector.shape_cast %swap3A_795 : vector<1x16xf32> to vector<16xf32>
      %swap3A_797 = vector.shape_cast %get3A_792 : vector<16xf32> to vector<1x16xf32>
      tpu.vector_store %arg15[%swap3A_793, %swap3A_794], %swap3A_797 {strides = array<i32>} : memref<112x64xf32, #tpu.memory_space<vmem>>, vector<1x16xf32>,
      %get3A_798 = arith.index_cast %scan3A_788 : i32 to index
      %get3A_799 = arith.constant 16 : index
      %get3A_800 = tpu.vector_load %arg12[%get3A_798, %get3A_799] {strides = array<i32>} : memref<112x128xf32, #tpu.memory_space<vmem>>, vector<1x16xf32>,
      %get3A_801 = vector.shape_cast %get3A_800 : vector<1x16xf32> to vector<16xf32>
      %swap3A_802 = arith.index_cast %scan3A_788 : i32 to index
      %swap3A_803 = arith.constant 16 : index
      %swap3A_804 = tpu.vector_load %arg15[%swap3A_802, %swap3A_803] {strides = array<i32>} : memref<112x64xf32, #tpu.memory_space<vmem>>, vector<1x16xf32>,
      %swap3A_805 = vector.shape_cast %swap3A_804 : vector<1x16xf32> to vector<16xf32>
      %swap3A_806 = vector.shape_cast %get3A_801 : vector<16xf32> to vector<1x16xf32>
      tpu.vector_store %arg15[%swap3A_802, %swap3A_803], %swap3A_806 {strides = array<i32>} : memref<112x64xf32, #tpu.memory_space<vmem>>, vector<1x16xf32>,
      %get3A_807 = arith.index_cast %scan3A_788 : i32 to index
      %get3A_808 = arith.constant 32 : index
      %get3A_809 = tpu.vector_load %arg12[%get3A_807, %get3A_808] {strides = array<i32>} : memref<112x128xf32, #tpu.memory_space<vmem>>, vector<1x16xf32>,
      %get3A_810 = vector.shape_cast %get3A_809 : vector<1x16xf32> to vector<16xf32>
      %swap3A_811 = arith.index_cast %scan3A_788 : i32 to index
      %swap3A_812 = arith.constant 32 : index
      %swap3A_813 = tpu.vector_load %arg15[%swap3A_811, %swap3A_812] {strides = array<i32>} : memref<112x64xf32, #tpu.memory_space<vmem>>, vector<1x16xf32>,
      %swap3A_814 = vector.shape_cast %swap3A_813 : vector<1x16xf32> to vector<16xf32>
      %swap3A_815 = vector.shape_cast %get3A_810 : vector<16xf32> to vector<1x16xf32>
      tpu.vector_store %arg15[%swap3A_811, %swap3A_812], %swap3A_815 {strides = array<i32>} : memref<112x64xf32, #tpu.memory_space<vmem>>, vector<1x16xf32>,
      %get3A_816 = arith.index_cast %scan3A_788 : i32 to index
      %get3A_817 = arith.constant 48 : index
      %get3A_818 = tpu.vector_load %arg12[%get3A_816, %get3A_817] {strides = array<i32>} : memref<112x128xf32, #tpu.memory_space<vmem>>, vector<1x16xf32>,
      %get3A_819 = vector.shape_cast %get3A_818 : vector<1x16xf32> to vector<16xf32>
      %swap3A_820 = arith.index_cast %scan3A_788 : i32 to index
      %swap3A_821 = arith.constant 48 : index
      %swap3A_822 = tpu.vector_load %arg15[%swap3A_820, %swap3A_821] {strides = array<i32>} : memref<112x64xf32, #tpu.memory_space<vmem>>, vector<1x16xf32>,
      %swap3A_823 = vector.shape_cast %swap3A_822 : vector<1x16xf32> to vector<16xf32>
      %swap3A_824 = vector.shape_cast %get3A_819 : vector<16xf32> to vector<1x16xf32>
      tpu.vector_store %arg15[%swap3A_820, %swap3A_821], %swap3A_824 {strides = array<i32>} : memref<112x64xf32, #tpu.memory_space<vmem>>, vector<1x16xf32>,
    }
    %scan3A_722 = arith.constant 112 : i32
    %add3A_723 = arith.constant 560 : i32
    %add3A_724 = arith.addi %mul3A_475, %add3A_723 : i32
    %dma_start3A_725 = arith.constant 0 : i32
    %dma_start3A_726 = tpu.memref_slice %arg5[%add3A_724, %dma_start3A_725] : memref<25088x192xf32, #tpu.memory_space<hbm>> -> memref<112x128xf32, #tpu.memory_space<hbm>>
    %dma_start3A_727 = arith.constant 0 : i32
    %dma_start3A_728 = tpu.memref_slice %arg5[%add3A_724, %dma_start3A_727] : memref<25088x192xf32, #tpu.memory_space<hbm>> -> memref<112x128xf32, #tpu.memory_space<hbm>>
    tpu.enqueue_dma source(%arg9 : memref<112x128xf32, #tpu.memory_space<vmem>>) target(%dma_start3A_728 : memref<112x128xf32, #tpu.memory_space<hbm>>) target_semaphore(%arg24 : memref<!tpu.dma_semaphore, #tpu.memory_space<semaphore_mem>>)
    %dma_start3A_729 = arith.constant 128 : i32
    %dma_start3A_730 = tpu.memref_slice %arg5[%add3A_724, %dma_start3A_729] : memref<25088x192xf32, #tpu.memory_space<hbm>> -> memref<112x64xf32, #tpu.memory_space<hbm>>
    %dma_start3A_731 = arith.constant 128 : i32
    %dma_start3A_732 = tpu.memref_slice %arg5[%add3A_724, %dma_start3A_731] : memref<25088x192xf32, #tpu.memory_space<hbm>> -> memref<112x64xf32, #tpu.memory_space<hbm>>
    tpu.enqueue_dma source(%arg15 : memref<112x64xf32, #tpu.memory_space<vmem>>) target(%dma_start3A_732 : memref<112x64xf32, #tpu.memory_space<hbm>>) target_semaphore(%arg27 : memref<!tpu.dma_semaphore, #tpu.memory_space<semaphore_mem>>)
    %dma_wait3A_733 = arith.constant 672 : i32
    %dma_wait3A_734 = tpu.memref_slice %arg6[%dma_wait3A_733] : memref<784xi32, #tpu.memory_space<vmem>> -> memref<112xi32, #tpu.memory_space<vmem>>
    %dma_wait3A_735 = arith.constant 0 : i32
    %dma_wait3A_736 = arith.constant 0 : i32
    %dma_wait3A_737 = tpu.memref_slice %arg2[%dma_wait3A_735, %dma_wait3A_736] : memref<25088x192xf32, #tpu.memory_space<hbm>> -> memref<25088x128xf32, #tpu.memory_space<hbm>>
    tpu.wait_indirect_dma semaphore(%arg16 : memref<!tpu.dma_semaphore, #tpu.memory_space<semaphore_mem>>) src(%dma_wait3A_737 : memref<25088x128xf32, #tpu.memory_space<hbm>>) dst(%arg7 : memref<112x128xf32, #tpu.memory_space<vmem>>)
    %dma_wait3A_738 = arith.constant 672 : i32
    %dma_wait3A_739 = tpu.memref_slice %arg6[%dma_wait3A_738] : memref<784xi32, #tpu.memory_space<vmem>> -> memref<112xi32, #tpu.memory_space<vmem>>
    %dma_wait3A_740 = arith.constant 0 : i32
    %dma_wait3A_741 = arith.constant 0 : i32
    %dma_wait3A_742 = tpu.memref_slice %arg3[%dma_wait3A_740, %dma_wait3A_741] : memref<25088x128xf32, #tpu.memory_space<hbm>> -> memref<25088x128xf32, #tpu.memory_space<hbm>>
    tpu.wait_indirect_dma semaphore(%arg19 : memref<!tpu.dma_semaphore, #tpu.memory_space<semaphore_mem>>) src(%dma_wait3A_742 : memref<25088x128xf32, #tpu.memory_space<hbm>>) dst(%arg10 : memref<112x128xf32, #tpu.memory_space<vmem>>)
    %scan3A_743 = arith.constant 0 : i32
    %scan3A_744 = arith.constant 112 : i32
    %scan3A_745 = arith.addi %scan3A_743, %scan3A_744 : i32
    %scan3A_746 = arith.constant 1 : i32
    scf.for %scan3A_788 = %scan3A_743 to %scan3A_745 step %scan3A_746  : i32 {
      %get3A_789 = arith.index_cast %scan3A_788 : i32 to index
      %get3A_790 = arith.constant 0 : index
      %get3A_791 = tpu.vector_load %arg10[%get3A_789, %get3A_790] {strides = array<i32>} : memref<112x128xf32, #tpu.memory_space<vmem>>, vector<1x16xf32>,
      %get3A_792 = vector.shape_cast %get3A_791 : vector<1x16xf32> to vector<16xf32>
      %swap3A_793 = arith.index_cast %scan3A_788 : i32 to index
      %swap3A_794 = arith.constant 0 : index
      %swap3A_795 = tpu.vector_load %arg13[%swap3A_793, %swap3A_794] {strides = array<i32>} : memref<112x64xf32, #tpu.memory_space<vmem>>, vector<1x16xf32>,
      %swap3A_796 = vector.shape_cast %swap3A_795 : vector<1x16xf32> to vector<16xf32>
      %swap3A_797 = vector.shape_cast %get3A_792 : vector<16xf32> to vector<1x16xf32>
      tpu.vector_store %arg13[%swap3A_793, %swap3A_794], %swap3A_797 {strides = array<i32>} : memref<112x64xf32, #tpu.memory_space<vmem>>, vector<1x16xf32>,
      %get3A_798 = arith.index_cast %scan3A_788 : i32 to index
      %get3A_799 = arith.constant 16 : index
      %get3A_800 = tpu.vector_load %arg10[%get3A_798, %get3A_799] {strides = array<i32>} : memref<112x128xf32, #tpu.memory_space<vmem>>, vector<1x16xf32>,
      %get3A_801 = vector.shape_cast %get3A_800 : vector<1x16xf32> to vector<16xf32>
      %swap3A_802 = arith.index_cast %scan3A_788 : i32 to index
      %swap3A_803 = arith.constant 16 : index
      %swap3A_804 = tpu.vector_load %arg13[%swap3A_802, %swap3A_803] {strides = array<i32>} : memref<112x64xf32, #tpu.memory_space<vmem>>, vector<1x16xf32>,
      %swap3A_805 = vector.shape_cast %swap3A_804 : vector<1x16xf32> to vector<16xf32>
      %swap3A_806 = vector.shape_cast %get3A_801 : vector<16xf32> to vector<1x16xf32>
      tpu.vector_store %arg13[%swap3A_802, %swap3A_803], %swap3A_806 {strides = array<i32>} : memref<112x64xf32, #tpu.memory_space<vmem>>, vector<1x16xf32>,
      %get3A_807 = arith.index_cast %scan3A_788 : i32 to index
      %get3A_808 = arith.constant 32 : index
      %get3A_809 = tpu.vector_load %arg10[%get3A_807, %get3A_808] {strides = array<i32>} : memref<112x128xf32, #tpu.memory_space<vmem>>, vector<1x16xf32>,
      %get3A_810 = vector.shape_cast %get3A_809 : vector<1x16xf32> to vector<16xf32>
      %swap3A_811 = arith.index_cast %scan3A_788 : i32 to index
      %swap3A_812 = arith.constant 32 : index
      %swap3A_813 = tpu.vector_load %arg13[%swap3A_811, %swap3A_812] {strides = array<i32>} : memref<112x64xf32, #tpu.memory_space<vmem>>, vector<1x16xf32>,
      %swap3A_814 = vector.shape_cast %swap3A_813 : vector<1x16xf32> to vector<16xf32>
      %swap3A_815 = vector.shape_cast %get3A_810 : vector<16xf32> to vector<1x16xf32>
      tpu.vector_store %arg13[%swap3A_811, %swap3A_812], %swap3A_815 {strides = array<i32>} : memref<112x64xf32, #tpu.memory_space<vmem>>, vector<1x16xf32>,
      %get3A_816 = arith.index_cast %scan3A_788 : i32 to index
      %get3A_817 = arith.constant 48 : index
      %get3A_818 = tpu.vector_load %arg10[%get3A_816, %get3A_817] {strides = array<i32>} : memref<112x128xf32, #tpu.memory_space<vmem>>, vector<1x16xf32>,
      %get3A_819 = vector.shape_cast %get3A_818 : vector<1x16xf32> to vector<16xf32>
      %swap3A_820 = arith.index_cast %scan3A_788 : i32 to index
      %swap3A_821 = arith.constant 48 : index
      %swap3A_822 = tpu.vector_load %arg13[%swap3A_820, %swap3A_821] {strides = array<i32>} : memref<112x64xf32, #tpu.memory_space<vmem>>, vector<1x16xf32>,
      %swap3A_823 = vector.shape_cast %swap3A_822 : vector<1x16xf32> to vector<16xf32>
      %swap3A_824 = vector.shape_cast %get3A_819 : vector<16xf32> to vector<1x16xf32>
      tpu.vector_store %arg13[%swap3A_820, %swap3A_821], %swap3A_824 {strides = array<i32>} : memref<112x64xf32, #tpu.memory_space<vmem>>, vector<1x16xf32>,
    }
    %scan3A_747 = arith.constant 112 : i32
    %add3A_748 = arith.constant 672 : i32
    %add3A_749 = arith.addi %mul3A_475, %add3A_748 : i32
    %dma_start3A_750 = arith.constant 0 : i32
    %dma_start3A_751 = tpu.memref_slice %arg5[%add3A_749, %dma_start3A_750] : memref<25088x192xf32, #tpu.memory_space<hbm>> -> memref<112x128xf32, #tpu.memory_space<hbm>>
    %dma_start3A_752 = arith.constant 0 : i32
    %dma_start3A_753 = tpu.memref_slice %arg5[%add3A_749, %dma_start3A_752] : memref<25088x192xf32, #tpu.memory_space<hbm>> -> memref<112x128xf32, #tpu.memory_space<hbm>>
    tpu.enqueue_dma source(%arg7 : memref<112x128xf32, #tpu.memory_space<vmem>>) target(%dma_start3A_753 : memref<112x128xf32, #tpu.memory_space<hbm>>) target_semaphore(%arg22 : memref<!tpu.dma_semaphore, #tpu.memory_space<semaphore_mem>>)
    %dma_start3A_754 = arith.constant 128 : i32
    %dma_start3A_755 = tpu.memref_slice %arg5[%add3A_749, %dma_start3A_754] : memref<25088x192xf32, #tpu.memory_space<hbm>> -> memref<112x64xf32, #tpu.memory_space<hbm>>
    %dma_start3A_756 = arith.constant 128 : i32
    %dma_start3A_757 = tpu.memref_slice %arg5[%add3A_749, %dma_start3A_756] : memref<25088x192xf32, #tpu.memory_space<hbm>> -> memref<112x64xf32, #tpu.memory_space<hbm>>
    tpu.enqueue_dma source(%arg13 : memref<112x64xf32, #tpu.memory_space<vmem>>) target(%dma_start3A_757 : memref<112x64xf32, #tpu.memory_space<hbm>>) target_semaphore(%arg25 : memref<!tpu.dma_semaphore, #tpu.memory_space<semaphore_mem>>)
    %add3A_758 = arith.constant 672 : i32
    %add3A_759 = arith.addi %mul3A_475, %add3A_758 : i32
    %dma_wait3A_760 = arith.constant 0 : i32
    %dma_wait3A_761 = tpu.memref_slice %arg5[%add3A_759, %dma_wait3A_760] : memref<25088x192xf32, #tpu.memory_space<hbm>> -> memref<112x128xf32, #tpu.memory_space<hbm>>
    %dma_wait3A_762 = arith.constant 0 : i32
    %dma_wait3A_763 = tpu.memref_slice %arg5[%add3A_759, %dma_wait3A_762] : memref<25088x192xf32, #tpu.memory_space<hbm>> -> memref<112x128xf32, #tpu.memory_space<hbm>>
    tpu.wait_dma2 semaphore(%arg22 : memref<!tpu.dma_semaphore, #tpu.memory_space<semaphore_mem>>) src(%arg7 : memref<112x128xf32, #tpu.memory_space<vmem>>) dst(%dma_wait3A_763 : memref<112x128xf32, #tpu.memory_space<hbm>>)
    %dma_wait3A_764 = arith.constant 128 : i32
    %dma_wait3A_765 = tpu.memref_slice %arg5[%add3A_759, %dma_wait3A_764] : memref<25088x192xf32, #tpu.memory_space<hbm>> -> memref<112x64xf32, #tpu.memory_space<hbm>>
    %dma_wait3A_766 = arith.constant 128 : i32
    %dma_wait3A_767 = tpu.memref_slice %arg5[%add3A_759, %dma_wait3A_766] : memref<25088x192xf32, #tpu.memory_space<hbm>> -> memref<112x64xf32, #tpu.memory_space<hbm>>
    tpu.wait_dma2 semaphore(%arg25 : memref<!tpu.dma_semaphore, #tpu.memory_space<semaphore_mem>>) src(%arg13 : memref<112x64xf32, #tpu.memory_space<vmem>>) dst(%dma_wait3A_767 : memref<112x64xf32, #tpu.memory_space<hbm>>)
    %add3A_768 = arith.constant 448 : i32
    %add3A_769 = arith.addi %mul3A_475, %add3A_768 : i32
    %dma_wait3A_770 = arith.constant 0 : i32
    %dma_wait3A_771 = tpu.memref_slice %arg5[%add3A_769, %dma_wait3A_770] : memref<25088x192xf32, #tpu.memory_space<hbm>> -> memref<112x128xf32, #tpu.memory_space<hbm>>
    %dma_wait3A_772 = arith.constant 0 : i32
    %dma_wait3A_773 = tpu.memref_slice %arg5[%add3A_769, %dma_wait3A_772] : memref<25088x192xf32, #tpu.memory_space<hbm>> -> memref<112x128xf32, #tpu.memory_space<hbm>>
    tpu.wait_dma2 semaphore(%arg23 : memref<!tpu.dma_semaphore, #tpu.memory_space<semaphore_mem>>) src(%arg8 : memref<112x128xf32, #tpu.memory_space<vmem>>) dst(%dma_wait3A_773 : memref<112x128xf32, #tpu.memory_space<hbm>>)
    %dma_wait3A_774 = arith.constant 128 : i32
    %dma_wait3A_775 = tpu.memref_slice %arg5[%add3A_769, %dma_wait3A_774] : memref<25088x192xf32, #tpu.memory_space<hbm>> -> memref<112x64xf32, #tpu.memory_space<hbm>>
    %dma_wait3A_776 = arith.constant 128 : i32
    %dma_wait3A_777 = tpu.memref_slice %arg5[%add3A_769, %dma_wait3A_776] : memref<25088x192xf32, #tpu.memory_space<hbm>> -> memref<112x64xf32, #tpu.memory_space<hbm>>
    tpu.wait_dma2 semaphore(%arg26 : memref<!tpu.dma_semaphore, #tpu.memory_space<semaphore_mem>>) src(%arg14 : memref<112x64xf32, #tpu.memory_space<vmem>>) dst(%dma_wait3A_777 : memref<112x64xf32, #tpu.memory_space<hbm>>)
    %add3A_778 = arith.constant 560 : i32
    %add3A_779 = arith.addi %mul3A_475, %add3A_778 : i32
    %dma_wait3A_780 = arith.constant 0 : i32
    %dma_wait3A_781 = tpu.memref_slice %arg5[%add3A_779, %dma_wait3A_780] : memref<25088x192xf32, #tpu.memory_space<hbm>> -> memref<112x128xf32, #tpu.memory_space<hbm>>
    %dma_wait3A_782 = arith.constant 0 : i32
    %dma_wait3A_783 = tpu.memref_slice %arg5[%add3A_779, %dma_wait3A_782] : memref<25088x192xf32, #tpu.memory_space<hbm>> -> memref<112x128xf32, #tpu.memory_space<hbm>>
    tpu.wait_dma2 semaphore(%arg24 : memref<!tpu.dma_semaphore, #tpu.memory_space<semaphore_mem>>) src(%arg9 : memref<112x128xf32, #tpu.memory_space<vmem>>) dst(%dma_wait3A_783 : memref<112x128xf32, #tpu.memory_space<hbm>>)
    %dma_wait3A_784 = arith.constant 128 : i32
    %dma_wait3A_785 = tpu.memref_slice %arg5[%add3A_779, %dma_wait3A_784] : memref<25088x192xf32, #tpu.memory_space<hbm>> -> memref<112x64xf32, #tpu.memory_space<hbm>>
    %dma_wait3A_786 = arith.constant 128 : i32
    %dma_wait3A_787 = tpu.memref_slice %arg5[%add3A_779, %dma_wait3A_786] : memref<25088x192xf32, #tpu.memory_space<hbm>> -> memref<112x64xf32, #tpu.memory_space<hbm>>
    tpu.wait_dma2 semaphore(%arg27 : memref<!tpu.dma_semaphore, #tpu.memory_space<semaphore_mem>>) src(%arg15 : memref<112x64xf32, #tpu.memory_space<vmem>>) dst(%dma_wait3A_787 : memref<112x64xf32, #tpu.memory_space<hbm>>)
    return
  }
}

</mosaic_0001>

<sc_bundles>
// kernel: kernel.3.cloned.1.call-start
scs
__scs_entry_jumppad:
0x0: {  	(pc) =	sbr.rel $0x88, $3  }
0x1: {  	(tag) =	ssettag $0x0;
	lr =	simm.s32 $0x1  }
0x2: {  	[smem:$0x3F9F] =	sst lr;
	_ =	strace $0xD0000000  }
0x3: {  	_ = 	snop  }
0x4: {  	_ = 	snop  }
0x5: {  	_ = 	snop  }
0x6: {  	_ = 	snop  }
0x7: {  	_ = 	snop  }
__scs_overlays_trampoline_lowered:
0x8: {  	[smem:$0x3FAE] =	sst s0  }
0x9: {  	[smem:$0x3FAF] =	sst s1  }
0xa: {  	[smem:$0x3FB0] =	sst s2  }
0xb: {  	[smem:$0x3FB1] =	sst s3  }
0xc: {  	[smem:$0x3FB2] =	sst s4  }
0xd: {  	[smem:$0x3FB3] =	sst s5  }
0xe: {  	[smem:$0x3FB4] =	sst s6  }
0xf: {  	[smem:$0x3FB5] =	sst s7  }
0x10: {  	[smem:$0x3FB6] =	sst s8  }
0x11: {  	[smem:$0x3FB7] =	sst s9;
	s0 =	simm.s32 @!p0 $0x0  }
0x12: {  	s1 =	sld [smem:$0x3F9D];
	s0 =	simm.s32 @p0 $0x1  }
0x13: {  	[smem:$0x3FB8] =	sst s0;
	s0 =	simm.s32 @!p1 $0x0  }
0x14: {  	s2 =	sld [smem:$0x3F9C];
	s0 =	simm.s32 @p1 $0x1  }
0x15: {  	[smem:$0x3FB9] =	sst s0;
	s0 =	simm.s32 @!p2 $0x0  }
0x16: {  	s3 =	sld [smem:$0x3FDB];
	s0 =	simm.s32 @p2 $0x1  }
0x17: {  	s4 =	simm.s32 $0x1BF5;
	[smem:$0x3FBB] =	sst s0  }
0x18: {  	s0 =	sld [smem:$0x3F9E];
	_ =	swait.ge [sflag:s4], $0x0  }
0x19: {  	s7 =	sld [smem:$0x3F9F]  }
0x1a: {  	s8 =	sadd.s32 $0xFFFFE003, lr  }
0x1b: {  	s9 =	sadd.s32 $0xFFFFFEF7, lr;
	s5 =	simm.s32 $0xFFFFFFFF;
	p2 =	slt.u32 s8, $0xFFFFF086  }
0x1c: {  	p1 =	slt.u32 s9, $0xF7A;
	s5 =	simm.s32 @!p2 $0x0  }
0x1d: {  	s5 =	simm.s32 @p1 $0x1;
	p0 =	seq.s32 s7, s2  }
0x1e: {  	s7 =	smul.u32 @!p0 $0xF7A, s2;
	p2 =	seq.s32 @!p0 s5, $0x0  }
0x1f: {  	s9 =	smul.u32 $0xF7A, s1;
	s8 =	simm.s32 @!p0 $0x1BF5;
	p2 =	por !p2, p0  }
0x20: {  	[sflag:s8] =	ssyncset.s32 @!p0 $0xFFFFF086;
	s6 =	sadd.s32 @!p0 s3, s7;
	s7 =	simm.s32 @!p0 $0x108  }
0x21: {  	s3 =	sadd.s32 s3, s9;
	s6 =	sadd.s32 @!p0 $0x88, s6;
	s7 =	simm.s32 @p2 $0x1082  }
0x22: {  	[simem:s7], [sflag:s8] =	dma.local @!p0 [hbm:s6], $0xF7A  }
0x23: {  	s9 =	sor.u32 $0xD0000000, s2;
	s6 =	simm.s32 $0x108;
	_ =	swait.ge @!p0 [sflag:s8], $0x0  }
0x24: {  	s3 =	sadd.s32 $0x88, s3;
	s6 =	simm.s32 @!p1 $0x1082;
	[sflag:s4] =	ssyncset.s32 $0xFFFFF086  }
0x25: {  	[simem:s6], [sflag:s4] =	dma.local [hbm:s3], $0xF7A  }
0x26: {  	[smem:$0x3F9F] =	sst s1;
	(tag) =	ssettag s2;
	_ =	strace s9  }
0x27: {  	s1 =	sld [smem:$0x3FAF]  }
0x28: {  	s2 =	sld [smem:$0x3FB0]  }
0x29: {  	s4 =	sld [smem:$0x3FB2]  }
0x2a: {  	p0 =	seq.s32 s5, $0x0;
	s5 =	sld [smem:$0x3FB3]  }
0x2b: {  	s6 =	sld [smem:$0x3FB4]  }
0x2c: {  	s7 =	sld [smem:$0x3FB5]  }
0x2d: {  	s3 =	simm.s32 $0x108;
	s8 =	sld [smem:$0x3FB6]  }
0x2e: {  	s3 =	simm.s32 @!p0 $0x1082;
	s9 =	sld [smem:$0x3FB7]  }
0x2f: {  	lr =	sadd.s32 s0, s3;
	s0 =	sld [smem:$0x3FAE]  }
0x30: {  	s3 =	sld [smem:$0x3FB1]  }
0x31: {  	[smem:$0x3FBA] =	sst s10  }
0x32: {  	s10 =	sld [smem:$0x3FB8];
	_ =	sdelay $0x3  }
0x33: {  	p0 =	seq.s32 s10, $0x1;
	s10 =	sld [smem:$0x3FBA];
	_ =	sdelay $0x3  }
0x34: {  	[smem:$0x3FBA] =	sst s10  }
0x35: {  	s10 =	sld [smem:$0x3FB9];
	_ =	sdelay $0x3  }
0x36: {  	p1 =	seq.s32 s10, $0x1;
	s10 =	sld [smem:$0x3FBA];
	_ =	sdelay $0x3  }
0x37: {  	[smem:$0x3FBA] =	sst s10  }
0x38: {  	s10 =	sld [smem:$0x3FBB]  }
0x39: {  	_ = 	snop;
	(pc) =	sbr.ind lr, $3  }
0x3a: {  	_ = 	snop  }
0x3b: {  	_ = 	snop  }
0x3c: {  	p2 =	seq.s32 s10, $0x1;
	s10 =	sld [smem:$0x3FBA]  }
0x3d: {  	_ =	shalt  }
0x3e: {  	_ =	shalt  }
0x3f: {  	_ =	shalt  }
0x40: {  	_ =	shalt  }
0x41: {  	_ =	shalt  }
0x42: {  	_ =	shalt  }
0x43: {  	_ =	shalt  }
0x44: {  	_ =	shalt  }
0x45: {  	_ =	shalt  }
0x46: {  	_ =	shalt  }
0x47: {  	_ =	shalt  }
0x48: {  	_ =	shalt  }
0x49: {  	_ =	shalt  }
0x4a: {  	_ =	shalt  }
0x4b: {  	_ =	shalt  }
0x4c: {  	_ =	shalt  }
0x4d: {  	_ =	shalt  }
0x4e: {  	_ =	shalt  }
0x4f: {  	_ =	shalt  }
0x50: {  	_ =	shalt  }
0x51: {  	_ =	shalt  }
0x52: {  	_ =	shalt  }
0x53: {  	_ =	shalt  }
0x54: {  	_ =	shalt  }
0x55: {  	_ =	shalt  }
0x56: {  	_ =	shalt  }
0x57: {  	_ =	shalt  }
0x58: {  	_ =	shalt  }
0x59: {  	_ =	shalt  }
0x5a: {  	_ =	shalt  }
0x5b: {  	_ =	shalt  }
0x5c: {  	_ =	shalt  }
0x5d: {  	_ =	shalt  }
0x5e: {  	_ =	shalt  }
0x5f: {  	_ =	shalt  }
0x60: {  	_ =	shalt  }
0x61: {  	_ =	shalt  }
0x62: {  	_ =	shalt  }
0x63: {  	_ =	shalt  }
0x64: {  	_ =	shalt  }
0x65: {  	_ =	shalt  }
0x66: {  	_ =	shalt  }
0x67: {  	_ =	shalt  }
0x68: {  	_ =	shalt  }
0x69: {  	_ =	shalt  }
0x6a: {  	_ =	shalt  }
0x6b: {  	_ =	shalt  }
0x6c: {  	_ =	shalt  }
0x6d: {  	_ =	shalt  }
0x6e: {  	_ =	shalt  }
0x6f: {  	_ =	shalt  }
0x70: {  	_ =	shalt  }
0x71: {  	_ =	shalt  }
0x72: {  	_ =	shalt  }
0x73: {  	_ =	shalt  }
0x74: {  	_ =	shalt  }
0x75: {  	_ =	shalt  }
0x76: {  	_ =	shalt  }
0x77: {  	_ =	shalt  }
0x78: {  	_ =	shalt  }
0x79: {  	_ =	shalt  }
0x7a: {  	_ =	shalt  }
0x7b: {  	_ =	shalt  }
0x7c: {  	_ =	shalt  }
0x7d: {  	_ =	shalt  }
0x7e: {  	_ =	shalt  }
0x7f: {  	_ =	shalt  }
0x80: {  	_ =	shalt  }
0x81: {  	_ =	shalt  }
0x82: {  	_ =	shalt  }
0x83: {  	_ =	shalt  }
0x84: {  	_ =	shalt  }
0x85: {  	_ =	shalt  }
0x86: {  	_ =	shalt  }
0x87: {  	_ =	shalt  }
.Lfunc_end0:
.L_simem_size_0:
called_computation_lowered:
.L_overlay_start_0:
0x88: {  	s2 =	sld [smem:$0x3FD9]  }
0x89: {  	s3 =	sld [smem:$0x3FFE];
	_ =	sdelay $0x1  }
0x8a: {  	s1 =	srdreg.scid  }
0x8b: {  	s0 =	sand.u32 $0x1, s1  }
0x8c: {  	s17 =	sshll.u32 s0, $0xA;
	s2 =	sadd.s32 s3, s2  }
0x8d: {  	s2 =	sadd.s32 s2, s17  }
0x8e: {  	[smem:$0x3FC6] =	sst s2  }
0x8f: {  	_ = 	snop  }
0x90: {  	s2 =	sld [smem:$0x3FC9]  }
0x91: {  	s18 =	sld [smem:$0x3FC8]  }
0x92: {  	s4 =	sld [smem:$0x3FD0];
	(tm) =	ssettm $0x1  }
0x93: {  	s5 =	sld [smem:$0x3FFB];
	_ =	sdelay $0x3  }
0x94: {  	_ =	strace s5  }
0x95: {  	s5 =	sld [smem:$0x3FFC];
	_ =	sdelay $0x3  }
0x96: {  	_ =	strace s5  }
0x97: {  	s5 =	sld [smem:$0x3FFD];
	_ =	sdelay $0x3  }
0x98: {  	_ =	strace s5  }
0x99: {  	_ =	strace $0x8FFFFFFF  }
0x9a: {  	s19 =	sld [smem:$0x3FDB];
	_ =	sdelay $0x1  }
0x9b: {  	s6 =	simm.s32 $_scs_section_size  }
0x9c: {  	s7 =	simm.s32 $_size__tile_overlayer_lowered;
	s8 =	simm.s32 $_tile_overlayer_lowered  }
0x9d: {  	s22 =	simm.s32 $0x1BFF;
	s21 =	sshll.u32 s8, $0x1;
	s5 =	sadd.s32 s6, s19  }
0x9e: {  	s9 =	simm.s32 $0x0;
	s20 =	sshll.u32 s7, $0x1;
	s7 =	sadd.s32 s21, s5  }
0x9f: {  	[timem:s9], [sflag:s22] =	dma.local [hbm:s7], s20  }
0xa0: {  	_ =	swait.ge [sflag:s22], s20  }
0xa1: {  	s6 =	ssub.s32 $0x0, s20;
	[sflag:s22] =	ssyncset.done $0x0  }
0xa2: {  	[sflag:s22] =	ssyncadd.s32 s6;
	_ =	sdelay $0x1  }
0xa3: {  	s23 =	simm.s32 $0x1B8B  }
0xa4: {  	_ =	swait.ge [sflag:s23], $0x1  }
0xa5: {  	[sflag:s23] =	ssyncset.done $0x0  }
0xa6: {  	s25 =	simm.s32 $0x1B8E;
	s24 =	sld [smem:$0x3FFE];
	[sflag:s23] =	ssyncadd.s32 $0xFFFFFFFF  }
0xa7: {  	s26 =	simm.s32 $execute0_lowered;
	[smem:$0x3FD2] =	sst s25  }
0xa8: {  	s7 =	sshll.u32 s26, $0x1;
	_ =	strace $0x80000046;
	[dreg:$0x1] =	wrdreg $0xFFFFFFFF  }
0xa9: {  	s28 =	simm.s32 $_size_execute0_lowered;
	s5 =	sadd.s32 s5, s7;
	[dreg:$0x0] =	wrdreg $0x0  }
0xaa: {  	s7 =	sshll.u32 s28, $0x1;
	[dreg:$0x2] =	wrdreg s5  }
0xab: {  	[dreg:$0x3] =	wrdreg s7  }
0xac: {  	[dreg:$0x4] =	wrdreg $0xC0  }
0xad: {  	_ =	task [dreg:s9], $0x5FFFF  }
0xae: {  	[dreg:$0x1] =	wrdreg $0xFFFFFFFF  }
0xaf: {  	[dreg:$0x0] =	wrdreg $0x60  }
0xb0: {  	[dreg:$0x2] =	wrdreg s2  }
0xb1: {  	[dreg:$0x3] =	wrdreg s24  }
0xb2: {  	[dreg:$0x4] =	wrdreg s18  }
0xb3: {  	[dreg:$0x5] =	wrdreg s4  }
0xb4: {  	[dreg:$0x6] =	wrdreg $0x9  }
0xb5: {  	_ =	task.clear_ibuf [dreg:s9], $0x7FFFF;
	_ =	strace $0x90000046  }
0xb6: {  	s29 =	simm.s32 $0x9;
	_ =	strace $0x80000048  }
0xb7: {  	_ =	swait.ge [sflag:s29], $0x1  }
0xb8: {  	[sflag:s29] =	ssyncadd.s32 $0xFFFFFFFF  }
0xb9: {  	_ =	strace $0x90000048  }
0xba: {  	_ =	sfence  }
0xbb: {  	s30 =	sld [smem:$0x0];
	_ =	sdelay $0x2  }
0xbc: {  	s31 =	sshll.u32 s1, $0xD;
	s1 =	sshrl.u32 s1, $0x2  }
0xbd: {  	s3 =	sand.u32 $0x4000, s31;
	s1 =	sadd.s32 s1, s30  }
0xbe: {  	s0 =	sor.u32 s3, s0;
	s1 =	sshll.u32 s1, $0x11  }
0xbf: {  	s0 =	sor.u32 s1, s0  }
0xc0: {  	s0 =	sadd.s32 $0x8F2B, s0  }
0xc1: {  	[sflag:s0] =	ssyncadd.remote.s32 $0x1  }
0xc2: {  	_ =	sfence.sel $0xFFFF  }
0xc3: {  	[dreg:$0x0] =	wrdreg $0xFFFFFFFF;
	(pc) =	sbr.abs _section_cstart, $3  }
0xc4: {  	[dreg:$0x1] =	wrdreg $0xFFFFFFFF  }
0xc5: {  	_ =	task.clear_ibuf [dreg:s9], $0x2FFFF;
	_ =	strace $0x9FFFFFFF  }
0xc6: {  	(tm) =	ssettm $0x7FFFFFFF  }
0xc7: {  	_ =	shalt  }
tec
execute0_lowered:
.L_overlay_start_1:
0x0: {  	(tag) =	ssettag $0x1  }
0x1: {  	s1 =	rddreg [dreg:$0x0]  }
0x2: {  	s0 =	rddreg [dreg:$0x1]  }
0x3: {  	s2 =	rddreg [dreg:$0x2]  }
0x4: {  	s5 =	rddreg [dreg:$0x3]  }
0x5: {  	s4 =	srdreg.scid;
	s9 =	stileid.u32;
	s3 =	simm.s32 $0x0  }
0x6: {  	s30 =	simm.s32 $0x3980;
	s6 =	sand.u32 $0x1, s4;
	s11 =	sshll.u32 s9, $0x1  }
0x7: {  	[smem:$0x7FF] =	sst s3;
	s7 =	sor.u32 s6, s11;
	s12 =	ssub.s32 $0x2, s6  }
0x8: {  	s8 =	smul.u32 $0x31000, s7;
	s13 =	sand.u32 $0x3, s7;
	s14 =	sshrl.u32 s12, $0x1  }
0x9: {  	s4 =	sadd.s32 $0x400, s0;
	s6 =	smul.u32 $0x62, s13;
	s0 =	ssub.s32 s12, s14  }
0xa: {  	s31 =	simm.s32 $0x3A00;
	_ =	strace $0x80000047;
	s0 =	smax.u32 s0, $0x1  }
0xb: {  	s8 =	sshrl.u32 s8, $0x3;
	s2 =	sadd.s32 s2, s6;
	[dreg:$0x14] =	wrdreg s0  }
0xc: {  	s10 =	simm.s32 $0x7380;
	s8 =	sadd.s32 s5, s8;
	[dreg:$0x6] =	wrdreg s2  }
0xd: {  	s15 =	sshrl.u32 s9, $0x1;
	s16 =	sadd.s32 $0x80, s8;
	[dreg:$0x5] =	wrdreg s8  }
0xe: {  	s9 =	simm.s32 $0x3B80;
	s17 =	sadd.s32 $0xE00, s8;
	[dreg:$0x7] =	wrdreg s16  }
0xf: {  	s11 =	simm.s32 $0xC;
	s18 =	sadd.s32 $0xE80, s8;
	[dreg:$0x8] =	wrdreg s17  }
0x10: {  	s7 =	simm.s32 $0x70;
	s19 =	sadd.s32 $0x1C00, s8;
	[dreg:$0x9] =	wrdreg s18  }
0x11: {  	s12 =	simm.s32 $0x9;
	s20 =	sadd.s32 $0x1C80, s8;
	[dreg:$0xa] =	wrdreg s19  }
0x12: {  	s13 =	simm.s32 $0x6;
	s21 =	sadd.s32 $0x2A00, s8;
	[dreg:$0xb] =	wrdreg s20  }
0x13: {  	s14 =	simm.s32 $0x3;
	s22 =	sadd.s32 $0x2A80, s8;
	[dreg:$0xc] =	wrdreg s21  }
0x14: {  	s5 =	smul.u32 $0xC40, s15;
	s23 =	sadd.s32 $0x3800, s8;
	[dreg:$0xd] =	wrdreg s22  }
0x15: {  	s0 =	simm.s32 $0x800;
	s24 =	sadd.s32 $0x3880, s8;
	[dreg:$0xe] =	wrdreg s23  }
0x16: {  	s6 =	simm.s32 $0x3B00;
	s25 =	sadd.s32 $0x4600, s8;
	[dreg:$0xf] =	wrdreg s24  }
0x17: {  	v1 =	vimm.s32 $0x7;
	v2 =	vimm.s32 $0x1;
	s15 =	simm.s32 $0x4;
	s26 =	sadd.s32 $0x4680, s8;
	[dreg:$0x10] =	wrdreg s25  }
0x18: {  	v3 =	vimm.s32 $0x0;
	v4 =	vlaneseq.u32;
	vm0 =	vmmov $0x1;
	s28 =	sadd.s32 $0x5400, s8;
	s29 =	sadd.s32 $0x5480, s8;
	[dreg:$0x11] =	wrdreg s26  }
0x19: {  	v5 =	vimm.s32 $0x2;
	v6 =	vimm.s32 $0x3;
	v7 =	vimm.s32 $0x4;
	s2 =	simm.s32 $0x3A80;
	s8 =	simm.s32 $0xAB80;
	[dreg:$0x12] =	wrdreg s28  }
0x1a: {  	v8 =	vimm.s32 $0x5;
	v9 =	vimm.s32 $0x6;
	v10 =	vimm.s32 $0x8;
	[dreg:$0x13] =	wrdreg s29;
	s22 =	simm.s32 $0x380;
	s23 =	simm.s32 $0x400  }
0x1b: {  	v11 =	vimm.s32 $0x9;
	v12 =	vimm.s32 $0xA;
	v13 =	vimm.s32 $0xB;
	s16 =	simm.s32 $0xB;
	s17 =	simm.s32 $0x8;
	s18 =	simm.s32 $0x15380  }
0x1c: {  	v14 =	vimm.s32 $0xC;
	v15 =	vimm.s32 $0xD;
	v0 =	vmov s5;
	s19 =	simm.s32 $0x5;
	s20 =	simm.s32 $0x2;
	s5 =	simm.s32 $0x7  }
0x1d: {  	v16 =	vimm.s32 $0xE;
	v17 =	vimm.s32 $0xF;
	v4 =	vmul.u32 $0x8, v4;
	s21 =	simm.s32 $0xA;
	s24 =	simm.s32 $0x1;
	s25 =	simm.s32 $0x0  }
.LBB2_1:
0x1e: {  	s26 =	rddreg [dreg:$0x6];
	s29 =	simm.s32 $0xD  }
0x1f: {  	[tilespmem:s3], [sflag:$0xD] =	stream.linear.gather [hbm4b:s26+s3], $0x310, $0x38;
	[tilespmem:$0x1FB80] =	vst v63  }
0x20: {  	_ =	swait.ge [sflag:s29], $0x310  }
0x21: {  	[sflag:s29] =	ssyncset.done $0x0  }
0x22: {  	[sflag:s29] =	ssyncadd.s32 $0xFFFFFCF0  }
0x23: {  	v18 =	vld [tilespmem:$0x0]  }
0x24: {  	v19 =	vld [tilespmem:$0x10]  }
0x25: {  	v20 =	vld [tilespmem:$0x20]  }
0x26: {  	v21 =	vld [tilespmem:$0x30]  }
0x27: {  	v22 =	vld [tilespmem:$0x40]  }
0x28: {  	v24 =	vld [tilespmem:$0x50];
	v23 =	vadd.s32 v0, v18  }
0x29: {  	v25 =	vld [tilespmem:$0x60];
	v19 =	vadd.s32 v0, v19;
	[tilespmem:$0x0] =	vst v23  }
0x2a: {  	[tilespmem:$0x10] =	vst v19;
	v19 =	vadd.s32 v0, v20;
	v20 =	vld [tilespmem:$0x70]  }
0x2b: {  	[tilespmem:$0x20] =	vst v19;
	v19 =	vadd.s32 v0, v21;
	v21 =	vld [tilespmem:$0x80]  }
0x2c: {  	[tilespmem:$0x30] =	vst v19;
	v19 =	vadd.s32 v0, v22;
	v22 =	vld [tilespmem:$0x90]  }
0x2d: {  	v48 =	vld [tilespmem:$0xA0];
	[tilespmem:$0x40] =	vst v19;
	v19 =	vadd.s32 v0, v24  }
0x2e: {  	v49 =	vld [tilespmem:$0xB0];
	[tilespmem:$0x50] =	vst v19;
	v19 =	vadd.s32 v0, v25  }
0x2f: {  	[tilespmem:$0x60] =	vst v19;
	v19 =	vadd.s32 v0, v20;
	v20 =	vld [tilespmem:$0xC0]  }
0x30: {  	[tilespmem:$0x70] =	vst v19;
	v19 =	vadd.s32 v0, v21;
	v21 =	vld [tilespmem:$0xD0]  }
0x31: {  	[tilespmem:$0x80] =	vst v19;
	v19 =	vadd.s32 v0, v22;
	v22 =	vld [tilespmem:$0xE0]  }
0x32: {  	v50 =	vld [tilespmem:$0xF0];
	[tilespmem:$0x90] =	vst v19;
	v19 =	vadd.s32 v0, v48  }
0x33: {  	v51 =	vld [tilespmem:$0x100];
	[tilespmem:$0xA0] =	vst v19;
	v19 =	vadd.s32 v0, v49  }
0x34: {  	[tilespmem:$0xB0] =	vst v19;
	v19 =	vadd.s32 v0, v20;
	v20 =	vld [tilespmem:$0x110]  }
0x35: {  	[tilespmem:$0xC0] =	vst v19;
	v19 =	vadd.s32 v0, v21;
	v21 =	vld [tilespmem:$0x120]  }
0x36: {  	[tilespmem:$0xD0] =	vst v19;
	v19 =	vadd.s32 v0, v22;
	v22 =	vld [tilespmem:$0x130]  }
0x37: {  	v52 =	vld [tilespmem:$0x140];
	[tilespmem:$0xE0] =	vst v19;
	v19 =	vadd.s32 v0, v50  }
0x38: {  	v53 =	vld [tilespmem:$0x150];
	[tilespmem:$0xF0] =	vst v19;
	v19 =	vadd.s32 v0, v51  }
0x39: {  	[tilespmem:$0x100] =	vst v19;
	v19 =	vadd.s32 v0, v20;
	v20 =	vld [tilespmem:$0x160]  }
0x3a: {  	[tilespmem:$0x110] =	vst v19;
	v19 =	vadd.s32 v0, v21;
	v21 =	vld [tilespmem:$0x170]  }
0x3b: {  	[tilespmem:$0x120] =	vst v19;
	v19 =	vadd.s32 v0, v22;
	v22 =	vld [tilespmem:$0x180]  }
0x3c: {  	v54 =	vld [tilespmem:$0x190];
	[tilespmem:$0x130] =	vst v19;
	v19 =	vadd.s32 v0, v52  }
0x3d: {  	v55 =	vld [tilespmem:$0x1A0];
	[tilespmem:$0x140] =	vst v19;
	v19 =	vadd.s32 v0, v53  }
0x3e: {  	[tilespmem:$0x150] =	vst v19;
	v19 =	vadd.s32 v0, v20;
	v20 =	vld [tilespmem:$0x1B0]  }
0x3f: {  	[tilespmem:$0x160] =	vst v19;
	v19 =	vadd.s32 v0, v21;
	v21 =	vld [tilespmem:$0x1C0]  }
0x40: {  	[tilespmem:$0x170] =	vst v19;
	v19 =	vadd.s32 v0, v22;
	v22 =	vld [tilespmem:$0x1D0]  }
0x41: {  	v56 =	vld [tilespmem:$0x1E0];
	[tilespmem:$0x180] =	vst v19;
	v19 =	vadd.s32 v0, v54  }
0x42: {  	v57 =	vld [tilespmem:$0x1F0];
	[tilespmem:$0x190] =	vst v19;
	v19 =	vadd.s32 v0, v55  }
0x43: {  	[tilespmem:$0x1A0] =	vst v19;
	v19 =	vadd.s32 v0, v20;
	v20 =	vld [tilespmem:$0x200]  }
0x44: {  	[tilespmem:$0x1B0] =	vst v19;
	v19 =	vadd.s32 v0, v21;
	v21 =	vld [tilespmem:$0x210]  }
0x45: {  	[tilespmem:$0x1C0] =	vst v19;
	v19 =	vadd.s32 v0, v22;
	v22 =	vld [tilespmem:$0x220]  }
0x46: {  	v58 =	vld [tilespmem:$0x230];
	[tilespmem:$0x1D0] =	vst v19;
	v19 =	vadd.s32 v0, v56  }
0x47: {  	v59 =	vld [tilespmem:$0x240];
	[tilespmem:$0x1E0] =	vst v19;
	v19 =	vadd.s32 v0, v57  }
0x48: {  	[tilespmem:$0x1F0] =	vst v19;
	v19 =	vadd.s32 v0, v20;
	v20 =	vld [tilespmem:$0x250]  }
0x49: {  	[tilespmem:$0x200] =	vst v19;
	v19 =	vadd.s32 v0, v21;
	v21 =	vld [tilespmem:$0x260]  }
0x4a: {  	[tilespmem:$0x210] =	vst v19;
	v19 =	vadd.s32 v0, v22;
	v22 =	vld [tilespmem:$0x270]  }
0x4b: {  	v60 =	vld [tilespmem:$0x280];
	[tilespmem:$0x220] =	vst v19;
	v19 =	vadd.s32 v0, v58  }
0x4c: {  	v61 =	vld [tilespmem:$0x290];
	[tilespmem:$0x230] =	vst v19;
	v19 =	vadd.s32 v0, v59  }
0x4d: {  	[tilespmem:$0x240] =	vst v19;
	v19 =	vadd.s32 v0, v20;
	v20 =	vld [tilespmem:$0x2A0]  }
0x4e: {  	[tilespmem:$0x250] =	vst v19;
	v19 =	vadd.s32 v0, v21;
	v21 =	vld [tilespmem:$0x2B0]  }
0x4f: {  	[tilespmem:$0x260] =	vst v19;
	v19 =	vadd.s32 v0, v22;
	v22 =	vld [tilespmem:$0x2C0]  }
0x50: {  	v62 =	vld [tilespmem:$0x2D0];
	v23 =	vshll.u32 v23, $0x1;
	[tilespmem:$0x270] =	vst v19;
	v19 =	vadd.s32 v0, v60  }
0x51: {  	v63 =	vld [tilespmem:$0x2E0];
	v18 =	vand.u32 $0x7, v18;
	v23 =	vand.u32 $0xFFFFFFF0, v23;
	[tilespmem:$0x280] =	vst v19;
	v19 =	vadd.s32 v0, v61  }
0x52: {  	v18 =	vor.u32 v18, v23;
	[tilespmem:$0x290] =	vst v19;
	v19 =	vadd.s32 v0, v20;
	v20 =	vld [tilespmem:$0x2F0]  }
0x53: {  	v23 =	vperm.xlane v18, v3;
	[tilespmem:$0x2A0] =	vst v19;
	v19 =	vadd.s32 v0, v21;
	v21 =	vld [tilespmem:$0x300]  }
0x54: {  	[tilespmem:$0x2B0] =	vst v19;
	v19 =	vadd.s32 v0, v22  }
0x55: {  	v22 =	vadd.s32 v4, v23;
	v23 =	vperm.xlane v18, v2;
	[tilespmem:$0x2C0] =	vst v19;
	v19 =	vadd.s32 v0, v62  }
0x56: {  	[tilespmem:$0x2D0] =	vst v19;
	v19 =	vadd.s32 v0, v63  }
0x57: {  	[tilespmem:$0x2E0] =	vst v19;
	v19 =	vadd.s32 v0, v20;
	v20 =	vadd.s32 v4, v23;
	v23 =	vperm.xlane v18, v5  }
0x58: {  	[tilespmem:$0x2F0] =	vst v19;
	v19 =	vadd.s32 v0, v21  }
0x59: {  	v21 =	vperm.xlane v18, v6;
	[tilespmem:$0x300] =	vst v19;
	v19 =	vadd.s32 v4, v23  }
0x5a: {  	[tilespmem:s22], [sflag:$0x1] =	stream.indirect_vreg.gather [hbm4b:s1+s3], $0x80, v22, vm0, $0xb8;
	[tilespmem:$0x1FB80] =	vst v63  }
0x5b: {  	v21 =	vadd.s32 v4, v21;
	v22 =	vperm.xlane v18, v7  }
0x5c: {  	[tilespmem:s23], [sflag:$0x1] =	stream.indirect_vreg.gather [hbm4b:s1+s3], $0x80, v20, vm0, $0xb8;
	[tilespmem:$0x1FB80] =	vst v63  }
0x5d: {  	s29 =	simm.s32 $0x480;
	v20 =	vadd.s32 v4, v22;
	v22 =	vperm.xlane v18, v8  }
0x5e: {  	[tilespmem:s29], [sflag:$0x1] =	stream.indirect_vreg.gather [hbm4b:s1+s3], $0x80, v19, vm0, $0xb8;
	[tilespmem:$0x1FB80] =	vst v63  }
0x5f: {  	v19 =	vadd.s32 v4, v22;
	v22 =	vperm.xlane v18, v9;
	s29 =	simm.s32 $0x500  }
0x60: {  	[tilespmem:s29], [sflag:$0x1] =	stream.indirect_vreg.gather [hbm4b:s1+s3], $0x80, v21, vm0, $0xb8;
	[tilespmem:$0x1FB80] =	vst v63  }
0x61: {  	v21 =	vadd.s32 v4, v22;
	v22 =	vperm.xlane v18, v1;
	s29 =	simm.s32 $0x580  }
0x62: {  	[tilespmem:s29], [sflag:$0x1] =	stream.indirect_vreg.gather [hbm4b:s1+s3], $0x80, v20, vm0, $0xb8;
	[tilespmem:$0x1FB80] =	vst v63  }
0x63: {  	v20 =	vadd.s32 v4, v22;
	v22 =	vperm.xlane v18, v10;
	s29 =	simm.s32 $0x600  }
0x64: {  	[tilespmem:s29], [sflag:$0x1] =	stream.indirect_vreg.gather [hbm4b:s1+s3], $0x80, v19, vm0, $0xb8;
	[tilespmem:$0x1FB80] =	vst v63  }
0x65: {  	v19 =	vadd.s32 v4, v22;
	v22 =	vperm.xlane v18, v11;
	s29 =	simm.s32 $0x680  }
0x66: {  	[tilespmem:s29], [sflag:$0x1] =	stream.indirect_vreg.gather [hbm4b:s1+s3], $0x80, v21, vm0, $0xb8;
	[tilespmem:$0x1FB80] =	vst v63  }
0x67: {  	v21 =	vadd.s32 v4, v22;
	v22 =	vperm.xlane v18, v12;
	s29 =	simm.s32 $0x700  }
0x68: {  	[tilespmem:s29], [sflag:$0x1] =	stream.indirect_vreg.gather [hbm4b:s1+s3], $0x80, v20, vm0, $0xb8;
	[tilespmem:$0x1FB80] =	vst v63  }
0x69: {  	v20 =	vadd.s32 v4, v22;
	v22 =	vperm.xlane v18, v13;
	s29 =	simm.s32 $0x780  }
0x6a: {  	[tilespmem:s29], [sflag:$0x1] =	stream.indirect_vreg.gather [hbm4b:s1+s3], $0x80, v19, vm0, $0xb8;
	[tilespmem:$0x1FB80] =	vst v63  }
0x6b: {  	v19 =	vadd.s32 v4, v22;
	v22 =	vperm.xlane v18, v14  }
0x6c: {  	[tilespmem:s0], [sflag:$0x1] =	stream.indirect_vreg.gather [hbm4b:s1+s3], $0x80, v21, vm0, $0xb8;
	[tilespmem:$0x1FB80] =	vst v63  }
0x6d: {  	s29 =	simm.s32 $0x880;
	v21 =	vadd.s32 v4, v22;
	v22 =	vperm.xlane v18, v15  }
0x6e: {  	[tilespmem:s29], [sflag:$0x1] =	stream.indirect_vreg.gather [hbm4b:s1+s3], $0x80, v20, vm0, $0xb8;
	[tilespmem:$0x1FB80] =	vst v63  }
0x6f: {  	v20 =	vadd.s32 v4, v22;
	v22 =	vperm.xlane v18, v16;
	s29 =	simm.s32 $0x900  }
0x70: {  	[tilespmem:s29], [sflag:$0x1] =	stream.indirect_vreg.gather [hbm4b:s1+s3], $0x80, v19, vm0, $0xb8;
	[tilespmem:$0x1FB80] =	vst v63  }
0x71: {  	v18 =	vperm.xlane v18, v17;
	v19 =	vadd.s32 v4, v22;
	s29 =	simm.s32 $0x980  }
0x72: {  	[tilespmem:s29], [sflag:$0x1] =	stream.indirect_vreg.gather [hbm4b:s1+s3], $0x80, v21, vm0, $0xb8;
	[tilespmem:$0x1FB80] =	vst v63  }
0x73: {  	v18 =	vadd.s32 v4, v18;
	s29 =	simm.s32 $0xA00  }
0x74: {  	[tilespmem:s29], [sflag:$0x1] =	stream.indirect_vreg.gather [hbm4b:s1+s3], $0x80, v20, vm0, $0xb8;
	[tilespmem:$0x1FB80] =	vst v63  }
0x75: {  	s29 =	simm.s32 $0xA80  }
0x76: {  	[tilespmem:s29], [sflag:$0x1] =	stream.indirect_vreg.gather [hbm4b:s1+s3], $0x80, v19, vm0, $0xb8;
	[tilespmem:$0x1FB80] =	vst v63  }
0x77: {  	s29 =	simm.s32 $0xB00  }
0x78: {  	[tilespmem:s29], [sflag:$0x1] =	stream.indirect_vreg.gather [hbm4b:s1+s3], $0x80, v18, vm0, $0xb8;
	[tilespmem:$0x1FB80] =	vst v63  }
0x79: {  	v18 =	vld [tilespmem:$0x10];
	_ =	sdelay $0x4  }
0x7a: {  	v19 =	vshll.u32 v18, $0x1  }
0x7b: {  	v18 =	vand.u32 $0x7, v18;
	v19 =	vand.u32 $0xFFFFFFF0, v19  }
0x7c: {  	v18 =	vor.u32 v18, v19  }
0x7d: {  	v19 =	vperm.xlane v18, v3;
	_ =	sdelay $0x1  }
0x7e: {  	v20 =	vperm.xlane v18, v2;
	v19 =	vadd.s32 v4, v19;
	_ =	sdelay $0x1  }
0x7f: {  	v21 =	vperm.xlane v18, v5;
	v20 =	vadd.s32 v4, v20;
	_ =	sdelay $0x1  }
0x80: {  	s29 =	simm.s32 $0xB80;
	v22 =	vperm.xlane v18, v6;
	v21 =	vadd.s32 v4, v21  }
0x81: {  	[tilespmem:s29], [sflag:$0x1] =	stream.indirect_vreg.gather [hbm4b:s1+s3], $0x80, v19, vm0, $0xb8;
	[tilespmem:$0x1FB80] =	vst v63  }
0x82: {  	v19 =	vadd.s32 v4, v22;
	v22 =	vperm.xlane v18, v7;
	s29 =	simm.s32 $0xC00  }
0x83: {  	[tilespmem:s29], [sflag:$0x1] =	stream.indirect_vreg.gather [hbm4b:s1+s3], $0x80, v20, vm0, $0xb8;
	[tilespmem:$0x1FB80] =	vst v63  }
0x84: {  	v20 =	vadd.s32 v4, v22;
	v22 =	vperm.xlane v18, v8;
	s29 =	simm.s32 $0xC80  }
0x85: {  	[tilespmem:s29], [sflag:$0x1] =	stream.indirect_vreg.gather [hbm4b:s1+s3], $0x80, v21, vm0, $0xb8;
	[tilespmem:$0x1FB80] =	vst v63  }
0x86: {  	v21 =	vadd.s32 v4, v22;
	v22 =	vperm.xlane v18, v9;
	s29 =	simm.s32 $0xD00  }
0x87: {  	[tilespmem:s29], [sflag:$0x1] =	stream.indirect_vreg.gather [hbm4b:s1+s3], $0x80, v19, vm0, $0xb8;
	[tilespmem:$0x1FB80] =	vst v63  }
0x88: {  	v19 =	vadd.s32 v4, v22;
	v22 =	vperm.xlane v18, v1;
	s29 =	simm.s32 $0xD80  }
0x89: {  	[tilespmem:s29], [sflag:$0x1] =	stream.indirect_vreg.gather [hbm4b:s1+s3], $0x80, v20, vm0, $0xb8;
	[tilespmem:$0x1FB80] =	vst v63  }
0x8a: {  	v20 =	vadd.s32 v4, v22;
	v22 =	vperm.xlane v18, v10;
	s29 =	simm.s32 $0xE00  }
0x8b: {  	[tilespmem:s29], [sflag:$0x1] =	stream.indirect_vreg.gather [hbm4b:s1+s3], $0x80, v21, vm0, $0xb8;
	[tilespmem:$0x1FB80] =	vst v63  }
0x8c: {  	v21 =	vadd.s32 v4, v22;
	v22 =	vperm.xlane v18, v11;
	s29 =	simm.s32 $0xE80  }
0x8d: {  	[tilespmem:s29], [sflag:$0x1] =	stream.indirect_vreg.gather [hbm4b:s1+s3], $0x80, v19, vm0, $0xb8;
	[tilespmem:$0x1FB80] =	vst v63  }
0x8e: {  	v19 =	vadd.s32 v4, v22;
	v22 =	vperm.xlane v18, v12;
	s29 =	simm.s32 $0xF00  }
0x8f: {  	[tilespmem:s29], [sflag:$0x1] =	stream.indirect_vreg.gather [hbm4b:s1+s3], $0x80, v20, vm0, $0xb8;
	[tilespmem:$0x1FB80] =	vst v63  }
0x90: {  	v20 =	vadd.s32 v4, v22;
	v22 =	vperm.xlane v18, v13;
	s29 =	simm.s32 $0xF80  }
0x91: {  	[tilespmem:s29], [sflag:$0x1] =	stream.indirect_vreg.gather [hbm4b:s1+s3], $0x80, v21, vm0, $0xb8;
	[tilespmem:$0x1FB80] =	vst v63  }
0x92: {  	v21 =	vadd.s32 v4, v22;
	v22 =	vperm.xlane v18, v14;
	s29 =	simm.s32 $0x1000  }
0x93: {  	[tilespmem:s29], [sflag:$0x1] =	stream.indirect_vreg.gather [hbm4b:s1+s3], $0x80, v19, vm0, $0xb8;
	[tilespmem:$0x1FB80] =	vst v63  }
0x94: {  	v19 =	vadd.s32 v4, v22;
	v22 =	vperm.xlane v18, v15;
	s29 =	simm.s32 $0x1080  }
0x95: {  	[tilespmem:s29], [sflag:$0x1] =	stream.indirect_vreg.gather [hbm4b:s1+s3], $0x80, v20, vm0, $0xb8;
	[tilespmem:$0x1FB80] =	vst v63  }
0x96: {  	v20 =	vadd.s32 v4, v22;
	v22 =	vperm.xlane v18, v16;
	s29 =	simm.s32 $0x1100  }
0x97: {  	[tilespmem:s29], [sflag:$0x1] =	stream.indirect_vreg.gather [hbm4b:s1+s3], $0x80, v21, vm0, $0xb8;
	[tilespmem:$0x1FB80] =	vst v63  }
0x98: {  	v18 =	vperm.xlane v18, v17;
	v21 =	vadd.s32 v4, v22;
	s29 =	simm.s32 $0x1180  }
0x99: {  	[tilespmem:s29], [sflag:$0x1] =	stream.indirect_vreg.gather [hbm4b:s1+s3], $0x80, v19, vm0, $0xb8;
	[tilespmem:$0x1FB80] =	vst v63  }
0x9a: {  	v18 =	vadd.s32 v4, v18;
	s29 =	simm.s32 $0x1200  }
0x9b: {  	[tilespmem:s29], [sflag:$0x1] =	stream.indirect_vreg.gather [hbm4b:s1+s3], $0x80, v20, vm0, $0xb8;
	[tilespmem:$0x1FB80] =	vst v63  }
0x9c: {  	s29 =	simm.s32 $0x1280  }
0x9d: {  	[tilespmem:s29], [sflag:$0x1] =	stream.indirect_vreg.gather [hbm4b:s1+s3], $0x80, v21, vm0, $0xb8;
	[tilespmem:$0x1FB80] =	vst v63  }
0x9e: {  	s29 =	simm.s32 $0x1300  }
0x9f: {  	[tilespmem:s29], [sflag:$0x1] =	stream.indirect_vreg.gather [hbm4b:s1+s3], $0x80, v18, vm0, $0xb8;
	[tilespmem:$0x1FB80] =	vst v63  }
0xa0: {  	v18 =	vld [tilespmem:$0x20];
	_ =	sdelay $0x4  }
0xa1: {  	v19 =	vshll.u32 v18, $0x1  }
0xa2: {  	v18 =	vand.u32 $0x7, v18;
	v19 =	vand.u32 $0xFFFFFFF0, v19  }
0xa3: {  	v18 =	vor.u32 v18, v19  }
0xa4: {  	v19 =	vperm.xlane v18, v3;
	_ =	sdelay $0x1  }
0xa5: {  	v20 =	vperm.xlane v18, v2;
	v19 =	vadd.s32 v4, v19;
	_ =	sdelay $0x1  }
0xa6: {  	v21 =	vperm.xlane v18, v5;
	v20 =	vadd.s32 v4, v20;
	_ =	sdelay $0x1  }
0xa7: {  	s29 =	simm.s32 $0x1380;
	v22 =	vperm.xlane v18, v6;
	v21 =	vadd.s32 v4, v21  }
0xa8: {  	[tilespmem:s29], [sflag:$0x1] =	stream.indirect_vreg.gather [hbm4b:s1+s3], $0x80, v19, vm0, $0xb8;
	[tilespmem:$0x1FB80] =	vst v63  }
0xa9: {  	v19 =	vadd.s32 v4, v22;
	v22 =	vperm.xlane v18, v7;
	s29 =	simm.s32 $0x1400  }
0xaa: {  	[tilespmem:s29], [sflag:$0x1] =	stream.indirect_vreg.gather [hbm4b:s1+s3], $0x80, v20, vm0, $0xb8;
	[tilespmem:$0x1FB80] =	vst v63  }
0xab: {  	v20 =	vadd.s32 v4, v22;
	v22 =	vperm.xlane v18, v8;
	s29 =	simm.s32 $0x1480  }
0xac: {  	[tilespmem:s29], [sflag:$0x1] =	stream.indirect_vreg.gather [hbm4b:s1+s3], $0x80, v21, vm0, $0xb8;
	[tilespmem:$0x1FB80] =	vst v63  }
0xad: {  	v21 =	vadd.s32 v4, v22;
	v22 =	vperm.xlane v18, v9;
	s29 =	simm.s32 $0x1500  }
0xae: {  	[tilespmem:s29], [sflag:$0x1] =	stream.indirect_vreg.gather [hbm4b:s1+s3], $0x80, v19, vm0, $0xb8;
	[tilespmem:$0x1FB80] =	vst v63  }
0xaf: {  	v19 =	vadd.s32 v4, v22;
	v22 =	vperm.xlane v18, v1;
	s29 =	simm.s32 $0x1580  }
0xb0: {  	[tilespmem:s29], [sflag:$0x1] =	stream.indirect_vreg.gather [hbm4b:s1+s3], $0x80, v20, vm0, $0xb8;
	[tilespmem:$0x1FB80] =	vst v63  }
0xb1: {  	v20 =	vadd.s32 v4, v22;
	v22 =	vperm.xlane v18, v10;
	s29 =	simm.s32 $0x1600  }
0xb2: {  	[tilespmem:s29], [sflag:$0x1] =	stream.indirect_vreg.gather [hbm4b:s1+s3], $0x80, v21, vm0, $0xb8;
	[tilespmem:$0x1FB80] =	vst v63  }
0xb3: {  	v21 =	vadd.s32 v4, v22;
	v22 =	vperm.xlane v18, v11;
	s29 =	simm.s32 $0x1680  }
0xb4: {  	[tilespmem:s29], [sflag:$0x1] =	stream.indirect_vreg.gather [hbm4b:s1+s3], $0x80, v19, vm0, $0xb8;
	[tilespmem:$0x1FB80] =	vst v63  }
0xb5: {  	v19 =	vadd.s32 v4, v22;
	v22 =	vperm.xlane v18, v12;
	s29 =	simm.s32 $0x1700  }
0xb6: {  	[tilespmem:s29], [sflag:$0x1] =	stream.indirect_vreg.gather [hbm4b:s1+s3], $0x80, v20, vm0, $0xb8;
	[tilespmem:$0x1FB80] =	vst v63  }
0xb7: {  	v20 =	vadd.s32 v4, v22;
	v22 =	vperm.xlane v18, v13;
	s29 =	simm.s32 $0x1780  }
0xb8: {  	[tilespmem:s29], [sflag:$0x1] =	stream.indirect_vreg.gather [hbm4b:s1+s3], $0x80, v21, vm0, $0xb8;
	[tilespmem:$0x1FB80] =	vst v63  }
0xb9: {  	v21 =	vadd.s32 v4, v22;
	v22 =	vperm.xlane v18, v14;
	s29 =	simm.s32 $0x1800  }
0xba: {  	[tilespmem:s29], [sflag:$0x1] =	stream.indirect_vreg.gather [hbm4b:s1+s3], $0x80, v19, vm0, $0xb8;
	[tilespmem:$0x1FB80] =	vst v63  }
0xbb: {  	v19 =	vadd.s32 v4, v22;
	v22 =	vperm.xlane v18, v15;
	s29 =	simm.s32 $0x1880  }
0xbc: {  	[tilespmem:s29], [sflag:$0x1] =	stream.indirect_vreg.gather [hbm4b:s1+s3], $0x80, v20, vm0, $0xb8;
	[tilespmem:$0x1FB80] =	vst v63  }
0xbd: {  	v20 =	vadd.s32 v4, v22;
	v22 =	vperm.xlane v18, v16;
	s29 =	simm.s32 $0x1900  }
0xbe: {  	[tilespmem:s29], [sflag:$0x1] =	stream.indirect_vreg.gather [hbm4b:s1+s3], $0x80, v21, vm0, $0xb8;
	[tilespmem:$0x1FB80] =	vst v63  }
0xbf: {  	v18 =	vperm.xlane v18, v17;
	v21 =	vadd.s32 v4, v22;
	s29 =	simm.s32 $0x1980  }
0xc0: {  	[tilespmem:s29], [sflag:$0x1] =	stream.indirect_vreg.gather [hbm4b:s1+s3], $0x80, v19, vm0, $0xb8;
	[tilespmem:$0x1FB80] =	vst v63  }
0xc1: {  	v18 =	vadd.s32 v4, v18;
	s29 =	simm.s32 $0x1A00  }
0xc2: {  	[tilespmem:s29], [sflag:$0x1] =	stream.indirect_vreg.gather [hbm4b:s1+s3], $0x80, v20, vm0, $0xb8;
	[tilespmem:$0x1FB80] =	vst v63  }
0xc3: {  	s29 =	simm.s32 $0x1A80  }
0xc4: {  	[tilespmem:s29], [sflag:$0x1] =	stream.indirect_vreg.gather [hbm4b:s1+s3], $0x80, v21, vm0, $0xb8;
	[tilespmem:$0x1FB80] =	vst v63  }
0xc5: {  	s29 =	simm.s32 $0x1B00  }
0xc6: {  	[tilespmem:s29], [sflag:$0x1] =	stream.indirect_vreg.gather [hbm4b:s1+s3], $0x80, v18, vm0, $0xb8;
	[tilespmem:$0x1FB80] =	vst v63  }
0xc7: {  	v18 =	vld [tilespmem:$0x30];
	_ =	sdelay $0x4  }
0xc8: {  	v19 =	vshll.u32 v18, $0x1  }
0xc9: {  	v18 =	vand.u32 $0x7, v18;
	v19 =	vand.u32 $0xFFFFFFF0, v19  }
0xca: {  	v18 =	vor.u32 v18, v19  }
0xcb: {  	v19 =	vperm.xlane v18, v3;
	_ =	sdelay $0x1  }
0xcc: {  	v20 =	vperm.xlane v18, v2;
	v19 =	vadd.s32 v4, v19;
	_ =	sdelay $0x1  }
0xcd: {  	v21 =	vperm.xlane v18, v5;
	v20 =	vadd.s32 v4, v20;
	_ =	sdelay $0x1  }
0xce: {  	s29 =	simm.s32 $0x1B80;
	v22 =	vperm.xlane v18, v6;
	v21 =	vadd.s32 v4, v21  }
0xcf: {  	[tilespmem:s29], [sflag:$0x1] =	stream.indirect_vreg.gather [hbm4b:s1+s3], $0x80, v19, vm0, $0xb8;
	[tilespmem:$0x1FB80] =	vst v63  }
0xd0: {  	v19 =	vadd.s32 v4, v22;
	v22 =	vperm.xlane v18, v7;
	s29 =	simm.s32 $0x1C00  }
0xd1: {  	[tilespmem:s29], [sflag:$0x1] =	stream.indirect_vreg.gather [hbm4b:s1+s3], $0x80, v20, vm0, $0xb8;
	[tilespmem:$0x1FB80] =	vst v63  }
0xd2: {  	v20 =	vadd.s32 v4, v22;
	v22 =	vperm.xlane v18, v8;
	s29 =	simm.s32 $0x1C80  }
0xd3: {  	[tilespmem:s29], [sflag:$0x1] =	stream.indirect_vreg.gather [hbm4b:s1+s3], $0x80, v21, vm0, $0xb8;
	[tilespmem:$0x1FB80] =	vst v63  }
0xd4: {  	v21 =	vadd.s32 v4, v22;
	v22 =	vperm.xlane v18, v9;
	s29 =	simm.s32 $0x1D00  }
0xd5: {  	[tilespmem:s29], [sflag:$0x1] =	stream.indirect_vreg.gather [hbm4b:s1+s3], $0x80, v19, vm0, $0xb8;
	[tilespmem:$0x1FB80] =	vst v63  }
0xd6: {  	v19 =	vadd.s32 v4, v22;
	v22 =	vperm.xlane v18, v1;
	s29 =	simm.s32 $0x1D80  }
0xd7: {  	[tilespmem:s29], [sflag:$0x1] =	stream.indirect_vreg.gather [hbm4b:s1+s3], $0x80, v20, vm0, $0xb8;
	[tilespmem:$0x1FB80] =	vst v63  }
0xd8: {  	v20 =	vadd.s32 v4, v22;
	v22 =	vperm.xlane v18, v10;
	s29 =	simm.s32 $0x1E00  }
0xd9: {  	[tilespmem:s29], [sflag:$0x1] =	stream.indirect_vreg.gather [hbm4b:s1+s3], $0x80, v21, vm0, $0xb8;
	[tilespmem:$0x1FB80] =	vst v63  }
0xda: {  	v21 =	vadd.s32 v4, v22;
	v22 =	vperm.xlane v18, v11;
	s29 =	simm.s32 $0x1E80  }
0xdb: {  	[tilespmem:s29], [sflag:$0x1] =	stream.indirect_vreg.gather [hbm4b:s1+s3], $0x80, v19, vm0, $0xb8;
	[tilespmem:$0x1FB80] =	vst v63  }
0xdc: {  	v19 =	vadd.s32 v4, v22;
	v22 =	vperm.xlane v18, v12;
	s29 =	simm.s32 $0x1F00  }
0xdd: {  	[tilespmem:s29], [sflag:$0x1] =	stream.indirect_vreg.gather [hbm4b:s1+s3], $0x80, v20, vm0, $0xb8;
	[tilespmem:$0x1FB80] =	vst v63  }
0xde: {  	v20 =	vadd.s32 v4, v22;
	v22 =	vperm.xlane v18, v13;
	s29 =	simm.s32 $0x1F80  }
0xdf: {  	[tilespmem:s29], [sflag:$0x1] =	stream.indirect_vreg.gather [hbm4b:s1+s3], $0x80, v21, vm0, $0xb8;
	[tilespmem:$0x1FB80] =	vst v63  }
0xe0: {  	v21 =	vadd.s32 v4, v22;
	v22 =	vperm.xlane v18, v14;
	s29 =	simm.s32 $0x2000  }
0xe1: {  	[tilespmem:s29], [sflag:$0x1] =	stream.indirect_vreg.gather [hbm4b:s1+s3], $0x80, v19, vm0, $0xb8;
	[tilespmem:$0x1FB80] =	vst v63  }
0xe2: {  	v19 =	vadd.s32 v4, v22;
	v22 =	vperm.xlane v18, v15;
	s29 =	simm.s32 $0x2080  }
0xe3: {  	[tilespmem:s29], [sflag:$0x1] =	stream.indirect_vreg.gather [hbm4b:s1+s3], $0x80, v20, vm0, $0xb8;
	[tilespmem:$0x1FB80] =	vst v63  }
0xe4: {  	v20 =	vadd.s32 v4, v22;
	v22 =	vperm.xlane v18, v16;
	s29 =	simm.s32 $0x2100  }
0xe5: {  	[tilespmem:s29], [sflag:$0x1] =	stream.indirect_vreg.gather [hbm4b:s1+s3], $0x80, v21, vm0, $0xb8;
	[tilespmem:$0x1FB80] =	vst v63  }
0xe6: {  	v18 =	vperm.xlane v18, v17;
	v21 =	vadd.s32 v4, v22;
	s29 =	simm.s32 $0x2180  }
0xe7: {  	[tilespmem:s29], [sflag:$0x1] =	stream.indirect_vreg.gather [hbm4b:s1+s3], $0x80, v19, vm0, $0xb8;
	[tilespmem:$0x1FB80] =	vst v63  }
0xe8: {  	v18 =	vadd.s32 v4, v18;
	s29 =	simm.s32 $0x2200  }
0xe9: {  	[tilespmem:s29], [sflag:$0x1] =	stream.indirect_vreg.gather [hbm4b:s1+s3], $0x80, v20, vm0, $0xb8;
	[tilespmem:$0x1FB80] =	vst v63  }
0xea: {  	s29 =	simm.s32 $0x2280  }
0xeb: {  	[tilespmem:s29], [sflag:$0x1] =	stream.indirect_vreg.gather [hbm4b:s1+s3], $0x80, v21, vm0, $0xb8;
	[tilespmem:$0x1FB80] =	vst v63  }
0xec: {  	s29 =	simm.s32 $0x2300  }
0xed: {  	[tilespmem:s29], [sflag:$0x1] =	stream.indirect_vreg.gather [hbm4b:s1+s3], $0x80, v18, vm0, $0xb8;
	[tilespmem:$0x1FB80] =	vst v63  }
0xee: {  	v18 =	vld [tilespmem:$0x40];
	_ =	sdelay $0x4  }
0xef: {  	v19 =	vshll.u32 v18, $0x1  }
0xf0: {  	v18 =	vand.u32 $0x7, v18;
	v19 =	vand.u32 $0xFFFFFFF0, v19  }
0xf1: {  	v18 =	vor.u32 v18, v19  }
0xf2: {  	v19 =	vperm.xlane v18, v3;
	_ =	sdelay $0x1  }
0xf3: {  	v20 =	vperm.xlane v18, v2;
	v19 =	vadd.s32 v4, v19;
	_ =	sdelay $0x1  }
0xf4: {  	v21 =	vperm.xlane v18, v5;
	v20 =	vadd.s32 v4, v20;
	_ =	sdelay $0x1  }
0xf5: {  	s29 =	simm.s32 $0x2380;
	v22 =	vperm.xlane v18, v6;
	v21 =	vadd.s32 v4, v21  }
0xf6: {  	[tilespmem:s29], [sflag:$0x1] =	stream.indirect_vreg.gather [hbm4b:s1+s3], $0x80, v19, vm0, $0xb8;
	[tilespmem:$0x1FB80] =	vst v63  }
0xf7: {  	v19 =	vadd.s32 v4, v22;
	v22 =	vperm.xlane v18, v7;
	s29 =	simm.s32 $0x2400  }
0xf8: {  	[tilespmem:s29], [sflag:$0x1] =	stream.indirect_vreg.gather [hbm4b:s1+s3], $0x80, v20, vm0, $0xb8;
	[tilespmem:$0x1FB80] =	vst v63  }
0xf9: {  	v20 =	vadd.s32 v4, v22;
	v22 =	vperm.xlane v18, v8;
	s29 =	simm.s32 $0x2480  }
0xfa: {  	[tilespmem:s29], [sflag:$0x1] =	stream.indirect_vreg.gather [hbm4b:s1+s3], $0x80, v21, vm0, $0xb8;
	[tilespmem:$0x1FB80] =	vst v63  }
0xfb: {  	v21 =	vadd.s32 v4, v22;
	v22 =	vperm.xlane v18, v9;
	s29 =	simm.s32 $0x2500  }
0xfc: {  	[tilespmem:s29], [sflag:$0x1] =	stream.indirect_vreg.gather [hbm4b:s1+s3], $0x80, v19, vm0, $0xb8;
	[tilespmem:$0x1FB80] =	vst v63  }
0xfd: {  	v19 =	vadd.s32 v4, v22;
	v22 =	vperm.xlane v18, v1;
	s29 =	simm.s32 $0x2580  }
0xfe: {  	[tilespmem:s29], [sflag:$0x1] =	stream.indirect_vreg.gather [hbm4b:s1+s3], $0x80, v20, vm0, $0xb8;
	[tilespmem:$0x1FB80] =	vst v63  }
0xff: {  	v20 =	vadd.s32 v4, v22;
	v22 =	vperm.xlane v18, v10;
	s29 =	simm.s32 $0x2600  }
0x100: {  	[tilespmem:s29], [sflag:$0x1] =	stream.indirect_vreg.gather [hbm4b:s1+s3], $0x80, v21, vm0, $0xb8;
	[tilespmem:$0x1FB80] =	vst v63  }
0x101: {  	v21 =	vadd.s32 v4, v22;
	v22 =	vperm.xlane v18, v11;
	s29 =	simm.s32 $0x2680  }
0x102: {  	[tilespmem:s29], [sflag:$0x1] =	stream.indirect_vreg.gather [hbm4b:s1+s3], $0x80, v19, vm0, $0xb8;
	[tilespmem:$0x1FB80] =	vst v63  }
0x103: {  	v19 =	vadd.s32 v4, v22;
	v22 =	vperm.xlane v18, v12;
	s29 =	simm.s32 $0x2700  }
0x104: {  	[tilespmem:s29], [sflag:$0x1] =	stream.indirect_vreg.gather [hbm4b:s1+s3], $0x80, v20, vm0, $0xb8;
	[tilespmem:$0x1FB80] =	vst v63  }
0x105: {  	v20 =	vadd.s32 v4, v22;
	v22 =	vperm.xlane v18, v13;
	s29 =	simm.s32 $0x2780  }
0x106: {  	[tilespmem:s29], [sflag:$0x1] =	stream.indirect_vreg.gather [hbm4b:s1+s3], $0x80, v21, vm0, $0xb8;
	[tilespmem:$0x1FB80] =	vst v63  }
0x107: {  	v21 =	vadd.s32 v4, v22;
	v22 =	vperm.xlane v18, v14;
	s29 =	simm.s32 $0x2800  }
0x108: {  	[tilespmem:s29], [sflag:$0x1] =	stream.indirect_vreg.gather [hbm4b:s1+s3], $0x80, v19, vm0, $0xb8;
	[tilespmem:$0x1FB80] =	vst v63  }
0x109: {  	v19 =	vadd.s32 v4, v22;
	v22 =	vperm.xlane v18, v15;
	s29 =	simm.s32 $0x2880  }
0x10a: {  	[tilespmem:s29], [sflag:$0x1] =	stream.indirect_vreg.gather [hbm4b:s1+s3], $0x80, v20, vm0, $0xb8;
	[tilespmem:$0x1FB80] =	vst v63  }
0x10b: {  	v20 =	vadd.s32 v4, v22;
	v22 =	vperm.xlane v18, v16;
	s29 =	simm.s32 $0x2900  }
0x10c: {  	[tilespmem:s29], [sflag:$0x1] =	stream.indirect_vreg.gather [hbm4b:s1+s3], $0x80, v21, vm0, $0xb8;
	[tilespmem:$0x1FB80] =	vst v63  }
0x10d: {  	v18 =	vperm.xlane v18, v17;
	v21 =	vadd.s32 v4, v22;
	s29 =	simm.s32 $0x2980  }
0x10e: {  	[tilespmem:s29], [sflag:$0x1] =	stream.indirect_vreg.gather [hbm4b:s1+s3], $0x80, v19, vm0, $0xb8;
	[tilespmem:$0x1FB80] =	vst v63  }
0x10f: {  	v18 =	vadd.s32 v4, v18;
	s29 =	simm.s32 $0x2A00  }
0x110: {  	[tilespmem:s29], [sflag:$0x1] =	stream.indirect_vreg.gather [hbm4b:s1+s3], $0x80, v20, vm0, $0xb8;
	[tilespmem:$0x1FB80] =	vst v63  }
0x111: {  	s29 =	simm.s32 $0x2A80  }
0x112: {  	[tilespmem:s29], [sflag:$0x1] =	stream.indirect_vreg.gather [hbm4b:s1+s3], $0x80, v21, vm0, $0xb8;
	[tilespmem:$0x1FB80] =	vst v63  }
0x113: {  	s29 =	simm.s32 $0x2B00  }
0x114: {  	[tilespmem:s29], [sflag:$0x1] =	stream.indirect_vreg.gather [hbm4b:s1+s3], $0x80, v18, vm0, $0xb8;
	[tilespmem:$0x1FB80] =	vst v63  }
0x115: {  	v18 =	vld [tilespmem:$0x50];
	_ =	sdelay $0x4  }
0x116: {  	v19 =	vshll.u32 v18, $0x1  }
0x117: {  	v18 =	vand.u32 $0x7, v18;
	v19 =	vand.u32 $0xFFFFFFF0, v19  }
0x118: {  	v18 =	vor.u32 v18, v19  }
0x119: {  	v19 =	vperm.xlane v18, v3;
	_ =	sdelay $0x1  }
0x11a: {  	v20 =	vperm.xlane v18, v2;
	v19 =	vadd.s32 v4, v19;
	_ =	sdelay $0x1  }
0x11b: {  	v21 =	vperm.xlane v18, v5;
	v20 =	vadd.s32 v4, v20;
	_ =	sdelay $0x1  }
0x11c: {  	s29 =	simm.s32 $0x2B80;
	v22 =	vperm.xlane v18, v6;
	v21 =	vadd.s32 v4, v21  }
0x11d: {  	[tilespmem:s29], [sflag:$0x1] =	stream.indirect_vreg.gather [hbm4b:s1+s3], $0x80, v19, vm0, $0xb8;
	[tilespmem:$0x1FB80] =	vst v63  }
0x11e: {  	v19 =	vadd.s32 v4, v22;
	v22 =	vperm.xlane v18, v7;
	s29 =	simm.s32 $0x2C00  }
0x11f: {  	[tilespmem:s29], [sflag:$0x1] =	stream.indirect_vreg.gather [hbm4b:s1+s3], $0x80, v20, vm0, $0xb8;
	[tilespmem:$0x1FB80] =	vst v63  }
0x120: {  	v20 =	vadd.s32 v4, v22;
	v22 =	vperm.xlane v18, v8;
	s29 =	simm.s32 $0x2C80  }
0x121: {  	[tilespmem:s29], [sflag:$0x1] =	stream.indirect_vreg.gather [hbm4b:s1+s3], $0x80, v21, vm0, $0xb8;
	[tilespmem:$0x1FB80] =	vst v63  }
0x122: {  	v21 =	vadd.s32 v4, v22;
	v22 =	vperm.xlane v18, v9;
	s29 =	simm.s32 $0x2D00  }
0x123: {  	[tilespmem:s29], [sflag:$0x1] =	stream.indirect_vreg.gather [hbm4b:s1+s3], $0x80, v19, vm0, $0xb8;
	[tilespmem:$0x1FB80] =	vst v63  }
0x124: {  	v19 =	vadd.s32 v4, v22;
	v22 =	vperm.xlane v18, v1;
	s29 =	simm.s32 $0x2D80  }
0x125: {  	[tilespmem:s29], [sflag:$0x1] =	stream.indirect_vreg.gather [hbm4b:s1+s3], $0x80, v20, vm0, $0xb8;
	[tilespmem:$0x1FB80] =	vst v63  }
0x126: {  	v20 =	vadd.s32 v4, v22;
	v22 =	vperm.xlane v18, v10;
	s29 =	simm.s32 $0x2E00  }
0x127: {  	[tilespmem:s29], [sflag:$0x1] =	stream.indirect_vreg.gather [hbm4b:s1+s3], $0x80, v21, vm0, $0xb8;
	[tilespmem:$0x1FB80] =	vst v63  }
0x128: {  	v21 =	vadd.s32 v4, v22;
	v22 =	vperm.xlane v18, v11;
	s29 =	simm.s32 $0x2E80  }
0x129: {  	[tilespmem:s29], [sflag:$0x1] =	stream.indirect_vreg.gather [hbm4b:s1+s3], $0x80, v19, vm0, $0xb8;
	[tilespmem:$0x1FB80] =	vst v63  }
0x12a: {  	v19 =	vadd.s32 v4, v22;
	v22 =	vperm.xlane v18, v12;
	s29 =	simm.s32 $0x2F00  }
0x12b: {  	[tilespmem:s29], [sflag:$0x1] =	stream.indirect_vreg.gather [hbm4b:s1+s3], $0x80, v20, vm0, $0xb8;
	[tilespmem:$0x1FB80] =	vst v63  }
0x12c: {  	v20 =	vadd.s32 v4, v22;
	v22 =	vperm.xlane v18, v13;
	s29 =	simm.s32 $0x2F80  }
0x12d: {  	[tilespmem:s29], [sflag:$0x1] =	stream.indirect_vreg.gather [hbm4b:s1+s3], $0x80, v21, vm0, $0xb8;
	[tilespmem:$0x1FB80] =	vst v63  }
0x12e: {  	v21 =	vadd.s32 v4, v22;
	v22 =	vperm.xlane v18, v14;
	s29 =	simm.s32 $0x3000  }
0x12f: {  	[tilespmem:s29], [sflag:$0x1] =	stream.indirect_vreg.gather [hbm4b:s1+s3], $0x80, v19, vm0, $0xb8;
	[tilespmem:$0x1FB80] =	vst v63  }
0x130: {  	v19 =	vadd.s32 v4, v22;
	v22 =	vperm.xlane v18, v15;
	s29 =	simm.s32 $0x3080  }
0x131: {  	[tilespmem:s29], [sflag:$0x1] =	stream.indirect_vreg.gather [hbm4b:s1+s3], $0x80, v20, vm0, $0xb8;
	[tilespmem:$0x1FB80] =	vst v63  }
0x132: {  	v20 =	vadd.s32 v4, v22;
	v22 =	vperm.xlane v18, v16;
	s29 =	simm.s32 $0x3100  }
0x133: {  	[tilespmem:s29], [sflag:$0x1] =	stream.indirect_vreg.gather [hbm4b:s1+s3], $0x80, v21, vm0, $0xb8;
	[tilespmem:$0x1FB80] =	vst v63  }
0x134: {  	v18 =	vperm.xlane v18, v17;
	v21 =	vadd.s32 v4, v22;
	s29 =	simm.s32 $0x3180  }
0x135: {  	[tilespmem:s29], [sflag:$0x1] =	stream.indirect_vreg.gather [hbm4b:s1+s3], $0x80, v19, vm0, $0xb8;
	[tilespmem:$0x1FB80] =	vst v63  }
0x136: {  	v18 =	vadd.s32 v4, v18;
	s29 =	simm.s32 $0x3200  }
0x137: {  	[tilespmem:s29], [sflag:$0x1] =	stream.indirect_vreg.gather [hbm4b:s1+s3], $0x80, v20, vm0, $0xb8;
	[tilespmem:$0x1FB80] =	vst v63  }
0x138: {  	s29 =	simm.s32 $0x3280  }
0x139: {  	[tilespmem:s29], [sflag:$0x1] =	stream.indirect_vreg.gather [hbm4b:s1+s3], $0x80, v21, vm0, $0xb8;
	[tilespmem:$0x1FB80] =	vst v63  }
0x13a: {  	s29 =	simm.s32 $0x3300  }
0x13b: {  	[tilespmem:s29], [sflag:$0x1] =	stream.indirect_vreg.gather [hbm4b:s1+s3], $0x80, v18, vm0, $0xb8;
	[tilespmem:$0x1FB80] =	vst v63  }
0x13c: {  	v18 =	vld [tilespmem:$0x60];
	_ =	sdelay $0x4  }
0x13d: {  	v19 =	vshll.u32 v18, $0x1  }
0x13e: {  	v18 =	vand.u32 $0x7, v18;
	v19 =	vand.u32 $0xFFFFFFF0, v19  }
0x13f: {  	v18 =	vor.u32 v18, v19  }
0x140: {  	v19 =	vperm.xlane v18, v3;
	_ =	sdelay $0x1  }
0x141: {  	v20 =	vperm.xlane v18, v2;
	v19 =	vadd.s32 v4, v19;
	_ =	sdelay $0x1  }
0x142: {  	v21 =	vperm.xlane v18, v5;
	v20 =	vadd.s32 v4, v20;
	_ =	sdelay $0x1  }
0x143: {  	s29 =	simm.s32 $0x3380;
	v22 =	vperm.xlane v18, v6;
	v21 =	vadd.s32 v4, v21  }
0x144: {  	[tilespmem:s29], [sflag:$0x1] =	stream.indirect_vreg.gather [hbm4b:s1+s3], $0x80, v19, vm0, $0xb8;
	[tilespmem:$0x1FB80] =	vst v63  }
0x145: {  	v19 =	vadd.s32 v4, v22;
	v22 =	vperm.xlane v18, v7;
	s29 =	simm.s32 $0x3400  }
0x146: {  	[tilespmem:s29], [sflag:$0x1] =	stream.indirect_vreg.gather [hbm4b:s1+s3], $0x80, v20, vm0, $0xb8;
	[tilespmem:$0x1FB80] =	vst v63  }
0x147: {  	v20 =	vadd.s32 v4, v22;
	v22 =	vperm.xlane v18, v8;
	s29 =	simm.s32 $0x3480  }
0x148: {  	[tilespmem:s29], [sflag:$0x1] =	stream.indirect_vreg.gather [hbm4b:s1+s3], $0x80, v21, vm0, $0xb8;
	[tilespmem:$0x1FB80] =	vst v63  }
0x149: {  	v21 =	vadd.s32 v4, v22;
	v22 =	vperm.xlane v18, v9;
	s29 =	simm.s32 $0x3500  }
0x14a: {  	[tilespmem:s29], [sflag:$0x1] =	stream.indirect_vreg.gather [hbm4b:s1+s3], $0x80, v19, vm0, $0xb8;
	[tilespmem:$0x1FB80] =	vst v63  }
0x14b: {  	v19 =	vadd.s32 v4, v22;
	v22 =	vperm.xlane v18, v1;
	s29 =	simm.s32 $0x3580  }
0x14c: {  	[tilespmem:s29], [sflag:$0x1] =	stream.indirect_vreg.gather [hbm4b:s1+s3], $0x80, v20, vm0, $0xb8;
	[tilespmem:$0x1FB80] =	vst v63  }
0x14d: {  	v20 =	vadd.s32 v4, v22;
	v22 =	vperm.xlane v18, v10;
	s29 =	simm.s32 $0x3600  }
0x14e: {  	[tilespmem:s29], [sflag:$0x1] =	stream.indirect_vreg.gather [hbm4b:s1+s3], $0x80, v21, vm0, $0xb8;
	[tilespmem:$0x1FB80] =	vst v63  }
0x14f: {  	v21 =	vadd.s32 v4, v22;
	v22 =	vperm.xlane v18, v11;
	s29 =	simm.s32 $0x3680  }
0x150: {  	[tilespmem:s29], [sflag:$0x1] =	stream.indirect_vreg.gather [hbm4b:s1+s3], $0x80, v19, vm0, $0xb8;
	[tilespmem:$0x1FB80] =	vst v63  }
0x151: {  	v19 =	vadd.s32 v4, v22;
	v22 =	vperm.xlane v18, v12;
	s29 =	simm.s32 $0x3700  }
0x152: {  	[tilespmem:s29], [sflag:$0x1] =	stream.indirect_vreg.gather [hbm4b:s1+s3], $0x80, v20, vm0, $0xb8;
	[tilespmem:$0x1FB80] =	vst v63  }
0x153: {  	v20 =	vadd.s32 v4, v22;
	v22 =	vperm.xlane v18, v13;
	s29 =	simm.s32 $0x3780  }
0x154: {  	[tilespmem:s29], [sflag:$0x1] =	stream.indirect_vreg.gather [hbm4b:s1+s3], $0x80, v21, vm0, $0xb8;
	[tilespmem:$0x1FB80] =	vst v63  }
0x155: {  	v21 =	vadd.s32 v4, v22;
	v22 =	vperm.xlane v18, v14;
	s29 =	simm.s32 $0x3800  }
0x156: {  	[tilespmem:s29], [sflag:$0x1] =	stream.indirect_vreg.gather [hbm4b:s1+s3], $0x80, v19, vm0, $0xb8;
	[tilespmem:$0x1FB80] =	vst v63  }
0x157: {  	v19 =	vadd.s32 v4, v22;
	v22 =	vperm.xlane v18, v15;
	s29 =	simm.s32 $0x3880  }
0x158: {  	[tilespmem:s29], [sflag:$0x1] =	stream.indirect_vreg.gather [hbm4b:s1+s3], $0x80, v20, vm0, $0xb8;
	[tilespmem:$0x1FB80] =	vst v63  }
0x159: {  	v20 =	vadd.s32 v4, v22;
	v22 =	vperm.xlane v18, v16;
	s29 =	simm.s32 $0x3900  }
0x15a: {  	[tilespmem:s29], [sflag:$0x1] =	stream.indirect_vreg.gather [hbm4b:s1+s3], $0x80, v21, vm0, $0xb8;
	[tilespmem:$0x1FB80] =	vst v63  }
0x15b: {  	v18 =	vperm.xlane v18, v17;
	v21 =	vadd.s32 v4, v22  }
0x15c: {  	[tilespmem:s30], [sflag:$0x1] =	stream.indirect_vreg.gather [hbm4b:s1+s3], $0x80, v19, vm0, $0xb8;
	[tilespmem:$0x1FB80] =	vst v63  }
0x15d: {  	v18 =	vadd.s32 v4, v18  }
0x15e: {  	[tilespmem:s31], [sflag:$0x1] =	stream.indirect_vreg.gather [hbm4b:s1+s3], $0x80, v20, vm0, $0xb8;
	[tilespmem:$0x1FB80] =	vst v63  }
0x15f: {  	_ = 	snop  }
0x160: {  	[tilespmem:s2], [sflag:$0x1] =	stream.indirect_vreg.gather [hbm4b:s1+s3], $0x80, v21, vm0, $0xb8;
	[tilespmem:$0x1FB80] =	vst v63  }
0x161: {  	_ = 	snop  }
0x162: {  	[tilespmem:s6], [sflag:$0x1] =	stream.indirect_vreg.gather [hbm4b:s1+s3], $0x80, v18, vm0, $0xb8;
	[tilespmem:$0x1FB80] =	vst v63  }
0x163: {  	_ = 	snop  }
0x164: {  	[tilespmem:s8], [sflag:$0x4] =	stream.indirect.gather [hbm4b:s4+s7], $0x80, s3, s7, $0xb8;
	[tilespmem:$0x1FB80] =	vst v63  }
0x165: {  	v18 =	vld [tilespmem:$0x70];
	_ =	sdelay $0x4  }
0x166: {  	v19 =	vshll.u32 v18, $0x1  }
0x167: {  	v18 =	vand.u32 $0x7, v18;
	v19 =	vand.u32 $0xFFFFFFF0, v19  }
0x168: {  	v18 =	vor.u32 v18, v19  }
0x169: {  	v19 =	vperm.xlane v18, v3;
	_ =	sdelay $0x1  }
0x16a: {  	v20 =	vperm.xlane v18, v2;
	v19 =	vadd.s32 v4, v19;
	_ =	sdelay $0x1  }
0x16b: {  	v21 =	vperm.xlane v18, v5;
	v20 =	vadd.s32 v4, v20;
	_ =	sdelay $0x1  }
0x16c: {  	v22 =	vperm.xlane v18, v6;
	v21 =	vadd.s32 v4, v21  }
0x16d: {  	[tilespmem:s9], [sflag:$0x2] =	stream.indirect_vreg.gather [hbm4b:s1+s3], $0x80, v19, vm0, $0xb8;
	[tilespmem:$0x1FB80] =	vst v63  }
0x16e: {  	s29 =	simm.s32 $0x3C00;
	v19 =	vadd.s32 v4, v22;
	v22 =	vperm.xlane v18, v7  }
0x16f: {  	[tilespmem:s29], [sflag:$0x2] =	stream.indirect_vreg.gather [hbm4b:s1+s3], $0x80, v20, vm0, $0xb8;
	[tilespmem:$0x1FB80] =	vst v63  }
0x170: {  	v20 =	vadd.s32 v4, v22;
	v22 =	vperm.xlane v18, v8;
	s29 =	simm.s32 $0x3C80  }
0x171: {  	[tilespmem:s29], [sflag:$0x2] =	stream.indirect_vreg.gather [hbm4b:s1+s3], $0x80, v21, vm0, $0xb8;
	[tilespmem:$0x1FB80] =	vst v63  }
0x172: {  	v21 =	vadd.s32 v4, v22;
	v22 =	vperm.xlane v18, v9;
	s29 =	simm.s32 $0x3D00  }
0x173: {  	[tilespmem:s29], [sflag:$0x2] =	stream.indirect_vreg.gather [hbm4b:s1+s3], $0x80, v19, vm0, $0xb8;
	[tilespmem:$0x1FB80] =	vst v63  }
0x174: {  	v19 =	vadd.s32 v4, v22;
	v22 =	vperm.xlane v18, v1;
	s29 =	simm.s32 $0x3D80  }
0x175: {  	[tilespmem:s29], [sflag:$0x2] =	stream.indirect_vreg.gather [hbm4b:s1+s3], $0x80, v20, vm0, $0xb8;
	[tilespmem:$0x1FB80] =	vst v63  }
0x176: {  	v20 =	vadd.s32 v4, v22;
	v22 =	vperm.xlane v18, v10;
	s29 =	simm.s32 $0x3E00  }
0x177: {  	[tilespmem:s29], [sflag:$0x2] =	stream.indirect_vreg.gather [hbm4b:s1+s3], $0x80, v21, vm0, $0xb8;
	[tilespmem:$0x1FB80] =	vst v63  }
0x178: {  	v21 =	vadd.s32 v4, v22;
	v22 =	vperm.xlane v18, v11;
	s29 =	simm.s32 $0x3E80  }
0x179: {  	[tilespmem:s29], [sflag:$0x2] =	stream.indirect_vreg.gather [hbm4b:s1+s3], $0x80, v19, vm0, $0xb8;
	[tilespmem:$0x1FB80] =	vst v63  }
0x17a: {  	v19 =	vadd.s32 v4, v22;
	v22 =	vperm.xlane v18, v12;
	s29 =	simm.s32 $0x3F00  }
0x17b: {  	[tilespmem:s29], [sflag:$0x2] =	stream.indirect_vreg.gather [hbm4b:s1+s3], $0x80, v20, vm0, $0xb8;
	[tilespmem:$0x1FB80] =	vst v63  }
0x17c: {  	v20 =	vadd.s32 v4, v22;
	v22 =	vperm.xlane v18, v13;
	s29 =	simm.s32 $0x3F80  }
0x17d: {  	[tilespmem:s29], [sflag:$0x2] =	stream.indirect_vreg.gather [hbm4b:s1+s3], $0x80, v21, vm0, $0xb8;
	[tilespmem:$0x1FB80] =	vst v63  }
0x17e: {  	v21 =	vadd.s32 v4, v22;
	v22 =	vperm.xlane v18, v14;
	s29 =	simm.s32 $0x4000  }
0x17f: {  	[tilespmem:s29], [sflag:$0x2] =	stream.indirect_vreg.gather [hbm4b:s1+s3], $0x80, v19, vm0, $0xb8;
	[tilespmem:$0x1FB80] =	vst v63  }
0x180: {  	v19 =	vadd.s32 v4, v22;
	v22 =	vperm.xlane v18, v15;
	s29 =	simm.s32 $0x4080  }
0x181: {  	[tilespmem:s29], [sflag:$0x2] =	stream.indirect_vreg.gather [hbm4b:s1+s3], $0x80, v20, vm0, $0xb8;
	[tilespmem:$0x1FB80] =	vst v63  }
0x182: {  	v20 =	vadd.s32 v4, v22;
	v22 =	vperm.xlane v18, v16;
	s29 =	simm.s32 $0x4100  }
0x183: {  	[tilespmem:s29], [sflag:$0x2] =	stream.indirect_vreg.gather [hbm4b:s1+s3], $0x80, v21, vm0, $0xb8;
	[tilespmem:$0x1FB80] =	vst v63  }
0x184: {  	v18 =	vperm.xlane v18, v17;
	v21 =	vadd.s32 v4, v22;
	s29 =	simm.s32 $0x4180  }
0x185: {  	[tilespmem:s29], [sflag:$0x2] =	stream.indirect_vreg.gather [hbm4b:s1+s3], $0x80, v19, vm0, $0xb8;
	[tilespmem:$0x1FB80] =	vst v63  }
0x186: {  	v18 =	vadd.s32 v4, v18;
	s29 =	simm.s32 $0x4200  }
0x187: {  	[tilespmem:s29], [sflag:$0x2] =	stream.indirect_vreg.gather [hbm4b:s1+s3], $0x80, v20, vm0, $0xb8;
	[tilespmem:$0x1FB80] =	vst v63  }
0x188: {  	s29 =	simm.s32 $0x4280  }
0x189: {  	[tilespmem:s29], [sflag:$0x2] =	stream.indirect_vreg.gather [hbm4b:s1+s3], $0x80, v21, vm0, $0xb8;
	[tilespmem:$0x1FB80] =	vst v63  }
0x18a: {  	s29 =	simm.s32 $0x4300  }
0x18b: {  	[tilespmem:s29], [sflag:$0x2] =	stream.indirect_vreg.gather [hbm4b:s1+s3], $0x80, v18, vm0, $0xb8;
	[tilespmem:$0x1FB80] =	vst v63  }
0x18c: {  	v18 =	vld [tilespmem:$0x80];
	_ =	sdelay $0x4  }
0x18d: {  	v19 =	vshll.u32 v18, $0x1  }
0x18e: {  	v18 =	vand.u32 $0x7, v18;
	v19 =	vand.u32 $0xFFFFFFF0, v19  }
0x18f: {  	v18 =	vor.u32 v18, v19  }
0x190: {  	v19 =	vperm.xlane v18, v3;
	_ =	sdelay $0x1  }
0x191: {  	v20 =	vperm.xlane v18, v2;
	v19 =	vadd.s32 v4, v19;
	_ =	sdelay $0x1  }
0x192: {  	v21 =	vperm.xlane v18, v5;
	v20 =	vadd.s32 v4, v20;
	_ =	sdelay $0x1  }
0x193: {  	s29 =	simm.s32 $0x4380;
	v22 =	vperm.xlane v18, v6;
	v21 =	vadd.s32 v4, v21  }
0x194: {  	[tilespmem:s29], [sflag:$0x2] =	stream.indirect_vreg.gather [hbm4b:s1+s3], $0x80, v19, vm0, $0xb8;
	[tilespmem:$0x1FB80] =	vst v63  }
0x195: {  	v19 =	vadd.s32 v4, v22;
	v22 =	vperm.xlane v18, v7;
	s29 =	simm.s32 $0x4400  }
0x196: {  	[tilespmem:s29], [sflag:$0x2] =	stream.indirect_vreg.gather [hbm4b:s1+s3], $0x80, v20, vm0, $0xb8;
	[tilespmem:$0x1FB80] =	vst v63  }
0x197: {  	v20 =	vadd.s32 v4, v22;
	v22 =	vperm.xlane v18, v8;
	s29 =	simm.s32 $0x4480  }
0x198: {  	[tilespmem:s29], [sflag:$0x2] =	stream.indirect_vreg.gather [hbm4b:s1+s3], $0x80, v21, vm0, $0xb8;
	[tilespmem:$0x1FB80] =	vst v63  }
0x199: {  	v21 =	vadd.s32 v4, v22;
	v22 =	vperm.xlane v18, v9;
	s29 =	simm.s32 $0x4500  }
0x19a: {  	[tilespmem:s29], [sflag:$0x2] =	stream.indirect_vreg.gather [hbm4b:s1+s3], $0x80, v19, vm0, $0xb8;
	[tilespmem:$0x1FB80] =	vst v63  }
0x19b: {  	v19 =	vadd.s32 v4, v22;
	v22 =	vperm.xlane v18, v1;
	s29 =	simm.s32 $0x4580  }
0x19c: {  	[tilespmem:s29], [sflag:$0x2] =	stream.indirect_vreg.gather [hbm4b:s1+s3], $0x80, v20, vm0, $0xb8;
	[tilespmem:$0x1FB80] =	vst v63  }
0x19d: {  	v20 =	vadd.s32 v4, v22;
	v22 =	vperm.xlane v18, v10;
	s29 =	simm.s32 $0x4600  }
0x19e: {  	[tilespmem:s29], [sflag:$0x2] =	stream.indirect_vreg.gather [hbm4b:s1+s3], $0x80, v21, vm0, $0xb8;
	[tilespmem:$0x1FB80] =	vst v63  }
0x19f: {  	v21 =	vadd.s32 v4, v22;
	v22 =	vperm.xlane v18, v11;
	s29 =	simm.s32 $0x4680  }
0x1a0: {  	[tilespmem:s29], [sflag:$0x2] =	stream.indirect_vreg.gather [hbm4b:s1+s3], $0x80, v19, vm0, $0xb8;
	[tilespmem:$0x1FB80] =	vst v63  }
0x1a1: {  	v19 =	vadd.s32 v4, v22;
	v22 =	vperm.xlane v18, v12;
	s29 =	simm.s32 $0x4700  }
0x1a2: {  	[tilespmem:s29], [sflag:$0x2] =	stream.indirect_vreg.gather [hbm4b:s1+s3], $0x80, v20, vm0, $0xb8;
	[tilespmem:$0x1FB80] =	vst v63  }
0x1a3: {  	v20 =	vadd.s32 v4, v22;
	v22 =	vperm.xlane v18, v13;
	s29 =	simm.s32 $0x4780  }
0x1a4: {  	[tilespmem:s29], [sflag:$0x2] =	stream.indirect_vreg.gather [hbm4b:s1+s3], $0x80, v21, vm0, $0xb8;
	[tilespmem:$0x1FB80] =	vst v63  }
0x1a5: {  	v21 =	vadd.s32 v4, v22;
	v22 =	vperm.xlane v18, v14;
	s29 =	simm.s32 $0x4800  }
0x1a6: {  	[tilespmem:s29], [sflag:$0x2] =	stream.indirect_vreg.gather [hbm4b:s1+s3], $0x80, v19, vm0, $0xb8;
	[tilespmem:$0x1FB80] =	vst v63  }
0x1a7: {  	v19 =	vadd.s32 v4, v22;
	v22 =	vperm.xlane v18, v15;
	s29 =	simm.s32 $0x4880  }
0x1a8: {  	[tilespmem:s29], [sflag:$0x2] =	stream.indirect_vreg.gather [hbm4b:s1+s3], $0x80, v20, vm0, $0xb8;
	[tilespmem:$0x1FB80] =	vst v63  }
0x1a9: {  	v20 =	vadd.s32 v4, v22;
	v22 =	vperm.xlane v18, v16;
	s29 =	simm.s32 $0x4900  }
0x1aa: {  	[tilespmem:s29], [sflag:$0x2] =	stream.indirect_vreg.gather [hbm4b:s1+s3], $0x80, v21, vm0, $0xb8;
	[tilespmem:$0x1FB80] =	vst v63  }
0x1ab: {  	v18 =	vperm.xlane v18, v17;
	v21 =	vadd.s32 v4, v22;
	s29 =	simm.s32 $0x4980  }
0x1ac: {  	[tilespmem:s29], [sflag:$0x2] =	stream.indirect_vreg.gather [hbm4b:s1+s3], $0x80, v19, vm0, $0xb8;
	[tilespmem:$0x1FB80] =	vst v63  }
0x1ad: {  	v18 =	vadd.s32 v4, v18;
	s29 =	simm.s32 $0x4A00  }
0x1ae: {  	[tilespmem:s29], [sflag:$0x2] =	stream.indirect_vreg.gather [hbm4b:s1+s3], $0x80, v20, vm0, $0xb8;
	[tilespmem:$0x1FB80] =	vst v63  }
0x1af: {  	s29 =	simm.s32 $0x4A80  }
0x1b0: {  	[tilespmem:s29], [sflag:$0x2] =	stream.indirect_vreg.gather [hbm4b:s1+s3], $0x80, v21, vm0, $0xb8;
	[tilespmem:$0x1FB80] =	vst v63  }
0x1b1: {  	s29 =	simm.s32 $0x4B00  }
0x1b2: {  	[tilespmem:s29], [sflag:$0x2] =	stream.indirect_vreg.gather [hbm4b:s1+s3], $0x80, v18, vm0, $0xb8;
	[tilespmem:$0x1FB80] =	vst v63  }
0x1b3: {  	v18 =	vld [tilespmem:$0x90];
	_ =	sdelay $0x4  }
0x1b4: {  	v19 =	vshll.u32 v18, $0x1  }
0x1b5: {  	v18 =	vand.u32 $0x7, v18;
	v19 =	vand.u32 $0xFFFFFFF0, v19  }
0x1b6: {  	v18 =	vor.u32 v18, v19  }
0x1b7: {  	v19 =	vperm.xlane v18, v3;
	_ =	sdelay $0x1  }
0x1b8: {  	v20 =	vperm.xlane v18, v2;
	v19 =	vadd.s32 v4, v19;
	_ =	sdelay $0x1  }
0x1b9: {  	v21 =	vperm.xlane v18, v5;
	v20 =	vadd.s32 v4, v20;
	_ =	sdelay $0x1  }
0x1ba: {  	s29 =	simm.s32 $0x4B80;
	v22 =	vperm.xlane v18, v6;
	v21 =	vadd.s32 v4, v21  }
0x1bb: {  	[tilespmem:s29], [sflag:$0x2] =	stream.indirect_vreg.gather [hbm4b:s1+s3], $0x80, v19, vm0, $0xb8;
	[tilespmem:$0x1FB80] =	vst v63  }
0x1bc: {  	v19 =	vadd.s32 v4, v22;
	v22 =	vperm.xlane v18, v7;
	s29 =	simm.s32 $0x4C00  }
0x1bd: {  	[tilespmem:s29], [sflag:$0x2] =	stream.indirect_vreg.gather [hbm4b:s1+s3], $0x80, v20, vm0, $0xb8;
	[tilespmem:$0x1FB80] =	vst v63  }
0x1be: {  	v20 =	vadd.s32 v4, v22;
	v22 =	vperm.xlane v18, v8;
	s29 =	simm.s32 $0x4C80  }
0x1bf: {  	[tilespmem:s29], [sflag:$0x2] =	stream.indirect_vreg.gather [hbm4b:s1+s3], $0x80, v21, vm0, $0xb8;
	[tilespmem:$0x1FB80] =	vst v63  }
0x1c0: {  	v21 =	vadd.s32 v4, v22;
	v22 =	vperm.xlane v18, v9;
	s29 =	simm.s32 $0x4D00  }
0x1c1: {  	[tilespmem:s29], [sflag:$0x2] =	stream.indirect_vreg.gather [hbm4b:s1+s3], $0x80, v19, vm0, $0xb8;
	[tilespmem:$0x1FB80] =	vst v63  }
0x1c2: {  	v19 =	vadd.s32 v4, v22;
	v22 =	vperm.xlane v18, v1;
	s29 =	simm.s32 $0x4D80  }
0x1c3: {  	[tilespmem:s29], [sflag:$0x2] =	stream.indirect_vreg.gather [hbm4b:s1+s3], $0x80, v20, vm0, $0xb8;
	[tilespmem:$0x1FB80] =	vst v63  }
0x1c4: {  	v20 =	vadd.s32 v4, v22;
	v22 =	vperm.xlane v18, v10;
	s29 =	simm.s32 $0x4E00  }
0x1c5: {  	[tilespmem:s29], [sflag:$0x2] =	stream.indirect_vreg.gather [hbm4b:s1+s3], $0x80, v21, vm0, $0xb8;
	[tilespmem:$0x1FB80] =	vst v63  }
0x1c6: {  	v21 =	vadd.s32 v4, v22;
	v22 =	vperm.xlane v18, v11;
	s29 =	simm.s32 $0x4E80  }
0x1c7: {  	[tilespmem:s29], [sflag:$0x2] =	stream.indirect_vreg.gather [hbm4b:s1+s3], $0x80, v19, vm0, $0xb8;
	[tilespmem:$0x1FB80] =	vst v63  }
0x1c8: {  	v19 =	vadd.s32 v4, v22;
	v22 =	vperm.xlane v18, v12;
	s29 =	simm.s32 $0x4F00  }
0x1c9: {  	[tilespmem:s29], [sflag:$0x2] =	stream.indirect_vreg.gather [hbm4b:s1+s3], $0x80, v20, vm0, $0xb8;
	[tilespmem:$0x1FB80] =	vst v63  }
0x1ca: {  	v20 =	vadd.s32 v4, v22;
	v22 =	vperm.xlane v18, v13;
	s29 =	simm.s32 $0x4F80  }
0x1cb: {  	[tilespmem:s29], [sflag:$0x2] =	stream.indirect_vreg.gather [hbm4b:s1+s3], $0x80, v21, vm0, $0xb8;
	[tilespmem:$0x1FB80] =	vst v63  }
0x1cc: {  	v21 =	vadd.s32 v4, v22;
	v22 =	vperm.xlane v18, v14;
	s29 =	simm.s32 $0x5000  }
0x1cd: {  	[tilespmem:s29], [sflag:$0x2] =	stream.indirect_vreg.gather [hbm4b:s1+s3], $0x80, v19, vm0, $0xb8;
	[tilespmem:$0x1FB80] =	vst v63  }
0x1ce: {  	v19 =	vadd.s32 v4, v22;
	v22 =	vperm.xlane v18, v15;
	s29 =	simm.s32 $0x5080  }
0x1cf: {  	[tilespmem:s29], [sflag:$0x2] =	stream.indirect_vreg.gather [hbm4b:s1+s3], $0x80, v20, vm0, $0xb8;
	[tilespmem:$0x1FB80] =	vst v63  }
0x1d0: {  	v20 =	vadd.s32 v4, v22;
	v22 =	vperm.xlane v18, v16;
	s29 =	simm.s32 $0x5100  }
0x1d1: {  	[tilespmem:s29], [sflag:$0x2] =	stream.indirect_vreg.gather [hbm4b:s1+s3], $0x80, v21, vm0, $0xb8;
	[tilespmem:$0x1FB80] =	vst v63  }
0x1d2: {  	v18 =	vperm.xlane v18, v17;
	v21 =	vadd.s32 v4, v22;
	s29 =	simm.s32 $0x5180  }
0x1d3: {  	[tilespmem:s29], [sflag:$0x2] =	stream.indirect_vreg.gather [hbm4b:s1+s3], $0x80, v19, vm0, $0xb8;
	[tilespmem:$0x1FB80] =	vst v63  }
0x1d4: {  	v18 =	vadd.s32 v4, v18;
	s29 =	simm.s32 $0x5200  }
0x1d5: {  	[tilespmem:s29], [sflag:$0x2] =	stream.indirect_vreg.gather [hbm4b:s1+s3], $0x80, v20, vm0, $0xb8;
	[tilespmem:$0x1FB80] =	vst v63  }
0x1d6: {  	s29 =	simm.s32 $0x5280  }
0x1d7: {  	[tilespmem:s29], [sflag:$0x2] =	stream.indirect_vreg.gather [hbm4b:s1+s3], $0x80, v21, vm0, $0xb8;
	[tilespmem:$0x1FB80] =	vst v63  }
0x1d8: {  	s29 =	simm.s32 $0x5300  }
0x1d9: {  	[tilespmem:s29], [sflag:$0x2] =	stream.indirect_vreg.gather [hbm4b:s1+s3], $0x80, v18, vm0, $0xb8;
	[tilespmem:$0x1FB80] =	vst v63  }
0x1da: {  	v18 =	vld [tilespmem:$0xA0];
	_ =	sdelay $0x4  }
0x1db: {  	v19 =	vshll.u32 v18, $0x1  }
0x1dc: {  	v18 =	vand.u32 $0x7, v18;
	v19 =	vand.u32 $0xFFFFFFF0, v19  }
0x1dd: {  	v18 =	vor.u32 v18, v19  }
0x1de: {  	v19 =	vperm.xlane v18, v3;
	_ =	sdelay $0x1  }
0x1df: {  	v20 =	vperm.xlane v18, v2;
	v19 =	vadd.s32 v4, v19;
	_ =	sdelay $0x1  }
0x1e0: {  	v21 =	vperm.xlane v18, v5;
	v20 =	vadd.s32 v4, v20;
	_ =	sdelay $0x1  }
0x1e1: {  	s29 =	simm.s32 $0x5380;
	v22 =	vperm.xlane v18, v6;
	v21 =	vadd.s32 v4, v21  }
0x1e2: {  	[tilespmem:s29], [sflag:$0x2] =	stream.indirect_vreg.gather [hbm4b:s1+s3], $0x80, v19, vm0, $0xb8;
	[tilespmem:$0x1FB80] =	vst v63  }
0x1e3: {  	v19 =	vadd.s32 v4, v22;
	v22 =	vperm.xlane v18, v7;
	s29 =	simm.s32 $0x5400  }
0x1e4: {  	[tilespmem:s29], [sflag:$0x2] =	stream.indirect_vreg.gather [hbm4b:s1+s3], $0x80, v20, vm0, $0xb8;
	[tilespmem:$0x1FB80] =	vst v63  }
0x1e5: {  	v20 =	vadd.s32 v4, v22;
	v22 =	vperm.xlane v18, v8;
	s29 =	simm.s32 $0x5480  }
0x1e6: {  	[tilespmem:s29], [sflag:$0x2] =	stream.indirect_vreg.gather [hbm4b:s1+s3], $0x80, v21, vm0, $0xb8;
	[tilespmem:$0x1FB80] =	vst v63  }
0x1e7: {  	v21 =	vadd.s32 v4, v22;
	v22 =	vperm.xlane v18, v9;
	s29 =	simm.s32 $0x5500  }
0x1e8: {  	[tilespmem:s29], [sflag:$0x2] =	stream.indirect_vreg.gather [hbm4b:s1+s3], $0x80, v19, vm0, $0xb8;
	[tilespmem:$0x1FB80] =	vst v63  }
0x1e9: {  	v19 =	vadd.s32 v4, v22;
	v22 =	vperm.xlane v18, v1;
	s29 =	simm.s32 $0x5580  }
0x1ea: {  	[tilespmem:s29], [sflag:$0x2] =	stream.indirect_vreg.gather [hbm4b:s1+s3], $0x80, v20, vm0, $0xb8;
	[tilespmem:$0x1FB80] =	vst v63  }
0x1eb: {  	v20 =	vadd.s32 v4, v22;
	v22 =	vperm.xlane v18, v10;
	s29 =	simm.s32 $0x5600  }
0x1ec: {  	[tilespmem:s29], [sflag:$0x2] =	stream.indirect_vreg.gather [hbm4b:s1+s3], $0x80, v21, vm0, $0xb8;
	[tilespmem:$0x1FB80] =	vst v63  }
0x1ed: {  	v21 =	vadd.s32 v4, v22;
	v22 =	vperm.xlane v18, v11;
	s29 =	simm.s32 $0x5680  }
0x1ee: {  	[tilespmem:s29], [sflag:$0x2] =	stream.indirect_vreg.gather [hbm4b:s1+s3], $0x80, v19, vm0, $0xb8;
	[tilespmem:$0x1FB80] =	vst v63  }
0x1ef: {  	v19 =	vadd.s32 v4, v22;
	v22 =	vperm.xlane v18, v12;
	s29 =	simm.s32 $0x5700  }
0x1f0: {  	[tilespmem:s29], [sflag:$0x2] =	stream.indirect_vreg.gather [hbm4b:s1+s3], $0x80, v20, vm0, $0xb8;
	[tilespmem:$0x1FB80] =	vst v63  }
0x1f1: {  	v20 =	vadd.s32 v4, v22;
	v22 =	vperm.xlane v18, v13;
	s29 =	simm.s32 $0x5780  }
0x1f2: {  	[tilespmem:s29], [sflag:$0x2] =	stream.indirect_vreg.gather [hbm4b:s1+s3], $0x80, v21, vm0, $0xb8;
	[tilespmem:$0x1FB80] =	vst v63  }
0x1f3: {  	v21 =	vadd.s32 v4, v22;
	v22 =	vperm.xlane v18, v14;
	s29 =	simm.s32 $0x5800  }
0x1f4: {  	[tilespmem:s29], [sflag:$0x2] =	stream.indirect_vreg.gather [hbm4b:s1+s3], $0x80, v19, vm0, $0xb8;
	[tilespmem:$0x1FB80] =	vst v63  }
0x1f5: {  	v19 =	vadd.s32 v4, v22;
	v22 =	vperm.xlane v18, v15;
	s29 =	simm.s32 $0x5880  }
0x1f6: {  	[tilespmem:s29], [sflag:$0x2] =	stream.indirect_vreg.gather [hbm4b:s1+s3], $0x80, v20, vm0, $0xb8;
	[tilespmem:$0x1FB80] =	vst v63  }
0x1f7: {  	v20 =	vadd.s32 v4, v22;
	v22 =	vperm.xlane v18, v16;
	s29 =	simm.s32 $0x5900  }
0x1f8: {  	[tilespmem:s29], [sflag:$0x2] =	stream.indirect_vreg.gather [hbm4b:s1+s3], $0x80, v21, vm0, $0xb8;
	[tilespmem:$0x1FB80] =	vst v63  }
0x1f9: {  	v18 =	vperm.xlane v18, v17;
	v21 =	vadd.s32 v4, v22;
	s29 =	simm.s32 $0x5980  }
0x1fa: {  	[tilespmem:s29], [sflag:$0x2] =	stream.indirect_vreg.gather [hbm4b:s1+s3], $0x80, v19, vm0, $0xb8;
	[tilespmem:$0x1FB80] =	vst v63  }
0x1fb: {  	v18 =	vadd.s32 v4, v18;
	s29 =	simm.s32 $0x5A00  }
0x1fc: {  	[tilespmem:s29], [sflag:$0x2] =	stream.indirect_vreg.gather [hbm4b:s1+s3], $0x80, v20, vm0, $0xb8;
	[tilespmem:$0x1FB80] =	vst v63  }
0x1fd: {  	s29 =	simm.s32 $0x5A80  }
0x1fe: {  	[tilespmem:s29], [sflag:$0x2] =	stream.indirect_vreg.gather [hbm4b:s1+s3], $0x80, v21, vm0, $0xb8;
	[tilespmem:$0x1FB80] =	vst v63  }
0x1ff: {  	s29 =	simm.s32 $0x5B00  }
0x200: {  	[tilespmem:s29], [sflag:$0x2] =	stream.indirect_vreg.gather [hbm4b:s1+s3], $0x80, v18, vm0, $0xb8;
	[tilespmem:$0x1FB80] =	vst v63  }
0x201: {  	v18 =	vld [tilespmem:$0xB0];
	_ =	sdelay $0x4  }
0x202: {  	v19 =	vshll.u32 v18, $0x1  }
0x203: {  	v18 =	vand.u32 $0x7, v18;
	v19 =	vand.u32 $0xFFFFFFF0, v19  }
0x204: {  	v18 =	vor.u32 v18, v19  }
0x205: {  	v19 =	vperm.xlane v18, v3;
	_ =	sdelay $0x1  }
0x206: {  	v20 =	vperm.xlane v18, v2;
	v19 =	vadd.s32 v4, v19;
	_ =	sdelay $0x1  }
0x207: {  	v21 =	vperm.xlane v18, v5;
	v20 =	vadd.s32 v4, v20;
	_ =	sdelay $0x1  }
0x208: {  	s29 =	simm.s32 $0x5B80;
	v22 =	vperm.xlane v18, v6;
	v21 =	vadd.s32 v4, v21  }
0x209: {  	[tilespmem:s29], [sflag:$0x2] =	stream.indirect_vreg.gather [hbm4b:s1+s3], $0x80, v19, vm0, $0xb8;
	[tilespmem:$0x1FB80] =	vst v63  }
0x20a: {  	v19 =	vadd.s32 v4, v22;
	v22 =	vperm.xlane v18, v7;
	s29 =	simm.s32 $0x5C00  }
0x20b: {  	[tilespmem:s29], [sflag:$0x2] =	stream.indirect_vreg.gather [hbm4b:s1+s3], $0x80, v20, vm0, $0xb8;
	[tilespmem:$0x1FB80] =	vst v63  }
0x20c: {  	v20 =	vadd.s32 v4, v22;
	v22 =	vperm.xlane v18, v8;
	s29 =	simm.s32 $0x5C80  }
0x20d: {  	[tilespmem:s29], [sflag:$0x2] =	stream.indirect_vreg.gather [hbm4b:s1+s3], $0x80, v21, vm0, $0xb8;
	[tilespmem:$0x1FB80] =	vst v63  }
0x20e: {  	v21 =	vadd.s32 v4, v22;
	v22 =	vperm.xlane v18, v9;
	s29 =	simm.s32 $0x5D00  }
0x20f: {  	[tilespmem:s29], [sflag:$0x2] =	stream.indirect_vreg.gather [hbm4b:s1+s3], $0x80, v19, vm0, $0xb8;
	[tilespmem:$0x1FB80] =	vst v63  }
0x210: {  	v19 =	vadd.s32 v4, v22;
	v22 =	vperm.xlane v18, v1;
	s29 =	simm.s32 $0x5D80  }
0x211: {  	[tilespmem:s29], [sflag:$0x2] =	stream.indirect_vreg.gather [hbm4b:s1+s3], $0x80, v20, vm0, $0xb8;
	[tilespmem:$0x1FB80] =	vst v63  }
0x212: {  	v20 =	vadd.s32 v4, v22;
	v22 =	vperm.xlane v18, v10;
	s29 =	simm.s32 $0x5E00  }
0x213: {  	[tilespmem:s29], [sflag:$0x2] =	stream.indirect_vreg.gather [hbm4b:s1+s3], $0x80, v21, vm0, $0xb8;
	[tilespmem:$0x1FB80] =	vst v63  }
0x214: {  	v21 =	vadd.s32 v4, v22;
	v22 =	vperm.xlane v18, v11;
	s29 =	simm.s32 $0x5E80  }
0x215: {  	[tilespmem:s29], [sflag:$0x2] =	stream.indirect_vreg.gather [hbm4b:s1+s3], $0x80, v19, vm0, $0xb8;
	[tilespmem:$0x1FB80] =	vst v63  }
0x216: {  	v19 =	vadd.s32 v4, v22;
	v22 =	vperm.xlane v18, v12;
	s29 =	simm.s32 $0x5F00  }
0x217: {  	[tilespmem:s29], [sflag:$0x2] =	stream.indirect_vreg.gather [hbm4b:s1+s3], $0x80, v20, vm0, $0xb8;
	[tilespmem:$0x1FB80] =	vst v63  }
0x218: {  	v20 =	vadd.s32 v4, v22;
	v22 =	vperm.xlane v18, v13;
	s29 =	simm.s32 $0x5F80  }
0x219: {  	[tilespmem:s29], [sflag:$0x2] =	stream.indirect_vreg.gather [hbm4b:s1+s3], $0x80, v21, vm0, $0xb8;
	[tilespmem:$0x1FB80] =	vst v63  }
0x21a: {  	v21 =	vadd.s32 v4, v22;
	v22 =	vperm.xlane v18, v14;
	s29 =	simm.s32 $0x6000  }
0x21b: {  	[tilespmem:s29], [sflag:$0x2] =	stream.indirect_vreg.gather [hbm4b:s1+s3], $0x80, v19, vm0, $0xb8;
	[tilespmem:$0x1FB80] =	vst v63  }
0x21c: {  	v19 =	vadd.s32 v4, v22;
	v22 =	vperm.xlane v18, v15;
	s29 =	simm.s32 $0x6080  }
0x21d: {  	[tilespmem:s29], [sflag:$0x2] =	stream.indirect_vreg.gather [hbm4b:s1+s3], $0x80, v20, vm0, $0xb8;
	[tilespmem:$0x1FB80] =	vst v63  }
0x21e: {  	v20 =	vadd.s32 v4, v22;
	v22 =	vperm.xlane v18, v16;
	s29 =	simm.s32 $0x6100  }
0x21f: {  	[tilespmem:s29], [sflag:$0x2] =	stream.indirect_vreg.gather [hbm4b:s1+s3], $0x80, v21, vm0, $0xb8;
	[tilespmem:$0x1FB80] =	vst v63  }
0x220: {  	v18 =	vperm.xlane v18, v17;
	v21 =	vadd.s32 v4, v22;
	s29 =	simm.s32 $0x6180  }
0x221: {  	[tilespmem:s29], [sflag:$0x2] =	stream.indirect_vreg.gather [hbm4b:s1+s3], $0x80, v19, vm0, $0xb8;
	[tilespmem:$0x1FB80] =	vst v63  }
0x222: {  	v18 =	vadd.s32 v4, v18;
	s29 =	simm.s32 $0x6200  }
0x223: {  	[tilespmem:s29], [sflag:$0x2] =	stream.indirect_vreg.gather [hbm4b:s1+s3], $0x80, v20, vm0, $0xb8;
	[tilespmem:$0x1FB80] =	vst v63  }
0x224: {  	s29 =	simm.s32 $0x6280  }
0x225: {  	[tilespmem:s29], [sflag:$0x2] =	stream.indirect_vreg.gather [hbm4b:s1+s3], $0x80, v21, vm0, $0xb8;
	[tilespmem:$0x1FB80] =	vst v63  }
0x226: {  	s29 =	simm.s32 $0x6300  }
0x227: {  	[tilespmem:s29], [sflag:$0x2] =	stream.indirect_vreg.gather [hbm4b:s1+s3], $0x80, v18, vm0, $0xb8;
	[tilespmem:$0x1FB80] =	vst v63  }
0x228: {  	v18 =	vld [tilespmem:$0xC0];
	_ =	sdelay $0x4  }
0x229: {  	v19 =	vshll.u32 v18, $0x1  }
0x22a: {  	v18 =	vand.u32 $0x7, v18;
	v19 =	vand.u32 $0xFFFFFFF0, v19  }
0x22b: {  	v18 =	vor.u32 v18, v19  }
0x22c: {  	v19 =	vperm.xlane v18, v3;
	_ =	sdelay $0x1  }
0x22d: {  	v20 =	vperm.xlane v18, v2;
	v19 =	vadd.s32 v4, v19;
	_ =	sdelay $0x1  }
0x22e: {  	v21 =	vperm.xlane v18, v5;
	v20 =	vadd.s32 v4, v20;
	_ =	sdelay $0x1  }
0x22f: {  	s29 =	simm.s32 $0x6380;
	v22 =	vperm.xlane v18, v6;
	v21 =	vadd.s32 v4, v21  }
0x230: {  	[tilespmem:s29], [sflag:$0x2] =	stream.indirect_vreg.gather [hbm4b:s1+s3], $0x80, v19, vm0, $0xb8;
	[tilespmem:$0x1FB80] =	vst v63  }
0x231: {  	v19 =	vadd.s32 v4, v22;
	v22 =	vperm.xlane v18, v7;
	s29 =	simm.s32 $0x6400  }
0x232: {  	[tilespmem:s29], [sflag:$0x2] =	stream.indirect_vreg.gather [hbm4b:s1+s3], $0x80, v20, vm0, $0xb8;
	[tilespmem:$0x1FB80] =	vst v63  }
0x233: {  	v20 =	vadd.s32 v4, v22;
	v22 =	vperm.xlane v18, v8;
	s29 =	simm.s32 $0x6480  }
0x234: {  	[tilespmem:s29], [sflag:$0x2] =	stream.indirect_vreg.gather [hbm4b:s1+s3], $0x80, v21, vm0, $0xb8;
	[tilespmem:$0x1FB80] =	vst v63  }
0x235: {  	v21 =	vadd.s32 v4, v22;
	v22 =	vperm.xlane v18, v9;
	s29 =	simm.s32 $0x6500  }
0x236: {  	[tilespmem:s29], [sflag:$0x2] =	stream.indirect_vreg.gather [hbm4b:s1+s3], $0x80, v19, vm0, $0xb8;
	[tilespmem:$0x1FB80] =	vst v63  }
0x237: {  	v19 =	vadd.s32 v4, v22;
	v22 =	vperm.xlane v18, v1;
	s29 =	simm.s32 $0x6580  }
0x238: {  	[tilespmem:s29], [sflag:$0x2] =	stream.indirect_vreg.gather [hbm4b:s1+s3], $0x80, v20, vm0, $0xb8;
	[tilespmem:$0x1FB80] =	vst v63  }
0x239: {  	v20 =	vadd.s32 v4, v22;
	v22 =	vperm.xlane v18, v10;
	s29 =	simm.s32 $0x6600  }
0x23a: {  	[tilespmem:s29], [sflag:$0x2] =	stream.indirect_vreg.gather [hbm4b:s1+s3], $0x80, v21, vm0, $0xb8;
	[tilespmem:$0x1FB80] =	vst v63  }
0x23b: {  	v21 =	vadd.s32 v4, v22;
	v22 =	vperm.xlane v18, v11;
	s29 =	simm.s32 $0x6680  }
0x23c: {  	[tilespmem:s29], [sflag:$0x2] =	stream.indirect_vreg.gather [hbm4b:s1+s3], $0x80, v19, vm0, $0xb8;
	[tilespmem:$0x1FB80] =	vst v63  }
0x23d: {  	v19 =	vadd.s32 v4, v22;
	v22 =	vperm.xlane v18, v12;
	s29 =	simm.s32 $0x6700  }
0x23e: {  	[tilespmem:s29], [sflag:$0x2] =	stream.indirect_vreg.gather [hbm4b:s1+s3], $0x80, v20, vm0, $0xb8;
	[tilespmem:$0x1FB80] =	vst v63  }
0x23f: {  	v20 =	vadd.s32 v4, v22;
	v22 =	vperm.xlane v18, v13;
	s29 =	simm.s32 $0x6780  }
0x240: {  	[tilespmem:s29], [sflag:$0x2] =	stream.indirect_vreg.gather [hbm4b:s1+s3], $0x80, v21, vm0, $0xb8;
	[tilespmem:$0x1FB80] =	vst v63  }
0x241: {  	v21 =	vadd.s32 v4, v22;
	v22 =	vperm.xlane v18, v14;
	s29 =	simm.s32 $0x6800  }
0x242: {  	[tilespmem:s29], [sflag:$0x2] =	stream.indirect_vreg.gather [hbm4b:s1+s3], $0x80, v19, vm0, $0xb8;
	[tilespmem:$0x1FB80] =	vst v63  }
0x243: {  	v19 =	vadd.s32 v4, v22;
	v22 =	vperm.xlane v18, v15;
	s29 =	simm.s32 $0x6880  }
0x244: {  	[tilespmem:s29], [sflag:$0x2] =	stream.indirect_vreg.gather [hbm4b:s1+s3], $0x80, v20, vm0, $0xb8;
	[tilespmem:$0x1FB80] =	vst v63  }
0x245: {  	v20 =	vadd.s32 v4, v22;
	v22 =	vperm.xlane v18, v16;
	s29 =	simm.s32 $0x6900  }
0x246: {  	[tilespmem:s29], [sflag:$0x2] =	stream.indirect_vreg.gather [hbm4b:s1+s3], $0x80, v21, vm0, $0xb8;
	[tilespmem:$0x1FB80] =	vst v63  }
0x247: {  	v18 =	vperm.xlane v18, v17;
	v21 =	vadd.s32 v4, v22;
	s29 =	simm.s32 $0x6980  }
0x248: {  	[tilespmem:s29], [sflag:$0x2] =	stream.indirect_vreg.gather [hbm4b:s1+s3], $0x80, v19, vm0, $0xb8;
	[tilespmem:$0x1FB80] =	vst v63  }
0x249: {  	v18 =	vadd.s32 v4, v18;
	s29 =	simm.s32 $0x6A00  }
0x24a: {  	[tilespmem:s29], [sflag:$0x2] =	stream.indirect_vreg.gather [hbm4b:s1+s3], $0x80, v20, vm0, $0xb8;
	[tilespmem:$0x1FB80] =	vst v63  }
0x24b: {  	s29 =	simm.s32 $0x6A80  }
0x24c: {  	[tilespmem:s29], [sflag:$0x2] =	stream.indirect_vreg.gather [hbm4b:s1+s3], $0x80, v21, vm0, $0xb8;
	[tilespmem:$0x1FB80] =	vst v63  }
0x24d: {  	s29 =	simm.s32 $0x6B00  }
0x24e: {  	[tilespmem:s29], [sflag:$0x2] =	stream.indirect_vreg.gather [hbm4b:s1+s3], $0x80, v18, vm0, $0xb8;
	[tilespmem:$0x1FB80] =	vst v63  }
0x24f: {  	v18 =	vld [tilespmem:$0xD0];
	_ =	sdelay $0x4  }
0x250: {  	v19 =	vshll.u32 v18, $0x1  }
0x251: {  	v18 =	vand.u32 $0x7, v18;
	v19 =	vand.u32 $0xFFFFFFF0, v19  }
0x252: {  	v18 =	vor.u32 v18, v19  }
0x253: {  	v19 =	vperm.xlane v18, v3;
	_ =	sdelay $0x1  }
0x254: {  	v20 =	vperm.xlane v18, v2;
	v19 =	vadd.s32 v4, v19;
	_ =	sdelay $0x1  }
0x255: {  	v21 =	vperm.xlane v18, v5;
	v20 =	vadd.s32 v4, v20;
	_ =	sdelay $0x1  }
0x256: {  	s29 =	simm.s32 $0x6B80;
	v22 =	vperm.xlane v18, v6;
	v21 =	vadd.s32 v4, v21  }
0x257: {  	[tilespmem:s29], [sflag:$0x2] =	stream.indirect_vreg.gather [hbm4b:s1+s3], $0x80, v19, vm0, $0xb8;
	[tilespmem:$0x1FB80] =	vst v63  }
0x258: {  	v19 =	vadd.s32 v4, v22;
	v22 =	vperm.xlane v18, v7;
	s29 =	simm.s32 $0x6C00  }
0x259: {  	[tilespmem:s29], [sflag:$0x2] =	stream.indirect_vreg.gather [hbm4b:s1+s3], $0x80, v20, vm0, $0xb8;
	[tilespmem:$0x1FB80] =	vst v63  }
0x25a: {  	v20 =	vadd.s32 v4, v22;
	v22 =	vperm.xlane v18, v8;
	s29 =	simm.s32 $0x6C80  }
0x25b: {  	[tilespmem:s29], [sflag:$0x2] =	stream.indirect_vreg.gather [hbm4b:s1+s3], $0x80, v21, vm0, $0xb8;
	[tilespmem:$0x1FB80] =	vst v63  }
0x25c: {  	v21 =	vadd.s32 v4, v22;
	v22 =	vperm.xlane v18, v9;
	s29 =	simm.s32 $0x6D00  }
0x25d: {  	[tilespmem:s29], [sflag:$0x2] =	stream.indirect_vreg.gather [hbm4b:s1+s3], $0x80, v19, vm0, $0xb8;
	[tilespmem:$0x1FB80] =	vst v63  }
0x25e: {  	v19 =	vadd.s32 v4, v22;
	v22 =	vperm.xlane v18, v1;
	s29 =	simm.s32 $0x6D80  }
0x25f: {  	[tilespmem:s29], [sflag:$0x2] =	stream.indirect_vreg.gather [hbm4b:s1+s3], $0x80, v20, vm0, $0xb8;
	[tilespmem:$0x1FB80] =	vst v63  }
0x260: {  	v20 =	vadd.s32 v4, v22;
	v22 =	vperm.xlane v18, v10;
	s29 =	simm.s32 $0x6E00  }
0x261: {  	[tilespmem:s29], [sflag:$0x2] =	stream.indirect_vreg.gather [hbm4b:s1+s3], $0x80, v21, vm0, $0xb8;
	[tilespmem:$0x1FB80] =	vst v63  }
0x262: {  	v21 =	vadd.s32 v4, v22;
	v22 =	vperm.xlane v18, v11;
	s29 =	simm.s32 $0x6E80  }
0x263: {  	[tilespmem:s29], [sflag:$0x2] =	stream.indirect_vreg.gather [hbm4b:s1+s3], $0x80, v19, vm0, $0xb8;
	[tilespmem:$0x1FB80] =	vst v63  }
0x264: {  	v19 =	vadd.s32 v4, v22;
	v22 =	vperm.xlane v18, v12;
	s29 =	simm.s32 $0x6F00  }
0x265: {  	[tilespmem:s29], [sflag:$0x2] =	stream.indirect_vreg.gather [hbm4b:s1+s3], $0x80, v20, vm0, $0xb8;
	[tilespmem:$0x1FB80] =	vst v63  }
0x266: {  	v20 =	vadd.s32 v4, v22;
	v22 =	vperm.xlane v18, v13;
	s29 =	simm.s32 $0x6F80  }
0x267: {  	[tilespmem:s29], [sflag:$0x2] =	stream.indirect_vreg.gather [hbm4b:s1+s3], $0x80, v21, vm0, $0xb8;
	[tilespmem:$0x1FB80] =	vst v63  }
0x268: {  	v21 =	vadd.s32 v4, v22;
	v22 =	vperm.xlane v18, v14;
	s29 =	simm.s32 $0x7000  }
0x269: {  	[tilespmem:s29], [sflag:$0x2] =	stream.indirect_vreg.gather [hbm4b:s1+s3], $0x80, v19, vm0, $0xb8;
	[tilespmem:$0x1FB80] =	vst v63  }
0x26a: {  	v19 =	vadd.s32 v4, v22;
	v22 =	vperm.xlane v18, v15;
	s29 =	simm.s32 $0x7080  }
0x26b: {  	[tilespmem:s29], [sflag:$0x2] =	stream.indirect_vreg.gather [hbm4b:s1+s3], $0x80, v20, vm0, $0xb8;
	[tilespmem:$0x1FB80] =	vst v63  }
0x26c: {  	v20 =	vadd.s32 v4, v22;
	v22 =	vperm.xlane v18, v16;
	s29 =	simm.s32 $0x7100  }
0x26d: {  	[tilespmem:s29], [sflag:$0x2] =	stream.indirect_vreg.gather [hbm4b:s1+s3], $0x80, v21, vm0, $0xb8;
	[tilespmem:$0x1FB80] =	vst v63  }
0x26e: {  	v18 =	vperm.xlane v18, v17;
	v21 =	vadd.s32 v4, v22;
	s29 =	simm.s32 $0x7180  }
0x26f: {  	[tilespmem:s29], [sflag:$0x2] =	stream.indirect_vreg.gather [hbm4b:s1+s3], $0x80, v19, vm0, $0xb8;
	[tilespmem:$0x1FB80] =	vst v63  }
0x270: {  	v18 =	vadd.s32 v4, v18;
	s29 =	simm.s32 $0x7200  }
0x271: {  	[tilespmem:s29], [sflag:$0x2] =	stream.indirect_vreg.gather [hbm4b:s1+s3], $0x80, v20, vm0, $0xb8;
	[tilespmem:$0x1FB80] =	vst v63  }
0x272: {  	s29 =	simm.s32 $0x7280  }
0x273: {  	[tilespmem:s29], [sflag:$0x2] =	stream.indirect_vreg.gather [hbm4b:s1+s3], $0x80, v21, vm0, $0xb8;
	[tilespmem:$0x1FB80] =	vst v63  }
0x274: {  	s29 =	simm.s32 $0x7300  }
0x275: {  	[tilespmem:s29], [sflag:$0x2] =	stream.indirect_vreg.gather [hbm4b:s1+s3], $0x80, v18, vm0, $0xb8;
	[tilespmem:$0x1FB80] =	vst v63  }
0x276: {  	s29 =	simm.s32 $0xE380  }
0x277: {  	[tilespmem:s29], [sflag:$0x5] =	stream.indirect.gather [hbm4b:s4+s7], $0x80, s7, s7, $0xb8;
	[tilespmem:$0x1FB80] =	vst v63  }
0x278: {  	v18 =	vld [tilespmem:$0xE0];
	_ =	sdelay $0x4  }
0x279: {  	v19 =	vshll.u32 v18, $0x1  }
0x27a: {  	v18 =	vand.u32 $0x7, v18;
	v19 =	vand.u32 $0xFFFFFFF0, v19  }
0x27b: {  	v18 =	vor.u32 v18, v19  }
0x27c: {  	v19 =	vperm.xlane v18, v3;
	_ =	sdelay $0x1  }
0x27d: {  	v20 =	vperm.xlane v18, v2;
	v19 =	vadd.s32 v4, v19;
	_ =	sdelay $0x1  }
0x27e: {  	v21 =	vperm.xlane v18, v5;
	v20 =	vadd.s32 v4, v20;
	_ =	sdelay $0x1  }
0x27f: {  	v22 =	vperm.xlane v18, v6;
	v21 =	vadd.s32 v4, v21  }
0x280: {  	[tilespmem:s10], [sflag:$0x3] =	stream.indirect_vreg.gather [hbm4b:s1+s3], $0x80, v19, vm0, $0xb8;
	[tilespmem:$0x1FB80] =	vst v63  }
0x281: {  	s29 =	simm.s32 $0x7400;
	v19 =	vadd.s32 v4, v22;
	v22 =	vperm.xlane v18, v7  }
0x282: {  	[tilespmem:s29], [sflag:$0x3] =	stream.indirect_vreg.gather [hbm4b:s1+s3], $0x80, v20, vm0, $0xb8;
	[tilespmem:$0x1FB80] =	vst v63  }
0x283: {  	v20 =	vadd.s32 v4, v22;
	v22 =	vperm.xlane v18, v8;
	s29 =	simm.s32 $0x7480  }
0x284: {  	[tilespmem:s29], [sflag:$0x3] =	stream.indirect_vreg.gather [hbm4b:s1+s3], $0x80, v21, vm0, $0xb8;
	[tilespmem:$0x1FB80] =	vst v63  }
0x285: {  	v21 =	vadd.s32 v4, v22;
	v22 =	vperm.xlane v18, v9;
	s29 =	simm.s32 $0x7500  }
0x286: {  	[tilespmem:s29], [sflag:$0x3] =	stream.indirect_vreg.gather [hbm4b:s1+s3], $0x80, v19, vm0, $0xb8;
	[tilespmem:$0x1FB80] =	vst v63  }
0x287: {  	v19 =	vadd.s32 v4, v22;
	v22 =	vperm.xlane v18, v1;
	s29 =	simm.s32 $0x7580  }
0x288: {  	[tilespmem:s29], [sflag:$0x3] =	stream.indirect_vreg.gather [hbm4b:s1+s3], $0x80, v20, vm0, $0xb8;
	[tilespmem:$0x1FB80] =	vst v63  }
0x289: {  	v20 =	vadd.s32 v4, v22;
	v22 =	vperm.xlane v18, v10;
	s29 =	simm.s32 $0x7600  }
0x28a: {  	[tilespmem:s29], [sflag:$0x3] =	stream.indirect_vreg.gather [hbm4b:s1+s3], $0x80, v21, vm0, $0xb8;
	[tilespmem:$0x1FB80] =	vst v63  }
0x28b: {  	v21 =	vadd.s32 v4, v22;
	v22 =	vperm.xlane v18, v11;
	s29 =	simm.s32 $0x7680  }
0x28c: {  	[tilespmem:s29], [sflag:$0x3] =	stream.indirect_vreg.gather [hbm4b:s1+s3], $0x80, v19, vm0, $0xb8;
	[tilespmem:$0x1FB80] =	vst v63  }
0x28d: {  	v19 =	vadd.s32 v4, v22;
	v22 =	vperm.xlane v18, v12;
	s29 =	simm.s32 $0x7700  }
0x28e: {  	[tilespmem:s29], [sflag:$0x3] =	stream.indirect_vreg.gather [hbm4b:s1+s3], $0x80, v20, vm0, $0xb8;
	[tilespmem:$0x1FB80] =	vst v63  }
0x28f: {  	v20 =	vadd.s32 v4, v22;
	v22 =	vperm.xlane v18, v13;
	s29 =	simm.s32 $0x7780  }
0x290: {  	[tilespmem:s29], [sflag:$0x3] =	stream.indirect_vreg.gather [hbm4b:s1+s3], $0x80, v21, vm0, $0xb8;
	[tilespmem:$0x1FB80] =	vst v63  }
0x291: {  	v21 =	vadd.s32 v4, v22;
	v22 =	vperm.xlane v18, v14;
	s29 =	simm.s32 $0x7800  }
0x292: {  	[tilespmem:s29], [sflag:$0x3] =	stream.indirect_vreg.gather [hbm4b:s1+s3], $0x80, v19, vm0, $0xb8;
	[tilespmem:$0x1FB80] =	vst v63  }
0x293: {  	v19 =	vadd.s32 v4, v22;
	v22 =	vperm.xlane v18, v15;
	s29 =	simm.s32 $0x7880  }
0x294: {  	[tilespmem:s29], [sflag:$0x3] =	stream.indirect_vreg.gather [hbm4b:s1+s3], $0x80, v20, vm0, $0xb8;
	[tilespmem:$0x1FB80] =	vst v63  }
0x295: {  	v20 =	vadd.s32 v4, v22;
	v22 =	vperm.xlane v18, v16;
	s29 =	simm.s32 $0x7900  }
0x296: {  	[tilespmem:s29], [sflag:$0x3] =	stream.indirect_vreg.gather [hbm4b:s1+s3], $0x80, v21, vm0, $0xb8;
	[tilespmem:$0x1FB80] =	vst v63  }
0x297: {  	v18 =	vperm.xlane v18, v17;
	v21 =	vadd.s32 v4, v22;
	s29 =	simm.s32 $0x7980  }
0x298: {  	[tilespmem:s29], [sflag:$0x3] =	stream.indirect_vreg.gather [hbm4b:s1+s3], $0x80, v19, vm0, $0xb8;
	[tilespmem:$0x1FB80] =	vst v63  }
0x299: {  	v18 =	vadd.s32 v4, v18;
	s29 =	simm.s32 $0x7A00  }
0x29a: {  	[tilespmem:s29], [sflag:$0x3] =	stream.indirect_vreg.gather [hbm4b:s1+s3], $0x80, v20, vm0, $0xb8;
	[tilespmem:$0x1FB80] =	vst v63  }
0x29b: {  	s29 =	simm.s32 $0x7A80  }
0x29c: {  	[tilespmem:s29], [sflag:$0x3] =	stream.indirect_vreg.gather [hbm4b:s1+s3], $0x80, v21, vm0, $0xb8;
	[tilespmem:$0x1FB80] =	vst v63  }
0x29d: {  	s29 =	simm.s32 $0x7B00  }
0x29e: {  	[tilespmem:s29], [sflag:$0x3] =	stream.indirect_vreg.gather [hbm4b:s1+s3], $0x80, v18, vm0, $0xb8;
	[tilespmem:$0x1FB80] =	vst v63  }
0x29f: {  	v18 =	vld [tilespmem:$0xF0];
	_ =	sdelay $0x4  }
0x2a0: {  	v19 =	vshll.u32 v18, $0x1  }
0x2a1: {  	v18 =	vand.u32 $0x7, v18;
	v19 =	vand.u32 $0xFFFFFFF0, v19  }
0x2a2: {  	v18 =	vor.u32 v18, v19  }
0x2a3: {  	v19 =	vperm.xlane v18, v3;
	_ =	sdelay $0x1  }
0x2a4: {  	v20 =	vperm.xlane v18, v2;
	v19 =	vadd.s32 v4, v19;
	_ =	sdelay $0x1  }
0x2a5: {  	v21 =	vperm.xlane v18, v5;
	v20 =	vadd.s32 v4, v20;
	_ =	sdelay $0x1  }
0x2a6: {  	s29 =	simm.s32 $0x7B80;
	v22 =	vperm.xlane v18, v6;
	v21 =	vadd.s32 v4, v21  }
0x2a7: {  	[tilespmem:s29], [sflag:$0x3] =	stream.indirect_vreg.gather [hbm4b:s1+s3], $0x80, v19, vm0, $0xb8;
	[tilespmem:$0x1FB80] =	vst v63  }
0x2a8: {  	v19 =	vadd.s32 v4, v22;
	v22 =	vperm.xlane v18, v7;
	s29 =	simm.s32 $0x7C00  }
0x2a9: {  	[tilespmem:s29], [sflag:$0x3] =	stream.indirect_vreg.gather [hbm4b:s1+s3], $0x80, v20, vm0, $0xb8;
	[tilespmem:$0x1FB80] =	vst v63  }
0x2aa: {  	v20 =	vadd.s32 v4, v22;
	v22 =	vperm.xlane v18, v8;
	s29 =	simm.s32 $0x7C80  }
0x2ab: {  	[tilespmem:s29], [sflag:$0x3] =	stream.indirect_vreg.gather [hbm4b:s1+s3], $0x80, v21, vm0, $0xb8;
	[tilespmem:$0x1FB80] =	vst v63  }
0x2ac: {  	v21 =	vadd.s32 v4, v22;
	v22 =	vperm.xlane v18, v9;
	s29 =	simm.s32 $0x7D00  }
0x2ad: {  	[tilespmem:s29], [sflag:$0x3] =	stream.indirect_vreg.gather [hbm4b:s1+s3], $0x80, v19, vm0, $0xb8;
	[tilespmem:$0x1FB80] =	vst v63  }
0x2ae: {  	v19 =	vadd.s32 v4, v22;
	v22 =	vperm.xlane v18, v1;
	s29 =	simm.s32 $0x7D80  }
0x2af: {  	[tilespmem:s29], [sflag:$0x3] =	stream.indirect_vreg.gather [hbm4b:s1+s3], $0x80, v20, vm0, $0xb8;
	[tilespmem:$0x1FB80] =	vst v63  }
0x2b0: {  	v20 =	vadd.s32 v4, v22;
	v22 =	vperm.xlane v18, v10;
	s29 =	simm.s32 $0x7E00  }
0x2b1: {  	[tilespmem:s29], [sflag:$0x3] =	stream.indirect_vreg.gather [hbm4b:s1+s3], $0x80, v21, vm0, $0xb8;
	[tilespmem:$0x1FB80] =	vst v63  }
0x2b2: {  	v21 =	vadd.s32 v4, v22;
	v22 =	vperm.xlane v18, v11;
	s29 =	simm.s32 $0x7E80  }
0x2b3: {  	[tilespmem:s29], [sflag:$0x3] =	stream.indirect_vreg.gather [hbm4b:s1+s3], $0x80, v19, vm0, $0xb8;
	[tilespmem:$0x1FB80] =	vst v63  }
0x2b4: {  	v19 =	vadd.s32 v4, v22;
	v22 =	vperm.xlane v18, v12;
	s29 =	simm.s32 $0x7F00  }
0x2b5: {  	[tilespmem:s29], [sflag:$0x3] =	stream.indirect_vreg.gather [hbm4b:s1+s3], $0x80, v20, vm0, $0xb8;
	[tilespmem:$0x1FB80] =	vst v63  }
0x2b6: {  	v20 =	vadd.s32 v4, v22;
	v22 =	vperm.xlane v18, v13;
	s29 =	simm.s32 $0x7F80  }
0x2b7: {  	[tilespmem:s29], [sflag:$0x3] =	stream.indirect_vreg.gather [hbm4b:s1+s3], $0x80, v21, vm0, $0xb8;
	[tilespmem:$0x1FB80] =	vst v63  }
0x2b8: {  	v21 =	vadd.s32 v4, v22;
	v22 =	vperm.xlane v18, v14;
	s29 =	simm.s32 $0x8000  }
0x2b9: {  	[tilespmem:s29], [sflag:$0x3] =	stream.indirect_vreg.gather [hbm4b:s1+s3], $0x80, v19, vm0, $0xb8;
	[tilespmem:$0x1FB80] =	vst v63  }
0x2ba: {  	v19 =	vadd.s32 v4, v22;
	v22 =	vperm.xlane v18, v15;
	s29 =	simm.s32 $0x8080  }
0x2bb: {  	[tilespmem:s29], [sflag:$0x3] =	stream.indirect_vreg.gather [hbm4b:s1+s3], $0x80, v20, vm0, $0xb8;
	[tilespmem:$0x1FB80] =	vst v63  }
0x2bc: {  	v20 =	vadd.s32 v4, v22;
	v22 =	vperm.xlane v18, v16;
	s29 =	simm.s32 $0x8100  }
0x2bd: {  	[tilespmem:s29], [sflag:$0x3] =	stream.indirect_vreg.gather [hbm4b:s1+s3], $0x80, v21, vm0, $0xb8;
	[tilespmem:$0x1FB80] =	vst v63  }
0x2be: {  	v18 =	vperm.xlane v18, v17;
	v21 =	vadd.s32 v4, v22;
	s29 =	simm.s32 $0x8180  }
0x2bf: {  	[tilespmem:s29], [sflag:$0x3] =	stream.indirect_vreg.gather [hbm4b:s1+s3], $0x80, v19, vm0, $0xb8;
	[tilespmem:$0x1FB80] =	vst v63  }
0x2c0: {  	v18 =	vadd.s32 v4, v18;
	s29 =	simm.s32 $0x8200  }
0x2c1: {  	[tilespmem:s29], [sflag:$0x3] =	stream.indirect_vreg.gather [hbm4b:s1+s3], $0x80, v20, vm0, $0xb8;
	[tilespmem:$0x1FB80] =	vst v63  }
0x2c2: {  	s29 =	simm.s32 $0x8280  }
0x2c3: {  	[tilespmem:s29], [sflag:$0x3] =	stream.indirect_vreg.gather [hbm4b:s1+s3], $0x80, v21, vm0, $0xb8;
	[tilespmem:$0x1FB80] =	vst v63  }
0x2c4: {  	s29 =	simm.s32 $0x8300  }
0x2c5: {  	[tilespmem:s29], [sflag:$0x3] =	stream.indirect_vreg.gather [hbm4b:s1+s3], $0x80, v18, vm0, $0xb8;
	[tilespmem:$0x1FB80] =	vst v63  }
0x2c6: {  	v18 =	vld [tilespmem:$0x100];
	_ =	sdelay $0x4  }
0x2c7: {  	v19 =	vshll.u32 v18, $0x1  }
0x2c8: {  	v18 =	vand.u32 $0x7, v18;
	v19 =	vand.u32 $0xFFFFFFF0, v19  }
0x2c9: {  	v18 =	vor.u32 v18, v19  }
0x2ca: {  	v19 =	vperm.xlane v18, v3;
	_ =	sdelay $0x1  }
0x2cb: {  	v20 =	vperm.xlane v18, v2;
	v19 =	vadd.s32 v4, v19;
	_ =	sdelay $0x1  }
0x2cc: {  	v21 =	vperm.xlane v18, v5;
	v20 =	vadd.s32 v4, v20;
	_ =	sdelay $0x1  }
0x2cd: {  	s29 =	simm.s32 $0x8380;
	v22 =	vperm.xlane v18, v6;
	v21 =	vadd.s32 v4, v21  }
0x2ce: {  	[tilespmem:s29], [sflag:$0x3] =	stream.indirect_vreg.gather [hbm4b:s1+s3], $0x80, v19, vm0, $0xb8;
	[tilespmem:$0x1FB80] =	vst v63  }
0x2cf: {  	v19 =	vadd.s32 v4, v22;
	v22 =	vperm.xlane v18, v7;
	s29 =	simm.s32 $0x8400  }
0x2d0: {  	[tilespmem:s29], [sflag:$0x3] =	stream.indirect_vreg.gather [hbm4b:s1+s3], $0x80, v20, vm0, $0xb8;
	[tilespmem:$0x1FB80] =	vst v63  }
0x2d1: {  	v20 =	vadd.s32 v4, v22;
	v22 =	vperm.xlane v18, v8;
	s29 =	simm.s32 $0x8480  }
0x2d2: {  	[tilespmem:s29], [sflag:$0x3] =	stream.indirect_vreg.gather [hbm4b:s1+s3], $0x80, v21, vm0, $0xb8;
	[tilespmem:$0x1FB80] =	vst v63  }
0x2d3: {  	v21 =	vadd.s32 v4, v22;
	v22 =	vperm.xlane v18, v9;
	s29 =	simm.s32 $0x8500  }
0x2d4: {  	[tilespmem:s29], [sflag:$0x3] =	stream.indirect_vreg.gather [hbm4b:s1+s3], $0x80, v19, vm0, $0xb8;
	[tilespmem:$0x1FB80] =	vst v63  }
0x2d5: {  	v19 =	vadd.s32 v4, v22;
	v22 =	vperm.xlane v18, v1;
	s29 =	simm.s32 $0x8580  }
0x2d6: {  	[tilespmem:s29], [sflag:$0x3] =	stream.indirect_vreg.gather [hbm4b:s1+s3], $0x80, v20, vm0, $0xb8;
	[tilespmem:$0x1FB80] =	vst v63  }
0x2d7: {  	v20 =	vadd.s32 v4, v22;
	v22 =	vperm.xlane v18, v10;
	s29 =	simm.s32 $0x8600  }
0x2d8: {  	[tilespmem:s29], [sflag:$0x3] =	stream.indirect_vreg.gather [hbm4b:s1+s3], $0x80, v21, vm0, $0xb8;
	[tilespmem:$0x1FB80] =	vst v63  }
0x2d9: {  	v21 =	vadd.s32 v4, v22;
	v22 =	vperm.xlane v18, v11;
	s29 =	simm.s32 $0x8680  }
0x2da: {  	[tilespmem:s29], [sflag:$0x3] =	stream.indirect_vreg.gather [hbm4b:s1+s3], $0x80, v19, vm0, $0xb8;
	[tilespmem:$0x1FB80] =	vst v63  }
0x2db: {  	v19 =	vadd.s32 v4, v22;
	v22 =	vperm.xlane v18, v12;
	s29 =	simm.s32 $0x8700  }
0x2dc: {  	[tilespmem:s29], [sflag:$0x3] =	stream.indirect_vreg.gather [hbm4b:s1+s3], $0x80, v20, vm0, $0xb8;
	[tilespmem:$0x1FB80] =	vst v63  }
0x2dd: {  	v20 =	vadd.s32 v4, v22;
	v22 =	vperm.xlane v18, v13;
	s29 =	simm.s32 $0x8780  }
0x2de: {  	[tilespmem:s29], [sflag:$0x3] =	stream.indirect_vreg.gather [hbm4b:s1+s3], $0x80, v21, vm0, $0xb8;
	[tilespmem:$0x1FB80] =	vst v63  }
0x2df: {  	v21 =	vadd.s32 v4, v22;
	v22 =	vperm.xlane v18, v14;
	s29 =	simm.s32 $0x8800  }
0x2e0: {  	[tilespmem:s29], [sflag:$0x3] =	stream.indirect_vreg.gather [hbm4b:s1+s3], $0x80, v19, vm0, $0xb8;
	[tilespmem:$0x1FB80] =	vst v63  }
0x2e1: {  	v19 =	vadd.s32 v4, v22;
	v22 =	vperm.xlane v18, v15;
	s29 =	simm.s32 $0x8880  }
0x2e2: {  	[tilespmem:s29], [sflag:$0x3] =	stream.indirect_vreg.gather [hbm4b:s1+s3], $0x80, v20, vm0, $0xb8;
	[tilespmem:$0x1FB80] =	vst v63  }
0x2e3: {  	v20 =	vadd.s32 v4, v22;
	v22 =	vperm.xlane v18, v16;
	s29 =	simm.s32 $0x8900  }
0x2e4: {  	[tilespmem:s29], [sflag:$0x3] =	stream.indirect_vreg.gather [hbm4b:s1+s3], $0x80, v21, vm0, $0xb8;
	[tilespmem:$0x1FB80] =	vst v63  }
0x2e5: {  	v18 =	vperm.xlane v18, v17;
	v21 =	vadd.s32 v4, v22;
	s29 =	simm.s32 $0x8980  }
0x2e6: {  	[tilespmem:s29], [sflag:$0x3] =	stream.indirect_vreg.gather [hbm4b:s1+s3], $0x80, v19, vm0, $0xb8;
	[tilespmem:$0x1FB80] =	vst v63  }
0x2e7: {  	v18 =	vadd.s32 v4, v18;
	s29 =	simm.s32 $0x8A00  }
0x2e8: {  	[tilespmem:s29], [sflag:$0x3] =	stream.indirect_vreg.gather [hbm4b:s1+s3], $0x80, v20, vm0, $0xb8;
	[tilespmem:$0x1FB80] =	vst v63  }
0x2e9: {  	s29 =	simm.s32 $0x8A80  }
0x2ea: {  	[tilespmem:s29], [sflag:$0x3] =	stream.indirect_vreg.gather [hbm4b:s1+s3], $0x80, v21, vm0, $0xb8;
	[tilespmem:$0x1FB80] =	vst v63  }
0x2eb: {  	s29 =	simm.s32 $0x8B00  }
0x2ec: {  	[tilespmem:s29], [sflag:$0x3] =	stream.indirect_vreg.gather [hbm4b:s1+s3], $0x80, v18, vm0, $0xb8;
	[tilespmem:$0x1FB80] =	vst v63  }
0x2ed: {  	v18 =	vld [tilespmem:$0x110];
	_ =	sdelay $0x4  }
0x2ee: {  	v19 =	vshll.u32 v18, $0x1  }
0x2ef: {  	v18 =	vand.u32 $0x7, v18;
	v19 =	vand.u32 $0xFFFFFFF0, v19  }
0x2f0: {  	v18 =	vor.u32 v18, v19  }
0x2f1: {  	v19 =	vperm.xlane v18, v3;
	_ =	sdelay $0x1  }
0x2f2: {  	v20 =	vperm.xlane v18, v2;
	v19 =	vadd.s32 v4, v19;
	_ =	sdelay $0x1  }
0x2f3: {  	v21 =	vperm.xlane v18, v5;
	v20 =	vadd.s32 v4, v20;
	_ =	sdelay $0x1  }
0x2f4: {  	s29 =	simm.s32 $0x8B80;
	v22 =	vperm.xlane v18, v6;
	v21 =	vadd.s32 v4, v21  }
0x2f5: {  	[tilespmem:s29], [sflag:$0x3] =	stream.indirect_vreg.gather [hbm4b:s1+s3], $0x80, v19, vm0, $0xb8;
	[tilespmem:$0x1FB80] =	vst v63  }
0x2f6: {  	v19 =	vadd.s32 v4, v22;
	v22 =	vperm.xlane v18, v7;
	s29 =	simm.s32 $0x8C00  }
0x2f7: {  	[tilespmem:s29], [sflag:$0x3] =	stream.indirect_vreg.gather [hbm4b:s1+s3], $0x80, v20, vm0, $0xb8;
	[tilespmem:$0x1FB80] =	vst v63  }
0x2f8: {  	v20 =	vadd.s32 v4, v22;
	v22 =	vperm.xlane v18, v8;
	s29 =	simm.s32 $0x8C80  }
0x2f9: {  	[tilespmem:s29], [sflag:$0x3] =	stream.indirect_vreg.gather [hbm4b:s1+s3], $0x80, v21, vm0, $0xb8;
	[tilespmem:$0x1FB80] =	vst v63  }
0x2fa: {  	v21 =	vadd.s32 v4, v22;
	v22 =	vperm.xlane v18, v9;
	s29 =	simm.s32 $0x8D00  }
0x2fb: {  	[tilespmem:s29], [sflag:$0x3] =	stream.indirect_vreg.gather [hbm4b:s1+s3], $0x80, v19, vm0, $0xb8;
	[tilespmem:$0x1FB80] =	vst v63  }
0x2fc: {  	v19 =	vadd.s32 v4, v22;
	v22 =	vperm.xlane v18, v1;
	s29 =	simm.s32 $0x8D80  }
0x2fd: {  	[tilespmem:s29], [sflag:$0x3] =	stream.indirect_vreg.gather [hbm4b:s1+s3], $0x80, v20, vm0, $0xb8;
	[tilespmem:$0x1FB80] =	vst v63  }
0x2fe: {  	v20 =	vadd.s32 v4, v22;
	v22 =	vperm.xlane v18, v10;
	s29 =	simm.s32 $0x8E00  }
0x2ff: {  	[tilespmem:s29], [sflag:$0x3] =	stream.indirect_vreg.gather [hbm4b:s1+s3], $0x80, v21, vm0, $0xb8;
	[tilespmem:$0x1FB80] =	vst v63  }
0x300: {  	v21 =	vadd.s32 v4, v22;
	v22 =	vperm.xlane v18, v11;
	s29 =	simm.s32 $0x8E80  }
0x301: {  	[tilespmem:s29], [sflag:$0x3] =	stream.indirect_vreg.gather [hbm4b:s1+s3], $0x80, v19, vm0, $0xb8;
	[tilespmem:$0x1FB80] =	vst v63  }
0x302: {  	v19 =	vadd.s32 v4, v22;
	v22 =	vperm.xlane v18, v12;
	s29 =	simm.s32 $0x8F00  }
0x303: {  	[tilespmem:s29], [sflag:$0x3] =	stream.indirect_vreg.gather [hbm4b:s1+s3], $0x80, v20, vm0, $0xb8;
	[tilespmem:$0x1FB80] =	vst v63  }
0x304: {  	v20 =	vadd.s32 v4, v22;
	v22 =	vperm.xlane v18, v13;
	s29 =	simm.s32 $0x8F80  }
0x305: {  	[tilespmem:s29], [sflag:$0x3] =	stream.indirect_vreg.gather [hbm4b:s1+s3], $0x80, v21, vm0, $0xb8;
	[tilespmem:$0x1FB80] =	vst v63  }
0x306: {  	v21 =	vadd.s32 v4, v22;
	v22 =	vperm.xlane v18, v14;
	s29 =	simm.s32 $0x9000  }
0x307: {  	[tilespmem:s29], [sflag:$0x3] =	stream.indirect_vreg.gather [hbm4b:s1+s3], $0x80, v19, vm0, $0xb8;
	[tilespmem:$0x1FB80] =	vst v63  }
0x308: {  	v19 =	vadd.s32 v4, v22;
	v22 =	vperm.xlane v18, v15;
	s29 =	simm.s32 $0x9080  }
0x309: {  	[tilespmem:s29], [sflag:$0x3] =	stream.indirect_vreg.gather [hbm4b:s1+s3], $0x80, v20, vm0, $0xb8;
	[tilespmem:$0x1FB80] =	vst v63  }
0x30a: {  	v20 =	vadd.s32 v4, v22;
	v22 =	vperm.xlane v18, v16;
	s29 =	simm.s32 $0x9100  }
0x30b: {  	[tilespmem:s29], [sflag:$0x3] =	stream.indirect_vreg.gather [hbm4b:s1+s3], $0x80, v21, vm0, $0xb8;
	[tilespmem:$0x1FB80] =	vst v63  }
0x30c: {  	v18 =	vperm.xlane v18, v17;
	v21 =	vadd.s32 v4, v22;
	s29 =	simm.s32 $0x9180  }
0x30d: {  	[tilespmem:s29], [sflag:$0x3] =	stream.indirect_vreg.gather [hbm4b:s1+s3], $0x80, v19, vm0, $0xb8;
	[tilespmem:$0x1FB80] =	vst v63  }
0x30e: {  	v18 =	vadd.s32 v4, v18;
	s29 =	simm.s32 $0x9200  }
0x30f: {  	[tilespmem:s29], [sflag:$0x3] =	stream.indirect_vreg.gather [hbm4b:s1+s3], $0x80, v20, vm0, $0xb8;
	[tilespmem:$0x1FB80] =	vst v63  }
0x310: {  	s29 =	simm.s32 $0x9280  }
0x311: {  	[tilespmem:s29], [sflag:$0x3] =	stream.indirect_vreg.gather [hbm4b:s1+s3], $0x80, v21, vm0, $0xb8;
	[tilespmem:$0x1FB80] =	vst v63  }
0x312: {  	s29 =	simm.s32 $0x9300  }
0x313: {  	[tilespmem:s29], [sflag:$0x3] =	stream.indirect_vreg.gather [hbm4b:s1+s3], $0x80, v18, vm0, $0xb8;
	[tilespmem:$0x1FB80] =	vst v63  }
0x314: {  	v18 =	vld [tilespmem:$0x120];
	_ =	sdelay $0x4  }
0x315: {  	v19 =	vshll.u32 v18, $0x1  }
0x316: {  	v18 =	vand.u32 $0x7, v18;
	v19 =	vand.u32 $0xFFFFFFF0, v19  }
0x317: {  	v18 =	vor.u32 v18, v19  }
0x318: {  	v19 =	vperm.xlane v18, v3;
	_ =	sdelay $0x1  }
0x319: {  	v20 =	vperm.xlane v18, v2;
	v19 =	vadd.s32 v4, v19;
	_ =	sdelay $0x1  }
0x31a: {  	v21 =	vperm.xlane v18, v5;
	v20 =	vadd.s32 v4, v20;
	_ =	sdelay $0x1  }
0x31b: {  	s29 =	simm.s32 $0x9380;
	v22 =	vperm.xlane v18, v6;
	v21 =	vadd.s32 v4, v21  }
0x31c: {  	[tilespmem:s29], [sflag:$0x3] =	stream.indirect_vreg.gather [hbm4b:s1+s3], $0x80, v19, vm0, $0xb8;
	[tilespmem:$0x1FB80] =	vst v63  }
0x31d: {  	v19 =	vadd.s32 v4, v22;
	v22 =	vperm.xlane v18, v7;
	s29 =	simm.s32 $0x9400  }
0x31e: {  	[tilespmem:s29], [sflag:$0x3] =	stream.indirect_vreg.gather [hbm4b:s1+s3], $0x80, v20, vm0, $0xb8;
	[tilespmem:$0x1FB80] =	vst v63  }
0x31f: {  	v20 =	vadd.s32 v4, v22;
	v22 =	vperm.xlane v18, v8;
	s29 =	simm.s32 $0x9480  }
0x320: {  	[tilespmem:s29], [sflag:$0x3] =	stream.indirect_vreg.gather [hbm4b:s1+s3], $0x80, v21, vm0, $0xb8;
	[tilespmem:$0x1FB80] =	vst v63  }
0x321: {  	v21 =	vadd.s32 v4, v22;
	v22 =	vperm.xlane v18, v9;
	s29 =	simm.s32 $0x9500  }
0x322: {  	[tilespmem:s29], [sflag:$0x3] =	stream.indirect_vreg.gather [hbm4b:s1+s3], $0x80, v19, vm0, $0xb8;
	[tilespmem:$0x1FB80] =	vst v63  }
0x323: {  	v19 =	vadd.s32 v4, v22;
	v22 =	vperm.xlane v18, v1;
	s29 =	simm.s32 $0x9580  }
0x324: {  	[tilespmem:s29], [sflag:$0x3] =	stream.indirect_vreg.gather [hbm4b:s1+s3], $0x80, v20, vm0, $0xb8;
	[tilespmem:$0x1FB80] =	vst v63  }
0x325: {  	v20 =	vadd.s32 v4, v22;
	v22 =	vperm.xlane v18, v10;
	s29 =	simm.s32 $0x9600  }
0x326: {  	[tilespmem:s29], [sflag:$0x3] =	stream.indirect_vreg.gather [hbm4b:s1+s3], $0x80, v21, vm0, $0xb8;
	[tilespmem:$0x1FB80] =	vst v63  }
0x327: {  	v21 =	vadd.s32 v4, v22;
	v22 =	vperm.xlane v18, v11;
	s29 =	simm.s32 $0x9680  }
0x328: {  	[tilespmem:s29], [sflag:$0x3] =	stream.indirect_vreg.gather [hbm4b:s1+s3], $0x80, v19, vm0, $0xb8;
	[tilespmem:$0x1FB80] =	vst v63  }
0x329: {  	v19 =	vadd.s32 v4, v22;
	v22 =	vperm.xlane v18, v12;
	s29 =	simm.s32 $0x9700  }
0x32a: {  	[tilespmem:s29], [sflag:$0x3] =	stream.indirect_vreg.gather [hbm4b:s1+s3], $0x80, v20, vm0, $0xb8;
	[tilespmem:$0x1FB80] =	vst v63  }
0x32b: {  	v20 =	vadd.s32 v4, v22;
	v22 =	vperm.xlane v18, v13;
	s29 =	simm.s32 $0x9780  }
0x32c: {  	[tilespmem:s29], [sflag:$0x3] =	stream.indirect_vreg.gather [hbm4b:s1+s3], $0x80, v21, vm0, $0xb8;
	[tilespmem:$0x1FB80] =	vst v63  }
0x32d: {  	v21 =	vadd.s32 v4, v22;
	v22 =	vperm.xlane v18, v14;
	s29 =	simm.s32 $0x9800  }
0x32e: {  	[tilespmem:s29], [sflag:$0x3] =	stream.indirect_vreg.gather [hbm4b:s1+s3], $0x80, v19, vm0, $0xb8;
	[tilespmem:$0x1FB80] =	vst v63  }
0x32f: {  	v19 =	vadd.s32 v4, v22;
	v22 =	vperm.xlane v18, v15;
	s29 =	simm.s32 $0x9880  }
0x330: {  	[tilespmem:s29], [sflag:$0x3] =	stream.indirect_vreg.gather [hbm4b:s1+s3], $0x80, v20, vm0, $0xb8;
	[tilespmem:$0x1FB80] =	vst v63  }
0x331: {  	v20 =	vadd.s32 v4, v22;
	v22 =	vperm.xlane v18, v16;
	s29 =	simm.s32 $0x9900  }
0x332: {  	[tilespmem:s29], [sflag:$0x3] =	stream.indirect_vreg.gather [hbm4b:s1+s3], $0x80, v21, vm0, $0xb8;
	[tilespmem:$0x1FB80] =	vst v63  }
0x333: {  	v18 =	vperm.xlane v18, v17;
	v21 =	vadd.s32 v4, v22;
	s29 =	simm.s32 $0x9980  }
0x334: {  	[tilespmem:s29], [sflag:$0x3] =	stream.indirect_vreg.gather [hbm4b:s1+s3], $0x80, v19, vm0, $0xb8;
	[tilespmem:$0x1FB80] =	vst v63  }
0x335: {  	v18 =	vadd.s32 v4, v18;
	s29 =	simm.s32 $0x9A00  }
0x336: {  	[tilespmem:s29], [sflag:$0x3] =	stream.indirect_vreg.gather [hbm4b:s1+s3], $0x80, v20, vm0, $0xb8;
	[tilespmem:$0x1FB80] =	vst v63  }
0x337: {  	s29 =	simm.s32 $0x9A80  }
0x338: {  	[tilespmem:s29], [sflag:$0x3] =	stream.indirect_vreg.gather [hbm4b:s1+s3], $0x80, v21, vm0, $0xb8;
	[tilespmem:$0x1FB80] =	vst v63  }
0x339: {  	s29 =	simm.s32 $0x9B00  }
0x33a: {  	[tilespmem:s29], [sflag:$0x3] =	stream.indirect_vreg.gather [hbm4b:s1+s3], $0x80, v18, vm0, $0xb8;
	[tilespmem:$0x1FB80] =	vst v63  }
0x33b: {  	v18 =	vld [tilespmem:$0x130];
	_ =	sdelay $0x4  }
0x33c: {  	v19 =	vshll.u32 v18, $0x1  }
0x33d: {  	v18 =	vand.u32 $0x7, v18;
	v19 =	vand.u32 $0xFFFFFFF0, v19  }
0x33e: {  	v18 =	vor.u32 v18, v19  }
0x33f: {  	v19 =	vperm.xlane v18, v3;
	_ =	sdelay $0x1  }
0x340: {  	v20 =	vperm.xlane v18, v2;
	v19 =	vadd.s32 v4, v19;
	_ =	sdelay $0x1  }
0x341: {  	v21 =	vperm.xlane v18, v5;
	v20 =	vadd.s32 v4, v20;
	_ =	sdelay $0x1  }
0x342: {  	s29 =	simm.s32 $0x9B80;
	v22 =	vperm.xlane v18, v6;
	v21 =	vadd.s32 v4, v21  }
0x343: {  	[tilespmem:s29], [sflag:$0x3] =	stream.indirect_vreg.gather [hbm4b:s1+s3], $0x80, v19, vm0, $0xb8;
	[tilespmem:$0x1FB80] =	vst v63  }
0x344: {  	v19 =	vadd.s32 v4, v22;
	v22 =	vperm.xlane v18, v7;
	s29 =	simm.s32 $0x9C00  }
0x345: {  	[tilespmem:s29], [sflag:$0x3] =	stream.indirect_vreg.gather [hbm4b:s1+s3], $0x80, v20, vm0, $0xb8;
	[tilespmem:$0x1FB80] =	vst v63  }
0x346: {  	v20 =	vadd.s32 v4, v22;
	v22 =	vperm.xlane v18, v8;
	s29 =	simm.s32 $0x9C80  }
0x347: {  	[tilespmem:s29], [sflag:$0x3] =	stream.indirect_vreg.gather [hbm4b:s1+s3], $0x80, v21, vm0, $0xb8;
	[tilespmem:$0x1FB80] =	vst v63  }
0x348: {  	v21 =	vadd.s32 v4, v22;
	v22 =	vperm.xlane v18, v9;
	s29 =	simm.s32 $0x9D00  }
0x349: {  	[tilespmem:s29], [sflag:$0x3] =	stream.indirect_vreg.gather [hbm4b:s1+s3], $0x80, v19, vm0, $0xb8;
	[tilespmem:$0x1FB80] =	vst v63  }
0x34a: {  	v19 =	vadd.s32 v4, v22;
	v22 =	vperm.xlane v18, v1;
	s29 =	simm.s32 $0x9D80  }
0x34b: {  	[tilespmem:s29], [sflag:$0x3] =	stream.indirect_vreg.gather [hbm4b:s1+s3], $0x80, v20, vm0, $0xb8;
	[tilespmem:$0x1FB80] =	vst v63  }
0x34c: {  	v20 =	vadd.s32 v4, v22;
	v22 =	vperm.xlane v18, v10;
	s29 =	simm.s32 $0x9E00  }
0x34d: {  	[tilespmem:s29], [sflag:$0x3] =	stream.indirect_vreg.gather [hbm4b:s1+s3], $0x80, v21, vm0, $0xb8;
	[tilespmem:$0x1FB80] =	vst v63  }
0x34e: {  	v21 =	vadd.s32 v4, v22;
	v22 =	vperm.xlane v18, v11;
	s29 =	simm.s32 $0x9E80  }
0x34f: {  	[tilespmem:s29], [sflag:$0x3] =	stream.indirect_vreg.gather [hbm4b:s1+s3], $0x80, v19, vm0, $0xb8;
	[tilespmem:$0x1FB80] =	vst v63  }
0x350: {  	v19 =	vadd.s32 v4, v22;
	v22 =	vperm.xlane v18, v12;
	s29 =	simm.s32 $0x9F00  }
0x351: {  	[tilespmem:s29], [sflag:$0x3] =	stream.indirect_vreg.gather [hbm4b:s1+s3], $0x80, v20, vm0, $0xb8;
	[tilespmem:$0x1FB80] =	vst v63  }
0x352: {  	v20 =	vadd.s32 v4, v22;
	v22 =	vperm.xlane v18, v13;
	s29 =	simm.s32 $0x9F80  }
0x353: {  	[tilespmem:s29], [sflag:$0x3] =	stream.indirect_vreg.gather [hbm4b:s1+s3], $0x80, v21, vm0, $0xb8;
	[tilespmem:$0x1FB80] =	vst v63  }
0x354: {  	v21 =	vadd.s32 v4, v22;
	v22 =	vperm.xlane v18, v14;
	s29 =	simm.s32 $0xA000  }
0x355: {  	[tilespmem:s29], [sflag:$0x3] =	stream.indirect_vreg.gather [hbm4b:s1+s3], $0x80, v19, vm0, $0xb8;
	[tilespmem:$0x1FB80] =	vst v63  }
0x356: {  	v19 =	vadd.s32 v4, v22;
	v22 =	vperm.xlane v18, v15;
	s29 =	simm.s32 $0xA080  }
0x357: {  	[tilespmem:s29], [sflag:$0x3] =	stream.indirect_vreg.gather [hbm4b:s1+s3], $0x80, v20, vm0, $0xb8;
	[tilespmem:$0x1FB80] =	vst v63  }
0x358: {  	v20 =	vadd.s32 v4, v22;
	v22 =	vperm.xlane v18, v16;
	s29 =	simm.s32 $0xA100  }
0x359: {  	[tilespmem:s29], [sflag:$0x3] =	stream.indirect_vreg.gather [hbm4b:s1+s3], $0x80, v21, vm0, $0xb8;
	[tilespmem:$0x1FB80] =	vst v63  }
0x35a: {  	v18 =	vperm.xlane v18, v17;
	v21 =	vadd.s32 v4, v22;
	s29 =	simm.s32 $0xA180  }
0x35b: {  	[tilespmem:s29], [sflag:$0x3] =	stream.indirect_vreg.gather [hbm4b:s1+s3], $0x80, v19, vm0, $0xb8;
	[tilespmem:$0x1FB80] =	vst v63  }
0x35c: {  	v18 =	vadd.s32 v4, v18;
	s29 =	simm.s32 $0xA200  }
0x35d: {  	[tilespmem:s29], [sflag:$0x3] =	stream.indirect_vreg.gather [hbm4b:s1+s3], $0x80, v20, vm0, $0xb8;
	[tilespmem:$0x1FB80] =	vst v63  }
0x35e: {  	s29 =	simm.s32 $0xA280  }
0x35f: {  	[tilespmem:s29], [sflag:$0x3] =	stream.indirect_vreg.gather [hbm4b:s1+s3], $0x80, v21, vm0, $0xb8;
	[tilespmem:$0x1FB80] =	vst v63  }
0x360: {  	s29 =	simm.s32 $0xA300  }
0x361: {  	[tilespmem:s29], [sflag:$0x3] =	stream.indirect_vreg.gather [hbm4b:s1+s3], $0x80, v18, vm0, $0xb8;
	[tilespmem:$0x1FB80] =	vst v63  }
0x362: {  	v18 =	vld [tilespmem:$0x140];
	_ =	sdelay $0x4  }
0x363: {  	v19 =	vshll.u32 v18, $0x1  }
0x364: {  	v18 =	vand.u32 $0x7, v18;
	v19 =	vand.u32 $0xFFFFFFF0, v19  }
0x365: {  	v18 =	vor.u32 v18, v19  }
0x366: {  	v19 =	vperm.xlane v18, v3;
	_ =	sdelay $0x1  }
0x367: {  	v20 =	vperm.xlane v18, v2;
	v19 =	vadd.s32 v4, v19;
	_ =	sdelay $0x1  }
0x368: {  	v21 =	vperm.xlane v18, v5;
	v20 =	vadd.s32 v4, v20;
	_ =	sdelay $0x1  }
0x369: {  	s29 =	simm.s32 $0xA380;
	v22 =	vperm.xlane v18, v6;
	v21 =	vadd.s32 v4, v21  }
0x36a: {  	[tilespmem:s29], [sflag:$0x3] =	stream.indirect_vreg.gather [hbm4b:s1+s3], $0x80, v19, vm0, $0xb8;
	[tilespmem:$0x1FB80] =	vst v63  }
0x36b: {  	v19 =	vadd.s32 v4, v22;
	v22 =	vperm.xlane v18, v7;
	s29 =	simm.s32 $0xA400  }
0x36c: {  	[tilespmem:s29], [sflag:$0x3] =	stream.indirect_vreg.gather [hbm4b:s1+s3], $0x80, v20, vm0, $0xb8;
	[tilespmem:$0x1FB80] =	vst v63  }
0x36d: {  	v20 =	vadd.s32 v4, v22;
	v22 =	vperm.xlane v18, v8;
	s29 =	simm.s32 $0xA480  }
0x36e: {  	[tilespmem:s29], [sflag:$0x3] =	stream.indirect_vreg.gather [hbm4b:s1+s3], $0x80, v21, vm0, $0xb8;
	[tilespmem:$0x1FB80] =	vst v63  }
0x36f: {  	v21 =	vadd.s32 v4, v22;
	v22 =	vperm.xlane v18, v9;
	s29 =	simm.s32 $0xA500  }
0x370: {  	[tilespmem:s29], [sflag:$0x3] =	stream.indirect_vreg.gather [hbm4b:s1+s3], $0x80, v19, vm0, $0xb8;
	[tilespmem:$0x1FB80] =	vst v63  }
0x371: {  	v19 =	vadd.s32 v4, v22;
	v22 =	vperm.xlane v18, v1;
	s29 =	simm.s32 $0xA580  }
0x372: {  	[tilespmem:s29], [sflag:$0x3] =	stream.indirect_vreg.gather [hbm4b:s1+s3], $0x80, v20, vm0, $0xb8;
	[tilespmem:$0x1FB80] =	vst v63  }
0x373: {  	v20 =	vadd.s32 v4, v22;
	v22 =	vperm.xlane v18, v10;
	s29 =	simm.s32 $0xA600  }
0x374: {  	[tilespmem:s29], [sflag:$0x3] =	stream.indirect_vreg.gather [hbm4b:s1+s3], $0x80, v21, vm0, $0xb8;
	[tilespmem:$0x1FB80] =	vst v63  }
0x375: {  	v21 =	vadd.s32 v4, v22;
	v22 =	vperm.xlane v18, v11;
	s29 =	simm.s32 $0xA680  }
0x376: {  	[tilespmem:s29], [sflag:$0x3] =	stream.indirect_vreg.gather [hbm4b:s1+s3], $0x80, v19, vm0, $0xb8;
	[tilespmem:$0x1FB80] =	vst v63  }
0x377: {  	v19 =	vadd.s32 v4, v22;
	v22 =	vperm.xlane v18, v12;
	s29 =	simm.s32 $0xA700  }
0x378: {  	[tilespmem:s29], [sflag:$0x3] =	stream.indirect_vreg.gather [hbm4b:s1+s3], $0x80, v20, vm0, $0xb8;
	[tilespmem:$0x1FB80] =	vst v63  }
0x379: {  	v20 =	vadd.s32 v4, v22;
	v22 =	vperm.xlane v18, v13;
	s29 =	simm.s32 $0xA780  }
0x37a: {  	[tilespmem:s29], [sflag:$0x3] =	stream.indirect_vreg.gather [hbm4b:s1+s3], $0x80, v21, vm0, $0xb8;
	[tilespmem:$0x1FB80] =	vst v63  }
0x37b: {  	v21 =	vadd.s32 v4, v22;
	v22 =	vperm.xlane v18, v14;
	s29 =	simm.s32 $0xA800  }
0x37c: {  	[tilespmem:s29], [sflag:$0x3] =	stream.indirect_vreg.gather [hbm4b:s1+s3], $0x80, v19, vm0, $0xb8;
	[tilespmem:$0x1FB80] =	vst v63  }
0x37d: {  	v19 =	vadd.s32 v4, v22;
	v22 =	vperm.xlane v18, v15;
	s29 =	simm.s32 $0xA880  }
0x37e: {  	[tilespmem:s29], [sflag:$0x3] =	stream.indirect_vreg.gather [hbm4b:s1+s3], $0x80, v20, vm0, $0xb8;
	[tilespmem:$0x1FB80] =	vst v63  }
0x37f: {  	v20 =	vadd.s32 v4, v22;
	v22 =	vperm.xlane v18, v16;
	s29 =	simm.s32 $0xA900  }
0x380: {  	[tilespmem:s29], [sflag:$0x3] =	stream.indirect_vreg.gather [hbm4b:s1+s3], $0x80, v21, vm0, $0xb8;
	[tilespmem:$0x1FB80] =	vst v63  }
0x381: {  	v18 =	vperm.xlane v18, v17;
	v21 =	vadd.s32 v4, v22;
	s29 =	simm.s32 $0xA980  }
0x382: {  	[tilespmem:s29], [sflag:$0x3] =	stream.indirect_vreg.gather [hbm4b:s1+s3], $0x80, v19, vm0, $0xb8;
	[tilespmem:$0x1FB80] =	vst v63  }
0x383: {  	v18 =	vadd.s32 v4, v18;
	s29 =	simm.s32 $0xAA00  }
0x384: {  	[tilespmem:s29], [sflag:$0x3] =	stream.indirect_vreg.gather [hbm4b:s1+s3], $0x80, v20, vm0, $0xb8;
	[tilespmem:$0x1FB80] =	vst v63  }
0x385: {  	s29 =	simm.s32 $0xAA80  }
0x386: {  	[tilespmem:s29], [sflag:$0x3] =	stream.indirect_vreg.gather [hbm4b:s1+s3], $0x80, v21, vm0, $0xb8;
	[tilespmem:$0x1FB80] =	vst v63  }
0x387: {  	s29 =	simm.s32 $0xAB00  }
0x388: {  	[tilespmem:s29], [sflag:$0x3] =	stream.indirect_vreg.gather [hbm4b:s1+s3], $0x80, v18, vm0, $0xb8;
	[tilespmem:$0x1FB80] =	vst v63  }
0x389: {  	s28 =	simm.s32 $0x11B80;
	s29 =	simm.s32 $0xE0  }
0x38a: {  	[tilespmem:s28], [sflag:$0x6] =	stream.indirect.gather [hbm4b:s4+s7], $0x80, s29, s7, $0xb8;
	[tilespmem:$0x1FB80] =	vst v63  }
0x38b: {  	_ =	swait.ge [sflag:s24], $0x3800  }
0x38c: {  	[sflag:s24] =	ssyncset.done $0x0  }
0x38d: {  	[sflag:s24] =	ssyncadd.s32 $0xFFFFC800  }
0x38e: {  	_ =	swait.ge [sflag:s15], $0x3800  }
0x38f: {  	[sflag:s15] =	ssyncset.done $0x0  }
0x390: {  	s26 =	simm.s32 $0x0;
	[sflag:s15] =	ssyncadd.s32 $0xFFFFC800  }
0x391: {  	v18 =	vld [tilespmem:s26+$0xABB0]  }
0x392: {  	v19 =	vld [tilespmem:s26+$0xAB80]  }
0x393: {  	v20 =	vld [tilespmem:s26+$0xAB90]  }
0x394: {  	s28 =	simm.s32 $0x200;
	v21 =	vld [tilespmem:s26+$0xABA0]  }
.LBB2_2:
0x395: {  	p0 =	sne.s32 s28, $0xDE00  }
.Ltmp0:
0x396: {  	s29 =	sshra.s32 s28, $0x2;
	s28 =	sadd.s32 $0x200, s28;
	[tilespmem:s26+$0x153B0] =	vst v18;
	(pc) =	sbr.rel @p0 .LBB2_2-.Ltmp0, $4  }
0x397: {  	v18 =	vld [tilespmem:s29+$0xABB0];
	[tilespmem:s26+$0x15380] =	vst v19  }
0x398: {  	v19 =	vld [tilespmem:s29+$0xAB80];
	[tilespmem:s26+$0x15390] =	vst v20  }
0x399: {  	v20 =	vld [tilespmem:s29+$0xAB90];
	[tilespmem:s26+$0x153A0] =	vst v21;
	s26 =	smov.u32 s29  }
0x39a: {  	v21 =	vld [tilespmem:s26+$0xABA0]  }
0x39b: {  	_ = 	snop  }
0x39c: {  	[tilespmem:s26+$0x153B0] =	vst v18  }
0x39d: {  	[tilespmem:s26+$0x15380] =	vst v19  }
0x39e: {  	[tilespmem:s26+$0x15390] =	vst v20  }
0x39f: {  	s29 =	rddreg [dreg:$0x5];
	[tilespmem:s26+$0x153A0] =	vst v21  }
0x3a0: {  	[hbm4b:s29+s23] =	stream.strided.scatter [tilespmem:s22], [sflag:$0x7], $0x3800, s0, s23, $0x38;
	[tilespmem:$0x1FB80] =	vst v63  }
0x3a1: {  	s29 =	rddreg [dreg:$0x7]  }
0x3a2: {  	[hbm4b:s29+s23] =	stream.strided.scatter [tilespmem:s18], [sflag:$0xA], $0x3800, s0, s23, $0x38;
	[tilespmem:$0x1FB80] =	vst v63  }
0x3a3: {  	_ =	swait.ge [sflag:s5], $0x3800  }
0x3a4: {  	[sflag:s5] =	ssyncset.done $0x0  }
0x3a5: {  	[sflag:s5] =	ssyncadd.s32 $0xFFFFC800  }
0x3a6: {  	_ =	swait.ge [sflag:s21], $0x3800  }
0x3a7: {  	[sflag:s21] =	ssyncset.done $0x0  }
0x3a8: {  	[sflag:s21] =	ssyncadd.s32 $0xFFFFC800  }
0x3a9: {  	v18 =	vld [tilespmem:$0x150];
	_ =	sdelay $0x4  }
0x3aa: {  	v19 =	vshll.u32 v18, $0x1  }
0x3ab: {  	v18 =	vand.u32 $0x7, v18;
	v19 =	vand.u32 $0xFFFFFFF0, v19  }
0x3ac: {  	v18 =	vor.u32 v18, v19  }
0x3ad: {  	v19 =	vperm.xlane v18, v3;
	_ =	sdelay $0x1  }
0x3ae: {  	v20 =	vperm.xlane v18, v2;
	v19 =	vadd.s32 v4, v19;
	_ =	sdelay $0x1  }
0x3af: {  	v21 =	vperm.xlane v18, v5;
	v20 =	vadd.s32 v4, v20;
	_ =	sdelay $0x1  }
0x3b0: {  	s29 =	simm.s32 $0x0;
	v22 =	vperm.xlane v18, v6;
	v21 =	vadd.s32 v4, v21  }
0x3b1: {  	[tilespmem:s22], [sflag:$0x1] =	stream.indirect_vreg.gather [hbm4b:s1+s29], $0x80, v19, vm0, $0xb8;
	[tilespmem:$0x1FB80] =	vst v63  }
0x3b2: {  	v19 =	vadd.s32 v4, v22;
	v22 =	vperm.xlane v18, v7  }
0x3b3: {  	[tilespmem:s23], [sflag:$0x1] =	stream.indirect_vreg.gather [hbm4b:s1+s29], $0x80, v20, vm0, $0xb8;
	[tilespmem:$0x1FB80] =	vst v63  }
0x3b4: {  	s28 =	simm.s32 $0x480;
	v20 =	vadd.s32 v4, v22;
	v22 =	vperm.xlane v18, v8  }
0x3b5: {  	[tilespmem:s28], [sflag:$0x1] =	stream.indirect_vreg.gather [hbm4b:s1+s29], $0x80, v21, vm0, $0xb8;
	[tilespmem:$0x1FB80] =	vst v63  }
0x3b6: {  	v21 =	vadd.s32 v4, v22;
	v22 =	vperm.xlane v18, v9;
	s28 =	simm.s32 $0x500  }
0x3b7: {  	[tilespmem:s28], [sflag:$0x1] =	stream.indirect_vreg.gather [hbm4b:s1+s29], $0x80, v19, vm0, $0xb8;
	[tilespmem:$0x1FB80] =	vst v63  }
0x3b8: {  	v19 =	vadd.s32 v4, v22;
	v22 =	vperm.xlane v18, v1;
	s28 =	simm.s32 $0x580  }
0x3b9: {  	[tilespmem:s28], [sflag:$0x1] =	stream.indirect_vreg.gather [hbm4b:s1+s29], $0x80, v20, vm0, $0xb8;
	[tilespmem:$0x1FB80] =	vst v63  }
0x3ba: {  	v20 =	vadd.s32 v4, v22;
	v22 =	vperm.xlane v18, v10;
	s28 =	simm.s32 $0x600  }
0x3bb: {  	[tilespmem:s28], [sflag:$0x1] =	stream.indirect_vreg.gather [hbm4b:s1+s29], $0x80, v21, vm0, $0xb8;
	[tilespmem:$0x1FB80] =	vst v63  }
0x3bc: {  	v21 =	vadd.s32 v4, v22;
	v22 =	vperm.xlane v18, v11;
	s28 =	simm.s32 $0x680  }
0x3bd: {  	[tilespmem:s28], [sflag:$0x1] =	stream.indirect_vreg.gather [hbm4b:s1+s29], $0x80, v19, vm0, $0xb8;
	[tilespmem:$0x1FB80] =	vst v63  }
0x3be: {  	v19 =	vadd.s32 v4, v22;
	v22 =	vperm.xlane v18, v12;
	s28 =	simm.s32 $0x700  }
0x3bf: {  	[tilespmem:s28], [sflag:$0x1] =	stream.indirect_vreg.gather [hbm4b:s1+s29], $0x80, v20, vm0, $0xb8;
	[tilespmem:$0x1FB80] =	vst v63  }
0x3c0: {  	v20 =	vadd.s32 v4, v22;
	v22 =	vperm.xlane v18, v13;
	s28 =	simm.s32 $0x780  }
0x3c1: {  	[tilespmem:s28], [sflag:$0x1] =	stream.indirect_vreg.gather [hbm4b:s1+s29], $0x80, v21, vm0, $0xb8;
	[tilespmem:$0x1FB80] =	vst v63  }
0x3c2: {  	v21 =	vadd.s32 v4, v22;
	v22 =	vperm.xlane v18, v14  }
0x3c3: {  	[tilespmem:s0], [sflag:$0x1] =	stream.indirect_vreg.gather [hbm4b:s1+s29], $0x80, v19, vm0, $0xb8;
	[tilespmem:$0x1FB80] =	vst v63  }
0x3c4: {  	s28 =	simm.s32 $0x880;
	v19 =	vadd.s32 v4, v22;
	v22 =	vperm.xlane v18, v15  }
0x3c5: {  	[tilespmem:s28], [sflag:$0x1] =	stream.indirect_vreg.gather [hbm4b:s1+s29], $0x80, v20, vm0, $0xb8;
	[tilespmem:$0x1FB80] =	vst v63  }
0x3c6: {  	v20 =	vadd.s32 v4, v22;
	v22 =	vperm.xlane v18, v16;
	s28 =	simm.s32 $0x900  }
0x3c7: {  	[tilespmem:s28], [sflag:$0x1] =	stream.indirect_vreg.gather [hbm4b:s1+s29], $0x80, v21, vm0, $0xb8;
	[tilespmem:$0x1FB80] =	vst v63  }
0x3c8: {  	v18 =	vperm.xlane v18, v17;
	v21 =	vadd.s32 v4, v22;
	s28 =	simm.s32 $0x980  }
0x3c9: {  	[tilespmem:s28], [sflag:$0x1] =	stream.indirect_vreg.gather [hbm4b:s1+s29], $0x80, v19, vm0, $0xb8;
	[tilespmem:$0x1FB80] =	vst v63  }
0x3ca: {  	v18 =	vadd.s32 v4, v18;
	s28 =	simm.s32 $0xA00  }
0x3cb: {  	[tilespmem:s28], [sflag:$0x1] =	stream.indirect_vreg.gather [hbm4b:s1+s29], $0x80, v20, vm0, $0xb8;
	[tilespmem:$0x1FB80] =	vst v63  }
0x3cc: {  	s28 =	simm.s32 $0xA80  }
0x3cd: {  	[tilespmem:s28], [sflag:$0x1] =	stream.indirect_vreg.gather [hbm4b:s1+s29], $0x80, v21, vm0, $0xb8;
	[tilespmem:$0x1FB80] =	vst v63  }
0x3ce: {  	s28 =	simm.s32 $0xB00  }
0x3cf: {  	[tilespmem:s28], [sflag:$0x1] =	stream.indirect_vreg.gather [hbm4b:s1+s29], $0x80, v18, vm0, $0xb8;
	[tilespmem:$0x1FB80] =	vst v63  }
0x3d0: {  	v18 =	vld [tilespmem:$0x160];
	_ =	sdelay $0x4  }
0x3d1: {  	v19 =	vshll.u32 v18, $0x1  }
0x3d2: {  	v18 =	vand.u32 $0x7, v18;
	v19 =	vand.u32 $0xFFFFFFF0, v19  }
0x3d3: {  	v18 =	vor.u32 v18, v19  }
0x3d4: {  	v19 =	vperm.xlane v18, v3;
	_ =	sdelay $0x1  }
0x3d5: {  	v20 =	vperm.xlane v18, v2;
	v19 =	vadd.s32 v4, v19;
	_ =	sdelay $0x1  }
0x3d6: {  	v21 =	vperm.xlane v18, v5;
	v20 =	vadd.s32 v4, v20;
	_ =	sdelay $0x1  }
0x3d7: {  	s28 =	simm.s32 $0xB80;
	v22 =	vperm.xlane v18, v6;
	v21 =	vadd.s32 v4, v21  }
0x3d8: {  	[tilespmem:s28], [sflag:$0x1] =	stream.indirect_vreg.gather [hbm4b:s1+s29], $0x80, v19, vm0, $0xb8;
	[tilespmem:$0x1FB80] =	vst v63  }
0x3d9: {  	v19 =	vadd.s32 v4, v22;
	v22 =	vperm.xlane v18, v7;
	s28 =	simm.s32 $0xC00  }
0x3da: {  	[tilespmem:s28], [sflag:$0x1] =	stream.indirect_vreg.gather [hbm4b:s1+s29], $0x80, v20, vm0, $0xb8;
	[tilespmem:$0x1FB80] =	vst v63  }
0x3db: {  	v20 =	vadd.s32 v4, v22;
	v22 =	vperm.xlane v18, v8;
	s28 =	simm.s32 $0xC80  }
0x3dc: {  	[tilespmem:s28], [sflag:$0x1] =	stream.indirect_vreg.gather [hbm4b:s1+s29], $0x80, v21, vm0, $0xb8;
	[tilespmem:$0x1FB80] =	vst v63  }
0x3dd: {  	v21 =	vadd.s32 v4, v22;
	v22 =	vperm.xlane v18, v9;
	s28 =	simm.s32 $0xD00  }
0x3de: {  	[tilespmem:s28], [sflag:$0x1] =	stream.indirect_vreg.gather [hbm4b:s1+s29], $0x80, v19, vm0, $0xb8;
	[tilespmem:$0x1FB80] =	vst v63  }
0x3df: {  	v19 =	vadd.s32 v4, v22;
	v22 =	vperm.xlane v18, v1;
	s28 =	simm.s32 $0xD80  }
0x3e0: {  	[tilespmem:s28], [sflag:$0x1] =	stream.indirect_vreg.gather [hbm4b:s1+s29], $0x80, v20, vm0, $0xb8;
	[tilespmem:$0x1FB80] =	vst v63  }
0x3e1: {  	v20 =	vadd.s32 v4, v22;
	v22 =	vperm.xlane v18, v10;
	s28 =	simm.s32 $0xE00  }
0x3e2: {  	[tilespmem:s28], [sflag:$0x1] =	stream.indirect_vreg.gather [hbm4b:s1+s29], $0x80, v21, vm0, $0xb8;
	[tilespmem:$0x1FB80] =	vst v63  }
0x3e3: {  	v21 =	vadd.s32 v4, v22;
	v22 =	vperm.xlane v18, v11;
	s28 =	simm.s32 $0xE80  }
0x3e4: {  	[tilespmem:s28], [sflag:$0x1] =	stream.indirect_vreg.gather [hbm4b:s1+s29], $0x80, v19, vm0, $0xb8;
	[tilespmem:$0x1FB80] =	vst v63  }
0x3e5: {  	v19 =	vadd.s32 v4, v22;
	v22 =	vperm.xlane v18, v12;
	s28 =	simm.s32 $0xF00  }
0x3e6: {  	[tilespmem:s28], [sflag:$0x1] =	stream.indirect_vreg.gather [hbm4b:s1+s29], $0x80, v20, vm0, $0xb8;
	[tilespmem:$0x1FB80] =	vst v63  }
0x3e7: {  	v20 =	vadd.s32 v4, v22;
	v22 =	vperm.xlane v18, v13;
	s28 =	simm.s32 $0xF80  }
0x3e8: {  	[tilespmem:s28], [sflag:$0x1] =	stream.indirect_vreg.gather [hbm4b:s1+s29], $0x80, v21, vm0, $0xb8;
	[tilespmem:$0x1FB80] =	vst v63  }
0x3e9: {  	v21 =	vadd.s32 v4, v22;
	v22 =	vperm.xlane v18, v14;
	s28 =	simm.s32 $0x1000  }
0x3ea: {  	[tilespmem:s28], [sflag:$0x1] =	stream.indirect_vreg.gather [hbm4b:s1+s29], $0x80, v19, vm0, $0xb8;
	[tilespmem:$0x1FB80] =	vst v63  }
0x3eb: {  	v19 =	vadd.s32 v4, v22;
	v22 =	vperm.xlane v18, v15;
	s28 =	simm.s32 $0x1080  }
0x3ec: {  	[tilespmem:s28], [sflag:$0x1] =	stream.indirect_vreg.gather [hbm4b:s1+s29], $0x80, v20, vm0, $0xb8;
	[tilespmem:$0x1FB80] =	vst v63  }
0x3ed: {  	v20 =	vadd.s32 v4, v22;
	v22 =	vperm.xlane v18, v16;
	s28 =	simm.s32 $0x1100  }
0x3ee: {  	[tilespmem:s28], [sflag:$0x1] =	stream.indirect_vreg.gather [hbm4b:s1+s29], $0x80, v21, vm0, $0xb8;
	[tilespmem:$0x1FB80] =	vst v63  }
0x3ef: {  	v18 =	vperm.xlane v18, v17;
	v21 =	vadd.s32 v4, v22;
	s28 =	simm.s32 $0x1180  }
0x3f0: {  	[tilespmem:s28], [sflag:$0x1] =	stream.indirect_vreg.gather [hbm4b:s1+s29], $0x80, v19, vm0, $0xb8;
	[tilespmem:$0x1FB80] =	vst v63  }
0x3f1: {  	v18 =	vadd.s32 v4, v18;
	s28 =	simm.s32 $0x1200  }
0x3f2: {  	[tilespmem:s28], [sflag:$0x1] =	stream.indirect_vreg.gather [hbm4b:s1+s29], $0x80, v20, vm0, $0xb8;
	[tilespmem:$0x1FB80] =	vst v63  }
0x3f3: {  	s28 =	simm.s32 $0x1280  }
0x3f4: {  	[tilespmem:s28], [sflag:$0x1] =	stream.indirect_vreg.gather [hbm4b:s1+s29], $0x80, v21, vm0, $0xb8;
	[tilespmem:$0x1FB80] =	vst v63  }
0x3f5: {  	s28 =	simm.s32 $0x1300  }
0x3f6: {  	[tilespmem:s28], [sflag:$0x1] =	stream.indirect_vreg.gather [hbm4b:s1+s29], $0x80, v18, vm0, $0xb8;
	[tilespmem:$0x1FB80] =	vst v63  }
0x3f7: {  	v18 =	vld [tilespmem:$0x170];
	_ =	sdelay $0x4  }
0x3f8: {  	v19 =	vshll.u32 v18, $0x1  }
0x3f9: {  	v18 =	vand.u32 $0x7, v18;
	v19 =	vand.u32 $0xFFFFFFF0, v19  }
0x3fa: {  	v18 =	vor.u32 v18, v19  }
0x3fb: {  	v19 =	vperm.xlane v18, v3;
	_ =	sdelay $0x1  }
0x3fc: {  	v20 =	vperm.xlane v18, v2;
	v19 =	vadd.s32 v4, v19;
	_ =	sdelay $0x1  }
0x3fd: {  	v21 =	vperm.xlane v18, v5;
	v20 =	vadd.s32 v4, v20;
	_ =	sdelay $0x1  }
0x3fe: {  	s28 =	simm.s32 $0x1380;
	v22 =	vperm.xlane v18, v6;
	v21 =	vadd.s32 v4, v21  }
0x3ff: {  	[tilespmem:s28], [sflag:$0x1] =	stream.indirect_vreg.gather [hbm4b:s1+s29], $0x80, v19, vm0, $0xb8;
	[tilespmem:$0x1FB80] =	vst v63  }
0x400: {  	v19 =	vadd.s32 v4, v22;
	v22 =	vperm.xlane v18, v7;
	s28 =	simm.s32 $0x1400  }
0x401: {  	[tilespmem:s28], [sflag:$0x1] =	stream.indirect_vreg.gather [hbm4b:s1+s29], $0x80, v20, vm0, $0xb8;
	[tilespmem:$0x1FB80] =	vst v63  }
0x402: {  	v20 =	vadd.s32 v4, v22;
	v22 =	vperm.xlane v18, v8;
	s28 =	simm.s32 $0x1480  }
0x403: {  	[tilespmem:s28], [sflag:$0x1] =	stream.indirect_vreg.gather [hbm4b:s1+s29], $0x80, v21, vm0, $0xb8;
	[tilespmem:$0x1FB80] =	vst v63  }
0x404: {  	v21 =	vadd.s32 v4, v22;
	v22 =	vperm.xlane v18, v9;
	s28 =	simm.s32 $0x1500  }
0x405: {  	[tilespmem:s28], [sflag:$0x1] =	stream.indirect_vreg.gather [hbm4b:s1+s29], $0x80, v19, vm0, $0xb8;
	[tilespmem:$0x1FB80] =	vst v63  }
0x406: {  	v19 =	vadd.s32 v4, v22;
	v22 =	vperm.xlane v18, v1;
	s28 =	simm.s32 $0x1580  }
0x407: {  	[tilespmem:s28], [sflag:$0x1] =	stream.indirect_vreg.gather [hbm4b:s1+s29], $0x80, v20, vm0, $0xb8;
	[tilespmem:$0x1FB80] =	vst v63  }
0x408: {  	v20 =	vadd.s32 v4, v22;
	v22 =	vperm.xlane v18, v10;
	s28 =	simm.s32 $0x1600  }
0x409: {  	[tilespmem:s28], [sflag:$0x1] =	stream.indirect_vreg.gather [hbm4b:s1+s29], $0x80, v21, vm0, $0xb8;
	[tilespmem:$0x1FB80] =	vst v63  }
0x40a: {  	v21 =	vadd.s32 v4, v22;
	v22 =	vperm.xlane v18, v11;
	s28 =	simm.s32 $0x1680  }
0x40b: {  	[tilespmem:s28], [sflag:$0x1] =	stream.indirect_vreg.gather [hbm4b:s1+s29], $0x80, v19, vm0, $0xb8;
	[tilespmem:$0x1FB80] =	vst v63  }
0x40c: {  	v19 =	vadd.s32 v4, v22;
	v22 =	vperm.xlane v18, v12;
	s28 =	simm.s32 $0x1700  }
0x40d: {  	[tilespmem:s28], [sflag:$0x1] =	stream.indirect_vreg.gather [hbm4b:s1+s29], $0x80, v20, vm0, $0xb8;
	[tilespmem:$0x1FB80] =	vst v63  }
0x40e: {  	v20 =	vadd.s32 v4, v22;
	v22 =	vperm.xlane v18, v13;
	s28 =	simm.s32 $0x1780  }
0x40f: {  	[tilespmem:s28], [sflag:$0x1] =	stream.indirect_vreg.gather [hbm4b:s1+s29], $0x80, v21, vm0, $0xb8;
	[tilespmem:$0x1FB80] =	vst v63  }
0x410: {  	v21 =	vadd.s32 v4, v22;
	v22 =	vperm.xlane v18, v14;
	s28 =	simm.s32 $0x1800  }
0x411: {  	[tilespmem:s28], [sflag:$0x1] =	stream.indirect_vreg.gather [hbm4b:s1+s29], $0x80, v19, vm0, $0xb8;
	[tilespmem:$0x1FB80] =	vst v63  }
0x412: {  	v19 =	vadd.s32 v4, v22;
	v22 =	vperm.xlane v18, v15;
	s28 =	simm.s32 $0x1880  }
0x413: {  	[tilespmem:s28], [sflag:$0x1] =	stream.indirect_vreg.gather [hbm4b:s1+s29], $0x80, v20, vm0, $0xb8;
	[tilespmem:$0x1FB80] =	vst v63  }
0x414: {  	v20 =	vadd.s32 v4, v22;
	v22 =	vperm.xlane v18, v16;
	s28 =	simm.s32 $0x1900  }
0x415: {  	[tilespmem:s28], [sflag:$0x1] =	stream.indirect_vreg.gather [hbm4b:s1+s29], $0x80, v21, vm0, $0xb8;
	[tilespmem:$0x1FB80] =	vst v63  }
0x416: {  	v18 =	vperm.xlane v18, v17;
	v21 =	vadd.s32 v4, v22;
	s28 =	simm.s32 $0x1980  }
0x417: {  	[tilespmem:s28], [sflag:$0x1] =	stream.indirect_vreg.gather [hbm4b:s1+s29], $0x80, v19, vm0, $0xb8;
	[tilespmem:$0x1FB80] =	vst v63  }
0x418: {  	v18 =	vadd.s32 v4, v18;
	s28 =	simm.s32 $0x1A00  }
0x419: {  	[tilespmem:s28], [sflag:$0x1] =	stream.indirect_vreg.gather [hbm4b:s1+s29], $0x80, v20, vm0, $0xb8;
	[tilespmem:$0x1FB80] =	vst v63  }
0x41a: {  	s28 =	simm.s32 $0x1A80  }
0x41b: {  	[tilespmem:s28], [sflag:$0x1] =	stream.indirect_vreg.gather [hbm4b:s1+s29], $0x80, v21, vm0, $0xb8;
	[tilespmem:$0x1FB80] =	vst v63  }
0x41c: {  	s28 =	simm.s32 $0x1B00  }
0x41d: {  	[tilespmem:s28], [sflag:$0x1] =	stream.indirect_vreg.gather [hbm4b:s1+s29], $0x80, v18, vm0, $0xb8;
	[tilespmem:$0x1FB80] =	vst v63  }
0x41e: {  	v18 =	vld [tilespmem:$0x180];
	_ =	sdelay $0x4  }
0x41f: {  	v19 =	vshll.u32 v18, $0x1  }
0x420: {  	v18 =	vand.u32 $0x7, v18;
	v19 =	vand.u32 $0xFFFFFFF0, v19  }
0x421: {  	v18 =	vor.u32 v18, v19  }
0x422: {  	v19 =	vperm.xlane v18, v3;
	_ =	sdelay $0x1  }
0x423: {  	v20 =	vperm.xlane v18, v2;
	v19 =	vadd.s32 v4, v19;
	_ =	sdelay $0x1  }
0x424: {  	v21 =	vperm.xlane v18, v5;
	v20 =	vadd.s32 v4, v20;
	_ =	sdelay $0x1  }
0x425: {  	s28 =	simm.s32 $0x1B80;
	v22 =	vperm.xlane v18, v6;
	v21 =	vadd.s32 v4, v21  }
0x426: {  	[tilespmem:s28], [sflag:$0x1] =	stream.indirect_vreg.gather [hbm4b:s1+s29], $0x80, v19, vm0, $0xb8;
	[tilespmem:$0x1FB80] =	vst v63  }
0x427: {  	v19 =	vadd.s32 v4, v22;
	v22 =	vperm.xlane v18, v7;
	s28 =	simm.s32 $0x1C00  }
0x428: {  	[tilespmem:s28], [sflag:$0x1] =	stream.indirect_vreg.gather [hbm4b:s1+s29], $0x80, v20, vm0, $0xb8;
	[tilespmem:$0x1FB80] =	vst v63  }
0x429: {  	v20 =	vadd.s32 v4, v22;
	v22 =	vperm.xlane v18, v8;
	s28 =	simm.s32 $0x1C80  }
0x42a: {  	[tilespmem:s28], [sflag:$0x1] =	stream.indirect_vreg.gather [hbm4b:s1+s29], $0x80, v21, vm0, $0xb8;
	[tilespmem:$0x1FB80] =	vst v63  }
0x42b: {  	v21 =	vadd.s32 v4, v22;
	v22 =	vperm.xlane v18, v9;
	s28 =	simm.s32 $0x1D00  }
0x42c: {  	[tilespmem:s28], [sflag:$0x1] =	stream.indirect_vreg.gather [hbm4b:s1+s29], $0x80, v19, vm0, $0xb8;
	[tilespmem:$0x1FB80] =	vst v63  }
0x42d: {  	v19 =	vadd.s32 v4, v22;
	v22 =	vperm.xlane v18, v1;
	s28 =	simm.s32 $0x1D80  }
0x42e: {  	[tilespmem:s28], [sflag:$0x1] =	stream.indirect_vreg.gather [hbm4b:s1+s29], $0x80, v20, vm0, $0xb8;
	[tilespmem:$0x1FB80] =	vst v63  }
0x42f: {  	v20 =	vadd.s32 v4, v22;
	v22 =	vperm.xlane v18, v10;
	s28 =	simm.s32 $0x1E00  }
0x430: {  	[tilespmem:s28], [sflag:$0x1] =	stream.indirect_vreg.gather [hbm4b:s1+s29], $0x80, v21, vm0, $0xb8;
	[tilespmem:$0x1FB80] =	vst v63  }
0x431: {  	v21 =	vadd.s32 v4, v22;
	v22 =	vperm.xlane v18, v11;
	s28 =	simm.s32 $0x1E80  }
0x432: {  	[tilespmem:s28], [sflag:$0x1] =	stream.indirect_vreg.gather [hbm4b:s1+s29], $0x80, v19, vm0, $0xb8;
	[tilespmem:$0x1FB80] =	vst v63  }
0x433: {  	v19 =	vadd.s32 v4, v22;
	v22 =	vperm.xlane v18, v12;
	s28 =	simm.s32 $0x1F00  }
0x434: {  	[tilespmem:s28], [sflag:$0x1] =	stream.indirect_vreg.gather [hbm4b:s1+s29], $0x80, v20, vm0, $0xb8;
	[tilespmem:$0x1FB80] =	vst v63  }
0x435: {  	v20 =	vadd.s32 v4, v22;
	v22 =	vperm.xlane v18, v13;
	s28 =	simm.s32 $0x1F80  }
0x436: {  	[tilespmem:s28], [sflag:$0x1] =	stream.indirect_vreg.gather [hbm4b:s1+s29], $0x80, v21, vm0, $0xb8;
	[tilespmem:$0x1FB80] =	vst v63  }
0x437: {  	v21 =	vadd.s32 v4, v22;
	v22 =	vperm.xlane v18, v14;
	s28 =	simm.s32 $0x2000  }
0x438: {  	[tilespmem:s28], [sflag:$0x1] =	stream.indirect_vreg.gather [hbm4b:s1+s29], $0x80, v19, vm0, $0xb8;
	[tilespmem:$0x1FB80] =	vst v63  }
0x439: {  	v19 =	vadd.s32 v4, v22;
	v22 =	vperm.xlane v18, v15;
	s28 =	simm.s32 $0x2080  }
0x43a: {  	[tilespmem:s28], [sflag:$0x1] =	stream.indirect_vreg.gather [hbm4b:s1+s29], $0x80, v20, vm0, $0xb8;
	[tilespmem:$0x1FB80] =	vst v63  }
0x43b: {  	v20 =	vadd.s32 v4, v22;
	v22 =	vperm.xlane v18, v16;
	s28 =	simm.s32 $0x2100  }
0x43c: {  	[tilespmem:s28], [sflag:$0x1] =	stream.indirect_vreg.gather [hbm4b:s1+s29], $0x80, v21, vm0, $0xb8;
	[tilespmem:$0x1FB80] =	vst v63  }
0x43d: {  	v18 =	vperm.xlane v18, v17;
	v21 =	vadd.s32 v4, v22;
	s28 =	simm.s32 $0x2180  }
0x43e: {  	[tilespmem:s28], [sflag:$0x1] =	stream.indirect_vreg.gather [hbm4b:s1+s29], $0x80, v19, vm0, $0xb8;
	[tilespmem:$0x1FB80] =	vst v63  }
0x43f: {  	v18 =	vadd.s32 v4, v18;
	s28 =	simm.s32 $0x2200  }
0x440: {  	[tilespmem:s28], [sflag:$0x1] =	stream.indirect_vreg.gather [hbm4b:s1+s29], $0x80, v20, vm0, $0xb8;
	[tilespmem:$0x1FB80] =	vst v63  }
0x441: {  	s28 =	simm.s32 $0x2280  }
0x442: {  	[tilespmem:s28], [sflag:$0x1] =	stream.indirect_vreg.gather [hbm4b:s1+s29], $0x80, v21, vm0, $0xb8;
	[tilespmem:$0x1FB80] =	vst v63  }
0x443: {  	s28 =	simm.s32 $0x2300  }
0x444: {  	[tilespmem:s28], [sflag:$0x1] =	stream.indirect_vreg.gather [hbm4b:s1+s29], $0x80, v18, vm0, $0xb8;
	[tilespmem:$0x1FB80] =	vst v63  }
0x445: {  	v18 =	vld [tilespmem:$0x190];
	_ =	sdelay $0x4  }
0x446: {  	v19 =	vshll.u32 v18, $0x1  }
0x447: {  	v18 =	vand.u32 $0x7, v18;
	v19 =	vand.u32 $0xFFFFFFF0, v19  }
0x448: {  	v18 =	vor.u32 v18, v19  }
0x449: {  	v19 =	vperm.xlane v18, v3;
	_ =	sdelay $0x1  }
0x44a: {  	v20 =	vperm.xlane v18, v2;
	v19 =	vadd.s32 v4, v19;
	_ =	sdelay $0x1  }
0x44b: {  	v21 =	vperm.xlane v18, v5;
	v20 =	vadd.s32 v4, v20;
	_ =	sdelay $0x1  }
0x44c: {  	s28 =	simm.s32 $0x2380;
	v22 =	vperm.xlane v18, v6;
	v21 =	vadd.s32 v4, v21  }
0x44d: {  	[tilespmem:s28], [sflag:$0x1] =	stream.indirect_vreg.gather [hbm4b:s1+s29], $0x80, v19, vm0, $0xb8;
	[tilespmem:$0x1FB80] =	vst v63  }
0x44e: {  	v19 =	vadd.s32 v4, v22;
	v22 =	vperm.xlane v18, v7;
	s28 =	simm.s32 $0x2400  }
0x44f: {  	[tilespmem:s28], [sflag:$0x1] =	stream.indirect_vreg.gather [hbm4b:s1+s29], $0x80, v20, vm0, $0xb8;
	[tilespmem:$0x1FB80] =	vst v63  }
0x450: {  	v20 =	vadd.s32 v4, v22;
	v22 =	vperm.xlane v18, v8;
	s28 =	simm.s32 $0x2480  }
0x451: {  	[tilespmem:s28], [sflag:$0x1] =	stream.indirect_vreg.gather [hbm4b:s1+s29], $0x80, v21, vm0, $0xb8;
	[tilespmem:$0x1FB80] =	vst v63  }
0x452: {  	v21 =	vadd.s32 v4, v22;
	v22 =	vperm.xlane v18, v9;
	s28 =	simm.s32 $0x2500  }
0x453: {  	[tilespmem:s28], [sflag:$0x1] =	stream.indirect_vreg.gather [hbm4b:s1+s29], $0x80, v19, vm0, $0xb8;
	[tilespmem:$0x1FB80] =	vst v63  }
0x454: {  	v19 =	vadd.s32 v4, v22;
	v22 =	vperm.xlane v18, v1;
	s28 =	simm.s32 $0x2580  }
0x455: {  	[tilespmem:s28], [sflag:$0x1] =	stream.indirect_vreg.gather [hbm4b:s1+s29], $0x80, v20, vm0, $0xb8;
	[tilespmem:$0x1FB80] =	vst v63  }
0x456: {  	v20 =	vadd.s32 v4, v22;
	v22 =	vperm.xlane v18, v10;
	s28 =	simm.s32 $0x2600  }
0x457: {  	[tilespmem:s28], [sflag:$0x1] =	stream.indirect_vreg.gather [hbm4b:s1+s29], $0x80, v21, vm0, $0xb8;
	[tilespmem:$0x1FB80] =	vst v63  }
0x458: {  	v21 =	vadd.s32 v4, v22;
	v22 =	vperm.xlane v18, v11;
	s28 =	simm.s32 $0x2680  }
0x459: {  	[tilespmem:s28], [sflag:$0x1] =	stream.indirect_vreg.gather [hbm4b:s1+s29], $0x80, v19, vm0, $0xb8;
	[tilespmem:$0x1FB80] =	vst v63  }
0x45a: {  	v19 =	vadd.s32 v4, v22;
	v22 =	vperm.xlane v18, v12;
	s28 =	simm.s32 $0x2700  }
0x45b: {  	[tilespmem:s28], [sflag:$0x1] =	stream.indirect_vreg.gather [hbm4b:s1+s29], $0x80, v20, vm0, $0xb8;
	[tilespmem:$0x1FB80] =	vst v63  }
0x45c: {  	v20 =	vadd.s32 v4, v22;
	v22 =	vperm.xlane v18, v13;
	s28 =	simm.s32 $0x2780  }
0x45d: {  	[tilespmem:s28], [sflag:$0x1] =	stream.indirect_vreg.gather [hbm4b:s1+s29], $0x80, v21, vm0, $0xb8;
	[tilespmem:$0x1FB80] =	vst v63  }
0x45e: {  	v21 =	vadd.s32 v4, v22;
	v22 =	vperm.xlane v18, v14;
	s28 =	simm.s32 $0x2800  }
0x45f: {  	[tilespmem:s28], [sflag:$0x1] =	stream.indirect_vreg.gather [hbm4b:s1+s29], $0x80, v19, vm0, $0xb8;
	[tilespmem:$0x1FB80] =	vst v63  }
0x460: {  	v19 =	vadd.s32 v4, v22;
	v22 =	vperm.xlane v18, v15;
	s28 =	simm.s32 $0x2880  }
0x461: {  	[tilespmem:s28], [sflag:$0x1] =	stream.indirect_vreg.gather [hbm4b:s1+s29], $0x80, v20, vm0, $0xb8;
	[tilespmem:$0x1FB80] =	vst v63  }
0x462: {  	v20 =	vadd.s32 v4, v22;
	v22 =	vperm.xlane v18, v16;
	s28 =	simm.s32 $0x2900  }
0x463: {  	[tilespmem:s28], [sflag:$0x1] =	stream.indirect_vreg.gather [hbm4b:s1+s29], $0x80, v21, vm0, $0xb8;
	[tilespmem:$0x1FB80] =	vst v63  }
0x464: {  	v18 =	vperm.xlane v18, v17;
	v21 =	vadd.s32 v4, v22;
	s28 =	simm.s32 $0x2980  }
0x465: {  	[tilespmem:s28], [sflag:$0x1] =	stream.indirect_vreg.gather [hbm4b:s1+s29], $0x80, v19, vm0, $0xb8;
	[tilespmem:$0x1FB80] =	vst v63  }
0x466: {  	v18 =	vadd.s32 v4, v18;
	s28 =	simm.s32 $0x2A00  }
0x467: {  	[tilespmem:s28], [sflag:$0x1] =	stream.indirect_vreg.gather [hbm4b:s1+s29], $0x80, v20, vm0, $0xb8;
	[tilespmem:$0x1FB80] =	vst v63  }
0x468: {  	s28 =	simm.s32 $0x2A80  }
0x469: {  	[tilespmem:s28], [sflag:$0x1] =	stream.indirect_vreg.gather [hbm4b:s1+s29], $0x80, v21, vm0, $0xb8;
	[tilespmem:$0x1FB80] =	vst v63  }
0x46a: {  	s28 =	simm.s32 $0x2B00  }
0x46b: {  	[tilespmem:s28], [sflag:$0x1] =	stream.indirect_vreg.gather [hbm4b:s1+s29], $0x80, v18, vm0, $0xb8;
	[tilespmem:$0x1FB80] =	vst v63  }
0x46c: {  	v18 =	vld [tilespmem:$0x1A0];
	_ =	sdelay $0x4  }
0x46d: {  	v19 =	vshll.u32 v18, $0x1  }
0x46e: {  	v18 =	vand.u32 $0x7, v18;
	v19 =	vand.u32 $0xFFFFFFF0, v19  }
0x46f: {  	v18 =	vor.u32 v18, v19  }
0x470: {  	v19 =	vperm.xlane v18, v3;
	_ =	sdelay $0x1  }
0x471: {  	v20 =	vperm.xlane v18, v2;
	v19 =	vadd.s32 v4, v19;
	_ =	sdelay $0x1  }
0x472: {  	v21 =	vperm.xlane v18, v5;
	v20 =	vadd.s32 v4, v20;
	_ =	sdelay $0x1  }
0x473: {  	s28 =	simm.s32 $0x2B80;
	v22 =	vperm.xlane v18, v6;
	v21 =	vadd.s32 v4, v21  }
0x474: {  	[tilespmem:s28], [sflag:$0x1] =	stream.indirect_vreg.gather [hbm4b:s1+s29], $0x80, v19, vm0, $0xb8;
	[tilespmem:$0x1FB80] =	vst v63  }
0x475: {  	v19 =	vadd.s32 v4, v22;
	v22 =	vperm.xlane v18, v7;
	s28 =	simm.s32 $0x2C00  }
0x476: {  	[tilespmem:s28], [sflag:$0x1] =	stream.indirect_vreg.gather [hbm4b:s1+s29], $0x80, v20, vm0, $0xb8;
	[tilespmem:$0x1FB80] =	vst v63  }
0x477: {  	v20 =	vadd.s32 v4, v22;
	v22 =	vperm.xlane v18, v8;
	s28 =	simm.s32 $0x2C80  }
0x478: {  	[tilespmem:s28], [sflag:$0x1] =	stream.indirect_vreg.gather [hbm4b:s1+s29], $0x80, v21, vm0, $0xb8;
	[tilespmem:$0x1FB80] =	vst v63  }
0x479: {  	v21 =	vadd.s32 v4, v22;
	v22 =	vperm.xlane v18, v9;
	s28 =	simm.s32 $0x2D00  }
0x47a: {  	[tilespmem:s28], [sflag:$0x1] =	stream.indirect_vreg.gather [hbm4b:s1+s29], $0x80, v19, vm0, $0xb8;
	[tilespmem:$0x1FB80] =	vst v63  }
0x47b: {  	v19 =	vadd.s32 v4, v22;
	v22 =	vperm.xlane v18, v1;
	s28 =	simm.s32 $0x2D80  }
0x47c: {  	[tilespmem:s28], [sflag:$0x1] =	stream.indirect_vreg.gather [hbm4b:s1+s29], $0x80, v20, vm0, $0xb8;
	[tilespmem:$0x1FB80] =	vst v63  }
0x47d: {  	v20 =	vadd.s32 v4, v22;
	v22 =	vperm.xlane v18, v10;
	s28 =	simm.s32 $0x2E00  }
0x47e: {  	[tilespmem:s28], [sflag:$0x1] =	stream.indirect_vreg.gather [hbm4b:s1+s29], $0x80, v21, vm0, $0xb8;
	[tilespmem:$0x1FB80] =	vst v63  }
0x47f: {  	v21 =	vadd.s32 v4, v22;
	v22 =	vperm.xlane v18, v11;
	s28 =	simm.s32 $0x2E80  }
0x480: {  	[tilespmem:s28], [sflag:$0x1] =	stream.indirect_vreg.gather [hbm4b:s1+s29], $0x80, v19, vm0, $0xb8;
	[tilespmem:$0x1FB80] =	vst v63  }
0x481: {  	v19 =	vadd.s32 v4, v22;
	v22 =	vperm.xlane v18, v12;
	s28 =	simm.s32 $0x2F00  }
0x482: {  	[tilespmem:s28], [sflag:$0x1] =	stream.indirect_vreg.gather [hbm4b:s1+s29], $0x80, v20, vm0, $0xb8;
	[tilespmem:$0x1FB80] =	vst v63  }
0x483: {  	v20 =	vadd.s32 v4, v22;
	v22 =	vperm.xlane v18, v13;
	s28 =	simm.s32 $0x2F80  }
0x484: {  	[tilespmem:s28], [sflag:$0x1] =	stream.indirect_vreg.gather [hbm4b:s1+s29], $0x80, v21, vm0, $0xb8;
	[tilespmem:$0x1FB80] =	vst v63  }
0x485: {  	v21 =	vadd.s32 v4, v22;
	v22 =	vperm.xlane v18, v14;
	s28 =	simm.s32 $0x3000  }
0x486: {  	[tilespmem:s28], [sflag:$0x1] =	stream.indirect_vreg.gather [hbm4b:s1+s29], $0x80, v19, vm0, $0xb8;
	[tilespmem:$0x1FB80] =	vst v63  }
0x487: {  	v19 =	vadd.s32 v4, v22;
	v22 =	vperm.xlane v18, v15;
	s28 =	simm.s32 $0x3080  }
0x488: {  	[tilespmem:s28], [sflag:$0x1] =	stream.indirect_vreg.gather [hbm4b:s1+s29], $0x80, v20, vm0, $0xb8;
	[tilespmem:$0x1FB80] =	vst v63  }
0x489: {  	v20 =	vadd.s32 v4, v22;
	v22 =	vperm.xlane v18, v16;
	s28 =	simm.s32 $0x3100  }
0x48a: {  	[tilespmem:s28], [sflag:$0x1] =	stream.indirect_vreg.gather [hbm4b:s1+s29], $0x80, v21, vm0, $0xb8;
	[tilespmem:$0x1FB80] =	vst v63  }
0x48b: {  	v18 =	vperm.xlane v18, v17;
	v21 =	vadd.s32 v4, v22;
	s28 =	simm.s32 $0x3180  }
0x48c: {  	[tilespmem:s28], [sflag:$0x1] =	stream.indirect_vreg.gather [hbm4b:s1+s29], $0x80, v19, vm0, $0xb8;
	[tilespmem:$0x1FB80] =	vst v63  }
0x48d: {  	v18 =	vadd.s32 v4, v18;
	s28 =	simm.s32 $0x3200  }
0x48e: {  	[tilespmem:s28], [sflag:$0x1] =	stream.indirect_vreg.gather [hbm4b:s1+s29], $0x80, v20, vm0, $0xb8;
	[tilespmem:$0x1FB80] =	vst v63  }
0x48f: {  	s28 =	simm.s32 $0x3280  }
0x490: {  	[tilespmem:s28], [sflag:$0x1] =	stream.indirect_vreg.gather [hbm4b:s1+s29], $0x80, v21, vm0, $0xb8;
	[tilespmem:$0x1FB80] =	vst v63  }
0x491: {  	s28 =	simm.s32 $0x3300  }
0x492: {  	[tilespmem:s28], [sflag:$0x1] =	stream.indirect_vreg.gather [hbm4b:s1+s29], $0x80, v18, vm0, $0xb8;
	[tilespmem:$0x1FB80] =	vst v63  }
0x493: {  	v18 =	vld [tilespmem:$0x1B0];
	_ =	sdelay $0x4  }
0x494: {  	v19 =	vshll.u32 v18, $0x1  }
0x495: {  	v18 =	vand.u32 $0x7, v18;
	v19 =	vand.u32 $0xFFFFFFF0, v19  }
0x496: {  	v18 =	vor.u32 v18, v19  }
0x497: {  	v19 =	vperm.xlane v18, v3;
	_ =	sdelay $0x1  }
0x498: {  	v20 =	vperm.xlane v18, v2;
	v19 =	vadd.s32 v4, v19;
	_ =	sdelay $0x1  }
0x499: {  	v21 =	vperm.xlane v18, v5;
	v20 =	vadd.s32 v4, v20;
	_ =	sdelay $0x1  }
0x49a: {  	s28 =	simm.s32 $0x3380;
	v22 =	vperm.xlane v18, v6;
	v21 =	vadd.s32 v4, v21  }
0x49b: {  	[tilespmem:s28], [sflag:$0x1] =	stream.indirect_vreg.gather [hbm4b:s1+s29], $0x80, v19, vm0, $0xb8;
	[tilespmem:$0x1FB80] =	vst v63  }
0x49c: {  	v19 =	vadd.s32 v4, v22;
	v22 =	vperm.xlane v18, v7;
	s28 =	simm.s32 $0x3400  }
0x49d: {  	[tilespmem:s28], [sflag:$0x1] =	stream.indirect_vreg.gather [hbm4b:s1+s29], $0x80, v20, vm0, $0xb8;
	[tilespmem:$0x1FB80] =	vst v63  }
0x49e: {  	v20 =	vadd.s32 v4, v22;
	v22 =	vperm.xlane v18, v8;
	s28 =	simm.s32 $0x3480  }
0x49f: {  	[tilespmem:s28], [sflag:$0x1] =	stream.indirect_vreg.gather [hbm4b:s1+s29], $0x80, v21, vm0, $0xb8;
	[tilespmem:$0x1FB80] =	vst v63  }
0x4a0: {  	v21 =	vadd.s32 v4, v22;
	v22 =	vperm.xlane v18, v9;
	s28 =	simm.s32 $0x3500  }
0x4a1: {  	[tilespmem:s28], [sflag:$0x1] =	stream.indirect_vreg.gather [hbm4b:s1+s29], $0x80, v19, vm0, $0xb8;
	[tilespmem:$0x1FB80] =	vst v63  }
0x4a2: {  	v19 =	vadd.s32 v4, v22;
	v22 =	vperm.xlane v18, v1;
	s28 =	simm.s32 $0x3580  }
0x4a3: {  	[tilespmem:s28], [sflag:$0x1] =	stream.indirect_vreg.gather [hbm4b:s1+s29], $0x80, v20, vm0, $0xb8;
	[tilespmem:$0x1FB80] =	vst v63  }
0x4a4: {  	v20 =	vadd.s32 v4, v22;
	v22 =	vperm.xlane v18, v10;
	s28 =	simm.s32 $0x3600  }
0x4a5: {  	[tilespmem:s28], [sflag:$0x1] =	stream.indirect_vreg.gather [hbm4b:s1+s29], $0x80, v21, vm0, $0xb8;
	[tilespmem:$0x1FB80] =	vst v63  }
0x4a6: {  	v21 =	vadd.s32 v4, v22;
	v22 =	vperm.xlane v18, v11;
	s28 =	simm.s32 $0x3680  }
0x4a7: {  	[tilespmem:s28], [sflag:$0x1] =	stream.indirect_vreg.gather [hbm4b:s1+s29], $0x80, v19, vm0, $0xb8;
	[tilespmem:$0x1FB80] =	vst v63  }
0x4a8: {  	v19 =	vadd.s32 v4, v22;
	v22 =	vperm.xlane v18, v12;
	s28 =	simm.s32 $0x3700  }
0x4a9: {  	[tilespmem:s28], [sflag:$0x1] =	stream.indirect_vreg.gather [hbm4b:s1+s29], $0x80, v20, vm0, $0xb8;
	[tilespmem:$0x1FB80] =	vst v63  }
0x4aa: {  	v20 =	vadd.s32 v4, v22;
	v22 =	vperm.xlane v18, v13;
	s28 =	simm.s32 $0x3780  }
0x4ab: {  	[tilespmem:s28], [sflag:$0x1] =	stream.indirect_vreg.gather [hbm4b:s1+s29], $0x80, v21, vm0, $0xb8;
	[tilespmem:$0x1FB80] =	vst v63  }
0x4ac: {  	v21 =	vadd.s32 v4, v22;
	v22 =	vperm.xlane v18, v14;
	s28 =	simm.s32 $0x3800  }
0x4ad: {  	[tilespmem:s28], [sflag:$0x1] =	stream.indirect_vreg.gather [hbm4b:s1+s29], $0x80, v19, vm0, $0xb8;
	[tilespmem:$0x1FB80] =	vst v63  }
0x4ae: {  	v19 =	vadd.s32 v4, v22;
	v22 =	vperm.xlane v18, v15;
	s28 =	simm.s32 $0x3880  }
0x4af: {  	[tilespmem:s28], [sflag:$0x1] =	stream.indirect_vreg.gather [hbm4b:s1+s29], $0x80, v20, vm0, $0xb8;
	[tilespmem:$0x1FB80] =	vst v63  }
0x4b0: {  	v20 =	vadd.s32 v4, v22;
	v22 =	vperm.xlane v18, v16;
	s28 =	simm.s32 $0x3900  }
0x4b1: {  	[tilespmem:s28], [sflag:$0x1] =	stream.indirect_vreg.gather [hbm4b:s1+s29], $0x80, v21, vm0, $0xb8;
	[tilespmem:$0x1FB80] =	vst v63  }
0x4b2: {  	v18 =	vperm.xlane v18, v17;
	v21 =	vadd.s32 v4, v22  }
0x4b3: {  	[tilespmem:s30], [sflag:$0x1] =	stream.indirect_vreg.gather [hbm4b:s1+s29], $0x80, v19, vm0, $0xb8;
	[tilespmem:$0x1FB80] =	vst v63  }
0x4b4: {  	v18 =	vadd.s32 v4, v18  }
0x4b5: {  	[tilespmem:s31], [sflag:$0x1] =	stream.indirect_vreg.gather [hbm4b:s1+s29], $0x80, v20, vm0, $0xb8;
	[tilespmem:$0x1FB80] =	vst v63  }
0x4b6: {  	_ = 	snop  }
0x4b7: {  	[tilespmem:s2], [sflag:$0x1] =	stream.indirect_vreg.gather [hbm4b:s1+s29], $0x80, v21, vm0, $0xb8;
	[tilespmem:$0x1FB80] =	vst v63  }
0x4b8: {  	_ = 	snop  }
0x4b9: {  	[tilespmem:s6], [sflag:$0x1] =	stream.indirect_vreg.gather [hbm4b:s1+s29], $0x80, v18, vm0, $0xb8;
	[tilespmem:$0x1FB80] =	vst v63  }
0x4ba: {  	s29 =	simm.s32 $0x150  }
0x4bb: {  	[tilespmem:s8], [sflag:$0x4] =	stream.indirect.gather [hbm4b:s4+s7], $0x80, s29, s7, $0xb8;
	[tilespmem:$0x1FB80] =	vst v63  }
0x4bc: {  	_ =	swait.ge [sflag:s20], $0x3800  }
0x4bd: {  	[sflag:s20] =	ssyncset.done $0x0  }
0x4be: {  	[sflag:s20] =	ssyncadd.s32 $0xFFFFC800  }
0x4bf: {  	_ =	swait.ge [sflag:s19], $0x3800  }
0x4c0: {  	[sflag:s19] =	ssyncset.done $0x0  }
0x4c1: {  	s26 =	simm.s32 $0x0;
	[sflag:s19] =	ssyncadd.s32 $0xFFFFC800  }
0x4c2: {  	v18 =	vld [tilespmem:s26+$0xE3B0]  }
0x4c3: {  	v19 =	vld [tilespmem:s26+$0xE380]  }
0x4c4: {  	v20 =	vld [tilespmem:s26+$0xE390]  }
0x4c5: {  	s28 =	simm.s32 $0x200;
	v21 =	vld [tilespmem:s26+$0xE3A0]  }
.LBB2_4:
0x4c6: {  	p0 =	sne.s32 s28, $0xDE00  }
.Ltmp1:
0x4c7: {  	s29 =	sshra.s32 s28, $0x2;
	s28 =	sadd.s32 $0x200, s28;
	[tilespmem:s26+$0x18BB0] =	vst v18;
	(pc) =	sbr.rel @p0 .LBB2_4-.Ltmp1, $4  }
0x4c8: {  	v18 =	vld [tilespmem:s29+$0xE3B0];
	[tilespmem:s26+$0x18B80] =	vst v19  }
0x4c9: {  	v19 =	vld [tilespmem:s29+$0xE380];
	[tilespmem:s26+$0x18B90] =	vst v20  }
0x4ca: {  	v20 =	vld [tilespmem:s29+$0xE390];
	[tilespmem:s26+$0x18BA0] =	vst v21;
	s26 =	smov.u32 s29  }
0x4cb: {  	v21 =	vld [tilespmem:s26+$0xE3A0]  }
0x4cc: {  	_ = 	snop  }
0x4cd: {  	[tilespmem:s26+$0x18BB0] =	vst v18  }
0x4ce: {  	[tilespmem:s26+$0x18B80] =	vst v19  }
0x4cf: {  	[tilespmem:s26+$0x18B90] =	vst v20  }
0x4d0: {  	s29 =	rddreg [dreg:$0x8];
	[tilespmem:s26+$0x18BA0] =	vst v21  }
0x4d1: {  	[hbm4b:s29+s23] =	stream.strided.scatter [tilespmem:s9], [sflag:$0x8], $0x3800, s0, s23, $0x38;
	[tilespmem:$0x1FB80] =	vst v63  }
0x4d2: {  	s28 =	simm.s32 $0x18B80;
	s29 =	rddreg [dreg:$0x9]  }
0x4d3: {  	[hbm4b:s29+s23] =	stream.strided.scatter [tilespmem:s28], [sflag:$0xB], $0x3800, s0, s23, $0x38;
	[tilespmem:$0x1FB80] =	vst v63  }
0x4d4: {  	_ =	swait.ge [sflag:s17], $0x3800  }
0x4d5: {  	[sflag:s17] =	ssyncset.done $0x0  }
0x4d6: {  	[sflag:s17] =	ssyncadd.s32 $0xFFFFC800  }
0x4d7: {  	_ =	swait.ge [sflag:s16], $0x3800  }
0x4d8: {  	[sflag:s16] =	ssyncset.done $0x0  }
0x4d9: {  	[sflag:s16] =	ssyncadd.s32 $0xFFFFC800  }
0x4da: {  	v18 =	vld [tilespmem:$0x1C0];
	_ =	sdelay $0x4  }
0x4db: {  	v19 =	vshll.u32 v18, $0x1  }
0x4dc: {  	v18 =	vand.u32 $0x7, v18;
	v19 =	vand.u32 $0xFFFFFFF0, v19  }
0x4dd: {  	v18 =	vor.u32 v18, v19  }
0x4de: {  	v19 =	vperm.xlane v18, v3;
	_ =	sdelay $0x1  }
0x4df: {  	v20 =	vperm.xlane v18, v2;
	v19 =	vadd.s32 v4, v19;
	_ =	sdelay $0x1  }
0x4e0: {  	v21 =	vperm.xlane v18, v5;
	v20 =	vadd.s32 v4, v20;
	_ =	sdelay $0x1  }
0x4e1: {  	s29 =	simm.s32 $0x0;
	v22 =	vperm.xlane v18, v6;
	v21 =	vadd.s32 v4, v21  }
0x4e2: {  	[tilespmem:s9], [sflag:$0x2] =	stream.indirect_vreg.gather [hbm4b:s1+s29], $0x80, v19, vm0, $0xb8;
	[tilespmem:$0x1FB80] =	vst v63  }
0x4e3: {  	s28 =	simm.s32 $0x3C00;
	v19 =	vadd.s32 v4, v22;
	v22 =	vperm.xlane v18, v7  }
0x4e4: {  	[tilespmem:s28], [sflag:$0x2] =	stream.indirect_vreg.gather [hbm4b:s1+s29], $0x80, v20, vm0, $0xb8;
	[tilespmem:$0x1FB80] =	vst v63  }
0x4e5: {  	v20 =	vadd.s32 v4, v22;
	v22 =	vperm.xlane v18, v8;
	s28 =	simm.s32 $0x3C80  }
0x4e6: {  	[tilespmem:s28], [sflag:$0x2] =	stream.indirect_vreg.gather [hbm4b:s1+s29], $0x80, v21, vm0, $0xb8;
	[tilespmem:$0x1FB80] =	vst v63  }
0x4e7: {  	v21 =	vadd.s32 v4, v22;
	v22 =	vperm.xlane v18, v9;
	s28 =	simm.s32 $0x3D00  }
0x4e8: {  	[tilespmem:s28], [sflag:$0x2] =	stream.indirect_vreg.gather [hbm4b:s1+s29], $0x80, v19, vm0, $0xb8;
	[tilespmem:$0x1FB80] =	vst v63  }
0x4e9: {  	v19 =	vadd.s32 v4, v22;
	v22 =	vperm.xlane v18, v1;
	s28 =	simm.s32 $0x3D80  }
0x4ea: {  	[tilespmem:s28], [sflag:$0x2] =	stream.indirect_vreg.gather [hbm4b:s1+s29], $0x80, v20, vm0, $0xb8;
	[tilespmem:$0x1FB80] =	vst v63  }
0x4eb: {  	v20 =	vadd.s32 v4, v22;
	v22 =	vperm.xlane v18, v10;
	s28 =	simm.s32 $0x3E00  }
0x4ec: {  	[tilespmem:s28], [sflag:$0x2] =	stream.indirect_vreg.gather [hbm4b:s1+s29], $0x80, v21, vm0, $0xb8;
	[tilespmem:$0x1FB80] =	vst v63  }
0x4ed: {  	v21 =	vadd.s32 v4, v22;
	v22 =	vperm.xlane v18, v11;
	s28 =	simm.s32 $0x3E80  }
0x4ee: {  	[tilespmem:s28], [sflag:$0x2] =	stream.indirect_vreg.gather [hbm4b:s1+s29], $0x80, v19, vm0, $0xb8;
	[tilespmem:$0x1FB80] =	vst v63  }
0x4ef: {  	v19 =	vadd.s32 v4, v22;
	v22 =	vperm.xlane v18, v12;
	s28 =	simm.s32 $0x3F00  }
0x4f0: {  	[tilespmem:s28], [sflag:$0x2] =	stream.indirect_vreg.gather [hbm4b:s1+s29], $0x80, v20, vm0, $0xb8;
	[tilespmem:$0x1FB80] =	vst v63  }
0x4f1: {  	v20 =	vadd.s32 v4, v22;
	v22 =	vperm.xlane v18, v13;
	s28 =	simm.s32 $0x3F80  }
0x4f2: {  	[tilespmem:s28], [sflag:$0x2] =	stream.indirect_vreg.gather [hbm4b:s1+s29], $0x80, v21, vm0, $0xb8;
	[tilespmem:$0x1FB80] =	vst v63  }
0x4f3: {  	v21 =	vadd.s32 v4, v22;
	v22 =	vperm.xlane v18, v14;
	s28 =	simm.s32 $0x4000  }
0x4f4: {  	[tilespmem:s28], [sflag:$0x2] =	stream.indirect_vreg.gather [hbm4b:s1+s29], $0x80, v19, vm0, $0xb8;
	[tilespmem:$0x1FB80] =	vst v63  }
0x4f5: {  	v19 =	vadd.s32 v4, v22;
	v22 =	vperm.xlane v18, v15;
	s28 =	simm.s32 $0x4080  }
0x4f6: {  	[tilespmem:s28], [sflag:$0x2] =	stream.indirect_vreg.gather [hbm4b:s1+s29], $0x80, v20, vm0, $0xb8;
	[tilespmem:$0x1FB80] =	vst v63  }
0x4f7: {  	v20 =	vadd.s32 v4, v22;
	v22 =	vperm.xlane v18, v16;
	s28 =	simm.s32 $0x4100  }
0x4f8: {  	[tilespmem:s28], [sflag:$0x2] =	stream.indirect_vreg.gather [hbm4b:s1+s29], $0x80, v21, vm0, $0xb8;
	[tilespmem:$0x1FB80] =	vst v63  }
0x4f9: {  	v18 =	vperm.xlane v18, v17;
	v21 =	vadd.s32 v4, v22;
	s28 =	simm.s32 $0x4180  }
0x4fa: {  	[tilespmem:s28], [sflag:$0x2] =	stream.indirect_vreg.gather [hbm4b:s1+s29], $0x80, v19, vm0, $0xb8;
	[tilespmem:$0x1FB80] =	vst v63  }
0x4fb: {  	v18 =	vadd.s32 v4, v18;
	s28 =	simm.s32 $0x4200  }
0x4fc: {  	[tilespmem:s28], [sflag:$0x2] =	stream.indirect_vreg.gather [hbm4b:s1+s29], $0x80, v20, vm0, $0xb8;
	[tilespmem:$0x1FB80] =	vst v63  }
0x4fd: {  	s28 =	simm.s32 $0x4280  }
0x4fe: {  	[tilespmem:s28], [sflag:$0x2] =	stream.indirect_vreg.gather [hbm4b:s1+s29], $0x80, v21, vm0, $0xb8;
	[tilespmem:$0x1FB80] =	vst v63  }
0x4ff: {  	s28 =	simm.s32 $0x4300  }
0x500: {  	[tilespmem:s28], [sflag:$0x2] =	stream.indirect_vreg.gather [hbm4b:s1+s29], $0x80, v18, vm0, $0xb8;
	[tilespmem:$0x1FB80] =	vst v63  }
0x501: {  	v18 =	vld [tilespmem:$0x1D0];
	_ =	sdelay $0x4  }
0x502: {  	v19 =	vshll.u32 v18, $0x1  }
0x503: {  	v18 =	vand.u32 $0x7, v18;
	v19 =	vand.u32 $0xFFFFFFF0, v19  }
0x504: {  	v18 =	vor.u32 v18, v19  }
0x505: {  	v19 =	vperm.xlane v18, v3;
	_ =	sdelay $0x1  }
0x506: {  	v20 =	vperm.xlane v18, v2;
	v19 =	vadd.s32 v4, v19;
	_ =	sdelay $0x1  }
0x507: {  	v21 =	vperm.xlane v18, v5;
	v20 =	vadd.s32 v4, v20;
	_ =	sdelay $0x1  }
0x508: {  	s28 =	simm.s32 $0x4380;
	v22 =	vperm.xlane v18, v6;
	v21 =	vadd.s32 v4, v21  }
0x509: {  	[tilespmem:s28], [sflag:$0x2] =	stream.indirect_vreg.gather [hbm4b:s1+s29], $0x80, v19, vm0, $0xb8;
	[tilespmem:$0x1FB80] =	vst v63  }
0x50a: {  	v19 =	vadd.s32 v4, v22;
	v22 =	vperm.xlane v18, v7;
	s28 =	simm.s32 $0x4400  }
0x50b: {  	[tilespmem:s28], [sflag:$0x2] =	stream.indirect_vreg.gather [hbm4b:s1+s29], $0x80, v20, vm0, $0xb8;
	[tilespmem:$0x1FB80] =	vst v63  }
0x50c: {  	v20 =	vadd.s32 v4, v22;
	v22 =	vperm.xlane v18, v8;
	s28 =	simm.s32 $0x4480  }
0x50d: {  	[tilespmem:s28], [sflag:$0x2] =	stream.indirect_vreg.gather [hbm4b:s1+s29], $0x80, v21, vm0, $0xb8;
	[tilespmem:$0x1FB80] =	vst v63  }
0x50e: {  	v21 =	vadd.s32 v4, v22;
	v22 =	vperm.xlane v18, v9;
	s28 =	simm.s32 $0x4500  }
0x50f: {  	[tilespmem:s28], [sflag:$0x2] =	stream.indirect_vreg.gather [hbm4b:s1+s29], $0x80, v19, vm0, $0xb8;
	[tilespmem:$0x1FB80] =	vst v63  }
0x510: {  	v19 =	vadd.s32 v4, v22;
	v22 =	vperm.xlane v18, v1;
	s28 =	simm.s32 $0x4580  }
0x511: {  	[tilespmem:s28], [sflag:$0x2] =	stream.indirect_vreg.gather [hbm4b:s1+s29], $0x80, v20, vm0, $0xb8;
	[tilespmem:$0x1FB80] =	vst v63  }
0x512: {  	v20 =	vadd.s32 v4, v22;
	v22 =	vperm.xlane v18, v10;
	s28 =	simm.s32 $0x4600  }
0x513: {  	[tilespmem:s28], [sflag:$0x2] =	stream.indirect_vreg.gather [hbm4b:s1+s29], $0x80, v21, vm0, $0xb8;
	[tilespmem:$0x1FB80] =	vst v63  }
0x514: {  	v21 =	vadd.s32 v4, v22;
	v22 =	vperm.xlane v18, v11;
	s28 =	simm.s32 $0x4680  }
0x515: {  	[tilespmem:s28], [sflag:$0x2] =	stream.indirect_vreg.gather [hbm4b:s1+s29], $0x80, v19, vm0, $0xb8;
	[tilespmem:$0x1FB80] =	vst v63  }
0x516: {  	v19 =	vadd.s32 v4, v22;
	v22 =	vperm.xlane v18, v12;
	s28 =	simm.s32 $0x4700  }
0x517: {  	[tilespmem:s28], [sflag:$0x2] =	stream.indirect_vreg.gather [hbm4b:s1+s29], $0x80, v20, vm0, $0xb8;
	[tilespmem:$0x1FB80] =	vst v63  }
0x518: {  	v20 =	vadd.s32 v4, v22;
	v22 =	vperm.xlane v18, v13;
	s28 =	simm.s32 $0x4780  }
0x519: {  	[tilespmem:s28], [sflag:$0x2] =	stream.indirect_vreg.gather [hbm4b:s1+s29], $0x80, v21, vm0, $0xb8;
	[tilespmem:$0x1FB80] =	vst v63  }
0x51a: {  	v21 =	vadd.s32 v4, v22;
	v22 =	vperm.xlane v18, v14;
	s28 =	simm.s32 $0x4800  }
0x51b: {  	[tilespmem:s28], [sflag:$0x2] =	stream.indirect_vreg.gather [hbm4b:s1+s29], $0x80, v19, vm0, $0xb8;
	[tilespmem:$0x1FB80] =	vst v63  }
0x51c: {  	v19 =	vadd.s32 v4, v22;
	v22 =	vperm.xlane v18, v15;
	s28 =	simm.s32 $0x4880  }
0x51d: {  	[tilespmem:s28], [sflag:$0x2] =	stream.indirect_vreg.gather [hbm4b:s1+s29], $0x80, v20, vm0, $0xb8;
	[tilespmem:$0x1FB80] =	vst v63  }
0x51e: {  	v20 =	vadd.s32 v4, v22;
	v22 =	vperm.xlane v18, v16;
	s28 =	simm.s32 $0x4900  }
0x51f: {  	[tilespmem:s28], [sflag:$0x2] =	stream.indirect_vreg.gather [hbm4b:s1+s29], $0x80, v21, vm0, $0xb8;
	[tilespmem:$0x1FB80] =	vst v63  }
0x520: {  	v18 =	vperm.xlane v18, v17;
	v21 =	vadd.s32 v4, v22;
	s28 =	simm.s32 $0x4980  }
0x521: {  	[tilespmem:s28], [sflag:$0x2] =	stream.indirect_vreg.gather [hbm4b:s1+s29], $0x80, v19, vm0, $0xb8;
	[tilespmem:$0x1FB80] =	vst v63  }
0x522: {  	v18 =	vadd.s32 v4, v18;
	s28 =	simm.s32 $0x4A00  }
0x523: {  	[tilespmem:s28], [sflag:$0x2] =	stream.indirect_vreg.gather [hbm4b:s1+s29], $0x80, v20, vm0, $0xb8;
	[tilespmem:$0x1FB80] =	vst v63  }
0x524: {  	s28 =	simm.s32 $0x4A80  }
0x525: {  	[tilespmem:s28], [sflag:$0x2] =	stream.indirect_vreg.gather [hbm4b:s1+s29], $0x80, v21, vm0, $0xb8;
	[tilespmem:$0x1FB80] =	vst v63  }
0x526: {  	s28 =	simm.s32 $0x4B00  }
0x527: {  	[tilespmem:s28], [sflag:$0x2] =	stream.indirect_vreg.gather [hbm4b:s1+s29], $0x80, v18, vm0, $0xb8;
	[tilespmem:$0x1FB80] =	vst v63  }
0x528: {  	v18 =	vld [tilespmem:$0x1E0];
	_ =	sdelay $0x4  }
0x529: {  	v19 =	vshll.u32 v18, $0x1  }
0x52a: {  	v18 =	vand.u32 $0x7, v18;
	v19 =	vand.u32 $0xFFFFFFF0, v19  }
0x52b: {  	v18 =	vor.u32 v18, v19  }
0x52c: {  	v19 =	vperm.xlane v18, v3;
	_ =	sdelay $0x1  }
0x52d: {  	v20 =	vperm.xlane v18, v2;
	v19 =	vadd.s32 v4, v19;
	_ =	sdelay $0x1  }
0x52e: {  	v21 =	vperm.xlane v18, v5;
	v20 =	vadd.s32 v4, v20;
	_ =	sdelay $0x1  }
0x52f: {  	s28 =	simm.s32 $0x4B80;
	v22 =	vperm.xlane v18, v6;
	v21 =	vadd.s32 v4, v21  }
0x530: {  	[tilespmem:s28], [sflag:$0x2] =	stream.indirect_vreg.gather [hbm4b:s1+s29], $0x80, v19, vm0, $0xb8;
	[tilespmem:$0x1FB80] =	vst v63  }
0x531: {  	v19 =	vadd.s32 v4, v22;
	v22 =	vperm.xlane v18, v7;
	s28 =	simm.s32 $0x4C00  }
0x532: {  	[tilespmem:s28], [sflag:$0x2] =	stream.indirect_vreg.gather [hbm4b:s1+s29], $0x80, v20, vm0, $0xb8;
	[tilespmem:$0x1FB80] =	vst v63  }
0x533: {  	v20 =	vadd.s32 v4, v22;
	v22 =	vperm.xlane v18, v8;
	s28 =	simm.s32 $0x4C80  }
0x534: {  	[tilespmem:s28], [sflag:$0x2] =	stream.indirect_vreg.gather [hbm4b:s1+s29], $0x80, v21, vm0, $0xb8;
	[tilespmem:$0x1FB80] =	vst v63  }
0x535: {  	v21 =	vadd.s32 v4, v22;
	v22 =	vperm.xlane v18, v9;
	s28 =	simm.s32 $0x4D00  }
0x536: {  	[tilespmem:s28], [sflag:$0x2] =	stream.indirect_vreg.gather [hbm4b:s1+s29], $0x80, v19, vm0, $0xb8;
	[tilespmem:$0x1FB80] =	vst v63  }
0x537: {  	v19 =	vadd.s32 v4, v22;
	v22 =	vperm.xlane v18, v1;
	s28 =	simm.s32 $0x4D80  }
0x538: {  	[tilespmem:s28], [sflag:$0x2] =	stream.indirect_vreg.gather [hbm4b:s1+s29], $0x80, v20, vm0, $0xb8;
	[tilespmem:$0x1FB80] =	vst v63  }
0x539: {  	v20 =	vadd.s32 v4, v22;
	v22 =	vperm.xlane v18, v10;
	s28 =	simm.s32 $0x4E00  }
0x53a: {  	[tilespmem:s28], [sflag:$0x2] =	stream.indirect_vreg.gather [hbm4b:s1+s29], $0x80, v21, vm0, $0xb8;
	[tilespmem:$0x1FB80] =	vst v63  }
0x53b: {  	v21 =	vadd.s32 v4, v22;
	v22 =	vperm.xlane v18, v11;
	s28 =	simm.s32 $0x4E80  }
0x53c: {  	[tilespmem:s28], [sflag:$0x2] =	stream.indirect_vreg.gather [hbm4b:s1+s29], $0x80, v19, vm0, $0xb8;
	[tilespmem:$0x1FB80] =	vst v63  }
0x53d: {  	v19 =	vadd.s32 v4, v22;
	v22 =	vperm.xlane v18, v12;
	s28 =	simm.s32 $0x4F00  }
0x53e: {  	[tilespmem:s28], [sflag:$0x2] =	stream.indirect_vreg.gather [hbm4b:s1+s29], $0x80, v20, vm0, $0xb8;
	[tilespmem:$0x1FB80] =	vst v63  }
0x53f: {  	v20 =	vadd.s32 v4, v22;
	v22 =	vperm.xlane v18, v13;
	s28 =	simm.s32 $0x4F80  }
0x540: {  	[tilespmem:s28], [sflag:$0x2] =	stream.indirect_vreg.gather [hbm4b:s1+s29], $0x80, v21, vm0, $0xb8;
	[tilespmem:$0x1FB80] =	vst v63  }
0x541: {  	v21 =	vadd.s32 v4, v22;
	v22 =	vperm.xlane v18, v14;
	s28 =	simm.s32 $0x5000  }
0x542: {  	[tilespmem:s28], [sflag:$0x2] =	stream.indirect_vreg.gather [hbm4b:s1+s29], $0x80, v19, vm0, $0xb8;
	[tilespmem:$0x1FB80] =	vst v63  }
0x543: {  	v19 =	vadd.s32 v4, v22;
	v22 =	vperm.xlane v18, v15;
	s28 =	simm.s32 $0x5080  }
0x544: {  	[tilespmem:s28], [sflag:$0x2] =	stream.indirect_vreg.gather [hbm4b:s1+s29], $0x80, v20, vm0, $0xb8;
	[tilespmem:$0x1FB80] =	vst v63  }
0x545: {  	v20 =	vadd.s32 v4, v22;
	v22 =	vperm.xlane v18, v16;
	s28 =	simm.s32 $0x5100  }
0x546: {  	[tilespmem:s28], [sflag:$0x2] =	stream.indirect_vreg.gather [hbm4b:s1+s29], $0x80, v21, vm0, $0xb8;
	[tilespmem:$0x1FB80] =	vst v63  }
0x547: {  	v18 =	vperm.xlane v18, v17;
	v21 =	vadd.s32 v4, v22;
	s28 =	simm.s32 $0x5180  }
0x548: {  	[tilespmem:s28], [sflag:$0x2] =	stream.indirect_vreg.gather [hbm4b:s1+s29], $0x80, v19, vm0, $0xb8;
	[tilespmem:$0x1FB80] =	vst v63  }
0x549: {  	v18 =	vadd.s32 v4, v18;
	s28 =	simm.s32 $0x5200  }
0x54a: {  	[tilespmem:s28], [sflag:$0x2] =	stream.indirect_vreg.gather [hbm4b:s1+s29], $0x80, v20, vm0, $0xb8;
	[tilespmem:$0x1FB80] =	vst v63  }
0x54b: {  	s28 =	simm.s32 $0x5280  }
0x54c: {  	[tilespmem:s28], [sflag:$0x2] =	stream.indirect_vreg.gather [hbm4b:s1+s29], $0x80, v21, vm0, $0xb8;
	[tilespmem:$0x1FB80] =	vst v63  }
0x54d: {  	s28 =	simm.s32 $0x5300  }
0x54e: {  	[tilespmem:s28], [sflag:$0x2] =	stream.indirect_vreg.gather [hbm4b:s1+s29], $0x80, v18, vm0, $0xb8;
	[tilespmem:$0x1FB80] =	vst v63  }
0x54f: {  	v18 =	vld [tilespmem:$0x1F0];
	_ =	sdelay $0x4  }
0x550: {  	v19 =	vshll.u32 v18, $0x1  }
0x551: {  	v18 =	vand.u32 $0x7, v18;
	v19 =	vand.u32 $0xFFFFFFF0, v19  }
0x552: {  	v18 =	vor.u32 v18, v19  }
0x553: {  	v19 =	vperm.xlane v18, v3;
	_ =	sdelay $0x1  }
0x554: {  	v20 =	vperm.xlane v18, v2;
	v19 =	vadd.s32 v4, v19;
	_ =	sdelay $0x1  }
0x555: {  	v21 =	vperm.xlane v18, v5;
	v20 =	vadd.s32 v4, v20;
	_ =	sdelay $0x1  }
0x556: {  	s28 =	simm.s32 $0x5380;
	v22 =	vperm.xlane v18, v6;
	v21 =	vadd.s32 v4, v21  }
0x557: {  	[tilespmem:s28], [sflag:$0x2] =	stream.indirect_vreg.gather [hbm4b:s1+s29], $0x80, v19, vm0, $0xb8;
	[tilespmem:$0x1FB80] =	vst v63  }
0x558: {  	v19 =	vadd.s32 v4, v22;
	v22 =	vperm.xlane v18, v7;
	s28 =	simm.s32 $0x5400  }
0x559: {  	[tilespmem:s28], [sflag:$0x2] =	stream.indirect_vreg.gather [hbm4b:s1+s29], $0x80, v20, vm0, $0xb8;
	[tilespmem:$0x1FB80] =	vst v63  }
0x55a: {  	v20 =	vadd.s32 v4, v22;
	v22 =	vperm.xlane v18, v8;
	s28 =	simm.s32 $0x5480  }
0x55b: {  	[tilespmem:s28], [sflag:$0x2] =	stream.indirect_vreg.gather [hbm4b:s1+s29], $0x80, v21, vm0, $0xb8;
	[tilespmem:$0x1FB80] =	vst v63  }
0x55c: {  	v21 =	vadd.s32 v4, v22;
	v22 =	vperm.xlane v18, v9;
	s28 =	simm.s32 $0x5500  }
0x55d: {  	[tilespmem:s28], [sflag:$0x2] =	stream.indirect_vreg.gather [hbm4b:s1+s29], $0x80, v19, vm0, $0xb8;
	[tilespmem:$0x1FB80] =	vst v63  }
0x55e: {  	v19 =	vadd.s32 v4, v22;
	v22 =	vperm.xlane v18, v1;
	s28 =	simm.s32 $0x5580  }
0x55f: {  	[tilespmem:s28], [sflag:$0x2] =	stream.indirect_vreg.gather [hbm4b:s1+s29], $0x80, v20, vm0, $0xb8;
	[tilespmem:$0x1FB80] =	vst v63  }
0x560: {  	v20 =	vadd.s32 v4, v22;
	v22 =	vperm.xlane v18, v10;
	s28 =	simm.s32 $0x5600  }
0x561: {  	[tilespmem:s28], [sflag:$0x2] =	stream.indirect_vreg.gather [hbm4b:s1+s29], $0x80, v21, vm0, $0xb8;
	[tilespmem:$0x1FB80] =	vst v63  }
0x562: {  	v21 =	vadd.s32 v4, v22;
	v22 =	vperm.xlane v18, v11;
	s28 =	simm.s32 $0x5680  }
0x563: {  	[tilespmem:s28], [sflag:$0x2] =	stream.indirect_vreg.gather [hbm4b:s1+s29], $0x80, v19, vm0, $0xb8;
	[tilespmem:$0x1FB80] =	vst v63  }
0x564: {  	v19 =	vadd.s32 v4, v22;
	v22 =	vperm.xlane v18, v12;
	s28 =	simm.s32 $0x5700  }
0x565: {  	[tilespmem:s28], [sflag:$0x2] =	stream.indirect_vreg.gather [hbm4b:s1+s29], $0x80, v20, vm0, $0xb8;
	[tilespmem:$0x1FB80] =	vst v63  }
0x566: {  	v20 =	vadd.s32 v4, v22;
	v22 =	vperm.xlane v18, v13;
	s28 =	simm.s32 $0x5780  }
0x567: {  	[tilespmem:s28], [sflag:$0x2] =	stream.indirect_vreg.gather [hbm4b:s1+s29], $0x80, v21, vm0, $0xb8;
	[tilespmem:$0x1FB80] =	vst v63  }
0x568: {  	v21 =	vadd.s32 v4, v22;
	v22 =	vperm.xlane v18, v14;
	s28 =	simm.s32 $0x5800  }
0x569: {  	[tilespmem:s28], [sflag:$0x2] =	stream.indirect_vreg.gather [hbm4b:s1+s29], $0x80, v19, vm0, $0xb8;
	[tilespmem:$0x1FB80] =	vst v63  }
0x56a: {  	v19 =	vadd.s32 v4, v22;
	v22 =	vperm.xlane v18, v15;
	s28 =	simm.s32 $0x5880  }
0x56b: {  	[tilespmem:s28], [sflag:$0x2] =	stream.indirect_vreg.gather [hbm4b:s1+s29], $0x80, v20, vm0, $0xb8;
	[tilespmem:$0x1FB80] =	vst v63  }
0x56c: {  	v20 =	vadd.s32 v4, v22;
	v22 =	vperm.xlane v18, v16;
	s28 =	simm.s32 $0x5900  }
0x56d: {  	[tilespmem:s28], [sflag:$0x2] =	stream.indirect_vreg.gather [hbm4b:s1+s29], $0x80, v21, vm0, $0xb8;
	[tilespmem:$0x1FB80] =	vst v63  }
0x56e: {  	v18 =	vperm.xlane v18, v17;
	v21 =	vadd.s32 v4, v22;
	s28 =	simm.s32 $0x5980  }
0x56f: {  	[tilespmem:s28], [sflag:$0x2] =	stream.indirect_vreg.gather [hbm4b:s1+s29], $0x80, v19, vm0, $0xb8;
	[tilespmem:$0x1FB80] =	vst v63  }
0x570: {  	v18 =	vadd.s32 v4, v18;
	s28 =	simm.s32 $0x5A00  }
0x571: {  	[tilespmem:s28], [sflag:$0x2] =	stream.indirect_vreg.gather [hbm4b:s1+s29], $0x80, v20, vm0, $0xb8;
	[tilespmem:$0x1FB80] =	vst v63  }
0x572: {  	s28 =	simm.s32 $0x5A80  }
0x573: {  	[tilespmem:s28], [sflag:$0x2] =	stream.indirect_vreg.gather [hbm4b:s1+s29], $0x80, v21, vm0, $0xb8;
	[tilespmem:$0x1FB80] =	vst v63  }
0x574: {  	s28 =	simm.s32 $0x5B00  }
0x575: {  	[tilespmem:s28], [sflag:$0x2] =	stream.indirect_vreg.gather [hbm4b:s1+s29], $0x80, v18, vm0, $0xb8;
	[tilespmem:$0x1FB80] =	vst v63  }
0x576: {  	v18 =	vld [tilespmem:$0x200];
	_ =	sdelay $0x4  }
0x577: {  	v19 =	vshll.u32 v18, $0x1  }
0x578: {  	v18 =	vand.u32 $0x7, v18;
	v19 =	vand.u32 $0xFFFFFFF0, v19  }
0x579: {  	v18 =	vor.u32 v18, v19  }
0x57a: {  	v19 =	vperm.xlane v18, v3;
	_ =	sdelay $0x1  }
0x57b: {  	v20 =	vperm.xlane v18, v2;
	v19 =	vadd.s32 v4, v19;
	_ =	sdelay $0x1  }
0x57c: {  	v21 =	vperm.xlane v18, v5;
	v20 =	vadd.s32 v4, v20;
	_ =	sdelay $0x1  }
0x57d: {  	s28 =	simm.s32 $0x5B80;
	v22 =	vperm.xlane v18, v6;
	v21 =	vadd.s32 v4, v21  }
0x57e: {  	[tilespmem:s28], [sflag:$0x2] =	stream.indirect_vreg.gather [hbm4b:s1+s29], $0x80, v19, vm0, $0xb8;
	[tilespmem:$0x1FB80] =	vst v63  }
0x57f: {  	v19 =	vadd.s32 v4, v22;
	v22 =	vperm.xlane v18, v7;
	s28 =	simm.s32 $0x5C00  }
0x580: {  	[tilespmem:s28], [sflag:$0x2] =	stream.indirect_vreg.gather [hbm4b:s1+s29], $0x80, v20, vm0, $0xb8;
	[tilespmem:$0x1FB80] =	vst v63  }
0x581: {  	v20 =	vadd.s32 v4, v22;
	v22 =	vperm.xlane v18, v8;
	s28 =	simm.s32 $0x5C80  }
0x582: {  	[tilespmem:s28], [sflag:$0x2] =	stream.indirect_vreg.gather [hbm4b:s1+s29], $0x80, v21, vm0, $0xb8;
	[tilespmem:$0x1FB80] =	vst v63  }
0x583: {  	v21 =	vadd.s32 v4, v22;
	v22 =	vperm.xlane v18, v9;
	s28 =	simm.s32 $0x5D00  }
0x584: {  	[tilespmem:s28], [sflag:$0x2] =	stream.indirect_vreg.gather [hbm4b:s1+s29], $0x80, v19, vm0, $0xb8;
	[tilespmem:$0x1FB80] =	vst v63  }
0x585: {  	v19 =	vadd.s32 v4, v22;
	v22 =	vperm.xlane v18, v1;
	s28 =	simm.s32 $0x5D80  }
0x586: {  	[tilespmem:s28], [sflag:$0x2] =	stream.indirect_vreg.gather [hbm4b:s1+s29], $0x80, v20, vm0, $0xb8;
	[tilespmem:$0x1FB80] =	vst v63  }
0x587: {  	v20 =	vadd.s32 v4, v22;
	v22 =	vperm.xlane v18, v10;
	s28 =	simm.s32 $0x5E00  }
0x588: {  	[tilespmem:s28], [sflag:$0x2] =	stream.indirect_vreg.gather [hbm4b:s1+s29], $0x80, v21, vm0, $0xb8;
	[tilespmem:$0x1FB80] =	vst v63  }
0x589: {  	v21 =	vadd.s32 v4, v22;
	v22 =	vperm.xlane v18, v11;
	s28 =	simm.s32 $0x5E80  }
0x58a: {  	[tilespmem:s28], [sflag:$0x2] =	stream.indirect_vreg.gather [hbm4b:s1+s29], $0x80, v19, vm0, $0xb8;
	[tilespmem:$0x1FB80] =	vst v63  }
0x58b: {  	v19 =	vadd.s32 v4, v22;
	v22 =	vperm.xlane v18, v12;
	s28 =	simm.s32 $0x5F00  }
0x58c: {  	[tilespmem:s28], [sflag:$0x2] =	stream.indirect_vreg.gather [hbm4b:s1+s29], $0x80, v20, vm0, $0xb8;
	[tilespmem:$0x1FB80] =	vst v63  }
0x58d: {  	v20 =	vadd.s32 v4, v22;
	v22 =	vperm.xlane v18, v13;
	s28 =	simm.s32 $0x5F80  }
0x58e: {  	[tilespmem:s28], [sflag:$0x2] =	stream.indirect_vreg.gather [hbm4b:s1+s29], $0x80, v21, vm0, $0xb8;
	[tilespmem:$0x1FB80] =	vst v63  }
0x58f: {  	v21 =	vadd.s32 v4, v22;
	v22 =	vperm.xlane v18, v14;
	s28 =	simm.s32 $0x6000  }
0x590: {  	[tilespmem:s28], [sflag:$0x2] =	stream.indirect_vreg.gather [hbm4b:s1+s29], $0x80, v19, vm0, $0xb8;
	[tilespmem:$0x1FB80] =	vst v63  }
0x591: {  	v19 =	vadd.s32 v4, v22;
	v22 =	vperm.xlane v18, v15;
	s28 =	simm.s32 $0x6080  }
0x592: {  	[tilespmem:s28], [sflag:$0x2] =	stream.indirect_vreg.gather [hbm4b:s1+s29], $0x80, v20, vm0, $0xb8;
	[tilespmem:$0x1FB80] =	vst v63  }
0x593: {  	v20 =	vadd.s32 v4, v22;
	v22 =	vperm.xlane v18, v16;
	s28 =	simm.s32 $0x6100  }
0x594: {  	[tilespmem:s28], [sflag:$0x2] =	stream.indirect_vreg.gather [hbm4b:s1+s29], $0x80, v21, vm0, $0xb8;
	[tilespmem:$0x1FB80] =	vst v63  }
0x595: {  	v18 =	vperm.xlane v18, v17;
	v21 =	vadd.s32 v4, v22;
	s28 =	simm.s32 $0x6180  }
0x596: {  	[tilespmem:s28], [sflag:$0x2] =	stream.indirect_vreg.gather [hbm4b:s1+s29], $0x80, v19, vm0, $0xb8;
	[tilespmem:$0x1FB80] =	vst v63  }
0x597: {  	v18 =	vadd.s32 v4, v18;
	s28 =	simm.s32 $0x6200  }
0x598: {  	[tilespmem:s28], [sflag:$0x2] =	stream.indirect_vreg.gather [hbm4b:s1+s29], $0x80, v20, vm0, $0xb8;
	[tilespmem:$0x1FB80] =	vst v63  }
0x599: {  	s28 =	simm.s32 $0x6280  }
0x59a: {  	[tilespmem:s28], [sflag:$0x2] =	stream.indirect_vreg.gather [hbm4b:s1+s29], $0x80, v21, vm0, $0xb8;
	[tilespmem:$0x1FB80] =	vst v63  }
0x59b: {  	s28 =	simm.s32 $0x6300  }
0x59c: {  	[tilespmem:s28], [sflag:$0x2] =	stream.indirect_vreg.gather [hbm4b:s1+s29], $0x80, v18, vm0, $0xb8;
	[tilespmem:$0x1FB80] =	vst v63  }
0x59d: {  	v18 =	vld [tilespmem:$0x210];
	_ =	sdelay $0x4  }
0x59e: {  	v19 =	vshll.u32 v18, $0x1  }
0x59f: {  	v18 =	vand.u32 $0x7, v18;
	v19 =	vand.u32 $0xFFFFFFF0, v19  }
0x5a0: {  	v18 =	vor.u32 v18, v19  }
0x5a1: {  	v19 =	vperm.xlane v18, v3;
	_ =	sdelay $0x1  }
0x5a2: {  	v20 =	vperm.xlane v18, v2;
	v19 =	vadd.s32 v4, v19;
	_ =	sdelay $0x1  }
0x5a3: {  	v21 =	vperm.xlane v18, v5;
	v20 =	vadd.s32 v4, v20;
	_ =	sdelay $0x1  }
0x5a4: {  	s28 =	simm.s32 $0x6380;
	v22 =	vperm.xlane v18, v6;
	v21 =	vadd.s32 v4, v21  }
0x5a5: {  	[tilespmem:s28], [sflag:$0x2] =	stream.indirect_vreg.gather [hbm4b:s1+s29], $0x80, v19, vm0, $0xb8;
	[tilespmem:$0x1FB80] =	vst v63  }
0x5a6: {  	v19 =	vadd.s32 v4, v22;
	v22 =	vperm.xlane v18, v7;
	s28 =	simm.s32 $0x6400  }
0x5a7: {  	[tilespmem:s28], [sflag:$0x2] =	stream.indirect_vreg.gather [hbm4b:s1+s29], $0x80, v20, vm0, $0xb8;
	[tilespmem:$0x1FB80] =	vst v63  }
0x5a8: {  	v20 =	vadd.s32 v4, v22;
	v22 =	vperm.xlane v18, v8;
	s28 =	simm.s32 $0x6480  }
0x5a9: {  	[tilespmem:s28], [sflag:$0x2] =	stream.indirect_vreg.gather [hbm4b:s1+s29], $0x80, v21, vm0, $0xb8;
	[tilespmem:$0x1FB80] =	vst v63  }
0x5aa: {  	v21 =	vadd.s32 v4, v22;
	v22 =	vperm.xlane v18, v9;
	s28 =	simm.s32 $0x6500  }
0x5ab: {  	[tilespmem:s28], [sflag:$0x2] =	stream.indirect_vreg.gather [hbm4b:s1+s29], $0x80, v19, vm0, $0xb8;
	[tilespmem:$0x1FB80] =	vst v63  }
0x5ac: {  	v19 =	vadd.s32 v4, v22;
	v22 =	vperm.xlane v18, v1;
	s28 =	simm.s32 $0x6580  }
0x5ad: {  	[tilespmem:s28], [sflag:$0x2] =	stream.indirect_vreg.gather [hbm4b:s1+s29], $0x80, v20, vm0, $0xb8;
	[tilespmem:$0x1FB80] =	vst v63  }
0x5ae: {  	v20 =	vadd.s32 v4, v22;
	v22 =	vperm.xlane v18, v10;
	s28 =	simm.s32 $0x6600  }
0x5af: {  	[tilespmem:s28], [sflag:$0x2] =	stream.indirect_vreg.gather [hbm4b:s1+s29], $0x80, v21, vm0, $0xb8;
	[tilespmem:$0x1FB80] =	vst v63  }
0x5b0: {  	v21 =	vadd.s32 v4, v22;
	v22 =	vperm.xlane v18, v11;
	s28 =	simm.s32 $0x6680  }
0x5b1: {  	[tilespmem:s28], [sflag:$0x2] =	stream.indirect_vreg.gather [hbm4b:s1+s29], $0x80, v19, vm0, $0xb8;
	[tilespmem:$0x1FB80] =	vst v63  }
0x5b2: {  	v19 =	vadd.s32 v4, v22;
	v22 =	vperm.xlane v18, v12;
	s28 =	simm.s32 $0x6700  }
0x5b3: {  	[tilespmem:s28], [sflag:$0x2] =	stream.indirect_vreg.gather [hbm4b:s1+s29], $0x80, v20, vm0, $0xb8;
	[tilespmem:$0x1FB80] =	vst v63  }
0x5b4: {  	v20 =	vadd.s32 v4, v22;
	v22 =	vperm.xlane v18, v13;
	s28 =	simm.s32 $0x6780  }
0x5b5: {  	[tilespmem:s28], [sflag:$0x2] =	stream.indirect_vreg.gather [hbm4b:s1+s29], $0x80, v21, vm0, $0xb8;
	[tilespmem:$0x1FB80] =	vst v63  }
0x5b6: {  	v21 =	vadd.s32 v4, v22;
	v22 =	vperm.xlane v18, v14;
	s28 =	simm.s32 $0x6800  }
0x5b7: {  	[tilespmem:s28], [sflag:$0x2] =	stream.indirect_vreg.gather [hbm4b:s1+s29], $0x80, v19, vm0, $0xb8;
	[tilespmem:$0x1FB80] =	vst v63  }
0x5b8: {  	v19 =	vadd.s32 v4, v22;
	v22 =	vperm.xlane v18, v15;
	s28 =	simm.s32 $0x6880  }
0x5b9: {  	[tilespmem:s28], [sflag:$0x2] =	stream.indirect_vreg.gather [hbm4b:s1+s29], $0x80, v20, vm0, $0xb8;
	[tilespmem:$0x1FB80] =	vst v63  }
0x5ba: {  	v20 =	vadd.s32 v4, v22;
	v22 =	vperm.xlane v18, v16;
	s28 =	simm.s32 $0x6900  }
0x5bb: {  	[tilespmem:s28], [sflag:$0x2] =	stream.indirect_vreg.gather [hbm4b:s1+s29], $0x80, v21, vm0, $0xb8;
	[tilespmem:$0x1FB80] =	vst v63  }
0x5bc: {  	v18 =	vperm.xlane v18, v17;
	v21 =	vadd.s32 v4, v22;
	s28 =	simm.s32 $0x6980  }
0x5bd: {  	[tilespmem:s28], [sflag:$0x2] =	stream.indirect_vreg.gather [hbm4b:s1+s29], $0x80, v19, vm0, $0xb8;
	[tilespmem:$0x1FB80] =	vst v63  }
0x5be: {  	v18 =	vadd.s32 v4, v18;
	s28 =	simm.s32 $0x6A00  }
0x5bf: {  	[tilespmem:s28], [sflag:$0x2] =	stream.indirect_vreg.gather [hbm4b:s1+s29], $0x80, v20, vm0, $0xb8;
	[tilespmem:$0x1FB80] =	vst v63  }
0x5c0: {  	s28 =	simm.s32 $0x6A80  }
0x5c1: {  	[tilespmem:s28], [sflag:$0x2] =	stream.indirect_vreg.gather [hbm4b:s1+s29], $0x80, v21, vm0, $0xb8;
	[tilespmem:$0x1FB80] =	vst v63  }
0x5c2: {  	s28 =	simm.s32 $0x6B00  }
0x5c3: {  	[tilespmem:s28], [sflag:$0x2] =	stream.indirect_vreg.gather [hbm4b:s1+s29], $0x80, v18, vm0, $0xb8;
	[tilespmem:$0x1FB80] =	vst v63  }
0x5c4: {  	v18 =	vld [tilespmem:$0x220];
	_ =	sdelay $0x4  }
0x5c5: {  	v19 =	vshll.u32 v18, $0x1  }
0x5c6: {  	v18 =	vand.u32 $0x7, v18;
	v19 =	vand.u32 $0xFFFFFFF0, v19  }
0x5c7: {  	v18 =	vor.u32 v18, v19  }
0x5c8: {  	v19 =	vperm.xlane v18, v3;
	_ =	sdelay $0x1  }
0x5c9: {  	v20 =	vperm.xlane v18, v2;
	v19 =	vadd.s32 v4, v19;
	_ =	sdelay $0x1  }
0x5ca: {  	v21 =	vperm.xlane v18, v5;
	v20 =	vadd.s32 v4, v20;
	_ =	sdelay $0x1  }
0x5cb: {  	s28 =	simm.s32 $0x6B80;
	v22 =	vperm.xlane v18, v6;
	v21 =	vadd.s32 v4, v21  }
0x5cc: {  	[tilespmem:s28], [sflag:$0x2] =	stream.indirect_vreg.gather [hbm4b:s1+s29], $0x80, v19, vm0, $0xb8;
	[tilespmem:$0x1FB80] =	vst v63  }
0x5cd: {  	v19 =	vadd.s32 v4, v22;
	v22 =	vperm.xlane v18, v7;
	s28 =	simm.s32 $0x6C00  }
0x5ce: {  	[tilespmem:s28], [sflag:$0x2] =	stream.indirect_vreg.gather [hbm4b:s1+s29], $0x80, v20, vm0, $0xb8;
	[tilespmem:$0x1FB80] =	vst v63  }
0x5cf: {  	v20 =	vadd.s32 v4, v22;
	v22 =	vperm.xlane v18, v8;
	s28 =	simm.s32 $0x6C80  }
0x5d0: {  	[tilespmem:s28], [sflag:$0x2] =	stream.indirect_vreg.gather [hbm4b:s1+s29], $0x80, v21, vm0, $0xb8;
	[tilespmem:$0x1FB80] =	vst v63  }
0x5d1: {  	v21 =	vadd.s32 v4, v22;
	v22 =	vperm.xlane v18, v9;
	s28 =	simm.s32 $0x6D00  }
0x5d2: {  	[tilespmem:s28], [sflag:$0x2] =	stream.indirect_vreg.gather [hbm4b:s1+s29], $0x80, v19, vm0, $0xb8;
	[tilespmem:$0x1FB80] =	vst v63  }
0x5d3: {  	v19 =	vadd.s32 v4, v22;
	v22 =	vperm.xlane v18, v1;
	s28 =	simm.s32 $0x6D80  }
0x5d4: {  	[tilespmem:s28], [sflag:$0x2] =	stream.indirect_vreg.gather [hbm4b:s1+s29], $0x80, v20, vm0, $0xb8;
	[tilespmem:$0x1FB80] =	vst v63  }
0x5d5: {  	v20 =	vadd.s32 v4, v22;
	v22 =	vperm.xlane v18, v10;
	s28 =	simm.s32 $0x6E00  }
0x5d6: {  	[tilespmem:s28], [sflag:$0x2] =	stream.indirect_vreg.gather [hbm4b:s1+s29], $0x80, v21, vm0, $0xb8;
	[tilespmem:$0x1FB80] =	vst v63  }
0x5d7: {  	v21 =	vadd.s32 v4, v22;
	v22 =	vperm.xlane v18, v11;
	s28 =	simm.s32 $0x6E80  }
0x5d8: {  	[tilespmem:s28], [sflag:$0x2] =	stream.indirect_vreg.gather [hbm4b:s1+s29], $0x80, v19, vm0, $0xb8;
	[tilespmem:$0x1FB80] =	vst v63  }
0x5d9: {  	v19 =	vadd.s32 v4, v22;
	v22 =	vperm.xlane v18, v12;
	s28 =	simm.s32 $0x6F00  }
0x5da: {  	[tilespmem:s28], [sflag:$0x2] =	stream.indirect_vreg.gather [hbm4b:s1+s29], $0x80, v20, vm0, $0xb8;
	[tilespmem:$0x1FB80] =	vst v63  }
0x5db: {  	v20 =	vadd.s32 v4, v22;
	v22 =	vperm.xlane v18, v13;
	s28 =	simm.s32 $0x6F80  }
0x5dc: {  	[tilespmem:s28], [sflag:$0x2] =	stream.indirect_vreg.gather [hbm4b:s1+s29], $0x80, v21, vm0, $0xb8;
	[tilespmem:$0x1FB80] =	vst v63  }
0x5dd: {  	v21 =	vadd.s32 v4, v22;
	v22 =	vperm.xlane v18, v14;
	s28 =	simm.s32 $0x7000  }
0x5de: {  	[tilespmem:s28], [sflag:$0x2] =	stream.indirect_vreg.gather [hbm4b:s1+s29], $0x80, v19, vm0, $0xb8;
	[tilespmem:$0x1FB80] =	vst v63  }
0x5df: {  	v19 =	vadd.s32 v4, v22;
	v22 =	vperm.xlane v18, v15;
	s28 =	simm.s32 $0x7080  }
0x5e0: {  	[tilespmem:s28], [sflag:$0x2] =	stream.indirect_vreg.gather [hbm4b:s1+s29], $0x80, v20, vm0, $0xb8;
	[tilespmem:$0x1FB80] =	vst v63  }
0x5e1: {  	v20 =	vadd.s32 v4, v22;
	v22 =	vperm.xlane v18, v16;
	s28 =	simm.s32 $0x7100  }
0x5e2: {  	[tilespmem:s28], [sflag:$0x2] =	stream.indirect_vreg.gather [hbm4b:s1+s29], $0x80, v21, vm0, $0xb8;
	[tilespmem:$0x1FB80] =	vst v63  }
0x5e3: {  	v18 =	vperm.xlane v18, v17;
	v21 =	vadd.s32 v4, v22;
	s28 =	simm.s32 $0x7180  }
0x5e4: {  	[tilespmem:s28], [sflag:$0x2] =	stream.indirect_vreg.gather [hbm4b:s1+s29], $0x80, v19, vm0, $0xb8;
	[tilespmem:$0x1FB80] =	vst v63  }
0x5e5: {  	v18 =	vadd.s32 v4, v18;
	s28 =	simm.s32 $0x7200  }
0x5e6: {  	[tilespmem:s28], [sflag:$0x2] =	stream.indirect_vreg.gather [hbm4b:s1+s29], $0x80, v20, vm0, $0xb8;
	[tilespmem:$0x1FB80] =	vst v63  }
0x5e7: {  	s28 =	simm.s32 $0x7280  }
0x5e8: {  	[tilespmem:s28], [sflag:$0x2] =	stream.indirect_vreg.gather [hbm4b:s1+s29], $0x80, v21, vm0, $0xb8;
	[tilespmem:$0x1FB80] =	vst v63  }
0x5e9: {  	s28 =	simm.s32 $0x7300  }
0x5ea: {  	[tilespmem:s28], [sflag:$0x2] =	stream.indirect_vreg.gather [hbm4b:s1+s29], $0x80, v18, vm0, $0xb8;
	[tilespmem:$0x1FB80] =	vst v63  }
0x5eb: {  	s29 =	simm.s32 $0xE380;
	s28 =	simm.s32 $0x1C0  }
0x5ec: {  	[tilespmem:s29], [sflag:$0x5] =	stream.indirect.gather [hbm4b:s4+s7], $0x80, s28, s7, $0xb8;
	[tilespmem:$0x1FB80] =	vst v63  }
0x5ed: {  	_ =	swait.ge [sflag:s14], $0x3800  }
0x5ee: {  	[sflag:s14] =	ssyncset.done $0x0  }
0x5ef: {  	[sflag:s14] =	ssyncadd.s32 $0xFFFFC800  }
0x5f0: {  	_ =	swait.ge [sflag:s13], $0x3800  }
0x5f1: {  	[sflag:s13] =	ssyncset.done $0x0  }
0x5f2: {  	s26 =	simm.s32 $0x0;
	[sflag:s13] =	ssyncadd.s32 $0xFFFFC800  }
0x5f3: {  	v18 =	vld [tilespmem:s26+$0x11BB0]  }
0x5f4: {  	v19 =	vld [tilespmem:s26+$0x11B80]  }
0x5f5: {  	v20 =	vld [tilespmem:s26+$0x11B90]  }
0x5f6: {  	s28 =	simm.s32 $0x200;
	v21 =	vld [tilespmem:s26+$0x11BA0]  }
.LBB2_6:
0x5f7: {  	p0 =	sne.s32 s28, $0xDE00  }
.Ltmp2:
0x5f8: {  	s29 =	sshra.s32 s28, $0x2;
	s28 =	sadd.s32 $0x200, s28;
	[tilespmem:s26+$0x1C3B0] =	vst v18;
	(pc) =	sbr.rel @p0 .LBB2_6-.Ltmp2, $4  }
0x5f9: {  	v18 =	vld [tilespmem:s29+$0x11BB0];
	[tilespmem:s26+$0x1C380] =	vst v19  }
0x5fa: {  	v19 =	vld [tilespmem:s29+$0x11B80];
	[tilespmem:s26+$0x1C390] =	vst v20  }
0x5fb: {  	v20 =	vld [tilespmem:s29+$0x11B90];
	[tilespmem:s26+$0x1C3A0] =	vst v21;
	s26 =	smov.u32 s29  }
0x5fc: {  	v21 =	vld [tilespmem:s26+$0x11BA0]  }
0x5fd: {  	_ = 	snop  }
0x5fe: {  	[tilespmem:s26+$0x1C3B0] =	vst v18  }
0x5ff: {  	[tilespmem:s26+$0x1C380] =	vst v19  }
0x600: {  	[tilespmem:s26+$0x1C390] =	vst v20  }
0x601: {  	s29 =	rddreg [dreg:$0xa];
	[tilespmem:s26+$0x1C3A0] =	vst v21  }
0x602: {  	[hbm4b:s29+s23] =	stream.strided.scatter [tilespmem:s10], [sflag:$0x9], $0x3800, s0, s23, $0x38;
	[tilespmem:$0x1FB80] =	vst v63  }
0x603: {  	s28 =	simm.s32 $0x1C380;
	s29 =	rddreg [dreg:$0xb]  }
0x604: {  	[hbm4b:s29+s23] =	stream.strided.scatter [tilespmem:s28], [sflag:$0xC], $0x3800, s0, s23, $0x38;
	[tilespmem:$0x1FB80] =	vst v63  }
0x605: {  	_ =	swait.ge [sflag:s12], $0x3800  }
0x606: {  	[sflag:s12] =	ssyncset.done $0x0  }
0x607: {  	[sflag:s12] =	ssyncadd.s32 $0xFFFFC800  }
0x608: {  	_ =	swait.ge [sflag:s11], $0x3800  }
0x609: {  	[sflag:s11] =	ssyncset.done $0x0  }
0x60a: {  	[sflag:s11] =	ssyncadd.s32 $0xFFFFC800  }
0x60b: {  	v18 =	vld [tilespmem:$0x230];
	_ =	sdelay $0x4  }
0x60c: {  	v19 =	vshll.u32 v18, $0x1  }
0x60d: {  	v18 =	vand.u32 $0x7, v18;
	v19 =	vand.u32 $0xFFFFFFF0, v19  }
0x60e: {  	v18 =	vor.u32 v18, v19  }
0x60f: {  	v19 =	vperm.xlane v18, v3;
	_ =	sdelay $0x1  }
0x610: {  	v20 =	vperm.xlane v18, v2;
	v19 =	vadd.s32 v4, v19;
	_ =	sdelay $0x1  }
0x611: {  	v21 =	vperm.xlane v18, v5;
	v20 =	vadd.s32 v4, v20;
	_ =	sdelay $0x1  }
0x612: {  	s29 =	simm.s32 $0x0;
	v22 =	vperm.xlane v18, v6;
	v21 =	vadd.s32 v4, v21  }
0x613: {  	[tilespmem:s10], [sflag:$0x3] =	stream.indirect_vreg.gather [hbm4b:s1+s29], $0x80, v19, vm0, $0xb8;
	[tilespmem:$0x1FB80] =	vst v63  }
0x614: {  	s28 =	simm.s32 $0x7400;
	v19 =	vadd.s32 v4, v22;
	v22 =	vperm.xlane v18, v7  }
0x615: {  	[tilespmem:s28], [sflag:$0x3] =	stream.indirect_vreg.gather [hbm4b:s1+s29], $0x80, v20, vm0, $0xb8;
	[tilespmem:$0x1FB80] =	vst v63  }
0x616: {  	v20 =	vadd.s32 v4, v22;
	v22 =	vperm.xlane v18, v8;
	s28 =	simm.s32 $0x7480  }
0x617: {  	[tilespmem:s28], [sflag:$0x3] =	stream.indirect_vreg.gather [hbm4b:s1+s29], $0x80, v21, vm0, $0xb8;
	[tilespmem:$0x1FB80] =	vst v63  }
0x618: {  	v21 =	vadd.s32 v4, v22;
	v22 =	vperm.xlane v18, v9;
	s28 =	simm.s32 $0x7500  }
0x619: {  	[tilespmem:s28], [sflag:$0x3] =	stream.indirect_vreg.gather [hbm4b:s1+s29], $0x80, v19, vm0, $0xb8;
	[tilespmem:$0x1FB80] =	vst v63  }
0x61a: {  	v19 =	vadd.s32 v4, v22;
	v22 =	vperm.xlane v18, v1;
	s28 =	simm.s32 $0x7580  }
0x61b: {  	[tilespmem:s28], [sflag:$0x3] =	stream.indirect_vreg.gather [hbm4b:s1+s29], $0x80, v20, vm0, $0xb8;
	[tilespmem:$0x1FB80] =	vst v63  }
0x61c: {  	v20 =	vadd.s32 v4, v22;
	v22 =	vperm.xlane v18, v10;
	s28 =	simm.s32 $0x7600  }
0x61d: {  	[tilespmem:s28], [sflag:$0x3] =	stream.indirect_vreg.gather [hbm4b:s1+s29], $0x80, v21, vm0, $0xb8;
	[tilespmem:$0x1FB80] =	vst v63  }
0x61e: {  	v21 =	vadd.s32 v4, v22;
	v22 =	vperm.xlane v18, v11;
	s28 =	simm.s32 $0x7680  }
0x61f: {  	[tilespmem:s28], [sflag:$0x3] =	stream.indirect_vreg.gather [hbm4b:s1+s29], $0x80, v19, vm0, $0xb8;
	[tilespmem:$0x1FB80] =	vst v63  }
0x620: {  	v19 =	vadd.s32 v4, v22;
	v22 =	vperm.xlane v18, v12;
	s28 =	simm.s32 $0x7700  }
0x621: {  	[tilespmem:s28], [sflag:$0x3] =	stream.indirect_vreg.gather [hbm4b:s1+s29], $0x80, v20, vm0, $0xb8;
	[tilespmem:$0x1FB80] =	vst v63  }
0x622: {  	v20 =	vadd.s32 v4, v22;
	v22 =	vperm.xlane v18, v13;
	s28 =	simm.s32 $0x7780  }
0x623: {  	[tilespmem:s28], [sflag:$0x3] =	stream.indirect_vreg.gather [hbm4b:s1+s29], $0x80, v21, vm0, $0xb8;
	[tilespmem:$0x1FB80] =	vst v63  }
0x624: {  	v21 =	vadd.s32 v4, v22;
	v22 =	vperm.xlane v18, v14;
	s28 =	simm.s32 $0x7800  }
0x625: {  	[tilespmem:s28], [sflag:$0x3] =	stream.indirect_vreg.gather [hbm4b:s1+s29], $0x80, v19, vm0, $0xb8;
	[tilespmem:$0x1FB80] =	vst v63  }
0x626: {  	v19 =	vadd.s32 v4, v22;
	v22 =	vperm.xlane v18, v15;
	s28 =	simm.s32 $0x7880  }
0x627: {  	[tilespmem:s28], [sflag:$0x3] =	stream.indirect_vreg.gather [hbm4b:s1+s29], $0x80, v20, vm0, $0xb8;
	[tilespmem:$0x1FB80] =	vst v63  }
0x628: {  	v20 =	vadd.s32 v4, v22;
	v22 =	vperm.xlane v18, v16;
	s28 =	simm.s32 $0x7900  }
0x629: {  	[tilespmem:s28], [sflag:$0x3] =	stream.indirect_vreg.gather [hbm4b:s1+s29], $0x80, v21, vm0, $0xb8;
	[tilespmem:$0x1FB80] =	vst v63  }
0x62a: {  	v18 =	vperm.xlane v18, v17;
	v21 =	vadd.s32 v4, v22;
	s28 =	simm.s32 $0x7980  }
0x62b: {  	[tilespmem:s28], [sflag:$0x3] =	stream.indirect_vreg.gather [hbm4b:s1+s29], $0x80, v19, vm0, $0xb8;
	[tilespmem:$0x1FB80] =	vst v63  }
0x62c: {  	v18 =	vadd.s32 v4, v18;
	s28 =	simm.s32 $0x7A00  }
0x62d: {  	[tilespmem:s28], [sflag:$0x3] =	stream.indirect_vreg.gather [hbm4b:s1+s29], $0x80, v20, vm0, $0xb8;
	[tilespmem:$0x1FB80] =	vst v63  }
0x62e: {  	s28 =	simm.s32 $0x7A80  }
0x62f: {  	[tilespmem:s28], [sflag:$0x3] =	stream.indirect_vreg.gather [hbm4b:s1+s29], $0x80, v21, vm0, $0xb8;
	[tilespmem:$0x1FB80] =	vst v63  }
0x630: {  	s28 =	simm.s32 $0x7B00  }
0x631: {  	[tilespmem:s28], [sflag:$0x3] =	stream.indirect_vreg.gather [hbm4b:s1+s29], $0x80, v18, vm0, $0xb8;
	[tilespmem:$0x1FB80] =	vst v63  }
0x632: {  	v18 =	vld [tilespmem:$0x240];
	_ =	sdelay $0x4  }
0x633: {  	v19 =	vshll.u32 v18, $0x1  }
0x634: {  	v18 =	vand.u32 $0x7, v18;
	v19 =	vand.u32 $0xFFFFFFF0, v19  }
0x635: {  	v18 =	vor.u32 v18, v19  }
0x636: {  	v19 =	vperm.xlane v18, v3;
	_ =	sdelay $0x1  }
0x637: {  	v20 =	vperm.xlane v18, v2;
	v19 =	vadd.s32 v4, v19;
	_ =	sdelay $0x1  }
0x638: {  	v21 =	vperm.xlane v18, v5;
	v20 =	vadd.s32 v4, v20;
	_ =	sdelay $0x1  }
0x639: {  	s28 =	simm.s32 $0x7B80;
	v22 =	vperm.xlane v18, v6;
	v21 =	vadd.s32 v4, v21  }
0x63a: {  	[tilespmem:s28], [sflag:$0x3] =	stream.indirect_vreg.gather [hbm4b:s1+s29], $0x80, v19, vm0, $0xb8;
	[tilespmem:$0x1FB80] =	vst v63  }
0x63b: {  	v19 =	vadd.s32 v4, v22;
	v22 =	vperm.xlane v18, v7;
	s28 =	simm.s32 $0x7C00  }
0x63c: {  	[tilespmem:s28], [sflag:$0x3] =	stream.indirect_vreg.gather [hbm4b:s1+s29], $0x80, v20, vm0, $0xb8;
	[tilespmem:$0x1FB80] =	vst v63  }
0x63d: {  	v20 =	vadd.s32 v4, v22;
	v22 =	vperm.xlane v18, v8;
	s28 =	simm.s32 $0x7C80  }
0x63e: {  	[tilespmem:s28], [sflag:$0x3] =	stream.indirect_vreg.gather [hbm4b:s1+s29], $0x80, v21, vm0, $0xb8;
	[tilespmem:$0x1FB80] =	vst v63  }
0x63f: {  	v21 =	vadd.s32 v4, v22;
	v22 =	vperm.xlane v18, v9;
	s28 =	simm.s32 $0x7D00  }
0x640: {  	[tilespmem:s28], [sflag:$0x3] =	stream.indirect_vreg.gather [hbm4b:s1+s29], $0x80, v19, vm0, $0xb8;
	[tilespmem:$0x1FB80] =	vst v63  }
0x641: {  	v19 =	vadd.s32 v4, v22;
	v22 =	vperm.xlane v18, v1;
	s28 =	simm.s32 $0x7D80  }
0x642: {  	[tilespmem:s28], [sflag:$0x3] =	stream.indirect_vreg.gather [hbm4b:s1+s29], $0x80, v20, vm0, $0xb8;
	[tilespmem:$0x1FB80] =	vst v63  }
0x643: {  	v20 =	vadd.s32 v4, v22;
	v22 =	vperm.xlane v18, v10;
	s28 =	simm.s32 $0x7E00  }
0x644: {  	[tilespmem:s28], [sflag:$0x3] =	stream.indirect_vreg.gather [hbm4b:s1+s29], $0x80, v21, vm0, $0xb8;
	[tilespmem:$0x1FB80] =	vst v63  }
0x645: {  	v21 =	vadd.s32 v4, v22;
	v22 =	vperm.xlane v18, v11;
	s28 =	simm.s32 $0x7E80  }
0x646: {  	[tilespmem:s28], [sflag:$0x3] =	stream.indirect_vreg.gather [hbm4b:s1+s29], $0x80, v19, vm0, $0xb8;
	[tilespmem:$0x1FB80] =	vst v63  }
0x647: {  	v19 =	vadd.s32 v4, v22;
	v22 =	vperm.xlane v18, v12;
	s28 =	simm.s32 $0x7F00  }
0x648: {  	[tilespmem:s28], [sflag:$0x3] =	stream.indirect_vreg.gather [hbm4b:s1+s29], $0x80, v20, vm0, $0xb8;
	[tilespmem:$0x1FB80] =	vst v63  }
0x649: {  	v20 =	vadd.s32 v4, v22;
	v22 =	vperm.xlane v18, v13;
	s28 =	simm.s32 $0x7F80  }
0x64a: {  	[tilespmem:s28], [sflag:$0x3] =	stream.indirect_vreg.gather [hbm4b:s1+s29], $0x80, v21, vm0, $0xb8;
	[tilespmem:$0x1FB80] =	vst v63  }
0x64b: {  	v21 =	vadd.s32 v4, v22;
	v22 =	vperm.xlane v18, v14;
	s28 =	simm.s32 $0x8000  }
0x64c: {  	[tilespmem:s28], [sflag:$0x3] =	stream.indirect_vreg.gather [hbm4b:s1+s29], $0x80, v19, vm0, $0xb8;
	[tilespmem:$0x1FB80] =	vst v63  }
0x64d: {  	v19 =	vadd.s32 v4, v22;
	v22 =	vperm.xlane v18, v15;
	s28 =	simm.s32 $0x8080  }
0x64e: {  	[tilespmem:s28], [sflag:$0x3] =	stream.indirect_vreg.gather [hbm4b:s1+s29], $0x80, v20, vm0, $0xb8;
	[tilespmem:$0x1FB80] =	vst v63  }
0x64f: {  	v20 =	vadd.s32 v4, v22;
	v22 =	vperm.xlane v18, v16;
	s28 =	simm.s32 $0x8100  }
0x650: {  	[tilespmem:s28], [sflag:$0x3] =	stream.indirect_vreg.gather [hbm4b:s1+s29], $0x80, v21, vm0, $0xb8;
	[tilespmem:$0x1FB80] =	vst v63  }
0x651: {  	v18 =	vperm.xlane v18, v17;
	v21 =	vadd.s32 v4, v22;
	s28 =	simm.s32 $0x8180  }
0x652: {  	[tilespmem:s28], [sflag:$0x3] =	stream.indirect_vreg.gather [hbm4b:s1+s29], $0x80, v19, vm0, $0xb8;
	[tilespmem:$0x1FB80] =	vst v63  }
0x653: {  	v18 =	vadd.s32 v4, v18;
	s28 =	simm.s32 $0x8200  }
0x654: {  	[tilespmem:s28], [sflag:$0x3] =	stream.indirect_vreg.gather [hbm4b:s1+s29], $0x80, v20, vm0, $0xb8;
	[tilespmem:$0x1FB80] =	vst v63  }
0x655: {  	s28 =	simm.s32 $0x8280  }
0x656: {  	[tilespmem:s28], [sflag:$0x3] =	stream.indirect_vreg.gather [hbm4b:s1+s29], $0x80, v21, vm0, $0xb8;
	[tilespmem:$0x1FB80] =	vst v63  }
0x657: {  	s28 =	simm.s32 $0x8300  }
0x658: {  	[tilespmem:s28], [sflag:$0x3] =	stream.indirect_vreg.gather [hbm4b:s1+s29], $0x80, v18, vm0, $0xb8;
	[tilespmem:$0x1FB80] =	vst v63  }
0x659: {  	v18 =	vld [tilespmem:$0x250];
	_ =	sdelay $0x4  }
0x65a: {  	v19 =	vshll.u32 v18, $0x1  }
0x65b: {  	v18 =	vand.u32 $0x7, v18;
	v19 =	vand.u32 $0xFFFFFFF0, v19  }
0x65c: {  	v18 =	vor.u32 v18, v19  }
0x65d: {  	v19 =	vperm.xlane v18, v3;
	_ =	sdelay $0x1  }
0x65e: {  	v20 =	vperm.xlane v18, v2;
	v19 =	vadd.s32 v4, v19;
	_ =	sdelay $0x1  }
0x65f: {  	v21 =	vperm.xlane v18, v5;
	v20 =	vadd.s32 v4, v20;
	_ =	sdelay $0x1  }
0x660: {  	s28 =	simm.s32 $0x8380;
	v22 =	vperm.xlane v18, v6;
	v21 =	vadd.s32 v4, v21  }
0x661: {  	[tilespmem:s28], [sflag:$0x3] =	stream.indirect_vreg.gather [hbm4b:s1+s29], $0x80, v19, vm0, $0xb8;
	[tilespmem:$0x1FB80] =	vst v63  }
0x662: {  	v19 =	vadd.s32 v4, v22;
	v22 =	vperm.xlane v18, v7;
	s28 =	simm.s32 $0x8400  }
0x663: {  	[tilespmem:s28], [sflag:$0x3] =	stream.indirect_vreg.gather [hbm4b:s1+s29], $0x80, v20, vm0, $0xb8;
	[tilespmem:$0x1FB80] =	vst v63  }
0x664: {  	v20 =	vadd.s32 v4, v22;
	v22 =	vperm.xlane v18, v8;
	s28 =	simm.s32 $0x8480  }
0x665: {  	[tilespmem:s28], [sflag:$0x3] =	stream.indirect_vreg.gather [hbm4b:s1+s29], $0x80, v21, vm0, $0xb8;
	[tilespmem:$0x1FB80] =	vst v63  }
0x666: {  	v21 =	vadd.s32 v4, v22;
	v22 =	vperm.xlane v18, v9;
	s28 =	simm.s32 $0x8500  }
0x667: {  	[tilespmem:s28], [sflag:$0x3] =	stream.indirect_vreg.gather [hbm4b:s1+s29], $0x80, v19, vm0, $0xb8;
	[tilespmem:$0x1FB80] =	vst v63  }
0x668: {  	v19 =	vadd.s32 v4, v22;
	v22 =	vperm.xlane v18, v1;
	s28 =	simm.s32 $0x8580  }
0x669: {  	[tilespmem:s28], [sflag:$0x3] =	stream.indirect_vreg.gather [hbm4b:s1+s29], $0x80, v20, vm0, $0xb8;
	[tilespmem:$0x1FB80] =	vst v63  }
0x66a: {  	v20 =	vadd.s32 v4, v22;
	v22 =	vperm.xlane v18, v10;
	s28 =	simm.s32 $0x8600  }
0x66b: {  	[tilespmem:s28], [sflag:$0x3] =	stream.indirect_vreg.gather [hbm4b:s1+s29], $0x80, v21, vm0, $0xb8;
	[tilespmem:$0x1FB80] =	vst v63  }
0x66c: {  	v21 =	vadd.s32 v4, v22;
	v22 =	vperm.xlane v18, v11;
	s28 =	simm.s32 $0x8680  }
0x66d: {  	[tilespmem:s28], [sflag:$0x3] =	stream.indirect_vreg.gather [hbm4b:s1+s29], $0x80, v19, vm0, $0xb8;
	[tilespmem:$0x1FB80] =	vst v63  }
0x66e: {  	v19 =	vadd.s32 v4, v22;
	v22 =	vperm.xlane v18, v12;
	s28 =	simm.s32 $0x8700  }
0x66f: {  	[tilespmem:s28], [sflag:$0x3] =	stream.indirect_vreg.gather [hbm4b:s1+s29], $0x80, v20, vm0, $0xb8;
	[tilespmem:$0x1FB80] =	vst v63  }
0x670: {  	v20 =	vadd.s32 v4, v22;
	v22 =	vperm.xlane v18, v13;
	s28 =	simm.s32 $0x8780  }
0x671: {  	[tilespmem:s28], [sflag:$0x3] =	stream.indirect_vreg.gather [hbm4b:s1+s29], $0x80, v21, vm0, $0xb8;
	[tilespmem:$0x1FB80] =	vst v63  }
0x672: {  	v21 =	vadd.s32 v4, v22;
	v22 =	vperm.xlane v18, v14;
	s28 =	simm.s32 $0x8800  }
0x673: {  	[tilespmem:s28], [sflag:$0x3] =	stream.indirect_vreg.gather [hbm4b:s1+s29], $0x80, v19, vm0, $0xb8;
	[tilespmem:$0x1FB80] =	vst v63  }
0x674: {  	v19 =	vadd.s32 v4, v22;
	v22 =	vperm.xlane v18, v15;
	s28 =	simm.s32 $0x8880  }
0x675: {  	[tilespmem:s28], [sflag:$0x3] =	stream.indirect_vreg.gather [hbm4b:s1+s29], $0x80, v20, vm0, $0xb8;
	[tilespmem:$0x1FB80] =	vst v63  }
0x676: {  	v20 =	vadd.s32 v4, v22;
	v22 =	vperm.xlane v18, v16;
	s28 =	simm.s32 $0x8900  }
0x677: {  	[tilespmem:s28], [sflag:$0x3] =	stream.indirect_vreg.gather [hbm4b:s1+s29], $0x80, v21, vm0, $0xb8;
	[tilespmem:$0x1FB80] =	vst v63  }
0x678: {  	v18 =	vperm.xlane v18, v17;
	v21 =	vadd.s32 v4, v22;
	s28 =	simm.s32 $0x8980  }
0x679: {  	[tilespmem:s28], [sflag:$0x3] =	stream.indirect_vreg.gather [hbm4b:s1+s29], $0x80, v19, vm0, $0xb8;
	[tilespmem:$0x1FB80] =	vst v63  }
0x67a: {  	v18 =	vadd.s32 v4, v18;
	s28 =	simm.s32 $0x8A00  }
0x67b: {  	[tilespmem:s28], [sflag:$0x3] =	stream.indirect_vreg.gather [hbm4b:s1+s29], $0x80, v20, vm0, $0xb8;
	[tilespmem:$0x1FB80] =	vst v63  }
0x67c: {  	s28 =	simm.s32 $0x8A80  }
0x67d: {  	[tilespmem:s28], [sflag:$0x3] =	stream.indirect_vreg.gather [hbm4b:s1+s29], $0x80, v21, vm0, $0xb8;
	[tilespmem:$0x1FB80] =	vst v63  }
0x67e: {  	s28 =	simm.s32 $0x8B00  }
0x67f: {  	[tilespmem:s28], [sflag:$0x3] =	stream.indirect_vreg.gather [hbm4b:s1+s29], $0x80, v18, vm0, $0xb8;
	[tilespmem:$0x1FB80] =	vst v63  }
0x680: {  	v18 =	vld [tilespmem:$0x260];
	_ =	sdelay $0x4  }
0x681: {  	v19 =	vshll.u32 v18, $0x1  }
0x682: {  	v18 =	vand.u32 $0x7, v18;
	v19 =	vand.u32 $0xFFFFFFF0, v19  }
0x683: {  	v18 =	vor.u32 v18, v19  }
0x684: {  	v19 =	vperm.xlane v18, v3;
	_ =	sdelay $0x1  }
0x685: {  	v20 =	vperm.xlane v18, v2;
	v19 =	vadd.s32 v4, v19;
	_ =	sdelay $0x1  }
0x686: {  	v21 =	vperm.xlane v18, v5;
	v20 =	vadd.s32 v4, v20;
	_ =	sdelay $0x1  }
0x687: {  	s28 =	simm.s32 $0x8B80;
	v22 =	vperm.xlane v18, v6;
	v21 =	vadd.s32 v4, v21  }
0x688: {  	[tilespmem:s28], [sflag:$0x3] =	stream.indirect_vreg.gather [hbm4b:s1+s29], $0x80, v19, vm0, $0xb8;
	[tilespmem:$0x1FB80] =	vst v63  }
0x689: {  	v19 =	vadd.s32 v4, v22;
	v22 =	vperm.xlane v18, v7;
	s28 =	simm.s32 $0x8C00  }
0x68a: {  	[tilespmem:s28], [sflag:$0x3] =	stream.indirect_vreg.gather [hbm4b:s1+s29], $0x80, v20, vm0, $0xb8;
	[tilespmem:$0x1FB80] =	vst v63  }
0x68b: {  	v20 =	vadd.s32 v4, v22;
	v22 =	vperm.xlane v18, v8;
	s28 =	simm.s32 $0x8C80  }
0x68c: {  	[tilespmem:s28], [sflag:$0x3] =	stream.indirect_vreg.gather [hbm4b:s1+s29], $0x80, v21, vm0, $0xb8;
	[tilespmem:$0x1FB80] =	vst v63  }
0x68d: {  	v21 =	vadd.s32 v4, v22;
	v22 =	vperm.xlane v18, v9;
	s28 =	simm.s32 $0x8D00  }
0x68e: {  	[tilespmem:s28], [sflag:$0x3] =	stream.indirect_vreg.gather [hbm4b:s1+s29], $0x80, v19, vm0, $0xb8;
	[tilespmem:$0x1FB80] =	vst v63  }
0x68f: {  	v19 =	vadd.s32 v4, v22;
	v22 =	vperm.xlane v18, v1;
	s28 =	simm.s32 $0x8D80  }
0x690: {  	[tilespmem:s28], [sflag:$0x3] =	stream.indirect_vreg.gather [hbm4b:s1+s29], $0x80, v20, vm0, $0xb8;
	[tilespmem:$0x1FB80] =	vst v63  }
0x691: {  	v20 =	vadd.s32 v4, v22;
	v22 =	vperm.xlane v18, v10;
	s28 =	simm.s32 $0x8E00  }
0x692: {  	[tilespmem:s28], [sflag:$0x3] =	stream.indirect_vreg.gather [hbm4b:s1+s29], $0x80, v21, vm0, $0xb8;
	[tilespmem:$0x1FB80] =	vst v63  }
0x693: {  	v21 =	vadd.s32 v4, v22;
	v22 =	vperm.xlane v18, v11;
	s28 =	simm.s32 $0x8E80  }
0x694: {  	[tilespmem:s28], [sflag:$0x3] =	stream.indirect_vreg.gather [hbm4b:s1+s29], $0x80, v19, vm0, $0xb8;
	[tilespmem:$0x1FB80] =	vst v63  }
0x695: {  	v19 =	vadd.s32 v4, v22;
	v22 =	vperm.xlane v18, v12;
	s28 =	simm.s32 $0x8F00  }
0x696: {  	[tilespmem:s28], [sflag:$0x3] =	stream.indirect_vreg.gather [hbm4b:s1+s29], $0x80, v20, vm0, $0xb8;
	[tilespmem:$0x1FB80] =	vst v63  }
0x697: {  	v20 =	vadd.s32 v4, v22;
	v22 =	vperm.xlane v18, v13;
	s28 =	simm.s32 $0x8F80  }
0x698: {  	[tilespmem:s28], [sflag:$0x3] =	stream.indirect_vreg.gather [hbm4b:s1+s29], $0x80, v21, vm0, $0xb8;
	[tilespmem:$0x1FB80] =	vst v63  }
0x699: {  	v21 =	vadd.s32 v4, v22;
	v22 =	vperm.xlane v18, v14;
	s28 =	simm.s32 $0x9000  }
0x69a: {  	[tilespmem:s28], [sflag:$0x3] =	stream.indirect_vreg.gather [hbm4b:s1+s29], $0x80, v19, vm0, $0xb8;
	[tilespmem:$0x1FB80] =	vst v63  }
0x69b: {  	v19 =	vadd.s32 v4, v22;
	v22 =	vperm.xlane v18, v15;
	s28 =	simm.s32 $0x9080  }
0x69c: {  	[tilespmem:s28], [sflag:$0x3] =	stream.indirect_vreg.gather [hbm4b:s1+s29], $0x80, v20, vm0, $0xb8;
	[tilespmem:$0x1FB80] =	vst v63  }
0x69d: {  	v20 =	vadd.s32 v4, v22;
	v22 =	vperm.xlane v18, v16;
	s28 =	simm.s32 $0x9100  }
0x69e: {  	[tilespmem:s28], [sflag:$0x3] =	stream.indirect_vreg.gather [hbm4b:s1+s29], $0x80, v21, vm0, $0xb8;
	[tilespmem:$0x1FB80] =	vst v63  }
0x69f: {  	v18 =	vperm.xlane v18, v17;
	v21 =	vadd.s32 v4, v22;
	s28 =	simm.s32 $0x9180  }
0x6a0: {  	[tilespmem:s28], [sflag:$0x3] =	stream.indirect_vreg.gather [hbm4b:s1+s29], $0x80, v19, vm0, $0xb8;
	[tilespmem:$0x1FB80] =	vst v63  }
0x6a1: {  	v18 =	vadd.s32 v4, v18;
	s28 =	simm.s32 $0x9200  }
0x6a2: {  	[tilespmem:s28], [sflag:$0x3] =	stream.indirect_vreg.gather [hbm4b:s1+s29], $0x80, v20, vm0, $0xb8;
	[tilespmem:$0x1FB80] =	vst v63  }
0x6a3: {  	s28 =	simm.s32 $0x9280  }
0x6a4: {  	[tilespmem:s28], [sflag:$0x3] =	stream.indirect_vreg.gather [hbm4b:s1+s29], $0x80, v21, vm0, $0xb8;
	[tilespmem:$0x1FB80] =	vst v63  }
0x6a5: {  	s28 =	simm.s32 $0x9300  }
0x6a6: {  	[tilespmem:s28], [sflag:$0x3] =	stream.indirect_vreg.gather [hbm4b:s1+s29], $0x80, v18, vm0, $0xb8;
	[tilespmem:$0x1FB80] =	vst v63  }
0x6a7: {  	v18 =	vld [tilespmem:$0x270];
	_ =	sdelay $0x4  }
0x6a8: {  	v19 =	vshll.u32 v18, $0x1  }
0x6a9: {  	v18 =	vand.u32 $0x7, v18;
	v19 =	vand.u32 $0xFFFFFFF0, v19  }
0x6aa: {  	v18 =	vor.u32 v18, v19  }
0x6ab: {  	v19 =	vperm.xlane v18, v3;
	_ =	sdelay $0x1  }
0x6ac: {  	v20 =	vperm.xlane v18, v2;
	v19 =	vadd.s32 v4, v19;
	_ =	sdelay $0x1  }
0x6ad: {  	v21 =	vperm.xlane v18, v5;
	v20 =	vadd.s32 v4, v20;
	_ =	sdelay $0x1  }
0x6ae: {  	s28 =	simm.s32 $0x9380;
	v22 =	vperm.xlane v18, v6;
	v21 =	vadd.s32 v4, v21  }
0x6af: {  	[tilespmem:s28], [sflag:$0x3] =	stream.indirect_vreg.gather [hbm4b:s1+s29], $0x80, v19, vm0, $0xb8;
	[tilespmem:$0x1FB80] =	vst v63  }
0x6b0: {  	v19 =	vadd.s32 v4, v22;
	v22 =	vperm.xlane v18, v7;
	s28 =	simm.s32 $0x9400  }
0x6b1: {  	[tilespmem:s28], [sflag:$0x3] =	stream.indirect_vreg.gather [hbm4b:s1+s29], $0x80, v20, vm0, $0xb8;
	[tilespmem:$0x1FB80] =	vst v63  }
0x6b2: {  	v20 =	vadd.s32 v4, v22;
	v22 =	vperm.xlane v18, v8;
	s28 =	simm.s32 $0x9480  }
0x6b3: {  	[tilespmem:s28], [sflag:$0x3] =	stream.indirect_vreg.gather [hbm4b:s1+s29], $0x80, v21, vm0, $0xb8;
	[tilespmem:$0x1FB80] =	vst v63  }
0x6b4: {  	v21 =	vadd.s32 v4, v22;
	v22 =	vperm.xlane v18, v9;
	s28 =	simm.s32 $0x9500  }
0x6b5: {  	[tilespmem:s28], [sflag:$0x3] =	stream.indirect_vreg.gather [hbm4b:s1+s29], $0x80, v19, vm0, $0xb8;
	[tilespmem:$0x1FB80] =	vst v63  }
0x6b6: {  	v19 =	vadd.s32 v4, v22;
	v22 =	vperm.xlane v18, v1;
	s28 =	simm.s32 $0x9580  }
0x6b7: {  	[tilespmem:s28], [sflag:$0x3] =	stream.indirect_vreg.gather [hbm4b:s1+s29], $0x80, v20, vm0, $0xb8;
	[tilespmem:$0x1FB80] =	vst v63  }
0x6b8: {  	v20 =	vadd.s32 v4, v22;
	v22 =	vperm.xlane v18, v10;
	s28 =	simm.s32 $0x9600  }
0x6b9: {  	[tilespmem:s28], [sflag:$0x3] =	stream.indirect_vreg.gather [hbm4b:s1+s29], $0x80, v21, vm0, $0xb8;
	[tilespmem:$0x1FB80] =	vst v63  }
0x6ba: {  	v21 =	vadd.s32 v4, v22;
	v22 =	vperm.xlane v18, v11;
	s28 =	simm.s32 $0x9680  }
0x6bb: {  	[tilespmem:s28], [sflag:$0x3] =	stream.indirect_vreg.gather [hbm4b:s1+s29], $0x80, v19, vm0, $0xb8;
	[tilespmem:$0x1FB80] =	vst v63  }
0x6bc: {  	v19 =	vadd.s32 v4, v22;
	v22 =	vperm.xlane v18, v12;
	s28 =	simm.s32 $0x9700  }
0x6bd: {  	[tilespmem:s28], [sflag:$0x3] =	stream.indirect_vreg.gather [hbm4b:s1+s29], $0x80, v20, vm0, $0xb8;
	[tilespmem:$0x1FB80] =	vst v63  }
0x6be: {  	v20 =	vadd.s32 v4, v22;
	v22 =	vperm.xlane v18, v13;
	s28 =	simm.s32 $0x9780  }
0x6bf: {  	[tilespmem:s28], [sflag:$0x3] =	stream.indirect_vreg.gather [hbm4b:s1+s29], $0x80, v21, vm0, $0xb8;
	[tilespmem:$0x1FB80] =	vst v63  }
0x6c0: {  	v21 =	vadd.s32 v4, v22;
	v22 =	vperm.xlane v18, v14;
	s28 =	simm.s32 $0x9800  }
0x6c1: {  	[tilespmem:s28], [sflag:$0x3] =	stream.indirect_vreg.gather [hbm4b:s1+s29], $0x80, v19, vm0, $0xb8;
	[tilespmem:$0x1FB80] =	vst v63  }
0x6c2: {  	v19 =	vadd.s32 v4, v22;
	v22 =	vperm.xlane v18, v15;
	s28 =	simm.s32 $0x9880  }
0x6c3: {  	[tilespmem:s28], [sflag:$0x3] =	stream.indirect_vreg.gather [hbm4b:s1+s29], $0x80, v20, vm0, $0xb8;
	[tilespmem:$0x1FB80] =	vst v63  }
0x6c4: {  	v20 =	vadd.s32 v4, v22;
	v22 =	vperm.xlane v18, v16;
	s28 =	simm.s32 $0x9900  }
0x6c5: {  	[tilespmem:s28], [sflag:$0x3] =	stream.indirect_vreg.gather [hbm4b:s1+s29], $0x80, v21, vm0, $0xb8;
	[tilespmem:$0x1FB80] =	vst v63  }
0x6c6: {  	v18 =	vperm.xlane v18, v17;
	v21 =	vadd.s32 v4, v22;
	s28 =	simm.s32 $0x9980  }
0x6c7: {  	[tilespmem:s28], [sflag:$0x3] =	stream.indirect_vreg.gather [hbm4b:s1+s29], $0x80, v19, vm0, $0xb8;
	[tilespmem:$0x1FB80] =	vst v63  }
0x6c8: {  	v18 =	vadd.s32 v4, v18;
	s28 =	simm.s32 $0x9A00  }
0x6c9: {  	[tilespmem:s28], [sflag:$0x3] =	stream.indirect_vreg.gather [hbm4b:s1+s29], $0x80, v20, vm0, $0xb8;
	[tilespmem:$0x1FB80] =	vst v63  }
0x6ca: {  	s28 =	simm.s32 $0x9A80  }
0x6cb: {  	[tilespmem:s28], [sflag:$0x3] =	stream.indirect_vreg.gather [hbm4b:s1+s29], $0x80, v21, vm0, $0xb8;
	[tilespmem:$0x1FB80] =	vst v63  }
0x6cc: {  	s28 =	simm.s32 $0x9B00  }
0x6cd: {  	[tilespmem:s28], [sflag:$0x3] =	stream.indirect_vreg.gather [hbm4b:s1+s29], $0x80, v18, vm0, $0xb8;
	[tilespmem:$0x1FB80] =	vst v63  }
0x6ce: {  	v18 =	vld [tilespmem:$0x280];
	_ =	sdelay $0x4  }
0x6cf: {  	v19 =	vshll.u32 v18, $0x1  }
0x6d0: {  	v18 =	vand.u32 $0x7, v18;
	v19 =	vand.u32 $0xFFFFFFF0, v19  }
0x6d1: {  	v18 =	vor.u32 v18, v19  }
0x6d2: {  	v19 =	vperm.xlane v18, v3;
	_ =	sdelay $0x1  }
0x6d3: {  	v20 =	vperm.xlane v18, v2;
	v19 =	vadd.s32 v4, v19;
	_ =	sdelay $0x1  }
0x6d4: {  	v21 =	vperm.xlane v18, v5;
	v20 =	vadd.s32 v4, v20;
	_ =	sdelay $0x1  }
0x6d5: {  	s28 =	simm.s32 $0x9B80;
	v22 =	vperm.xlane v18, v6;
	v21 =	vadd.s32 v4, v21  }
0x6d6: {  	[tilespmem:s28], [sflag:$0x3] =	stream.indirect_vreg.gather [hbm4b:s1+s29], $0x80, v19, vm0, $0xb8;
	[tilespmem:$0x1FB80] =	vst v63  }
0x6d7: {  	v19 =	vadd.s32 v4, v22;
	v22 =	vperm.xlane v18, v7;
	s28 =	simm.s32 $0x9C00  }
0x6d8: {  	[tilespmem:s28], [sflag:$0x3] =	stream.indirect_vreg.gather [hbm4b:s1+s29], $0x80, v20, vm0, $0xb8;
	[tilespmem:$0x1FB80] =	vst v63  }
0x6d9: {  	v20 =	vadd.s32 v4, v22;
	v22 =	vperm.xlane v18, v8;
	s28 =	simm.s32 $0x9C80  }
0x6da: {  	[tilespmem:s28], [sflag:$0x3] =	stream.indirect_vreg.gather [hbm4b:s1+s29], $0x80, v21, vm0, $0xb8;
	[tilespmem:$0x1FB80] =	vst v63  }
0x6db: {  	v21 =	vadd.s32 v4, v22;
	v22 =	vperm.xlane v18, v9;
	s28 =	simm.s32 $0x9D00  }
0x6dc: {  	[tilespmem:s28], [sflag:$0x3] =	stream.indirect_vreg.gather [hbm4b:s1+s29], $0x80, v19, vm0, $0xb8;
	[tilespmem:$0x1FB80] =	vst v63  }
0x6dd: {  	v19 =	vadd.s32 v4, v22;
	v22 =	vperm.xlane v18, v1;
	s28 =	simm.s32 $0x9D80  }
0x6de: {  	[tilespmem:s28], [sflag:$0x3] =	stream.indirect_vreg.gather [hbm4b:s1+s29], $0x80, v20, vm0, $0xb8;
	[tilespmem:$0x1FB80] =	vst v63  }
0x6df: {  	v20 =	vadd.s32 v4, v22;
	v22 =	vperm.xlane v18, v10;
	s28 =	simm.s32 $0x9E00  }
0x6e0: {  	[tilespmem:s28], [sflag:$0x3] =	stream.indirect_vreg.gather [hbm4b:s1+s29], $0x80, v21, vm0, $0xb8;
	[tilespmem:$0x1FB80] =	vst v63  }
0x6e1: {  	v21 =	vadd.s32 v4, v22;
	v22 =	vperm.xlane v18, v11;
	s28 =	simm.s32 $0x9E80  }
0x6e2: {  	[tilespmem:s28], [sflag:$0x3] =	stream.indirect_vreg.gather [hbm4b:s1+s29], $0x80, v19, vm0, $0xb8;
	[tilespmem:$0x1FB80] =	vst v63  }
0x6e3: {  	v19 =	vadd.s32 v4, v22;
	v22 =	vperm.xlane v18, v12;
	s28 =	simm.s32 $0x9F00  }
0x6e4: {  	[tilespmem:s28], [sflag:$0x3] =	stream.indirect_vreg.gather [hbm4b:s1+s29], $0x80, v20, vm0, $0xb8;
	[tilespmem:$0x1FB80] =	vst v63  }
0x6e5: {  	v20 =	vadd.s32 v4, v22;
	v22 =	vperm.xlane v18, v13;
	s28 =	simm.s32 $0x9F80  }
0x6e6: {  	[tilespmem:s28], [sflag:$0x3] =	stream.indirect_vreg.gather [hbm4b:s1+s29], $0x80, v21, vm0, $0xb8;
	[tilespmem:$0x1FB80] =	vst v63  }
0x6e7: {  	v21 =	vadd.s32 v4, v22;
	v22 =	vperm.xlane v18, v14;
	s28 =	simm.s32 $0xA000  }
0x6e8: {  	[tilespmem:s28], [sflag:$0x3] =	stream.indirect_vreg.gather [hbm4b:s1+s29], $0x80, v19, vm0, $0xb8;
	[tilespmem:$0x1FB80] =	vst v63  }
0x6e9: {  	v19 =	vadd.s32 v4, v22;
	v22 =	vperm.xlane v18, v15;
	s28 =	simm.s32 $0xA080  }
0x6ea: {  	[tilespmem:s28], [sflag:$0x3] =	stream.indirect_vreg.gather [hbm4b:s1+s29], $0x80, v20, vm0, $0xb8;
	[tilespmem:$0x1FB80] =	vst v63  }
0x6eb: {  	v20 =	vadd.s32 v4, v22;
	v22 =	vperm.xlane v18, v16;
	s28 =	simm.s32 $0xA100  }
0x6ec: {  	[tilespmem:s28], [sflag:$0x3] =	stream.indirect_vreg.gather [hbm4b:s1+s29], $0x80, v21, vm0, $0xb8;
	[tilespmem:$0x1FB80] =	vst v63  }
0x6ed: {  	v18 =	vperm.xlane v18, v17;
	v21 =	vadd.s32 v4, v22;
	s28 =	simm.s32 $0xA180  }
0x6ee: {  	[tilespmem:s28], [sflag:$0x3] =	stream.indirect_vreg.gather [hbm4b:s1+s29], $0x80, v19, vm0, $0xb8;
	[tilespmem:$0x1FB80] =	vst v63  }
0x6ef: {  	v18 =	vadd.s32 v4, v18;
	s28 =	simm.s32 $0xA200  }
0x6f0: {  	[tilespmem:s28], [sflag:$0x3] =	stream.indirect_vreg.gather [hbm4b:s1+s29], $0x80, v20, vm0, $0xb8;
	[tilespmem:$0x1FB80] =	vst v63  }
0x6f1: {  	s28 =	simm.s32 $0xA280  }
0x6f2: {  	[tilespmem:s28], [sflag:$0x3] =	stream.indirect_vreg.gather [hbm4b:s1+s29], $0x80, v21, vm0, $0xb8;
	[tilespmem:$0x1FB80] =	vst v63  }
0x6f3: {  	s28 =	simm.s32 $0xA300  }
0x6f4: {  	[tilespmem:s28], [sflag:$0x3] =	stream.indirect_vreg.gather [hbm4b:s1+s29], $0x80, v18, vm0, $0xb8;
	[tilespmem:$0x1FB80] =	vst v63  }
0x6f5: {  	v18 =	vld [tilespmem:$0x290];
	_ =	sdelay $0x4  }
0x6f6: {  	v19 =	vshll.u32 v18, $0x1  }
0x6f7: {  	v18 =	vand.u32 $0x7, v18;
	v19 =	vand.u32 $0xFFFFFFF0, v19  }
0x6f8: {  	v18 =	vor.u32 v18, v19  }
0x6f9: {  	v19 =	vperm.xlane v18, v3;
	_ =	sdelay $0x1  }
0x6fa: {  	v20 =	vperm.xlane v18, v2;
	v19 =	vadd.s32 v4, v19;
	_ =	sdelay $0x1  }
0x6fb: {  	v21 =	vperm.xlane v18, v5;
	v20 =	vadd.s32 v4, v20;
	_ =	sdelay $0x1  }
0x6fc: {  	s28 =	simm.s32 $0xA380;
	v22 =	vperm.xlane v18, v6;
	v21 =	vadd.s32 v4, v21  }
0x6fd: {  	[tilespmem:s28], [sflag:$0x3] =	stream.indirect_vreg.gather [hbm4b:s1+s29], $0x80, v19, vm0, $0xb8;
	[tilespmem:$0x1FB80] =	vst v63  }
0x6fe: {  	v19 =	vadd.s32 v4, v22;
	v22 =	vperm.xlane v18, v7;
	s28 =	simm.s32 $0xA400  }
0x6ff: {  	[tilespmem:s28], [sflag:$0x3] =	stream.indirect_vreg.gather [hbm4b:s1+s29], $0x80, v20, vm0, $0xb8;
	[tilespmem:$0x1FB80] =	vst v63  }
0x700: {  	v20 =	vadd.s32 v4, v22;
	v22 =	vperm.xlane v18, v8;
	s28 =	simm.s32 $0xA480  }
0x701: {  	[tilespmem:s28], [sflag:$0x3] =	stream.indirect_vreg.gather [hbm4b:s1+s29], $0x80, v21, vm0, $0xb8;
	[tilespmem:$0x1FB80] =	vst v63  }
0x702: {  	v21 =	vadd.s32 v4, v22;
	v22 =	vperm.xlane v18, v9;
	s28 =	simm.s32 $0xA500  }
0x703: {  	[tilespmem:s28], [sflag:$0x3] =	stream.indirect_vreg.gather [hbm4b:s1+s29], $0x80, v19, vm0, $0xb8;
	[tilespmem:$0x1FB80] =	vst v63  }
0x704: {  	v19 =	vadd.s32 v4, v22;
	v22 =	vperm.xlane v18, v1;
	s28 =	simm.s32 $0xA580  }
0x705: {  	[tilespmem:s28], [sflag:$0x3] =	stream.indirect_vreg.gather [hbm4b:s1+s29], $0x80, v20, vm0, $0xb8;
	[tilespmem:$0x1FB80] =	vst v63  }
0x706: {  	v20 =	vadd.s32 v4, v22;
	v22 =	vperm.xlane v18, v10;
	s28 =	simm.s32 $0xA600  }
0x707: {  	[tilespmem:s28], [sflag:$0x3] =	stream.indirect_vreg.gather [hbm4b:s1+s29], $0x80, v21, vm0, $0xb8;
	[tilespmem:$0x1FB80] =	vst v63  }
0x708: {  	v21 =	vadd.s32 v4, v22;
	v22 =	vperm.xlane v18, v11;
	s28 =	simm.s32 $0xA680  }
0x709: {  	[tilespmem:s28], [sflag:$0x3] =	stream.indirect_vreg.gather [hbm4b:s1+s29], $0x80, v19, vm0, $0xb8;
	[tilespmem:$0x1FB80] =	vst v63  }
0x70a: {  	v19 =	vadd.s32 v4, v22;
	v22 =	vperm.xlane v18, v12;
	s28 =	simm.s32 $0xA700  }
0x70b: {  	[tilespmem:s28], [sflag:$0x3] =	stream.indirect_vreg.gather [hbm4b:s1+s29], $0x80, v20, vm0, $0xb8;
	[tilespmem:$0x1FB80] =	vst v63  }
0x70c: {  	v20 =	vadd.s32 v4, v22;
	v22 =	vperm.xlane v18, v13;
	s28 =	simm.s32 $0xA780  }
0x70d: {  	[tilespmem:s28], [sflag:$0x3] =	stream.indirect_vreg.gather [hbm4b:s1+s29], $0x80, v21, vm0, $0xb8;
	[tilespmem:$0x1FB80] =	vst v63  }
0x70e: {  	v21 =	vadd.s32 v4, v22;
	v22 =	vperm.xlane v18, v14;
	s28 =	simm.s32 $0xA800  }
0x70f: {  	[tilespmem:s28], [sflag:$0x3] =	stream.indirect_vreg.gather [hbm4b:s1+s29], $0x80, v19, vm0, $0xb8;
	[tilespmem:$0x1FB80] =	vst v63  }
0x710: {  	v19 =	vadd.s32 v4, v22;
	v22 =	vperm.xlane v18, v15;
	s28 =	simm.s32 $0xA880  }
0x711: {  	[tilespmem:s28], [sflag:$0x3] =	stream.indirect_vreg.gather [hbm4b:s1+s29], $0x80, v20, vm0, $0xb8;
	[tilespmem:$0x1FB80] =	vst v63  }
0x712: {  	v20 =	vadd.s32 v4, v22;
	v22 =	vperm.xlane v18, v16;
	s28 =	simm.s32 $0xA900  }
0x713: {  	[tilespmem:s28], [sflag:$0x3] =	stream.indirect_vreg.gather [hbm4b:s1+s29], $0x80, v21, vm0, $0xb8;
	[tilespmem:$0x1FB80] =	vst v63  }
0x714: {  	v18 =	vperm.xlane v18, v17;
	v21 =	vadd.s32 v4, v22;
	s28 =	simm.s32 $0xA980  }
0x715: {  	[tilespmem:s28], [sflag:$0x3] =	stream.indirect_vreg.gather [hbm4b:s1+s29], $0x80, v19, vm0, $0xb8;
	[tilespmem:$0x1FB80] =	vst v63  }
0x716: {  	v18 =	vadd.s32 v4, v18;
	s28 =	simm.s32 $0xAA00  }
0x717: {  	[tilespmem:s28], [sflag:$0x3] =	stream.indirect_vreg.gather [hbm4b:s1+s29], $0x80, v20, vm0, $0xb8;
	[tilespmem:$0x1FB80] =	vst v63  }
0x718: {  	s28 =	simm.s32 $0xAA80  }
0x719: {  	[tilespmem:s28], [sflag:$0x3] =	stream.indirect_vreg.gather [hbm4b:s1+s29], $0x80, v21, vm0, $0xb8;
	[tilespmem:$0x1FB80] =	vst v63  }
0x71a: {  	s28 =	simm.s32 $0xAB00  }
0x71b: {  	[tilespmem:s28], [sflag:$0x3] =	stream.indirect_vreg.gather [hbm4b:s1+s29], $0x80, v18, vm0, $0xb8;
	[tilespmem:$0x1FB80] =	vst v63  }
0x71c: {  	s29 =	simm.s32 $0x11B80;
	s28 =	simm.s32 $0x230  }
0x71d: {  	[tilespmem:s29], [sflag:$0x6] =	stream.indirect.gather [hbm4b:s4+s7], $0x80, s28, s7, $0xb8;
	[tilespmem:$0x1FB80] =	vst v63  }
0x71e: {  	_ =	swait.ge [sflag:s24], $0x3800  }
0x71f: {  	[sflag:s24] =	ssyncset.done $0x0  }
0x720: {  	[sflag:s24] =	ssyncadd.s32 $0xFFFFC800  }
0x721: {  	_ =	swait.ge [sflag:s15], $0x3800  }
0x722: {  	[sflag:s15] =	ssyncset.done $0x0  }
0x723: {  	s26 =	simm.s32 $0x0;
	[sflag:s15] =	ssyncadd.s32 $0xFFFFC800  }
0x724: {  	v18 =	vld [tilespmem:s26+$0xABB0]  }
0x725: {  	v19 =	vld [tilespmem:s26+$0xAB80]  }
0x726: {  	v20 =	vld [tilespmem:s26+$0xAB90]  }
0x727: {  	s28 =	simm.s32 $0x200;
	v21 =	vld [tilespmem:s26+$0xABA0]  }
.LBB2_8:
0x728: {  	p0 =	sne.s32 s28, $0xDE00  }
.Ltmp3:
0x729: {  	s29 =	sshra.s32 s28, $0x2;
	s28 =	sadd.s32 $0x200, s28;
	[tilespmem:s26+$0x153B0] =	vst v18;
	(pc) =	sbr.rel @p0 .LBB2_8-.Ltmp3, $4  }
0x72a: {  	v18 =	vld [tilespmem:s29+$0xABB0];
	[tilespmem:s26+$0x15380] =	vst v19  }
0x72b: {  	v19 =	vld [tilespmem:s29+$0xAB80];
	[tilespmem:s26+$0x15390] =	vst v20  }
0x72c: {  	v20 =	vld [tilespmem:s29+$0xAB90];
	[tilespmem:s26+$0x153A0] =	vst v21;
	s26 =	smov.u32 s29  }
0x72d: {  	v21 =	vld [tilespmem:s26+$0xABA0]  }
0x72e: {  	_ = 	snop  }
0x72f: {  	[tilespmem:s26+$0x153B0] =	vst v18  }
0x730: {  	[tilespmem:s26+$0x15380] =	vst v19  }
0x731: {  	[tilespmem:s26+$0x15390] =	vst v20  }
0x732: {  	s29 =	rddreg [dreg:$0xc];
	[tilespmem:s26+$0x153A0] =	vst v21  }
0x733: {  	[hbm4b:s29+s23] =	stream.strided.scatter [tilespmem:s22], [sflag:$0x7], $0x3800, s0, s23, $0x38;
	[tilespmem:$0x1FB80] =	vst v63  }
0x734: {  	s29 =	rddreg [dreg:$0xd]  }
0x735: {  	[hbm4b:s29+s23] =	stream.strided.scatter [tilespmem:s18], [sflag:$0xA], $0x3800, s0, s23, $0x38;
	[tilespmem:$0x1FB80] =	vst v63  }
0x736: {  	_ =	swait.ge [sflag:s5], $0x3800  }
0x737: {  	[sflag:s5] =	ssyncset.done $0x0  }
0x738: {  	[sflag:s5] =	ssyncadd.s32 $0xFFFFC800  }
0x739: {  	_ =	swait.ge [sflag:s21], $0x3800  }
0x73a: {  	[sflag:s21] =	ssyncset.done $0x0  }
0x73b: {  	[sflag:s21] =	ssyncadd.s32 $0xFFFFC800  }
0x73c: {  	v18 =	vld [tilespmem:$0x2A0];
	_ =	sdelay $0x4  }
0x73d: {  	v19 =	vshll.u32 v18, $0x1  }
0x73e: {  	v18 =	vand.u32 $0x7, v18;
	v19 =	vand.u32 $0xFFFFFFF0, v19  }
0x73f: {  	v18 =	vor.u32 v18, v19  }
0x740: {  	v19 =	vperm.xlane v18, v3;
	_ =	sdelay $0x1  }
0x741: {  	v20 =	vperm.xlane v18, v2;
	v19 =	vadd.s32 v4, v19;
	_ =	sdelay $0x1  }
0x742: {  	v21 =	vperm.xlane v18, v5;
	v20 =	vadd.s32 v4, v20;
	_ =	sdelay $0x1  }
0x743: {  	s29 =	simm.s32 $0x0;
	v22 =	vperm.xlane v18, v6;
	v21 =	vadd.s32 v4, v21  }
0x744: {  	[tilespmem:s22], [sflag:$0x1] =	stream.indirect_vreg.gather [hbm4b:s1+s29], $0x80, v19, vm0, $0xb8;
	[tilespmem:$0x1FB80] =	vst v63  }
0x745: {  	v19 =	vadd.s32 v4, v22;
	v22 =	vperm.xlane v18, v7  }
0x746: {  	[tilespmem:s23], [sflag:$0x1] =	stream.indirect_vreg.gather [hbm4b:s1+s29], $0x80, v20, vm0, $0xb8;
	[tilespmem:$0x1FB80] =	vst v63  }
0x747: {  	s28 =	simm.s32 $0x480;
	v20 =	vadd.s32 v4, v22;
	v22 =	vperm.xlane v18, v8  }
0x748: {  	[tilespmem:s28], [sflag:$0x1] =	stream.indirect_vreg.gather [hbm4b:s1+s29], $0x80, v21, vm0, $0xb8;
	[tilespmem:$0x1FB80] =	vst v63  }
0x749: {  	v21 =	vadd.s32 v4, v22;
	v22 =	vperm.xlane v18, v9;
	s28 =	simm.s32 $0x500  }
0x74a: {  	[tilespmem:s28], [sflag:$0x1] =	stream.indirect_vreg.gather [hbm4b:s1+s29], $0x80, v19, vm0, $0xb8;
	[tilespmem:$0x1FB80] =	vst v63  }
0x74b: {  	v19 =	vadd.s32 v4, v22;
	v22 =	vperm.xlane v18, v1;
	s28 =	simm.s32 $0x580  }
0x74c: {  	[tilespmem:s28], [sflag:$0x1] =	stream.indirect_vreg.gather [hbm4b:s1+s29], $0x80, v20, vm0, $0xb8;
	[tilespmem:$0x1FB80] =	vst v63  }
0x74d: {  	v20 =	vadd.s32 v4, v22;
	v22 =	vperm.xlane v18, v10;
	s28 =	simm.s32 $0x600  }
0x74e: {  	[tilespmem:s28], [sflag:$0x1] =	stream.indirect_vreg.gather [hbm4b:s1+s29], $0x80, v21, vm0, $0xb8;
	[tilespmem:$0x1FB80] =	vst v63  }
0x74f: {  	v21 =	vadd.s32 v4, v22;
	v22 =	vperm.xlane v18, v11;
	s28 =	simm.s32 $0x680  }
0x750: {  	[tilespmem:s28], [sflag:$0x1] =	stream.indirect_vreg.gather [hbm4b:s1+s29], $0x80, v19, vm0, $0xb8;
	[tilespmem:$0x1FB80] =	vst v63  }
0x751: {  	v19 =	vadd.s32 v4, v22;
	v22 =	vperm.xlane v18, v12;
	s28 =	simm.s32 $0x700  }
0x752: {  	[tilespmem:s28], [sflag:$0x1] =	stream.indirect_vreg.gather [hbm4b:s1+s29], $0x80, v20, vm0, $0xb8;
	[tilespmem:$0x1FB80] =	vst v63  }
0x753: {  	v20 =	vadd.s32 v4, v22;
	v22 =	vperm.xlane v18, v13;
	s28 =	simm.s32 $0x780  }
0x754: {  	[tilespmem:s28], [sflag:$0x1] =	stream.indirect_vreg.gather [hbm4b:s1+s29], $0x80, v21, vm0, $0xb8;
	[tilespmem:$0x1FB80] =	vst v63  }
0x755: {  	v21 =	vadd.s32 v4, v22;
	v22 =	vperm.xlane v18, v14  }
0x756: {  	[tilespmem:s0], [sflag:$0x1] =	stream.indirect_vreg.gather [hbm4b:s1+s29], $0x80, v19, vm0, $0xb8;
	[tilespmem:$0x1FB80] =	vst v63  }
0x757: {  	s28 =	simm.s32 $0x880;
	v19 =	vadd.s32 v4, v22;
	v22 =	vperm.xlane v18, v15  }
0x758: {  	[tilespmem:s28], [sflag:$0x1] =	stream.indirect_vreg.gather [hbm4b:s1+s29], $0x80, v20, vm0, $0xb8;
	[tilespmem:$0x1FB80] =	vst v63  }
0x759: {  	v20 =	vadd.s32 v4, v22;
	v22 =	vperm.xlane v18, v16;
	s28 =	simm.s32 $0x900  }
0x75a: {  	[tilespmem:s28], [sflag:$0x1] =	stream.indirect_vreg.gather [hbm4b:s1+s29], $0x80, v21, vm0, $0xb8;
	[tilespmem:$0x1FB80] =	vst v63  }
0x75b: {  	v18 =	vperm.xlane v18, v17;
	v21 =	vadd.s32 v4, v22;
	s28 =	simm.s32 $0x980  }
0x75c: {  	[tilespmem:s28], [sflag:$0x1] =	stream.indirect_vreg.gather [hbm4b:s1+s29], $0x80, v19, vm0, $0xb8;
	[tilespmem:$0x1FB80] =	vst v63  }
0x75d: {  	v18 =	vadd.s32 v4, v18;
	s28 =	simm.s32 $0xA00  }
0x75e: {  	[tilespmem:s28], [sflag:$0x1] =	stream.indirect_vreg.gather [hbm4b:s1+s29], $0x80, v20, vm0, $0xb8;
	[tilespmem:$0x1FB80] =	vst v63  }
0x75f: {  	s28 =	simm.s32 $0xA80  }
0x760: {  	[tilespmem:s28], [sflag:$0x1] =	stream.indirect_vreg.gather [hbm4b:s1+s29], $0x80, v21, vm0, $0xb8;
	[tilespmem:$0x1FB80] =	vst v63  }
0x761: {  	s28 =	simm.s32 $0xB00  }
0x762: {  	[tilespmem:s28], [sflag:$0x1] =	stream.indirect_vreg.gather [hbm4b:s1+s29], $0x80, v18, vm0, $0xb8;
	[tilespmem:$0x1FB80] =	vst v63  }
0x763: {  	v18 =	vld [tilespmem:$0x2B0];
	_ =	sdelay $0x4  }
0x764: {  	v19 =	vshll.u32 v18, $0x1  }
0x765: {  	v18 =	vand.u32 $0x7, v18;
	v19 =	vand.u32 $0xFFFFFFF0, v19  }
0x766: {  	v18 =	vor.u32 v18, v19  }
0x767: {  	v19 =	vperm.xlane v18, v3;
	_ =	sdelay $0x1  }
0x768: {  	v20 =	vperm.xlane v18, v2;
	v19 =	vadd.s32 v4, v19;
	_ =	sdelay $0x1  }
0x769: {  	v21 =	vperm.xlane v18, v5;
	v20 =	vadd.s32 v4, v20;
	_ =	sdelay $0x1  }
0x76a: {  	s28 =	simm.s32 $0xB80;
	v22 =	vperm.xlane v18, v6;
	v21 =	vadd.s32 v4, v21  }
0x76b: {  	[tilespmem:s28], [sflag:$0x1] =	stream.indirect_vreg.gather [hbm4b:s1+s29], $0x80, v19, vm0, $0xb8;
	[tilespmem:$0x1FB80] =	vst v63  }
0x76c: {  	v19 =	vadd.s32 v4, v22;
	v22 =	vperm.xlane v18, v7;
	s28 =	simm.s32 $0xC00  }
0x76d: {  	[tilespmem:s28], [sflag:$0x1] =	stream.indirect_vreg.gather [hbm4b:s1+s29], $0x80, v20, vm0, $0xb8;
	[tilespmem:$0x1FB80] =	vst v63  }
0x76e: {  	v20 =	vadd.s32 v4, v22;
	v22 =	vperm.xlane v18, v8;
	s28 =	simm.s32 $0xC80  }
0x76f: {  	[tilespmem:s28], [sflag:$0x1] =	stream.indirect_vreg.gather [hbm4b:s1+s29], $0x80, v21, vm0, $0xb8;
	[tilespmem:$0x1FB80] =	vst v63  }
0x770: {  	v21 =	vadd.s32 v4, v22;
	v22 =	vperm.xlane v18, v9;
	s28 =	simm.s32 $0xD00  }
0x771: {  	[tilespmem:s28], [sflag:$0x1] =	stream.indirect_vreg.gather [hbm4b:s1+s29], $0x80, v19, vm0, $0xb8;
	[tilespmem:$0x1FB80] =	vst v63  }
0x772: {  	v19 =	vadd.s32 v4, v22;
	v22 =	vperm.xlane v18, v1;
	s28 =	simm.s32 $0xD80  }
0x773: {  	[tilespmem:s28], [sflag:$0x1] =	stream.indirect_vreg.gather [hbm4b:s1+s29], $0x80, v20, vm0, $0xb8;
	[tilespmem:$0x1FB80] =	vst v63  }
0x774: {  	v20 =	vadd.s32 v4, v22;
	v22 =	vperm.xlane v18, v10;
	s28 =	simm.s32 $0xE00  }
0x775: {  	[tilespmem:s28], [sflag:$0x1] =	stream.indirect_vreg.gather [hbm4b:s1+s29], $0x80, v21, vm0, $0xb8;
	[tilespmem:$0x1FB80] =	vst v63  }
0x776: {  	v21 =	vadd.s32 v4, v22;
	v22 =	vperm.xlane v18, v11;
	s28 =	simm.s32 $0xE80  }
0x777: {  	[tilespmem:s28], [sflag:$0x1] =	stream.indirect_vreg.gather [hbm4b:s1+s29], $0x80, v19, vm0, $0xb8;
	[tilespmem:$0x1FB80] =	vst v63  }
0x778: {  	v19 =	vadd.s32 v4, v22;
	v22 =	vperm.xlane v18, v12;
	s28 =	simm.s32 $0xF00  }
0x779: {  	[tilespmem:s28], [sflag:$0x1] =	stream.indirect_vreg.gather [hbm4b:s1+s29], $0x80, v20, vm0, $0xb8;
	[tilespmem:$0x1FB80] =	vst v63  }
0x77a: {  	v20 =	vadd.s32 v4, v22;
	v22 =	vperm.xlane v18, v13;
	s28 =	simm.s32 $0xF80  }
0x77b: {  	[tilespmem:s28], [sflag:$0x1] =	stream.indirect_vreg.gather [hbm4b:s1+s29], $0x80, v21, vm0, $0xb8;
	[tilespmem:$0x1FB80] =	vst v63  }
0x77c: {  	v21 =	vadd.s32 v4, v22;
	v22 =	vperm.xlane v18, v14;
	s28 =	simm.s32 $0x1000  }
0x77d: {  	[tilespmem:s28], [sflag:$0x1] =	stream.indirect_vreg.gather [hbm4b:s1+s29], $0x80, v19, vm0, $0xb8;
	[tilespmem:$0x1FB80] =	vst v63  }
0x77e: {  	v19 =	vadd.s32 v4, v22;
	v22 =	vperm.xlane v18, v15;
	s28 =	simm.s32 $0x1080  }
0x77f: {  	[tilespmem:s28], [sflag:$0x1] =	stream.indirect_vreg.gather [hbm4b:s1+s29], $0x80, v20, vm0, $0xb8;
	[tilespmem:$0x1FB80] =	vst v63  }
0x780: {  	v20 =	vadd.s32 v4, v22;
	v22 =	vperm.xlane v18, v16;
	s28 =	simm.s32 $0x1100  }
0x781: {  	[tilespmem:s28], [sflag:$0x1] =	stream.indirect_vreg.gather [hbm4b:s1+s29], $0x80, v21, vm0, $0xb8;
	[tilespmem:$0x1FB80] =	vst v63  }
0x782: {  	v18 =	vperm.xlane v18, v17;
	v21 =	vadd.s32 v4, v22;
	s28 =	simm.s32 $0x1180  }
0x783: {  	[tilespmem:s28], [sflag:$0x1] =	stream.indirect_vreg.gather [hbm4b:s1+s29], $0x80, v19, vm0, $0xb8;
	[tilespmem:$0x1FB80] =	vst v63  }
0x784: {  	v18 =	vadd.s32 v4, v18;
	s28 =	simm.s32 $0x1200  }
0x785: {  	[tilespmem:s28], [sflag:$0x1] =	stream.indirect_vreg.gather [hbm4b:s1+s29], $0x80, v20, vm0, $0xb8;
	[tilespmem:$0x1FB80] =	vst v63  }
0x786: {  	s28 =	simm.s32 $0x1280  }
0x787: {  	[tilespmem:s28], [sflag:$0x1] =	stream.indirect_vreg.gather [hbm4b:s1+s29], $0x80, v21, vm0, $0xb8;
	[tilespmem:$0x1FB80] =	vst v63  }
0x788: {  	s28 =	simm.s32 $0x1300  }
0x789: {  	[tilespmem:s28], [sflag:$0x1] =	stream.indirect_vreg.gather [hbm4b:s1+s29], $0x80, v18, vm0, $0xb8;
	[tilespmem:$0x1FB80] =	vst v63  }
0x78a: {  	v18 =	vld [tilespmem:$0x2C0];
	_ =	sdelay $0x4  }
0x78b: {  	v19 =	vshll.u32 v18, $0x1  }
0x78c: {  	v18 =	vand.u32 $0x7, v18;
	v19 =	vand.u32 $0xFFFFFFF0, v19  }
0x78d: {  	v18 =	vor.u32 v18, v19  }
0x78e: {  	v19 =	vperm.xlane v18, v3;
	_ =	sdelay $0x1  }
0x78f: {  	v20 =	vperm.xlane v18, v2;
	v19 =	vadd.s32 v4, v19;
	_ =	sdelay $0x1  }
0x790: {  	v21 =	vperm.xlane v18, v5;
	v20 =	vadd.s32 v4, v20;
	_ =	sdelay $0x1  }
0x791: {  	s28 =	simm.s32 $0x1380;
	v22 =	vperm.xlane v18, v6;
	v21 =	vadd.s32 v4, v21  }
0x792: {  	[tilespmem:s28], [sflag:$0x1] =	stream.indirect_vreg.gather [hbm4b:s1+s29], $0x80, v19, vm0, $0xb8;
	[tilespmem:$0x1FB80] =	vst v63  }
0x793: {  	v19 =	vadd.s32 v4, v22;
	v22 =	vperm.xlane v18, v7;
	s28 =	simm.s32 $0x1400  }
0x794: {  	[tilespmem:s28], [sflag:$0x1] =	stream.indirect_vreg.gather [hbm4b:s1+s29], $0x80, v20, vm0, $0xb8;
	[tilespmem:$0x1FB80] =	vst v63  }
0x795: {  	v20 =	vadd.s32 v4, v22;
	v22 =	vperm.xlane v18, v8;
	s28 =	simm.s32 $0x1480  }
0x796: {  	[tilespmem:s28], [sflag:$0x1] =	stream.indirect_vreg.gather [hbm4b:s1+s29], $0x80, v21, vm0, $0xb8;
	[tilespmem:$0x1FB80] =	vst v63  }
0x797: {  	v21 =	vadd.s32 v4, v22;
	v22 =	vperm.xlane v18, v9;
	s28 =	simm.s32 $0x1500  }
0x798: {  	[tilespmem:s28], [sflag:$0x1] =	stream.indirect_vreg.gather [hbm4b:s1+s29], $0x80, v19, vm0, $0xb8;
	[tilespmem:$0x1FB80] =	vst v63  }
0x799: {  	v19 =	vadd.s32 v4, v22;
	v22 =	vperm.xlane v18, v1;
	s28 =	simm.s32 $0x1580  }
0x79a: {  	[tilespmem:s28], [sflag:$0x1] =	stream.indirect_vreg.gather [hbm4b:s1+s29], $0x80, v20, vm0, $0xb8;
	[tilespmem:$0x1FB80] =	vst v63  }
0x79b: {  	v20 =	vadd.s32 v4, v22;
	v22 =	vperm.xlane v18, v10;
	s28 =	simm.s32 $0x1600  }
0x79c: {  	[tilespmem:s28], [sflag:$0x1] =	stream.indirect_vreg.gather [hbm4b:s1+s29], $0x80, v21, vm0, $0xb8;
	[tilespmem:$0x1FB80] =	vst v63  }
0x79d: {  	v21 =	vadd.s32 v4, v22;
	v22 =	vperm.xlane v18, v11;
	s28 =	simm.s32 $0x1680  }
0x79e: {  	[tilespmem:s28], [sflag:$0x1] =	stream.indirect_vreg.gather [hbm4b:s1+s29], $0x80, v19, vm0, $0xb8;
	[tilespmem:$0x1FB80] =	vst v63  }
0x79f: {  	v19 =	vadd.s32 v4, v22;
	v22 =	vperm.xlane v18, v12;
	s28 =	simm.s32 $0x1700  }
0x7a0: {  	[tilespmem:s28], [sflag:$0x1] =	stream.indirect_vreg.gather [hbm4b:s1+s29], $0x80, v20, vm0, $0xb8;
	[tilespmem:$0x1FB80] =	vst v63  }
0x7a1: {  	v20 =	vadd.s32 v4, v22;
	v22 =	vperm.xlane v18, v13;
	s28 =	simm.s32 $0x1780  }
0x7a2: {  	[tilespmem:s28], [sflag:$0x1] =	stream.indirect_vreg.gather [hbm4b:s1+s29], $0x80, v21, vm0, $0xb8;
	[tilespmem:$0x1FB80] =	vst v63  }
0x7a3: {  	v21 =	vadd.s32 v4, v22;
	v22 =	vperm.xlane v18, v14;
	s28 =	simm.s32 $0x1800  }
0x7a4: {  	[tilespmem:s28], [sflag:$0x1] =	stream.indirect_vreg.gather [hbm4b:s1+s29], $0x80, v19, vm0, $0xb8;
	[tilespmem:$0x1FB80] =	vst v63  }
0x7a5: {  	v19 =	vadd.s32 v4, v22;
	v22 =	vperm.xlane v18, v15;
	s28 =	simm.s32 $0x1880  }
0x7a6: {  	[tilespmem:s28], [sflag:$0x1] =	stream.indirect_vreg.gather [hbm4b:s1+s29], $0x80, v20, vm0, $0xb8;
	[tilespmem:$0x1FB80] =	vst v63  }
0x7a7: {  	v20 =	vadd.s32 v4, v22;
	v22 =	vperm.xlane v18, v16;
	s28 =	simm.s32 $0x1900  }
0x7a8: {  	[tilespmem:s28], [sflag:$0x1] =	stream.indirect_vreg.gather [hbm4b:s1+s29], $0x80, v21, vm0, $0xb8;
	[tilespmem:$0x1FB80] =	vst v63  }
0x7a9: {  	v18 =	vperm.xlane v18, v17;
	v21 =	vadd.s32 v4, v22;
	s28 =	simm.s32 $0x1980  }
0x7aa: {  	[tilespmem:s28], [sflag:$0x1] =	stream.indirect_vreg.gather [hbm4b:s1+s29], $0x80, v19, vm0, $0xb8;
	[tilespmem:$0x1FB80] =	vst v63  }
0x7ab: {  	v18 =	vadd.s32 v4, v18;
	s28 =	simm.s32 $0x1A00  }
0x7ac: {  	[tilespmem:s28], [sflag:$0x1] =	stream.indirect_vreg.gather [hbm4b:s1+s29], $0x80, v20, vm0, $0xb8;
	[tilespmem:$0x1FB80] =	vst v63  }
0x7ad: {  	s28 =	simm.s32 $0x1A80  }
0x7ae: {  	[tilespmem:s28], [sflag:$0x1] =	stream.indirect_vreg.gather [hbm4b:s1+s29], $0x80, v21, vm0, $0xb8;
	[tilespmem:$0x1FB80] =	vst v63  }
0x7af: {  	s28 =	simm.s32 $0x1B00  }
0x7b0: {  	[tilespmem:s28], [sflag:$0x1] =	stream.indirect_vreg.gather [hbm4b:s1+s29], $0x80, v18, vm0, $0xb8;
	[tilespmem:$0x1FB80] =	vst v63  }
0x7b1: {  	v18 =	vld [tilespmem:$0x2D0];
	_ =	sdelay $0x4  }
0x7b2: {  	v19 =	vshll.u32 v18, $0x1  }
0x7b3: {  	v18 =	vand.u32 $0x7, v18;
	v19 =	vand.u32 $0xFFFFFFF0, v19  }
0x7b4: {  	v18 =	vor.u32 v18, v19  }
0x7b5: {  	v19 =	vperm.xlane v18, v3;
	_ =	sdelay $0x1  }
0x7b6: {  	v20 =	vperm.xlane v18, v2;
	v19 =	vadd.s32 v4, v19;
	_ =	sdelay $0x1  }
0x7b7: {  	v21 =	vperm.xlane v18, v5;
	v20 =	vadd.s32 v4, v20;
	_ =	sdelay $0x1  }
0x7b8: {  	s28 =	simm.s32 $0x1B80;
	v22 =	vperm.xlane v18, v6;
	v21 =	vadd.s32 v4, v21  }
0x7b9: {  	[tilespmem:s28], [sflag:$0x1] =	stream.indirect_vreg.gather [hbm4b:s1+s29], $0x80, v19, vm0, $0xb8;
	[tilespmem:$0x1FB80] =	vst v63  }
0x7ba: {  	v19 =	vadd.s32 v4, v22;
	v22 =	vperm.xlane v18, v7;
	s28 =	simm.s32 $0x1C00  }
0x7bb: {  	[tilespmem:s28], [sflag:$0x1] =	stream.indirect_vreg.gather [hbm4b:s1+s29], $0x80, v20, vm0, $0xb8;
	[tilespmem:$0x1FB80] =	vst v63  }
0x7bc: {  	v20 =	vadd.s32 v4, v22;
	v22 =	vperm.xlane v18, v8;
	s28 =	simm.s32 $0x1C80  }
0x7bd: {  	[tilespmem:s28], [sflag:$0x1] =	stream.indirect_vreg.gather [hbm4b:s1+s29], $0x80, v21, vm0, $0xb8;
	[tilespmem:$0x1FB80] =	vst v63  }
0x7be: {  	v21 =	vadd.s32 v4, v22;
	v22 =	vperm.xlane v18, v9;
	s28 =	simm.s32 $0x1D00  }
0x7bf: {  	[tilespmem:s28], [sflag:$0x1] =	stream.indirect_vreg.gather [hbm4b:s1+s29], $0x80, v19, vm0, $0xb8;
	[tilespmem:$0x1FB80] =	vst v63  }
0x7c0: {  	v19 =	vadd.s32 v4, v22;
	v22 =	vperm.xlane v18, v1;
	s28 =	simm.s32 $0x1D80  }
0x7c1: {  	[tilespmem:s28], [sflag:$0x1] =	stream.indirect_vreg.gather [hbm4b:s1+s29], $0x80, v20, vm0, $0xb8;
	[tilespmem:$0x1FB80] =	vst v63  }
0x7c2: {  	v20 =	vadd.s32 v4, v22;
	v22 =	vperm.xlane v18, v10;
	s28 =	simm.s32 $0x1E00  }
0x7c3: {  	[tilespmem:s28], [sflag:$0x1] =	stream.indirect_vreg.gather [hbm4b:s1+s29], $0x80, v21, vm0, $0xb8;
	[tilespmem:$0x1FB80] =	vst v63  }
0x7c4: {  	v21 =	vadd.s32 v4, v22;
	v22 =	vperm.xlane v18, v11;
	s28 =	simm.s32 $0x1E80  }
0x7c5: {  	[tilespmem:s28], [sflag:$0x1] =	stream.indirect_vreg.gather [hbm4b:s1+s29], $0x80, v19, vm0, $0xb8;
	[tilespmem:$0x1FB80] =	vst v63  }
0x7c6: {  	v19 =	vadd.s32 v4, v22;
	v22 =	vperm.xlane v18, v12;
	s28 =	simm.s32 $0x1F00  }
0x7c7: {  	[tilespmem:s28], [sflag:$0x1] =	stream.indirect_vreg.gather [hbm4b:s1+s29], $0x80, v20, vm0, $0xb8;
	[tilespmem:$0x1FB80] =	vst v63  }
0x7c8: {  	v20 =	vadd.s32 v4, v22;
	v22 =	vperm.xlane v18, v13;
	s28 =	simm.s32 $0x1F80  }
0x7c9: {  	[tilespmem:s28], [sflag:$0x1] =	stream.indirect_vreg.gather [hbm4b:s1+s29], $0x80, v21, vm0, $0xb8;
	[tilespmem:$0x1FB80] =	vst v63  }
0x7ca: {  	v21 =	vadd.s32 v4, v22;
	v22 =	vperm.xlane v18, v14;
	s28 =	simm.s32 $0x2000  }
0x7cb: {  	[tilespmem:s28], [sflag:$0x1] =	stream.indirect_vreg.gather [hbm4b:s1+s29], $0x80, v19, vm0, $0xb8;
	[tilespmem:$0x1FB80] =	vst v63  }
0x7cc: {  	v19 =	vadd.s32 v4, v22;
	v22 =	vperm.xlane v18, v15;
	s28 =	simm.s32 $0x2080  }
0x7cd: {  	[tilespmem:s28], [sflag:$0x1] =	stream.indirect_vreg.gather [hbm4b:s1+s29], $0x80, v20, vm0, $0xb8;
	[tilespmem:$0x1FB80] =	vst v63  }
0x7ce: {  	v20 =	vadd.s32 v4, v22;
	v22 =	vperm.xlane v18, v16;
	s28 =	simm.s32 $0x2100  }
0x7cf: {  	[tilespmem:s28], [sflag:$0x1] =	stream.indirect_vreg.gather [hbm4b:s1+s29], $0x80, v21, vm0, $0xb8;
	[tilespmem:$0x1FB80] =	vst v63  }
0x7d0: {  	v18 =	vperm.xlane v18, v17;
	v21 =	vadd.s32 v4, v22;
	s28 =	simm.s32 $0x2180  }
0x7d1: {  	[tilespmem:s28], [sflag:$0x1] =	stream.indirect_vreg.gather [hbm4b:s1+s29], $0x80, v19, vm0, $0xb8;
	[tilespmem:$0x1FB80] =	vst v63  }
0x7d2: {  	v18 =	vadd.s32 v4, v18;
	s28 =	simm.s32 $0x2200  }
0x7d3: {  	[tilespmem:s28], [sflag:$0x1] =	stream.indirect_vreg.gather [hbm4b:s1+s29], $0x80, v20, vm0, $0xb8;
	[tilespmem:$0x1FB80] =	vst v63  }
0x7d4: {  	s28 =	simm.s32 $0x2280  }
0x7d5: {  	[tilespmem:s28], [sflag:$0x1] =	stream.indirect_vreg.gather [hbm4b:s1+s29], $0x80, v21, vm0, $0xb8;
	[tilespmem:$0x1FB80] =	vst v63  }
0x7d6: {  	s28 =	simm.s32 $0x2300  }
0x7d7: {  	[tilespmem:s28], [sflag:$0x1] =	stream.indirect_vreg.gather [hbm4b:s1+s29], $0x80, v18, vm0, $0xb8;
	[tilespmem:$0x1FB80] =	vst v63  }
0x7d8: {  	v18 =	vld [tilespmem:$0x2E0];
	_ =	sdelay $0x4  }
0x7d9: {  	v19 =	vshll.u32 v18, $0x1  }
0x7da: {  	v18 =	vand.u32 $0x7, v18;
	v19 =	vand.u32 $0xFFFFFFF0, v19  }
0x7db: {  	v18 =	vor.u32 v18, v19  }
0x7dc: {  	v19 =	vperm.xlane v18, v3;
	_ =	sdelay $0x1  }
0x7dd: {  	v20 =	vperm.xlane v18, v2;
	v19 =	vadd.s32 v4, v19;
	_ =	sdelay $0x1  }
0x7de: {  	v21 =	vperm.xlane v18, v5;
	v20 =	vadd.s32 v4, v20;
	_ =	sdelay $0x1  }
0x7df: {  	s28 =	simm.s32 $0x2380;
	v22 =	vperm.xlane v18, v6;
	v21 =	vadd.s32 v4, v21  }
0x7e0: {  	[tilespmem:s28], [sflag:$0x1] =	stream.indirect_vreg.gather [hbm4b:s1+s29], $0x80, v19, vm0, $0xb8;
	[tilespmem:$0x1FB80] =	vst v63  }
0x7e1: {  	v19 =	vadd.s32 v4, v22;
	v22 =	vperm.xlane v18, v7;
	s28 =	simm.s32 $0x2400  }
0x7e2: {  	[tilespmem:s28], [sflag:$0x1] =	stream.indirect_vreg.gather [hbm4b:s1+s29], $0x80, v20, vm0, $0xb8;
	[tilespmem:$0x1FB80] =	vst v63  }
0x7e3: {  	v20 =	vadd.s32 v4, v22;
	v22 =	vperm.xlane v18, v8;
	s28 =	simm.s32 $0x2480  }
0x7e4: {  	[tilespmem:s28], [sflag:$0x1] =	stream.indirect_vreg.gather [hbm4b:s1+s29], $0x80, v21, vm0, $0xb8;
	[tilespmem:$0x1FB80] =	vst v63  }
0x7e5: {  	v21 =	vadd.s32 v4, v22;
	v22 =	vperm.xlane v18, v9;
	s28 =	simm.s32 $0x2500  }
0x7e6: {  	[tilespmem:s28], [sflag:$0x1] =	stream.indirect_vreg.gather [hbm4b:s1+s29], $0x80, v19, vm0, $0xb8;
	[tilespmem:$0x1FB80] =	vst v63  }
0x7e7: {  	v19 =	vadd.s32 v4, v22;
	v22 =	vperm.xlane v18, v1;
	s28 =	simm.s32 $0x2580  }
0x7e8: {  	[tilespmem:s28], [sflag:$0x1] =	stream.indirect_vreg.gather [hbm4b:s1+s29], $0x80, v20, vm0, $0xb8;
	[tilespmem:$0x1FB80] =	vst v63  }
0x7e9: {  	v20 =	vadd.s32 v4, v22;
	v22 =	vperm.xlane v18, v10;
	s28 =	simm.s32 $0x2600  }
0x7ea: {  	[tilespmem:s28], [sflag:$0x1] =	stream.indirect_vreg.gather [hbm4b:s1+s29], $0x80, v21, vm0, $0xb8;
	[tilespmem:$0x1FB80] =	vst v63  }
0x7eb: {  	v21 =	vadd.s32 v4, v22;
	v22 =	vperm.xlane v18, v11;
	s28 =	simm.s32 $0x2680  }
0x7ec: {  	[tilespmem:s28], [sflag:$0x1] =	stream.indirect_vreg.gather [hbm4b:s1+s29], $0x80, v19, vm0, $0xb8;
	[tilespmem:$0x1FB80] =	vst v63  }
0x7ed: {  	v19 =	vadd.s32 v4, v22;
	v22 =	vperm.xlane v18, v12;
	s28 =	simm.s32 $0x2700  }
0x7ee: {  	[tilespmem:s28], [sflag:$0x1] =	stream.indirect_vreg.gather [hbm4b:s1+s29], $0x80, v20, vm0, $0xb8;
	[tilespmem:$0x1FB80] =	vst v63  }
0x7ef: {  	v20 =	vadd.s32 v4, v22;
	v22 =	vperm.xlane v18, v13;
	s28 =	simm.s32 $0x2780  }
0x7f0: {  	[tilespmem:s28], [sflag:$0x1] =	stream.indirect_vreg.gather [hbm4b:s1+s29], $0x80, v21, vm0, $0xb8;
	[tilespmem:$0x1FB80] =	vst v63  }
0x7f1: {  	v21 =	vadd.s32 v4, v22;
	v22 =	vperm.xlane v18, v14;
	s28 =	simm.s32 $0x2800  }
0x7f2: {  	[tilespmem:s28], [sflag:$0x1] =	stream.indirect_vreg.gather [hbm4b:s1+s29], $0x80, v19, vm0, $0xb8;
	[tilespmem:$0x1FB80] =	vst v63  }
0x7f3: {  	v19 =	vadd.s32 v4, v22;
	v22 =	vperm.xlane v18, v15;
	s28 =	simm.s32 $0x2880  }
0x7f4: {  	[tilespmem:s28], [sflag:$0x1] =	stream.indirect_vreg.gather [hbm4b:s1+s29], $0x80, v20, vm0, $0xb8;
	[tilespmem:$0x1FB80] =	vst v63  }
0x7f5: {  	v20 =	vadd.s32 v4, v22;
	v22 =	vperm.xlane v18, v16;
	s28 =	simm.s32 $0x2900  }
0x7f6: {  	[tilespmem:s28], [sflag:$0x1] =	stream.indirect_vreg.gather [hbm4b:s1+s29], $0x80, v21, vm0, $0xb8;
	[tilespmem:$0x1FB80] =	vst v63  }
0x7f7: {  	v18 =	vperm.xlane v18, v17;
	v21 =	vadd.s32 v4, v22;
	s28 =	simm.s32 $0x2980  }
0x7f8: {  	[tilespmem:s28], [sflag:$0x1] =	stream.indirect_vreg.gather [hbm4b:s1+s29], $0x80, v19, vm0, $0xb8;
	[tilespmem:$0x1FB80] =	vst v63  }
0x7f9: {  	v18 =	vadd.s32 v4, v18;
	s28 =	simm.s32 $0x2A00  }
0x7fa: {  	[tilespmem:s28], [sflag:$0x1] =	stream.indirect_vreg.gather [hbm4b:s1+s29], $0x80, v20, vm0, $0xb8;
	[tilespmem:$0x1FB80] =	vst v63  }
0x7fb: {  	s28 =	simm.s32 $0x2A80  }
0x7fc: {  	[tilespmem:s28], [sflag:$0x1] =	stream.indirect_vreg.gather [hbm4b:s1+s29], $0x80, v21, vm0, $0xb8;
	[tilespmem:$0x1FB80] =	vst v63  }
0x7fd: {  	s28 =	simm.s32 $0x2B00  }
0x7fe: {  	[tilespmem:s28], [sflag:$0x1] =	stream.indirect_vreg.gather [hbm4b:s1+s29], $0x80, v18, vm0, $0xb8;
	[tilespmem:$0x1FB80] =	vst v63  }
0x7ff: {  	v18 =	vld [tilespmem:$0x2F0];
	_ =	sdelay $0x4  }
0x800: {  	v19 =	vshll.u32 v18, $0x1  }
0x801: {  	v18 =	vand.u32 $0x7, v18;
	v19 =	vand.u32 $0xFFFFFFF0, v19  }
0x802: {  	v18 =	vor.u32 v18, v19  }
0x803: {  	v19 =	vperm.xlane v18, v3;
	_ =	sdelay $0x1  }
0x804: {  	v20 =	vperm.xlane v18, v2;
	v19 =	vadd.s32 v4, v19;
	_ =	sdelay $0x1  }
0x805: {  	v21 =	vperm.xlane v18, v5;
	v20 =	vadd.s32 v4, v20;
	_ =	sdelay $0x1  }
0x806: {  	s28 =	simm.s32 $0x2B80;
	v22 =	vperm.xlane v18, v6;
	v21 =	vadd.s32 v4, v21  }
0x807: {  	[tilespmem:s28], [sflag:$0x1] =	stream.indirect_vreg.gather [hbm4b:s1+s29], $0x80, v19, vm0, $0xb8;
	[tilespmem:$0x1FB80] =	vst v63  }
0x808: {  	v19 =	vadd.s32 v4, v22;
	v22 =	vperm.xlane v18, v7;
	s28 =	simm.s32 $0x2C00  }
0x809: {  	[tilespmem:s28], [sflag:$0x1] =	stream.indirect_vreg.gather [hbm4b:s1+s29], $0x80, v20, vm0, $0xb8;
	[tilespmem:$0x1FB80] =	vst v63  }
0x80a: {  	v20 =	vadd.s32 v4, v22;
	v22 =	vperm.xlane v18, v8;
	s28 =	simm.s32 $0x2C80  }
0x80b: {  	[tilespmem:s28], [sflag:$0x1] =	stream.indirect_vreg.gather [hbm4b:s1+s29], $0x80, v21, vm0, $0xb8;
	[tilespmem:$0x1FB80] =	vst v63  }
0x80c: {  	v21 =	vadd.s32 v4, v22;
	v22 =	vperm.xlane v18, v9;
	s28 =	simm.s32 $0x2D00  }
0x80d: {  	[tilespmem:s28], [sflag:$0x1] =	stream.indirect_vreg.gather [hbm4b:s1+s29], $0x80, v19, vm0, $0xb8;
	[tilespmem:$0x1FB80] =	vst v63  }
0x80e: {  	v19 =	vadd.s32 v4, v22;
	v22 =	vperm.xlane v18, v1;
	s28 =	simm.s32 $0x2D80  }
0x80f: {  	[tilespmem:s28], [sflag:$0x1] =	stream.indirect_vreg.gather [hbm4b:s1+s29], $0x80, v20, vm0, $0xb8;
	[tilespmem:$0x1FB80] =	vst v63  }
0x810: {  	v20 =	vadd.s32 v4, v22;
	v22 =	vperm.xlane v18, v10;
	s28 =	simm.s32 $0x2E00  }
0x811: {  	[tilespmem:s28], [sflag:$0x1] =	stream.indirect_vreg.gather [hbm4b:s1+s29], $0x80, v21, vm0, $0xb8;
	[tilespmem:$0x1FB80] =	vst v63  }
0x812: {  	v21 =	vadd.s32 v4, v22;
	v22 =	vperm.xlane v18, v11;
	s28 =	simm.s32 $0x2E80  }
0x813: {  	[tilespmem:s28], [sflag:$0x1] =	stream.indirect_vreg.gather [hbm4b:s1+s29], $0x80, v19, vm0, $0xb8;
	[tilespmem:$0x1FB80] =	vst v63  }
0x814: {  	v19 =	vadd.s32 v4, v22;
	v22 =	vperm.xlane v18, v12;
	s28 =	simm.s32 $0x2F00  }
0x815: {  	[tilespmem:s28], [sflag:$0x1] =	stream.indirect_vreg.gather [hbm4b:s1+s29], $0x80, v20, vm0, $0xb8;
	[tilespmem:$0x1FB80] =	vst v63  }
0x816: {  	v20 =	vadd.s32 v4, v22;
	v22 =	vperm.xlane v18, v13;
	s28 =	simm.s32 $0x2F80  }
0x817: {  	[tilespmem:s28], [sflag:$0x1] =	stream.indirect_vreg.gather [hbm4b:s1+s29], $0x80, v21, vm0, $0xb8;
	[tilespmem:$0x1FB80] =	vst v63  }
0x818: {  	v21 =	vadd.s32 v4, v22;
	v22 =	vperm.xlane v18, v14;
	s28 =	simm.s32 $0x3000  }
0x819: {  	[tilespmem:s28], [sflag:$0x1] =	stream.indirect_vreg.gather [hbm4b:s1+s29], $0x80, v19, vm0, $0xb8;
	[tilespmem:$0x1FB80] =	vst v63  }
0x81a: {  	v19 =	vadd.s32 v4, v22;
	v22 =	vperm.xlane v18, v15;
	s28 =	simm.s32 $0x3080  }
0x81b: {  	[tilespmem:s28], [sflag:$0x1] =	stream.indirect_vreg.gather [hbm4b:s1+s29], $0x80, v20, vm0, $0xb8;
	[tilespmem:$0x1FB80] =	vst v63  }
0x81c: {  	v20 =	vadd.s32 v4, v22;
	v22 =	vperm.xlane v18, v16;
	s28 =	simm.s32 $0x3100  }
0x81d: {  	[tilespmem:s28], [sflag:$0x1] =	stream.indirect_vreg.gather [hbm4b:s1+s29], $0x80, v21, vm0, $0xb8;
	[tilespmem:$0x1FB80] =	vst v63  }
0x81e: {  	v18 =	vperm.xlane v18, v17;
	v21 =	vadd.s32 v4, v22;
	s28 =	simm.s32 $0x3180  }
0x81f: {  	[tilespmem:s28], [sflag:$0x1] =	stream.indirect_vreg.gather [hbm4b:s1+s29], $0x80, v19, vm0, $0xb8;
	[tilespmem:$0x1FB80] =	vst v63  }
0x820: {  	v18 =	vadd.s32 v4, v18;
	s28 =	simm.s32 $0x3200  }
0x821: {  	[tilespmem:s28], [sflag:$0x1] =	stream.indirect_vreg.gather [hbm4b:s1+s29], $0x80, v20, vm0, $0xb8;
	[tilespmem:$0x1FB80] =	vst v63  }
0x822: {  	s28 =	simm.s32 $0x3280  }
0x823: {  	[tilespmem:s28], [sflag:$0x1] =	stream.indirect_vreg.gather [hbm4b:s1+s29], $0x80, v21, vm0, $0xb8;
	[tilespmem:$0x1FB80] =	vst v63  }
0x824: {  	s28 =	simm.s32 $0x3300  }
0x825: {  	[tilespmem:s28], [sflag:$0x1] =	stream.indirect_vreg.gather [hbm4b:s1+s29], $0x80, v18, vm0, $0xb8;
	[tilespmem:$0x1FB80] =	vst v63  }
0x826: {  	v18 =	vld [tilespmem:$0x300];
	_ =	sdelay $0x4  }
0x827: {  	v19 =	vshll.u32 v18, $0x1  }
0x828: {  	v18 =	vand.u32 $0x7, v18;
	v19 =	vand.u32 $0xFFFFFFF0, v19  }
0x829: {  	v18 =	vor.u32 v18, v19  }
0x82a: {  	v19 =	vperm.xlane v18, v3;
	_ =	sdelay $0x1  }
0x82b: {  	v20 =	vperm.xlane v18, v2;
	v19 =	vadd.s32 v4, v19;
	_ =	sdelay $0x1  }
0x82c: {  	v21 =	vperm.xlane v18, v5;
	v20 =	vadd.s32 v4, v20;
	_ =	sdelay $0x1  }
0x82d: {  	s28 =	simm.s32 $0x3380;
	v22 =	vperm.xlane v18, v6;
	v21 =	vadd.s32 v4, v21  }
0x82e: {  	[tilespmem:s28], [sflag:$0x1] =	stream.indirect_vreg.gather [hbm4b:s1+s29], $0x80, v19, vm0, $0xb8;
	[tilespmem:$0x1FB80] =	vst v63  }
0x82f: {  	v19 =	vadd.s32 v4, v22;
	v22 =	vperm.xlane v18, v7;
	s28 =	simm.s32 $0x3400  }
0x830: {  	[tilespmem:s28], [sflag:$0x1] =	stream.indirect_vreg.gather [hbm4b:s1+s29], $0x80, v20, vm0, $0xb8;
	[tilespmem:$0x1FB80] =	vst v63  }
0x831: {  	v20 =	vadd.s32 v4, v22;
	v22 =	vperm.xlane v18, v8;
	s28 =	simm.s32 $0x3480  }
0x832: {  	[tilespmem:s28], [sflag:$0x1] =	stream.indirect_vreg.gather [hbm4b:s1+s29], $0x80, v21, vm0, $0xb8;
	[tilespmem:$0x1FB80] =	vst v63  }
0x833: {  	v21 =	vadd.s32 v4, v22;
	v22 =	vperm.xlane v18, v9;
	s28 =	simm.s32 $0x3500  }
0x834: {  	[tilespmem:s28], [sflag:$0x1] =	stream.indirect_vreg.gather [hbm4b:s1+s29], $0x80, v19, vm0, $0xb8;
	[tilespmem:$0x1FB80] =	vst v63  }
0x835: {  	v19 =	vadd.s32 v4, v22;
	v22 =	vperm.xlane v18, v1;
	s28 =	simm.s32 $0x3580  }
0x836: {  	[tilespmem:s28], [sflag:$0x1] =	stream.indirect_vreg.gather [hbm4b:s1+s29], $0x80, v20, vm0, $0xb8;
	[tilespmem:$0x1FB80] =	vst v63  }
0x837: {  	v20 =	vadd.s32 v4, v22;
	v22 =	vperm.xlane v18, v10;
	s28 =	simm.s32 $0x3600  }
0x838: {  	[tilespmem:s28], [sflag:$0x1] =	stream.indirect_vreg.gather [hbm4b:s1+s29], $0x80, v21, vm0, $0xb8;
	[tilespmem:$0x1FB80] =	vst v63  }
0x839: {  	v21 =	vadd.s32 v4, v22;
	v22 =	vperm.xlane v18, v11;
	s28 =	simm.s32 $0x3680  }
0x83a: {  	[tilespmem:s28], [sflag:$0x1] =	stream.indirect_vreg.gather [hbm4b:s1+s29], $0x80, v19, vm0, $0xb8;
	[tilespmem:$0x1FB80] =	vst v63  }
0x83b: {  	v19 =	vadd.s32 v4, v22;
	v22 =	vperm.xlane v18, v12;
	s28 =	simm.s32 $0x3700  }
0x83c: {  	[tilespmem:s28], [sflag:$0x1] =	stream.indirect_vreg.gather [hbm4b:s1+s29], $0x80, v20, vm0, $0xb8;
	[tilespmem:$0x1FB80] =	vst v63  }
0x83d: {  	v20 =	vadd.s32 v4, v22;
	v22 =	vperm.xlane v18, v13;
	s28 =	simm.s32 $0x3780  }
0x83e: {  	[tilespmem:s28], [sflag:$0x1] =	stream.indirect_vreg.gather [hbm4b:s1+s29], $0x80, v21, vm0, $0xb8;
	[tilespmem:$0x1FB80] =	vst v63  }
0x83f: {  	v21 =	vadd.s32 v4, v22;
	v22 =	vperm.xlane v18, v14;
	s28 =	simm.s32 $0x3800  }
0x840: {  	[tilespmem:s28], [sflag:$0x1] =	stream.indirect_vreg.gather [hbm4b:s1+s29], $0x80, v19, vm0, $0xb8;
	[tilespmem:$0x1FB80] =	vst v63  }
0x841: {  	v19 =	vadd.s32 v4, v22;
	v22 =	vperm.xlane v18, v15;
	s28 =	simm.s32 $0x3880  }
0x842: {  	[tilespmem:s28], [sflag:$0x1] =	stream.indirect_vreg.gather [hbm4b:s1+s29], $0x80, v20, vm0, $0xb8;
	[tilespmem:$0x1FB80] =	vst v63  }
0x843: {  	v20 =	vadd.s32 v4, v22;
	v22 =	vperm.xlane v18, v16;
	s28 =	simm.s32 $0x3900  }
0x844: {  	[tilespmem:s28], [sflag:$0x1] =	stream.indirect_vreg.gather [hbm4b:s1+s29], $0x80, v21, vm0, $0xb8;
	[tilespmem:$0x1FB80] =	vst v63  }
0x845: {  	v18 =	vperm.xlane v18, v17;
	v21 =	vadd.s32 v4, v22  }
0x846: {  	[tilespmem:s30], [sflag:$0x1] =	stream.indirect_vreg.gather [hbm4b:s1+s29], $0x80, v19, vm0, $0xb8;
	[tilespmem:$0x1FB80] =	vst v63  }
0x847: {  	v18 =	vadd.s32 v4, v18  }
0x848: {  	[tilespmem:s31], [sflag:$0x1] =	stream.indirect_vreg.gather [hbm4b:s1+s29], $0x80, v20, vm0, $0xb8;
	[tilespmem:$0x1FB80] =	vst v63  }
0x849: {  	_ = 	snop  }
0x84a: {  	[tilespmem:s2], [sflag:$0x1] =	stream.indirect_vreg.gather [hbm4b:s1+s29], $0x80, v21, vm0, $0xb8;
	[tilespmem:$0x1FB80] =	vst v63  }
0x84b: {  	_ = 	snop  }
0x84c: {  	[tilespmem:s6], [sflag:$0x1] =	stream.indirect_vreg.gather [hbm4b:s1+s29], $0x80, v18, vm0, $0xb8;
	[tilespmem:$0x1FB80] =	vst v63  }
0x84d: {  	s29 =	simm.s32 $0x2A0  }
0x84e: {  	[tilespmem:s8], [sflag:$0x4] =	stream.indirect.gather [hbm4b:s4+s7], $0x80, s29, s7, $0xb8;
	[tilespmem:$0x1FB80] =	vst v63  }
0x84f: {  	_ =	swait.ge [sflag:s20], $0x3800  }
0x850: {  	[sflag:s20] =	ssyncset.done $0x0  }
0x851: {  	[sflag:s20] =	ssyncadd.s32 $0xFFFFC800  }
0x852: {  	_ =	swait.ge [sflag:s19], $0x3800  }
0x853: {  	[sflag:s19] =	ssyncset.done $0x0  }
0x854: {  	s26 =	simm.s32 $0x0;
	[sflag:s19] =	ssyncadd.s32 $0xFFFFC800  }
0x855: {  	v18 =	vld [tilespmem:s26+$0xE3B0]  }
0x856: {  	v19 =	vld [tilespmem:s26+$0xE380]  }
0x857: {  	v20 =	vld [tilespmem:s26+$0xE390]  }
0x858: {  	s28 =	simm.s32 $0x200;
	v21 =	vld [tilespmem:s26+$0xE3A0]  }
.LBB2_10:
0x859: {  	p0 =	sne.s32 s28, $0xDE00  }
.Ltmp4:
0x85a: {  	s29 =	sshra.s32 s28, $0x2;
	s28 =	sadd.s32 $0x200, s28;
	[tilespmem:s26+$0x18BB0] =	vst v18;
	(pc) =	sbr.rel @p0 .LBB2_10-.Ltmp4, $4  }
0x85b: {  	v18 =	vld [tilespmem:s29+$0xE3B0];
	[tilespmem:s26+$0x18B80] =	vst v19  }
0x85c: {  	v19 =	vld [tilespmem:s29+$0xE380];
	[tilespmem:s26+$0x18B90] =	vst v20  }
0x85d: {  	v20 =	vld [tilespmem:s29+$0xE390];
	[tilespmem:s26+$0x18BA0] =	vst v21;
	s26 =	smov.u32 s29  }
0x85e: {  	v21 =	vld [tilespmem:s26+$0xE3A0]  }
0x85f: {  	_ = 	snop  }
0x860: {  	[tilespmem:s26+$0x18BB0] =	vst v18  }
0x861: {  	[tilespmem:s26+$0x18B80] =	vst v19  }
0x862: {  	[tilespmem:s26+$0x18B90] =	vst v20  }
0x863: {  	s29 =	rddreg [dreg:$0xe];
	[tilespmem:s26+$0x18BA0] =	vst v21  }
0x864: {  	[hbm4b:s29+s23] =	stream.strided.scatter [tilespmem:s9], [sflag:$0x8], $0x3800, s0, s23, $0x38;
	[tilespmem:$0x1FB80] =	vst v63  }
0x865: {  	s28 =	simm.s32 $0x18B80;
	s29 =	rddreg [dreg:$0xf]  }
0x866: {  	[hbm4b:s29+s23] =	stream.strided.scatter [tilespmem:s28], [sflag:$0xB], $0x3800, s0, s23, $0x38;
	[tilespmem:$0x1FB80] =	vst v63  }
0x867: {  	_ =	swait.ge [sflag:s14], $0x3800  }
0x868: {  	[sflag:s14] =	ssyncset.done $0x0  }
0x869: {  	[sflag:s14] =	ssyncadd.s32 $0xFFFFC800  }
0x86a: {  	_ =	swait.ge [sflag:s13], $0x3800  }
0x86b: {  	[sflag:s13] =	ssyncset.done $0x0  }
0x86c: {  	s26 =	simm.s32 $0x0;
	[sflag:s13] =	ssyncadd.s32 $0xFFFFC800  }
0x86d: {  	v18 =	vld [tilespmem:s26+$0x11BB0]  }
0x86e: {  	v19 =	vld [tilespmem:s26+$0x11B80]  }
0x86f: {  	v20 =	vld [tilespmem:s26+$0x11B90]  }
0x870: {  	s28 =	simm.s32 $0x200;
	v21 =	vld [tilespmem:s26+$0x11BA0]  }
.LBB2_12:
0x871: {  	p0 =	sne.s32 s28, $0xDE00  }
.Ltmp5:
0x872: {  	s29 =	sshra.s32 s28, $0x2;
	s28 =	sadd.s32 $0x200, s28;
	[tilespmem:s26+$0x1C3B0] =	vst v18;
	(pc) =	sbr.rel @p0 .LBB2_12-.Ltmp5, $4  }
0x873: {  	v18 =	vld [tilespmem:s29+$0x11BB0];
	[tilespmem:s26+$0x1C380] =	vst v19  }
0x874: {  	v19 =	vld [tilespmem:s29+$0x11B80];
	[tilespmem:s26+$0x1C390] =	vst v20  }
0x875: {  	v20 =	vld [tilespmem:s29+$0x11B90];
	[tilespmem:s26+$0x1C3A0] =	vst v21;
	s26 =	smov.u32 s29  }
0x876: {  	v21 =	vld [tilespmem:s26+$0x11BA0]  }
0x877: {  	_ = 	snop  }
0x878: {  	[tilespmem:s26+$0x1C3B0] =	vst v18  }
0x879: {  	[tilespmem:s26+$0x1C380] =	vst v19  }
0x87a: {  	[tilespmem:s26+$0x1C390] =	vst v20  }
0x87b: {  	s29 =	rddreg [dreg:$0x10];
	[tilespmem:s26+$0x1C3A0] =	vst v21  }
0x87c: {  	[hbm4b:s29+s23] =	stream.strided.scatter [tilespmem:s10], [sflag:$0x9], $0x3800, s0, s23, $0x38;
	[tilespmem:$0x1FB80] =	vst v63  }
0x87d: {  	s28 =	simm.s32 $0x1C380;
	s29 =	rddreg [dreg:$0x11]  }
0x87e: {  	[hbm4b:s29+s23] =	stream.strided.scatter [tilespmem:s28], [sflag:$0xC], $0x3800, s0, s23, $0x38;
	[tilespmem:$0x1FB80] =	vst v63  }
0x87f: {  	_ =	swait.ge [sflag:s24], $0x3800  }
0x880: {  	[sflag:s24] =	ssyncset.done $0x0  }
0x881: {  	[sflag:s24] =	ssyncadd.s32 $0xFFFFC800  }
0x882: {  	_ =	swait.ge [sflag:s15], $0x3800  }
0x883: {  	[sflag:s15] =	ssyncset.done $0x0  }
0x884: {  	s26 =	simm.s32 $0x0;
	[sflag:s15] =	ssyncadd.s32 $0xFFFFC800  }
0x885: {  	v18 =	vld [tilespmem:s26+$0xABB0]  }
0x886: {  	v19 =	vld [tilespmem:s26+$0xAB80]  }
0x887: {  	v20 =	vld [tilespmem:s26+$0xAB90]  }
0x888: {  	s28 =	simm.s32 $0x200;
	v21 =	vld [tilespmem:s26+$0xABA0]  }
.LBB2_14:
0x889: {  	p0 =	sne.s32 s28, $0xDE00  }
.Ltmp6:
0x88a: {  	s29 =	sshra.s32 s28, $0x2;
	s28 =	sadd.s32 $0x200, s28;
	[tilespmem:s26+$0x153B0] =	vst v18;
	(pc) =	sbr.rel @p0 .LBB2_14-.Ltmp6, $4  }
0x88b: {  	v18 =	vld [tilespmem:s29+$0xABB0];
	[tilespmem:s26+$0x15380] =	vst v19  }
0x88c: {  	v19 =	vld [tilespmem:s29+$0xAB80];
	[tilespmem:s26+$0x15390] =	vst v20  }
0x88d: {  	v20 =	vld [tilespmem:s29+$0xAB90];
	[tilespmem:s26+$0x153A0] =	vst v21;
	s26 =	smov.u32 s29  }
0x88e: {  	v21 =	vld [tilespmem:s26+$0xABA0]  }
0x88f: {  	_ = 	snop  }
0x890: {  	[tilespmem:s26+$0x153B0] =	vst v18  }
0x891: {  	[tilespmem:s26+$0x15380] =	vst v19  }
0x892: {  	[tilespmem:s26+$0x15390] =	vst v20  }
0x893: {  	s29 =	rddreg [dreg:$0x12];
	[tilespmem:s26+$0x153A0] =	vst v21  }
0x894: {  	[hbm4b:s29+s23] =	stream.strided.scatter [tilespmem:s22], [sflag:$0x7], $0x3800, s0, s23, $0x38;
	[tilespmem:$0x1FB80] =	vst v63  }
0x895: {  	s28 =	rddreg [dreg:$0x13]  }
0x896: {  	[hbm4b:s28+s23] =	stream.strided.scatter [tilespmem:s18], [sflag:$0xA], $0x3800, s0, s23, $0x38;
	[tilespmem:$0x1FB80] =	vst v63  }
0x897: {  	_ =	swait.ge [sflag:s5], $0x3800  }
0x898: {  	[sflag:s5] =	ssyncset.done $0x0  }
0x899: {  	[sflag:s5] =	ssyncadd.s32 $0xFFFFC800  }
0x89a: {  	_ =	swait.ge [sflag:s21], $0x3800  }
0x89b: {  	[sflag:s21] =	ssyncset.done $0x0  }
0x89c: {  	[sflag:s21] =	ssyncadd.s32 $0xFFFFC800  }
0x89d: {  	_ =	swait.ge [sflag:s17], $0x3800  }
0x89e: {  	[sflag:s17] =	ssyncset.done $0x0  }
0x89f: {  	[sflag:s17] =	ssyncadd.s32 $0xFFFFC800  }
0x8a0: {  	_ =	swait.ge [sflag:s16], $0x3800  }
0x8a1: {  	[sflag:s16] =	ssyncset.done $0x0  }
0x8a2: {  	[sflag:s16] =	ssyncadd.s32 $0xFFFFC800  }
0x8a3: {  	_ =	swait.ge [sflag:s12], $0x3800  }
0x8a4: {  	[sflag:s12] =	ssyncset.done $0x0  }
0x8a5: {  	[sflag:s12] =	ssyncadd.s32 $0xFFFFC800  }
0x8a6: {  	_ =	swait.ge [sflag:s11], $0x3800  }
0x8a7: {  	s25 =	sadd.s32 $0x1, s25;
	s29 =	rddreg [dreg:$0x14]  }
0x8a8: {  	p0 =	sne.s32 s25, s29  }
.Ltmp7:
0x8a9: {  	_ = 	snop;
	(pc) =	sbr.rel @p0 .LBB2_1-.Ltmp7, $3  }
0x8aa: {  	_ =	sdelay $0x1  }
0x8ab: {  	[sflag:s11] =	ssyncset.done $0x0  }
0x8ac: {  	[sflag:s11] =	ssyncadd.s32 $0xFFFFC800  }
0x8ad: {  	_ =	sfence.sel $0x180000  }
0x8ae: {  	[bflag:$0x0] =	sbarrier.arrive $0xFFFF  }
0x8af: {  	_ =	strace $0x90000047  }
0x8b0: {  	s0 =	stileid.u32;
	[bflag:$0x2] =	sbarrier.arrive $0xFFFF  }
0x8b1: {  	p0 =	sne.s32 s0, $0x0;
	s0 =	rddreg [dreg:$0x4]  }
0x8b2: {  	s0 =	sadd.s32 @!p0 $0x100000, s0  }
0x8b3: {  	[sflag:s0] =	ssyncadd.tile.s32 @!p0 $0x1;
	_ =	shalt  }
.Lfunc_end2:
_tile_overlayer_lowered:
.L_overlay_start_2:
0x8b4: {  	(tag) =	ssettag $0x2  }
0x8b5: {  	s0 =	rddreg [dreg:$0x0];
	s2 =	stileid.u32  }
0x8b6: {  	s1 =	rddreg [dreg:$0x1];
	p0 =	sne.s32 s2, $0x0  }
0x8b7: {  	s3 =	rddreg [dreg:$0x2];
	[bflag:$0x3] =	sbarrier.arrive $0xFFFF;
	s2 =	simm.s32 @!p0 $0x1C0D  }
0x8b8: {  	[timem:s3], [sflag:s2] =	dma.local @!p0 [hbm:s0], s1  }
0x8b9: {  	s0 =	simm.s32 @!p0 $0xD  }
0x8ba: {  	_ =	swait.ge @!p0 [sflag:s0], s1  }
0x8bb: {  	s1 =	ssub.s32 @!p0 $0x0, s1;
	[sflag:s0] =	ssyncset.done @!p0 $0x0  }
0x8bc: {  	[sflag:s0] =	ssyncadd.s32 @!p0 s1  }
0x8bd: {  	[bflag:$0x3] =	sbarrier.arrive $0xFFFF  }
0x8be: {  	_ =	shalt  }

</sc_bundles>
